<compile_context>
chip_gen: v7x
topology: tpu7x:2x2x1
jax: 0.10.2.dev20260603
libtpu: 0.0.44.dev20260713+nightly
codegen_flags: <defaults>
</compile_context>

<pallas_src>
import dataclasses
import functools

import jax
import jax.numpy as jnp
from jax import lax
from jax.experimental import pallas as pl
from jax.experimental.pallas import tpu as pltpu
from jax.experimental.pallas import tpu_sc as plsc

N = 10000
E = 320000
G = 64
D = 128
D_OUT = 40

NC = 2
NS = 16
C = 32
CH = 320
W = 16
NW = CH // W
EPT = CH * C
EPAD = NC * NS * EPT
ACC_ROWS = 10240
ROWS_PER_SUB = ACC_ROWS // NS

BLK = 1000


def _sc_aggregate(x, src, dst, want_counts, B):
    mesh = plsc.VectorSubcoreMesh(core_axis_name="c", subcore_axis_name="s")
    out_type = [jax.ShapeDtypeStruct((NC, ACC_ROWS, D), jnp.float32)]
    scratch = [
        pltpu.VMEM((2, W, C), jnp.int32),
        pltpu.VMEM((2, W, C), jnp.int32),
        pltpu.VMEM((B, C, D), jnp.float32),
        pltpu.VMEM_SHARED((ACC_ROWS, D), jnp.float32),
        pltpu.SemaphoreType.DMA((B,)),
        pltpu.SemaphoreType.DMA,
    ]
    if want_counts:
        out_type.append(jax.ShapeDtypeStruct((NC * NS, ACC_ROWS), jnp.float32))
        scratch.append(pltpu.VMEM((ACC_ROWS,), jnp.float32))

    def body(x_hbm, src_hbm, dst_hbm, *rest):
        if want_counts:
            (p_hbm, cnt_hbm, srcb, dstb, rows, acc,
             semg, semi, cntloc) = rest
        else:
            (p_hbm, srcb, dstb, rows, acc, semg, semi) = rest
        c = lax.axis_index("c")
        s = lax.axis_index("s")
        tile = c * NS + s
        base = tile * CH

        z16 = jnp.zeros((16,), jnp.float32)

        pltpu.async_copy(src_hbm.at[pl.ds(base, W)], srcb.at[0], semi)
        pltpu.async_copy(dst_hbm.at[pl.ds(base, W)], dstb.at[0], semi)

        @pl.loop(0, C)
        def _(r):
            @pl.loop(0, D // 16)
            def _(j):
                rows[0, r, pl.ds(j * 16, 16)] = z16

        if want_counts:
            @pl.loop(0, ACC_ROWS // 16)
            def _(i):
                cntloc[pl.ds(i * 16, 16)] = z16

        @pl.loop(0, ROWS_PER_SUB // C)
        def _(k):
            pltpu.sync_copy(rows.at[0],
                            acc.at[pl.ds(s * ROWS_PER_SUB + k * C, C)])

        pltpu.make_async_copy(src_hbm.at[pl.ds(base, W)], srcb.at[0],
                              semi).wait()
        pltpu.make_async_copy(dst_hbm.at[pl.ds(base, W)], dstb.at[0],
                              semi).wait()
        pltpu.async_copy(src_hbm.at[pl.ds(base + W, W)], srcb.at[1], semi)
        pltpu.async_copy(dst_hbm.at[pl.ds(base + W, W)], dstb.at[1], semi)
        for b in range(B):
            pltpu.async_copy(x_hbm.at[srcb.at[0, b]], rows.at[b],
                             semg.at[b])

        plsc.subcore_barrier()

        ones16 = jnp.full((16,), 1.0, jnp.float32)

        def hist(slot, a):
            if want_counts:
                for j in range(C // 16):
                    idx16 = dstb[slot, a, pl.ds(j * 16, 16)]
                    plsc.addupdate_scatter(cntloc, [idx16], ones16)

        @pl.loop(0, NW)
        def _(w):
            slot = lax.rem(w, 2)
            nslot = 1 - slot
            for j in range(W):
                b = j % B
                pltpu.make_async_copy(x_hbm.at[srcb.at[slot, j]], rows.at[b],
                                      semg.at[b]).wait()
                hist(slot, j)
                if j == W - B:
                    @pl.when(w < NW - 1)
                    def _():
                        pltpu.make_async_copy(
                            src_hbm.at[pl.ds(base + (w + 1) * W, W)],
                            srcb.at[nslot], semi).wait()
                        pltpu.make_async_copy(
                            dst_hbm.at[pl.ds(base + (w + 1) * W, W)],
                            dstb.at[nslot], semi).wait()
                pltpu.sync_copy(rows.at[b], acc.at[dstb.at[slot, j]],
                                add=True)
                if j < W - B:
                    pltpu.async_copy(x_hbm.at[srcb.at[slot, j + B]],
                                     rows.at[b], semg.at[b])
                else:
                    @pl.when(w < NW - 1)
                    def _():
                        pltpu.async_copy(
                            x_hbm.at[srcb.at[nslot, j - (W - B)]],
                            rows.at[b], semg.at[b])

            @pl.when(w < NW - 2)
            def _():
                pltpu.async_copy(src_hbm.at[pl.ds(base + (w + 2) * W, W)],
                                 srcb.at[slot], semi)
                pltpu.async_copy(dst_hbm.at[pl.ds(base + (w + 2) * W, W)],
                                 dstb.at[slot], semi)

        plsc.subcore_barrier()

        @pl.loop(0, ROWS_PER_SUB // C)
        def _(k):
            r0 = s * ROWS_PER_SUB + k * C
            pltpu.sync_copy(acc.at[pl.ds(r0, C)], p_hbm.at[c, pl.ds(r0, C)])
        if want_counts:
            pltpu.sync_copy(cntloc, cnt_hbm.at[tile])

    cp = pltpu.CompilerParams()
    if "needs_layout_passes" in pltpu.CompilerParams.__dataclass_fields__:
        cp = dataclasses.replace(cp, needs_layout_passes=False)
    fn = pl.kernel(body, mesh=mesh, out_type=tuple(out_type),
                   scratch_types=tuple(scratch), compiler_params=cp)
    return fn(x, src, dst)


def _sc_counts(dst):
    mesh = plsc.VectorSubcoreMesh(core_axis_name="c", subcore_axis_name="s")
    out_type = jax.ShapeDtypeStruct((NC * NS, ACC_ROWS), jnp.float32)
    scratch = (
        pltpu.VMEM((2, W, C), jnp.int32),
        pltpu.VMEM((ACC_ROWS,), jnp.float32),
        pltpu.SemaphoreType.DMA,
    )

    def body(dst_hbm, cnt_hbm, dstb, cntloc, semi):
        c = lax.axis_index("c")
        s = lax.axis_index("s")
        tile = c * NS + s
        base = tile * CH

        pltpu.async_copy(dst_hbm.at[pl.ds(base, W)], dstb.at[0], semi)
        z16 = jnp.zeros((16,), jnp.float32)

        @pl.loop(0, ACC_ROWS // 16)
        def _(i):
            cntloc[pl.ds(i * 16, 16)] = z16

        pltpu.make_async_copy(dst_hbm.at[pl.ds(base, W)], dstb.at[0],
                              semi).wait()

        ones16 = jnp.full((16,), 1.0, jnp.float32)

        @pl.loop(0, NW)
        def _(w):
            slot = lax.rem(w, 2)

            @pl.when(w < NW - 1)
            def _():
                pltpu.async_copy(dst_hbm.at[pl.ds(base + (w + 1) * W, W)],
                                 dstb.at[1 - slot], semi)

            for a in range(W):
                for j in range(C // 16):
                    idx16 = dstb[slot, a, pl.ds(j * 16, 16)]
                    plsc.addupdate_scatter(cntloc, [idx16], ones16)

            @pl.when(w < NW - 1)
            def _():
                pltpu.make_async_copy(
                    dst_hbm.at[pl.ds(base + (w + 1) * W, W)],
                    dstb.at[1 - slot], semi).wait()

        pltpu.sync_copy(cntloc, cnt_hbm.at[tile])

    cp = pltpu.CompilerParams()
    if "needs_layout_passes" in pltpu.CompilerParams.__dataclass_fields__:
        cp = dataclasses.replace(cp, needs_layout_passes=False)
    fn = pl.kernel(body, mesh=mesh, out_type=out_type,
                   scratch_types=scratch, compiler_params=cp)
    return fn(dst)


def _invcnt_body(cnt_ref, o_ref):
    ones = jnp.ones((NC * NS, 1), jnp.float32)
    col = lax.dot_general(cnt_ref[...], ones, (((0,), (0,)), ((), ())),
                          preferred_element_type=jnp.float32)
    o_ref[...] = 1.0 / jnp.maximum(col, 1.0)


def _tc_invcnt(cnt):
    return pl.pallas_call(
        _invcnt_body,
        out_shape=jax.ShapeDtypeStruct((ACC_ROWS, 1), jnp.float32),
    )(cnt)


def _layer1_body(p_ref, inv_ref, x_ref, wl_ref, b_ref, wr_ref, o_ref):
    agg = (p_ref[0] + p_ref[1]) * inv_ref[...]
    h = (jnp.dot(agg, wl_ref[...], preferred_element_type=jnp.float32)
         + b_ref[...]
         + jnp.dot(x_ref[...], wr_ref[...], preferred_element_type=jnp.float32))
    o_ref[...] = jnp.maximum(h, 0.0)


def _tc_layer1(p, inv, x, Wl, b, Wr):
    return pl.pallas_call(
        _layer1_body,
        grid=(N // BLK,),
        in_specs=[
            pl.BlockSpec((NC, BLK, D), lambda i: (0, i, 0)),
            pl.BlockSpec((BLK, 1), lambda i: (i, 0)),
            pl.BlockSpec((BLK, D), lambda i: (i, 0)),
            pl.BlockSpec((D, D), lambda i: (0, 0)),
            pl.BlockSpec((1, D), lambda i: (0, 0)),
            pl.BlockSpec((D, D), lambda i: (0, 0)),
        ],
        out_specs=pl.BlockSpec((BLK, D), lambda i: (i, 0)),
        out_shape=jax.ShapeDtypeStruct((N, D), jnp.float32),
        compiler_params=pltpu.CompilerParams(
            dimension_semantics=("parallel",)),
    )(p, inv, x, Wl, b, Wr)


def _layer2_body(p_ref, inv_ref, h1_ref, wl_ref, b_ref, wr_ref, batch_ref,
                 wf_ref, bf_ref, o_ref, pool_acc, cntp_acc):
    i = pl.program_id(0)

    @pl.when(i == 0)
    def _():
        pool_acc[...] = jnp.zeros_like(pool_acc)
        cntp_acc[...] = jnp.zeros_like(cntp_acc)

    agg = (p_ref[0] + p_ref[1]) * inv_ref[...]
    h2 = (jnp.dot(agg, wl_ref[...], preferred_element_type=jnp.float32)
          + b_ref[...]
          + jnp.dot(h1_ref[...], wr_ref[...],
                    preferred_element_type=jnp.float32))
    h2 = jnp.maximum(h2, 0.0)

    ids = batch_ref[0, 0, :]
    mask = (lax.broadcasted_iota(jnp.int32, (G, BLK), 0)
            == ids[None, :]).astype(jnp.float32)
    pool_acc[...] += jnp.dot(mask, h2, preferred_element_type=jnp.float32)
    cntp_acc[...] += jnp.sum(mask, axis=1, keepdims=True)

    @pl.when(i == N // BLK - 1)
    def _():
        pooled = pool_acc[...] / jnp.maximum(cntp_acc[...], 1.0)
        logits = (jnp.dot(pooled, wf_ref[...],
                          preferred_element_type=jnp.float32) + bf_ref[...])
        m = jnp.max(logits, axis=-1, keepdims=True)
        lse = jnp.log(jnp.sum(jnp.exp(logits - m), axis=-1, keepdims=True)) + m
        o_ref[...] = logits - lse


def _tc_layer2(p, inv, h1, Wl, b, Wr, batch3, Wf, bf):
    return pl.pallas_call(
        _layer2_body,
        grid=(N // BLK,),
        in_specs=[
            pl.BlockSpec((NC, BLK, D), lambda i: (0, i, 0)),
            pl.BlockSpec((BLK, 1), lambda i: (i, 0)),
            pl.BlockSpec((BLK, D), lambda i: (i, 0)),
            pl.BlockSpec((D, D), lambda i: (0, 0)),
            pl.BlockSpec((1, D), lambda i: (0, 0)),
            pl.BlockSpec((D, D), lambda i: (0, 0)),
            pl.BlockSpec((1, 1, BLK), lambda i: (i, 0, 0)),
            pl.BlockSpec((D, D_OUT), lambda i: (0, 0)),
            pl.BlockSpec((1, D_OUT), lambda i: (0, 0)),
        ],
        out_specs=pl.BlockSpec((G, D_OUT), lambda i: (0, 0)),
        out_shape=jax.ShapeDtypeStruct((G, D_OUT), jnp.float32),
        scratch_shapes=[
            pltpu.VMEM((G, D), jnp.float32),
            pltpu.VMEM((G, D), jnp.float32),
        ],
        compiler_params=pltpu.CompilerParams(
            dimension_semantics=("arbitrary",)),
    )(p, inv, h1, Wl, b, Wr, batch3, Wf, bf)


def kernel(x, edge_index, batch, W1l, b1l, W1r, W2l, b2l, W2r, Wf, bf):
    src = edge_index[0].astype(jnp.int32)
    dst = edge_index[1].astype(jnp.int32)
    pad = EPAD - E
    pad_iota = jnp.arange(pad, dtype=jnp.int32)
    src_p = jnp.concatenate([src, pad_iota % N])
    src_p = src_p.reshape(NC * NS * CH, C)
    dst_p = jnp.concatenate([dst, N + pad_iota % (ACC_ROWS - N)])
    dst_p = dst_p.reshape(NC * NS * CH, C)
    batch3 = batch.astype(jnp.int32).reshape(N // BLK, 1, BLK)
    b1 = b1l.reshape(1, D)
    b2 = b2l.reshape(1, D)
    bfr = bf.reshape(1, D_OUT)

    cnt = _sc_counts(dst_p)
    inv = _tc_invcnt(cnt)
    (p1,) = _sc_aggregate(x, src_p, dst_p, want_counts=False, B=8)
    h1 = _tc_layer1(p1, inv, x, W1l, b1, W1r)
    (p2,) = _sc_aggregate(h1, src_p, dst_p, want_counts=False, B=8)
    return _tc_layer2(p2, inv, h1, W2l, b2, W2r, batch3, Wf, bfr)

# --- scband reference (transcript-rebuilt; emitter-appended) ---
"""Pipeline reference for scband-graph-sagemodel-87050397156004 (READ-ONLY COPY).

The authoritative reference and input builder live on the scoring server;
editing this copy changes nothing except your own understanding.
"""

import jax, jax.numpy as jnp
import numpy as np

N = 10000
E = 320000
G = 64
D_IN = 128
D_HID = 128
D_OUT = 40


def _sage_conv(x, edge_index, Wl, bl, Wr):
    # PyG SAGEConv (mean aggr): out = lin_l(mean_{j in N(i)} x_j) + lin_r(x_i)
    src = edge_index[0]
    dst = edge_index[1]
    msgs = jnp.take(x, src, axis=0)
    agg_sum = jax.ops.segment_sum(msgs, dst, num_segments=N)
    cnt = jax.ops.segment_sum(jnp.ones((msgs.shape[0],), x.dtype), dst, num_segments=N)
    cnt = jnp.clip(cnt, 1.0, None)
    agg = agg_sum / cnt[:, None]
    return agg @ Wl + bl + x @ Wr


def setup_inputs(seed: int = 0) -> dict:
    key = jax.random.key(seed)
    ks = jax.random.split(key, 12)
    x = jax.random.normal(ks[0], (N, D_IN), dtype=jnp.float32)
    edge_index = jax.random.randint(ks[1], (2, E), 0, N)
    batch = jnp.sort(jax.random.randint(ks[2], (N,), 0, G))
    s1 = 1.0 / np.sqrt(D_IN)
    s2 = 1.0 / np.sqrt(D_HID)
    W1l = jax.random.normal(ks[3], (D_IN, D_HID), dtype=jnp.float32) * s1
    b1l = jax.random.normal(ks[4], (D_HID,), dtype=jnp.float32) * s1
    W1r = jax.random.normal(ks[5], (D_IN, D_HID), dtype=jnp.float32) * s1
    W2l = jax.random.normal(ks[6], (D_HID, D_HID), dtype=jnp.float32) * s2
    b2l = jax.random.normal(ks[7], (D_HID,), dtype=jnp.float32) * s2
    W2r = jax.random.normal(ks[8], (D_HID, D_HID), dtype=jnp.float32) * s2
    Wf = jax.random.normal(ks[9], (D_HID, D_OUT), dtype=jnp.float32) * s2
    bf = jax.random.normal(ks[10], (D_OUT,), dtype=jnp.float32) * s2
    return {"x": x, "edge_index": edge_index, "batch": batch,
            "W1l": W1l, "b1l": b1l, "W1r": W1r,
            "W2l": W2l, "b2l": b2l, "W2r": W2r,
            "Wf": Wf, "bf": bf}


def reference(x, edge_index, batch, W1l, b1l, W1r, W2l, b2l, W2r, Wf, bf):
    h = jax.nn.relu(_sage_conv(x, edge_index, W1l, b1l, W1r))
    h = jax.nn.relu(_sage_conv(h, edge_index, W2l, b2l, W2r))
    # global_mean_pool over graph ids
    pooled_sum = jax.ops.segment_sum(h, batch, num_segments=G)
    cnt = jax.ops.segment_sum(jnp.ones((h.shape[0],), h.dtype), batch, num_segments=G)
    cnt = jnp.clip(cnt, 1.0, None)
    pooled = pooled_sum / cnt[:, None]
    out = pooled @ Wf + bf
    return jax.nn.log_softmax(out, axis=-1)

if __name__ == "__main__":
    import jax
    _d = setup_inputs()
    print(jax.jit(kernel)(*tuple(_d.values())))

</pallas_src>

<mosaic_0001>
#map = affine_map<(d0, d1) -> (0, 0)>
module attributes {stable_mosaic.version = 14 : i64} {
  func.func @body(%arg0: i32, %arg1: i32, %arg2: memref<10240x32xi32, #tpu.memory_space<hbm>>, %arg3: memref<32x10240xf32, #tpu.memory_space<hbm>>, %arg4: memref<2x16x32xi32, #tpu.memory_space<vmem>>, %arg5: memref<10240xf32, #tpu.memory_space<vmem>>, %arg6: memref<!tpu.dma_semaphore, #tpu.memory_space<semaphore_mem>>) attributes {dimension_semantics = [#tpu.dimension_semantics<core_parallel>, #tpu.dimension_semantics<subcore_parallel>], iteration_bounds = array<i64: 2, 16>, scalar_prefetch = 0 : i64, scratch_operands = 3 : i64, tpu.core_type = #tpu.core_type<sc_vector_subcore>, window_params = [{transform_indices = #map}, {transform_indices = #map}]} {
    %mul3A = arith.constant 16 : i32
    %mul3A_0 = arith.muli %arg0, %mul3A : i32
    %add3A = arith.addi %mul3A_0, %arg1 : i32
    %mul3A_1 = arith.constant 320 : i32
    %mul3A_2 = arith.muli %add3A, %mul3A_1 : i32
    %dma_start3A = arith.constant 0 : i32
    %dma_start3A_3 = arith.constant 0 : i32
    %dma_start3A_4 = arith.constant 0 : i32
    %dma_start3A_5 = tpu.memref_slice %arg4[%dma_start3A, %dma_start3A_3, %dma_start3A_4] : memref<2x16x32xi32, #tpu.memory_space<vmem>> -> memref<1x16x32xi32, #tpu.memory_space<vmem>>
    %dma_start3A_6 = tpu.memref_squeeze %dma_start3A_5 : memref<1x16x32xi32, #tpu.memory_space<vmem>> -> memref<16x32xi32, #tpu.memory_space<vmem>>
    %dma_start3A_7 = arith.constant 0 : i32
    %dma_start3A_8 = tpu.memref_slice %arg2[%mul3A_2, %dma_start3A_7] : memref<10240x32xi32, #tpu.memory_space<hbm>> -> memref<16x32xi32, #tpu.memory_space<hbm>>
    %dma_start3A_9 = arith.constant 0 : i32
    %dma_start3A_10 = arith.constant 0 : i32
    %dma_start3A_11 = tpu.memref_slice %arg4[%dma_start3A, %dma_start3A_9, %dma_start3A_10] : memref<2x16x32xi32, #tpu.memory_space<vmem>> -> memref<1x16x32xi32, #tpu.memory_space<vmem>>
    %dma_start3A_12 = tpu.memref_squeeze %dma_start3A_11 : memref<1x16x32xi32, #tpu.memory_space<vmem>> -> memref<16x32xi32, #tpu.memory_space<vmem>>
    %dma_start3A_13 = arith.constant 0 : i32
    %dma_start3A_14 = tpu.memref_slice %arg2[%mul3A_2, %dma_start3A_13] : memref<10240x32xi32, #tpu.memory_space<hbm>> -> memref<16x32xi32, #tpu.memory_space<hbm>>
    tpu.enqueue_dma source(%dma_start3A_14 : memref<16x32xi32, #tpu.memory_space<hbm>>) target(%dma_start3A_12 : memref<16x32xi32, #tpu.memory_space<vmem>>) target_semaphore(%arg6 : memref<!tpu.dma_semaphore, #tpu.memory_space<semaphore_mem>>)
    %broadcast_in_dim3A = arith.constant 0.000000e+00 : f32
    %broadcast_in_dim3A_15 = vector.broadcast %broadcast_in_dim3A : f32 to vector<16xf32>
    %scan3A = arith.constant 0 : i32
    %scan3A_16 = arith.constant 640 : i32
    %scan3A_17 = arith.addi %scan3A, %scan3A_16 : i32
    %scan3A_18 = arith.constant 1 : i32
    scf.for %scan3A_39 = %scan3A to %scan3A_17 step %scan3A_18  : i32 {
      %mul3A_40 = arith.constant 1 : i32
      %mul3A_41 = arith.muli %scan3A_39, %mul3A_40 : i32
      %add3A_42 = arith.constant 0 : i32
      %add3A_43 = arith.addi %add3A_42, %mul3A_41 : i32
      %mul3A_44 = arith.constant 16 : i32
      %mul3A_45 = arith.muli %add3A_43, %mul3A_44 : i32
      %swap3A = arith.index_cast %mul3A_45 : i32 to index
      %swap3A_46 = tpu.vector_load %arg5[%swap3A] {strides = array<i32>} : memref<10240xf32, #tpu.memory_space<vmem>>, vector<16xf32>,
      tpu.vector_store %arg5[%swap3A], %broadcast_in_dim3A_15 {strides = array<i32>} : memref<10240xf32, #tpu.memory_space<vmem>>, vector<16xf32>,
    }
    %scan3A_19 = arith.constant 640 : i32
    %dma_wait3A = arith.constant 0 : i32
    %dma_wait3A_20 = arith.constant 0 : i32
    %dma_wait3A_21 = arith.constant 0 : i32
    %dma_wait3A_22 = tpu.memref_slice %arg4[%dma_wait3A, %dma_wait3A_20, %dma_wait3A_21] : memref<2x16x32xi32, #tpu.memory_space<vmem>> -> memref<1x16x32xi32, #tpu.memory_space<vmem>>
    %dma_wait3A_23 = tpu.memref_squeeze %dma_wait3A_22 : memref<1x16x32xi32, #tpu.memory_space<vmem>> -> memref<16x32xi32, #tpu.memory_space<vmem>>
    %dma_wait3A_24 = arith.constant 0 : i32
    %dma_wait3A_25 = tpu.memref_slice %arg2[%mul3A_2, %dma_wait3A_24] : memref<10240x32xi32, #tpu.memory_space<hbm>> -> memref<16x32xi32, #tpu.memory_space<hbm>>
    %dma_wait3A_26 = arith.constant 0 : i32
    %dma_wait3A_27 = arith.constant 0 : i32
    %dma_wait3A_28 = tpu.memref_slice %arg4[%dma_wait3A, %dma_wait3A_26, %dma_wait3A_27] : memref<2x16x32xi32, #tpu.memory_space<vmem>> -> memref<1x16x32xi32, #tpu.memory_space<vmem>>
    %dma_wait3A_29 = tpu.memref_squeeze %dma_wait3A_28 : memref<1x16x32xi32, #tpu.memory_space<vmem>> -> memref<16x32xi32, #tpu.memory_space<vmem>>
    %dma_wait3A_30 = arith.constant 0 : i32
    %dma_wait3A_31 = tpu.memref_slice %arg2[%mul3A_2, %dma_wait3A_30] : memref<10240x32xi32, #tpu.memory_space<hbm>> -> memref<16x32xi32, #tpu.memory_space<hbm>>
    tpu.wait_dma2 semaphore(%arg6 : memref<!tpu.dma_semaphore, #tpu.memory_space<semaphore_mem>>) src(%dma_wait3A_31 : memref<16x32xi32, #tpu.memory_space<hbm>>) dst(%dma_wait3A_29 : memref<16x32xi32, #tpu.memory_space<vmem>>)
    %broadcast_in_dim3A_32 = arith.constant 1.000000e+00 : f32
    %broadcast_in_dim3A_33 = vector.broadcast %broadcast_in_dim3A_32 : f32 to vector<16xf32>
    %scan3A_34 = arith.constant 0 : i32
    %scan3A_35 = arith.constant 20 : i32
    %scan3A_36 = arith.addi %scan3A_34, %scan3A_35 : i32
    %scan3A_37 = arith.constant 1 : i32
    scf.for %scan3A_39 = %scan3A_34 to %scan3A_36 step %scan3A_37  : i32 {
      %mul3A_40 = arith.constant 1 : i32
      %mul3A_41 = arith.muli %scan3A_39, %mul3A_40 : i32
      %add3A_42 = arith.constant 0 : i32
      %add3A_43 = arith.addi %add3A_42, %mul3A_41 : i32
      %rem3A = arith.constant 2 : i32
      %rem3A_44 = arith.remsi %add3A_43, %rem3A : i32
      %lt3A = arith.constant 19 : i32
      %lt3A_45 = arith.cmpi slt, %add3A_43, %lt3A : i32
      %convert_element_type3A = arith.extui %lt3A_45 : i1 to i32
      %cond3A = arith.constant 0 : i32
      %cond3A_46 = arith.cmpi ne, %convert_element_type3A, %cond3A : i32
      scf.if %cond3A_46 {
        %add3A_211 = arith.constant 1 : i32
        %add3A_212 = arith.addi %add3A_43, %add3A_211 : i32
        %mul3A_213 = arith.constant 16 : i32
        %mul3A_214 = arith.muli %add3A_212, %mul3A_213 : i32
        %add3A_215 = arith.addi %mul3A_2, %mul3A_214 : i32
        %sub3A = arith.constant 1 : i32
        %sub3A_216 = arith.subi %sub3A, %rem3A_44 : i32
        %dma_start3A_217 = arith.constant 0 : i32
        %dma_start3A_218 = arith.constant 0 : i32
        %dma_start3A_219 = tpu.memref_slice %arg4[%sub3A_216, %dma_start3A_217, %dma_start3A_218] : memref<2x16x32xi32, #tpu.memory_space<vmem>> -> memref<1x16x32xi32, #tpu.memory_space<vmem>>
        %dma_start3A_220 = tpu.memref_squeeze %dma_start3A_219 : memref<1x16x32xi32, #tpu.memory_space<vmem>> -> memref<16x32xi32, #tpu.memory_space<vmem>>
        %dma_start3A_221 = arith.constant 0 : i32
        %dma_start3A_222 = tpu.memref_slice %arg2[%add3A_215, %dma_start3A_221] : memref<10240x32xi32, #tpu.memory_space<hbm>> -> memref<16x32xi32, #tpu.memory_space<hbm>>
        %dma_start3A_223 = arith.constant 0 : i32
        %dma_start3A_224 = arith.constant 0 : i32
        %dma_start3A_225 = tpu.memref_slice %arg4[%sub3A_216, %dma_start3A_223, %dma_start3A_224] : memref<2x16x32xi32, #tpu.memory_space<vmem>> -> memref<1x16x32xi32, #tpu.memory_space<vmem>>
        %dma_start3A_226 = tpu.memref_squeeze %dma_start3A_225 : memref<1x16x32xi32, #tpu.memory_space<vmem>> -> memref<16x32xi32, #tpu.memory_space<vmem>>
        %dma_start3A_227 = arith.constant 0 : i32
        %dma_start3A_228 = tpu.memref_slice %arg2[%add3A_215, %dma_start3A_227] : memref<10240x32xi32, #tpu.memory_space<hbm>> -> memref<16x32xi32, #tpu.memory_space<hbm>>
        tpu.enqueue_dma source(%dma_start3A_228 : memref<16x32xi32, #tpu.memory_space<hbm>>) target(%dma_start3A_226 : memref<16x32xi32, #tpu.memory_space<vmem>>) target_semaphore(%arg6 : memref<!tpu.dma_semaphore, #tpu.memory_space<semaphore_mem>>)
      } else {
      }
      %get3A = arith.constant 0 : i32
      %get3A_47 = arith.index_cast %rem3A_44 : i32 to index
      %get3A_48 = arith.index_cast %get3A : i32 to index
      %get3A_49 = arith.constant 0 : index
      %get3A_50 = tpu.vector_load %arg4[%get3A_47, %get3A_48, %get3A_49] {strides = array<i32>} : memref<2x16x32xi32, #tpu.memory_space<vmem>>, vector<16xi32>,
      tpu.vector_store_idx %arg5[%get3A_50], %broadcast_in_dim3A_33 {add = true} : memref<10240xf32, #tpu.memory_space<vmem>>[vector<16xi32>], vector<16xf32>,
      %get3A_51 = arith.constant 0 : i32
      %get3A_52 = arith.index_cast %rem3A_44 : i32 to index
      %get3A_53 = arith.index_cast %get3A_51 : i32 to index
      %get3A_54 = arith.constant 16 : index
      %get3A_55 = tpu.vector_load %arg4[%get3A_52, %get3A_53, %get3A_54] {strides = array<i32>} : memref<2x16x32xi32, #tpu.memory_space<vmem>>, vector<16xi32>,
      tpu.vector_store_idx %arg5[%get3A_55], %broadcast_in_dim3A_33 {add = true} : memref<10240xf32, #tpu.memory_space<vmem>>[vector<16xi32>], vector<16xf32>,
      %get3A_56 = arith.constant 1 : i32
      %get3A_57 = arith.index_cast %rem3A_44 : i32 to index
      %get3A_58 = arith.index_cast %get3A_56 : i32 to index
      %get3A_59 = arith.constant 0 : index
      %get3A_60 = tpu.vector_load %arg4[%get3A_57, %get3A_58, %get3A_59] {strides = array<i32>} : memref<2x16x32xi32, #tpu.memory_space<vmem>>, vector<16xi32>,
      tpu.vector_store_idx %arg5[%get3A_60], %broadcast_in_dim3A_33 {add = true} : memref<10240xf32, #tpu.memory_space<vmem>>[vector<16xi32>], vector<16xf32>,
      %get3A_61 = arith.constant 1 : i32
      %get3A_62 = arith.index_cast %rem3A_44 : i32 to index
      %get3A_63 = arith.index_cast %get3A_61 : i32 to index
      %get3A_64 = arith.constant 16 : index
      %get3A_65 = tpu.vector_load %arg4[%get3A_62, %get3A_63, %get3A_64] {strides = array<i32>} : memref<2x16x32xi32, #tpu.memory_space<vmem>>, vector<16xi32>,
      tpu.vector_store_idx %arg5[%get3A_65], %broadcast_in_dim3A_33 {add = true} : memref<10240xf32, #tpu.memory_space<vmem>>[vector<16xi32>], vector<16xf32>,
      %get3A_66 = arith.constant 2 : i32
      %get3A_67 = arith.index_cast %rem3A_44 : i32 to index
      %get3A_68 = arith.index_cast %get3A_66 : i32 to index
      %get3A_69 = arith.constant 0 : index
      %get3A_70 = tpu.vector_load %arg4[%get3A_67, %get3A_68, %get3A_69] {strides = array<i32>} : memref<2x16x32xi32, #tpu.memory_space<vmem>>, vector<16xi32>,
      tpu.vector_store_idx %arg5[%get3A_70], %broadcast_in_dim3A_33 {add = true} : memref<10240xf32, #tpu.memory_space<vmem>>[vector<16xi32>], vector<16xf32>,
      %get3A_71 = arith.constant 2 : i32
      %get3A_72 = arith.index_cast %rem3A_44 : i32 to index
      %get3A_73 = arith.index_cast %get3A_71 : i32 to index
      %get3A_74 = arith.constant 16 : index
      %get3A_75 = tpu.vector_load %arg4[%get3A_72, %get3A_73, %get3A_74] {strides = array<i32>} : memref<2x16x32xi32, #tpu.memory_space<vmem>>, vector<16xi32>,
      tpu.vector_store_idx %arg5[%get3A_75], %broadcast_in_dim3A_33 {add = true} : memref<10240xf32, #tpu.memory_space<vmem>>[vector<16xi32>], vector<16xf32>,
      %get3A_76 = arith.constant 3 : i32
      %get3A_77 = arith.index_cast %rem3A_44 : i32 to index
      %get3A_78 = arith.index_cast %get3A_76 : i32 to index
      %get3A_79 = arith.constant 0 : index
      %get3A_80 = tpu.vector_load %arg4[%get3A_77, %get3A_78, %get3A_79] {strides = array<i32>} : memref<2x16x32xi32, #tpu.memory_space<vmem>>, vector<16xi32>,
      tpu.vector_store_idx %arg5[%get3A_80], %broadcast_in_dim3A_33 {add = true} : memref<10240xf32, #tpu.memory_space<vmem>>[vector<16xi32>], vector<16xf32>,
      %get3A_81 = arith.constant 3 : i32
      %get3A_82 = arith.index_cast %rem3A_44 : i32 to index
      %get3A_83 = arith.index_cast %get3A_81 : i32 to index
      %get3A_84 = arith.constant 16 : index
      %get3A_85 = tpu.vector_load %arg4[%get3A_82, %get3A_83, %get3A_84] {strides = array<i32>} : memref<2x16x32xi32, #tpu.memory_space<vmem>>, vector<16xi32>,
      tpu.vector_store_idx %arg5[%get3A_85], %broadcast_in_dim3A_33 {add = true} : memref<10240xf32, #tpu.memory_space<vmem>>[vector<16xi32>], vector<16xf32>,
      %get3A_86 = arith.constant 4 : i32
      %get3A_87 = arith.index_cast %rem3A_44 : i32 to index
      %get3A_88 = arith.index_cast %get3A_86 : i32 to index
      %get3A_89 = arith.constant 0 : index
      %get3A_90 = tpu.vector_load %arg4[%get3A_87, %get3A_88, %get3A_89] {strides = array<i32>} : memref<2x16x32xi32, #tpu.memory_space<vmem>>, vector<16xi32>,
      tpu.vector_store_idx %arg5[%get3A_90], %broadcast_in_dim3A_33 {add = true} : memref<10240xf32, #tpu.memory_space<vmem>>[vector<16xi32>], vector<16xf32>,
      %get3A_91 = arith.constant 4 : i32
      %get3A_92 = arith.index_cast %rem3A_44 : i32 to index
      %get3A_93 = arith.index_cast %get3A_91 : i32 to index
      %get3A_94 = arith.constant 16 : index
      %get3A_95 = tpu.vector_load %arg4[%get3A_92, %get3A_93, %get3A_94] {strides = array<i32>} : memref<2x16x32xi32, #tpu.memory_space<vmem>>, vector<16xi32>,
      tpu.vector_store_idx %arg5[%get3A_95], %broadcast_in_dim3A_33 {add = true} : memref<10240xf32, #tpu.memory_space<vmem>>[vector<16xi32>], vector<16xf32>,
      %get3A_96 = arith.constant 5 : i32
      %get3A_97 = arith.index_cast %rem3A_44 : i32 to index
      %get3A_98 = arith.index_cast %get3A_96 : i32 to index
      %get3A_99 = arith.constant 0 : index
      %get3A_100 = tpu.vector_load %arg4[%get3A_97, %get3A_98, %get3A_99] {strides = array<i32>} : memref<2x16x32xi32, #tpu.memory_space<vmem>>, vector<16xi32>,
      tpu.vector_store_idx %arg5[%get3A_100], %broadcast_in_dim3A_33 {add = true} : memref<10240xf32, #tpu.memory_space<vmem>>[vector<16xi32>], vector<16xf32>,
      %get3A_101 = arith.constant 5 : i32
      %get3A_102 = arith.index_cast %rem3A_44 : i32 to index
      %get3A_103 = arith.index_cast %get3A_101 : i32 to index
      %get3A_104 = arith.constant 16 : index
      %get3A_105 = tpu.vector_load %arg4[%get3A_102, %get3A_103, %get3A_104] {strides = array<i32>} : memref<2x16x32xi32, #tpu.memory_space<vmem>>, vector<16xi32>,
      tpu.vector_store_idx %arg5[%get3A_105], %broadcast_in_dim3A_33 {add = true} : memref<10240xf32, #tpu.memory_space<vmem>>[vector<16xi32>], vector<16xf32>,
      %get3A_106 = arith.constant 6 : i32
      %get3A_107 = arith.index_cast %rem3A_44 : i32 to index
      %get3A_108 = arith.index_cast %get3A_106 : i32 to index
      %get3A_109 = arith.constant 0 : index
      %get3A_110 = tpu.vector_load %arg4[%get3A_107, %get3A_108, %get3A_109] {strides = array<i32>} : memref<2x16x32xi32, #tpu.memory_space<vmem>>, vector<16xi32>,
      tpu.vector_store_idx %arg5[%get3A_110], %broadcast_in_dim3A_33 {add = true} : memref<10240xf32, #tpu.memory_space<vmem>>[vector<16xi32>], vector<16xf32>,
      %get3A_111 = arith.constant 6 : i32
      %get3A_112 = arith.index_cast %rem3A_44 : i32 to index
      %get3A_113 = arith.index_cast %get3A_111 : i32 to index
      %get3A_114 = arith.constant 16 : index
      %get3A_115 = tpu.vector_load %arg4[%get3A_112, %get3A_113, %get3A_114] {strides = array<i32>} : memref<2x16x32xi32, #tpu.memory_space<vmem>>, vector<16xi32>,
      tpu.vector_store_idx %arg5[%get3A_115], %broadcast_in_dim3A_33 {add = true} : memref<10240xf32, #tpu.memory_space<vmem>>[vector<16xi32>], vector<16xf32>,
      %get3A_116 = arith.constant 7 : i32
      %get3A_117 = arith.index_cast %rem3A_44 : i32 to index
      %get3A_118 = arith.index_cast %get3A_116 : i32 to index
      %get3A_119 = arith.constant 0 : index
      %get3A_120 = tpu.vector_load %arg4[%get3A_117, %get3A_118, %get3A_119] {strides = array<i32>} : memref<2x16x32xi32, #tpu.memory_space<vmem>>, vector<16xi32>,
      tpu.vector_store_idx %arg5[%get3A_120], %broadcast_in_dim3A_33 {add = true} : memref<10240xf32, #tpu.memory_space<vmem>>[vector<16xi32>], vector<16xf32>,
      %get3A_121 = arith.constant 7 : i32
      %get3A_122 = arith.index_cast %rem3A_44 : i32 to index
      %get3A_123 = arith.index_cast %get3A_121 : i32 to index
      %get3A_124 = arith.constant 16 : index
      %get3A_125 = tpu.vector_load %arg4[%get3A_122, %get3A_123, %get3A_124] {strides = array<i32>} : memref<2x16x32xi32, #tpu.memory_space<vmem>>, vector<16xi32>,
      tpu.vector_store_idx %arg5[%get3A_125], %broadcast_in_dim3A_33 {add = true} : memref<10240xf32, #tpu.memory_space<vmem>>[vector<16xi32>], vector<16xf32>,
      %get3A_126 = arith.constant 8 : i32
      %get3A_127 = arith.index_cast %rem3A_44 : i32 to index
      %get3A_128 = arith.index_cast %get3A_126 : i32 to index
      %get3A_129 = arith.constant 0 : index
      %get3A_130 = tpu.vector_load %arg4[%get3A_127, %get3A_128, %get3A_129] {strides = array<i32>} : memref<2x16x32xi32, #tpu.memory_space<vmem>>, vector<16xi32>,
      tpu.vector_store_idx %arg5[%get3A_130], %broadcast_in_dim3A_33 {add = true} : memref<10240xf32, #tpu.memory_space<vmem>>[vector<16xi32>], vector<16xf32>,
      %get3A_131 = arith.constant 8 : i32
      %get3A_132 = arith.index_cast %rem3A_44 : i32 to index
      %get3A_133 = arith.index_cast %get3A_131 : i32 to index
      %get3A_134 = arith.constant 16 : index
      %get3A_135 = tpu.vector_load %arg4[%get3A_132, %get3A_133, %get3A_134] {strides = array<i32>} : memref<2x16x32xi32, #tpu.memory_space<vmem>>, vector<16xi32>,
      tpu.vector_store_idx %arg5[%get3A_135], %broadcast_in_dim3A_33 {add = true} : memref<10240xf32, #tpu.memory_space<vmem>>[vector<16xi32>], vector<16xf32>,
      %get3A_136 = arith.constant 9 : i32
      %get3A_137 = arith.index_cast %rem3A_44 : i32 to index
      %get3A_138 = arith.index_cast %get3A_136 : i32 to index
      %get3A_139 = arith.constant 0 : index
      %get3A_140 = tpu.vector_load %arg4[%get3A_137, %get3A_138, %get3A_139] {strides = array<i32>} : memref<2x16x32xi32, #tpu.memory_space<vmem>>, vector<16xi32>,
      tpu.vector_store_idx %arg5[%get3A_140], %broadcast_in_dim3A_33 {add = true} : memref<10240xf32, #tpu.memory_space<vmem>>[vector<16xi32>], vector<16xf32>,
      %get3A_141 = arith.constant 9 : i32
      %get3A_142 = arith.index_cast %rem3A_44 : i32 to index
      %get3A_143 = arith.index_cast %get3A_141 : i32 to index
      %get3A_144 = arith.constant 16 : index
      %get3A_145 = tpu.vector_load %arg4[%get3A_142, %get3A_143, %get3A_144] {strides = array<i32>} : memref<2x16x32xi32, #tpu.memory_space<vmem>>, vector<16xi32>,
      tpu.vector_store_idx %arg5[%get3A_145], %broadcast_in_dim3A_33 {add = true} : memref<10240xf32, #tpu.memory_space<vmem>>[vector<16xi32>], vector<16xf32>,
      %get3A_146 = arith.constant 10 : i32
      %get3A_147 = arith.index_cast %rem3A_44 : i32 to index
      %get3A_148 = arith.index_cast %get3A_146 : i32 to index
      %get3A_149 = arith.constant 0 : index
      %get3A_150 = tpu.vector_load %arg4[%get3A_147, %get3A_148, %get3A_149] {strides = array<i32>} : memref<2x16x32xi32, #tpu.memory_space<vmem>>, vector<16xi32>,
      tpu.vector_store_idx %arg5[%get3A_150], %broadcast_in_dim3A_33 {add = true} : memref<10240xf32, #tpu.memory_space<vmem>>[vector<16xi32>], vector<16xf32>,
      %get3A_151 = arith.constant 10 : i32
      %get3A_152 = arith.index_cast %rem3A_44 : i32 to index
      %get3A_153 = arith.index_cast %get3A_151 : i32 to index
      %get3A_154 = arith.constant 16 : index
      %get3A_155 = tpu.vector_load %arg4[%get3A_152, %get3A_153, %get3A_154] {strides = array<i32>} : memref<2x16x32xi32, #tpu.memory_space<vmem>>, vector<16xi32>,
      tpu.vector_store_idx %arg5[%get3A_155], %broadcast_in_dim3A_33 {add = true} : memref<10240xf32, #tpu.memory_space<vmem>>[vector<16xi32>], vector<16xf32>,
      %get3A_156 = arith.constant 11 : i32
      %get3A_157 = arith.index_cast %rem3A_44 : i32 to index
      %get3A_158 = arith.index_cast %get3A_156 : i32 to index
      %get3A_159 = arith.constant 0 : index
      %get3A_160 = tpu.vector_load %arg4[%get3A_157, %get3A_158, %get3A_159] {strides = array<i32>} : memref<2x16x32xi32, #tpu.memory_space<vmem>>, vector<16xi32>,
      tpu.vector_store_idx %arg5[%get3A_160], %broadcast_in_dim3A_33 {add = true} : memref<10240xf32, #tpu.memory_space<vmem>>[vector<16xi32>], vector<16xf32>,
      %get3A_161 = arith.constant 11 : i32
      %get3A_162 = arith.index_cast %rem3A_44 : i32 to index
      %get3A_163 = arith.index_cast %get3A_161 : i32 to index
      %get3A_164 = arith.constant 16 : index
      %get3A_165 = tpu.vector_load %arg4[%get3A_162, %get3A_163, %get3A_164] {strides = array<i32>} : memref<2x16x32xi32, #tpu.memory_space<vmem>>, vector<16xi32>,
      tpu.vector_store_idx %arg5[%get3A_165], %broadcast_in_dim3A_33 {add = true} : memref<10240xf32, #tpu.memory_space<vmem>>[vector<16xi32>], vector<16xf32>,
      %get3A_166 = arith.constant 12 : i32
      %get3A_167 = arith.index_cast %rem3A_44 : i32 to index
      %get3A_168 = arith.index_cast %get3A_166 : i32 to index
      %get3A_169 = arith.constant 0 : index
      %get3A_170 = tpu.vector_load %arg4[%get3A_167, %get3A_168, %get3A_169] {strides = array<i32>} : memref<2x16x32xi32, #tpu.memory_space<vmem>>, vector<16xi32>,
      tpu.vector_store_idx %arg5[%get3A_170], %broadcast_in_dim3A_33 {add = true} : memref<10240xf32, #tpu.memory_space<vmem>>[vector<16xi32>], vector<16xf32>,
      %get3A_171 = arith.constant 12 : i32
      %get3A_172 = arith.index_cast %rem3A_44 : i32 to index
      %get3A_173 = arith.index_cast %get3A_171 : i32 to index
      %get3A_174 = arith.constant 16 : index
      %get3A_175 = tpu.vector_load %arg4[%get3A_172, %get3A_173, %get3A_174] {strides = array<i32>} : memref<2x16x32xi32, #tpu.memory_space<vmem>>, vector<16xi32>,
      tpu.vector_store_idx %arg5[%get3A_175], %broadcast_in_dim3A_33 {add = true} : memref<10240xf32, #tpu.memory_space<vmem>>[vector<16xi32>], vector<16xf32>,
      %get3A_176 = arith.constant 13 : i32
      %get3A_177 = arith.index_cast %rem3A_44 : i32 to index
      %get3A_178 = arith.index_cast %get3A_176 : i32 to index
      %get3A_179 = arith.constant 0 : index
      %get3A_180 = tpu.vector_load %arg4[%get3A_177, %get3A_178, %get3A_179] {strides = array<i32>} : memref<2x16x32xi32, #tpu.memory_space<vmem>>, vector<16xi32>,
      tpu.vector_store_idx %arg5[%get3A_180], %broadcast_in_dim3A_33 {add = true} : memref<10240xf32, #tpu.memory_space<vmem>>[vector<16xi32>], vector<16xf32>,
      %get3A_181 = arith.constant 13 : i32
      %get3A_182 = arith.index_cast %rem3A_44 : i32 to index
      %get3A_183 = arith.index_cast %get3A_181 : i32 to index
      %get3A_184 = arith.constant 16 : index
      %get3A_185 = tpu.vector_load %arg4[%get3A_182, %get3A_183, %get3A_184] {strides = array<i32>} : memref<2x16x32xi32, #tpu.memory_space<vmem>>, vector<16xi32>,
      tpu.vector_store_idx %arg5[%get3A_185], %broadcast_in_dim3A_33 {add = true} : memref<10240xf32, #tpu.memory_space<vmem>>[vector<16xi32>], vector<16xf32>,
      %get3A_186 = arith.constant 14 : i32
      %get3A_187 = arith.index_cast %rem3A_44 : i32 to index
      %get3A_188 = arith.index_cast %get3A_186 : i32 to index
      %get3A_189 = arith.constant 0 : index
      %get3A_190 = tpu.vector_load %arg4[%get3A_187, %get3A_188, %get3A_189] {strides = array<i32>} : memref<2x16x32xi32, #tpu.memory_space<vmem>>, vector<16xi32>,
      tpu.vector_store_idx %arg5[%get3A_190], %broadcast_in_dim3A_33 {add = true} : memref<10240xf32, #tpu.memory_space<vmem>>[vector<16xi32>], vector<16xf32>,
      %get3A_191 = arith.constant 14 : i32
      %get3A_192 = arith.index_cast %rem3A_44 : i32 to index
      %get3A_193 = arith.index_cast %get3A_191 : i32 to index
      %get3A_194 = arith.constant 16 : index
      %get3A_195 = tpu.vector_load %arg4[%get3A_192, %get3A_193, %get3A_194] {strides = array<i32>} : memref<2x16x32xi32, #tpu.memory_space<vmem>>, vector<16xi32>,
      tpu.vector_store_idx %arg5[%get3A_195], %broadcast_in_dim3A_33 {add = true} : memref<10240xf32, #tpu.memory_space<vmem>>[vector<16xi32>], vector<16xf32>,
      %get3A_196 = arith.constant 15 : i32
      %get3A_197 = arith.index_cast %rem3A_44 : i32 to index
      %get3A_198 = arith.index_cast %get3A_196 : i32 to index
      %get3A_199 = arith.constant 0 : index
      %get3A_200 = tpu.vector_load %arg4[%get3A_197, %get3A_198, %get3A_199] {strides = array<i32>} : memref<2x16x32xi32, #tpu.memory_space<vmem>>, vector<16xi32>,
      tpu.vector_store_idx %arg5[%get3A_200], %broadcast_in_dim3A_33 {add = true} : memref<10240xf32, #tpu.memory_space<vmem>>[vector<16xi32>], vector<16xf32>,
      %get3A_201 = arith.constant 15 : i32
      %get3A_202 = arith.index_cast %rem3A_44 : i32 to index
      %get3A_203 = arith.index_cast %get3A_201 : i32 to index
      %get3A_204 = arith.constant 16 : index
      %get3A_205 = tpu.vector_load %arg4[%get3A_202, %get3A_203, %get3A_204] {strides = array<i32>} : memref<2x16x32xi32, #tpu.memory_space<vmem>>, vector<16xi32>,
      tpu.vector_store_idx %arg5[%get3A_205], %broadcast_in_dim3A_33 {add = true} : memref<10240xf32, #tpu.memory_space<vmem>>[vector<16xi32>], vector<16xf32>,
      %lt3A_206 = arith.constant 19 : i32
      %lt3A_207 = arith.cmpi slt, %add3A_43, %lt3A_206 : i32
      %convert_element_type3A_208 = arith.extui %lt3A_207 : i1 to i32
      %cond3A_209 = arith.constant 0 : i32
      %cond3A_210 = arith.cmpi ne, %convert_element_type3A_208, %cond3A_209 : i32
      scf.if %cond3A_210 {
        %add3A_211 = arith.constant 1 : i32
        %add3A_212 = arith.addi %add3A_43, %add3A_211 : i32
        %mul3A_213 = arith.constant 16 : i32
        %mul3A_214 = arith.muli %add3A_212, %mul3A_213 : i32
        %add3A_215 = arith.addi %mul3A_2, %mul3A_214 : i32
        %sub3A = arith.constant 1 : i32
        %sub3A_216 = arith.subi %sub3A, %rem3A_44 : i32
        %dma_wait3A_217 = arith.constant 0 : i32
        %dma_wait3A_218 = arith.constant 0 : i32
        %dma_wait3A_219 = tpu.memref_slice %arg4[%sub3A_216, %dma_wait3A_217, %dma_wait3A_218] : memref<2x16x32xi32, #tpu.memory_space<vmem>> -> memref<1x16x32xi32, #tpu.memory_space<vmem>>
        %dma_wait3A_220 = tpu.memref_squeeze %dma_wait3A_219 : memref<1x16x32xi32, #tpu.memory_space<vmem>> -> memref<16x32xi32, #tpu.memory_space<vmem>>
        %dma_wait3A_221 = arith.constant 0 : i32
        %dma_wait3A_222 = tpu.memref_slice %arg2[%add3A_215, %dma_wait3A_221] : memref<10240x32xi32, #tpu.memory_space<hbm>> -> memref<16x32xi32, #tpu.memory_space<hbm>>
        %dma_wait3A_223 = arith.constant 0 : i32
        %dma_wait3A_224 = arith.constant 0 : i32
        %dma_wait3A_225 = tpu.memref_slice %arg4[%sub3A_216, %dma_wait3A_223, %dma_wait3A_224] : memref<2x16x32xi32, #tpu.memory_space<vmem>> -> memref<1x16x32xi32, #tpu.memory_space<vmem>>
        %dma_wait3A_226 = tpu.memref_squeeze %dma_wait3A_225 : memref<1x16x32xi32, #tpu.memory_space<vmem>> -> memref<16x32xi32, #tpu.memory_space<vmem>>
        %dma_wait3A_227 = arith.constant 0 : i32
        %dma_wait3A_228 = tpu.memref_slice %arg2[%add3A_215, %dma_wait3A_227] : memref<10240x32xi32, #tpu.memory_space<hbm>> -> memref<16x32xi32, #tpu.memory_space<hbm>>
        tpu.wait_dma2 semaphore(%arg6 : memref<!tpu.dma_semaphore, #tpu.memory_space<semaphore_mem>>) src(%dma_wait3A_228 : memref<16x32xi32, #tpu.memory_space<hbm>>) dst(%dma_wait3A_226 : memref<16x32xi32, #tpu.memory_space<vmem>>)
      } else {
      }
    }
    %scan3A_38 = arith.constant 20 : i32
    "tpu.region"() ({
      %run_scoped3A = tpu.sem_alloc : memref<!tpu.dma_semaphore, #tpu.memory_space<semaphore_mem>>
      %dma_start3A_39 = arith.constant 0 : i32
      %dma_start3A_40 = tpu.memref_slice %arg3[%add3A, %dma_start3A_39] : memref<32x10240xf32, #tpu.memory_space<hbm>> -> memref<1x10240xf32, #tpu.memory_space<hbm>>
      %dma_start3A_41 = tpu.memref_squeeze %dma_start3A_40 : memref<1x10240xf32, #tpu.memory_space<hbm>> -> memref<10240xf32, #tpu.memory_space<hbm>>
      %dma_start3A_42 = arith.constant 0 : i32
      %dma_start3A_43 = tpu.memref_slice %arg3[%add3A, %dma_start3A_42] : memref<32x10240xf32, #tpu.memory_space<hbm>> -> memref<1x10240xf32, #tpu.memory_space<hbm>>
      %dma_start3A_44 = tpu.memref_squeeze %dma_start3A_43 : memref<1x10240xf32, #tpu.memory_space<hbm>> -> memref<10240xf32, #tpu.memory_space<hbm>>
      tpu.enqueue_dma source(%arg5 : memref<10240xf32, #tpu.memory_space<vmem>>) target(%dma_start3A_44 : memref<10240xf32, #tpu.memory_space<hbm>>) target_semaphore(%run_scoped3A : memref<!tpu.dma_semaphore, #tpu.memory_space<semaphore_mem>>)
      %dma_wait3A_45 = arith.constant 0 : i32
      %dma_wait3A_46 = tpu.memref_slice %arg3[%add3A, %dma_wait3A_45] : memref<32x10240xf32, #tpu.memory_space<hbm>> -> memref<1x10240xf32, #tpu.memory_space<hbm>>
      %dma_wait3A_47 = tpu.memref_squeeze %dma_wait3A_46 : memref<1x10240xf32, #tpu.memory_space<hbm>> -> memref<10240xf32, #tpu.memory_space<hbm>>
      %dma_wait3A_48 = arith.constant 0 : i32
      %dma_wait3A_49 = tpu.memref_slice %arg3[%add3A, %dma_wait3A_48] : memref<32x10240xf32, #tpu.memory_space<hbm>> -> memref<1x10240xf32, #tpu.memory_space<hbm>>
      %dma_wait3A_50 = tpu.memref_squeeze %dma_wait3A_49 : memref<1x10240xf32, #tpu.memory_space<hbm>> -> memref<10240xf32, #tpu.memory_space<hbm>>
      tpu.wait_dma2 semaphore(%run_scoped3A : memref<!tpu.dma_semaphore, #tpu.memory_space<semaphore_mem>>) src(%arg5 : memref<10240xf32, #tpu.memory_space<vmem>>) dst(%dma_wait3A_50 : memref<10240xf32, #tpu.memory_space<hbm>>)
      tpu.yield
    }) : () -> ()
    return
  }
}

#map = affine_map<(d0, d1) -> (0, 0)>
#map1 = affine_map<(d0, d1) -> (0, 0, 0)>
module attributes {stable_mosaic.version = 14 : i64} {
  func.func @body(%arg0: i32, %arg1: i32, %arg2: memref<10000x128xf32, #tpu.memory_space<hbm>>, %arg3: memref<10240x32xi32, #tpu.memory_space<hbm>>, %arg4: memref<10240x32xi32, #tpu.memory_space<hbm>>, %arg5: memref<2x10240x128xf32, #tpu.memory_space<hbm>>, %arg6: memref<2x16x32xi32, #tpu.memory_space<vmem>>, %arg7: memref<2x16x32xi32, #tpu.memory_space<vmem>>, %arg8: memref<8x32x128xf32, #tpu.memory_space<vmem>>, %arg9: memref<10240x128xf32, #tpu.memory_space<vmem_shared>>, %arg10: memref<8x!tpu.dma_semaphore, #tpu.memory_space<semaphore_mem>>, %arg11: memref<!tpu.dma_semaphore, #tpu.memory_space<semaphore_mem>>) attributes {dimension_semantics = [#tpu.dimension_semantics<core_parallel>, #tpu.dimension_semantics<subcore_parallel>], iteration_bounds = array<i64: 2, 16>, scalar_prefetch = 0 : i64, scratch_operands = 6 : i64, tpu.core_type = #tpu.core_type<sc_vector_subcore>, window_params = [{transform_indices = #map}, {transform_indices = #map}, {transform_indices = #map}, {transform_indices = #map1}]} {
    %mul3A = arith.constant 16 : i32
    %mul3A_0 = arith.muli %arg0, %mul3A : i32
    %add3A = arith.addi %mul3A_0, %arg1 : i32
    %mul3A_1 = arith.constant 320 : i32
    %mul3A_2 = arith.muli %add3A, %mul3A_1 : i32
    %broadcast_in_dim3A = arith.constant 0.000000e+00 : f32
    %broadcast_in_dim3A_3 = vector.broadcast %broadcast_in_dim3A : f32 to vector<16xf32>
    %dma_start3A = arith.constant 0 : i32
    %dma_start3A_4 = arith.constant 0 : i32
    %dma_start3A_5 = arith.constant 0 : i32
    %dma_start3A_6 = tpu.memref_slice %arg6[%dma_start3A, %dma_start3A_4, %dma_start3A_5] : memref<2x16x32xi32, #tpu.memory_space<vmem>> -> memref<1x16x32xi32, #tpu.memory_space<vmem>>
    %dma_start3A_7 = tpu.memref_squeeze %dma_start3A_6 : memref<1x16x32xi32, #tpu.memory_space<vmem>> -> memref<16x32xi32, #tpu.memory_space<vmem>>
    %dma_start3A_8 = arith.constant 0 : i32
    %dma_start3A_9 = tpu.memref_slice %arg3[%mul3A_2, %dma_start3A_8] : memref<10240x32xi32, #tpu.memory_space<hbm>> -> memref<16x32xi32, #tpu.memory_space<hbm>>
    %dma_start3A_10 = arith.constant 0 : i32
    %dma_start3A_11 = arith.constant 0 : i32
    %dma_start3A_12 = tpu.memref_slice %arg6[%dma_start3A, %dma_start3A_10, %dma_start3A_11] : memref<2x16x32xi32, #tpu.memory_space<vmem>> -> memref<1x16x32xi32, #tpu.memory_space<vmem>>
    %dma_start3A_13 = tpu.memref_squeeze %dma_start3A_12 : memref<1x16x32xi32, #tpu.memory_space<vmem>> -> memref<16x32xi32, #tpu.memory_space<vmem>>
    %dma_start3A_14 = arith.constant 0 : i32
    %dma_start3A_15 = tpu.memref_slice %arg3[%mul3A_2, %dma_start3A_14] : memref<10240x32xi32, #tpu.memory_space<hbm>> -> memref<16x32xi32, #tpu.memory_space<hbm>>
    tpu.enqueue_dma source(%dma_start3A_15 : memref<16x32xi32, #tpu.memory_space<hbm>>) target(%dma_start3A_13 : memref<16x32xi32, #tpu.memory_space<vmem>>) target_semaphore(%arg11 : memref<!tpu.dma_semaphore, #tpu.memory_space<semaphore_mem>>)
    %dma_start3A_16 = arith.constant 0 : i32
    %dma_start3A_17 = arith.constant 0 : i32
    %dma_start3A_18 = arith.constant 0 : i32
    %dma_start3A_19 = tpu.memref_slice %arg7[%dma_start3A_16, %dma_start3A_17, %dma_start3A_18] : memref<2x16x32xi32, #tpu.memory_space<vmem>> -> memref<1x16x32xi32, #tpu.memory_space<vmem>>
    %dma_start3A_20 = tpu.memref_squeeze %dma_start3A_19 : memref<1x16x32xi32, #tpu.memory_space<vmem>> -> memref<16x32xi32, #tpu.memory_space<vmem>>
    %dma_start3A_21 = arith.constant 0 : i32
    %dma_start3A_22 = tpu.memref_slice %arg4[%mul3A_2, %dma_start3A_21] : memref<10240x32xi32, #tpu.memory_space<hbm>> -> memref<16x32xi32, #tpu.memory_space<hbm>>
    %dma_start3A_23 = arith.constant 0 : i32
    %dma_start3A_24 = arith.constant 0 : i32
    %dma_start3A_25 = tpu.memref_slice %arg7[%dma_start3A_16, %dma_start3A_23, %dma_start3A_24] : memref<2x16x32xi32, #tpu.memory_space<vmem>> -> memref<1x16x32xi32, #tpu.memory_space<vmem>>
    %dma_start3A_26 = tpu.memref_squeeze %dma_start3A_25 : memref<1x16x32xi32, #tpu.memory_space<vmem>> -> memref<16x32xi32, #tpu.memory_space<vmem>>
    %dma_start3A_27 = arith.constant 0 : i32
    %dma_start3A_28 = tpu.memref_slice %arg4[%mul3A_2, %dma_start3A_27] : memref<10240x32xi32, #tpu.memory_space<hbm>> -> memref<16x32xi32, #tpu.memory_space<hbm>>
    tpu.enqueue_dma source(%dma_start3A_28 : memref<16x32xi32, #tpu.memory_space<hbm>>) target(%dma_start3A_26 : memref<16x32xi32, #tpu.memory_space<vmem>>) target_semaphore(%arg11 : memref<!tpu.dma_semaphore, #tpu.memory_space<semaphore_mem>>)
    %scan3A = arith.constant 0 : i32
    %scan3A_29 = arith.constant 32 : i32
    %scan3A_30 = arith.addi %scan3A, %scan3A_29 : i32
    %scan3A_31 = arith.constant 1 : i32
    scf.for %scan3A_234 = %scan3A to %scan3A_30 step %scan3A_31  : i32 {
      %mul3A_235 = arith.constant 1 : i32
      %mul3A_236 = arith.muli %scan3A_234, %mul3A_235 : i32
      %add3A_237 = arith.constant 0 : i32
      %add3A_238 = arith.addi %add3A_237, %mul3A_236 : i32
      %scan3A_239 = arith.constant 0 : i32
      %scan3A_240 = arith.constant 8 : i32
      %scan3A_241 = arith.addi %scan3A_239, %scan3A_240 : i32
      %scan3A_242 = arith.constant 1 : i32
      scf.for %scan3A_244 = %scan3A_239 to %scan3A_241 step %scan3A_242  : i32 {
        %mul3A_245 = arith.constant 1 : i32
        %mul3A_246 = arith.muli %scan3A_244, %mul3A_245 : i32
        %add3A_247 = arith.constant 0 : i32
        %add3A_248 = arith.addi %add3A_247, %mul3A_246 : i32
        %mul3A_249 = arith.constant 16 : i32
        %mul3A_250 = arith.muli %add3A_248, %mul3A_249 : i32
        %swap3A = arith.constant 0 : i32
        %swap3A_251 = arith.index_cast %swap3A : i32 to index
        %swap3A_252 = arith.index_cast %add3A_238 : i32 to index
        %swap3A_253 = arith.index_cast %mul3A_250 : i32 to index
        %swap3A_254 = tpu.vector_load %arg8[%swap3A_251, %swap3A_252, %swap3A_253] {strides = array<i32>} : memref<8x32x128xf32, #tpu.memory_space<vmem>>, vector<16xf32>,
        tpu.vector_store %arg8[%swap3A_251, %swap3A_252, %swap3A_253], %broadcast_in_dim3A_3 {strides = array<i32>} : memref<8x32x128xf32, #tpu.memory_space<vmem>>, vector<16xf32>,
      }
      %scan3A_243 = arith.constant 8 : i32
    }
    %scan3A_32 = arith.constant 32 : i32
    %scan3A_33 = arith.constant 0 : i32
    %scan3A_34 = arith.constant 20 : i32
    %scan3A_35 = arith.addi %scan3A_33, %scan3A_34 : i32
    %scan3A_36 = arith.constant 1 : i32
    scf.for %scan3A_234 = %scan3A_33 to %scan3A_35 step %scan3A_36  : i32 {
      %mul3A_235 = arith.constant 1 : i32
      %mul3A_236 = arith.muli %scan3A_234, %mul3A_235 : i32
      %add3A_237 = arith.constant 0 : i32
      %add3A_238 = arith.addi %add3A_237, %mul3A_236 : i32
      %mul3A_239 = arith.constant 640 : i32
      %mul3A_240 = arith.muli %arg1, %mul3A_239 : i32
      %mul3A_241 = arith.constant 32 : i32
      %mul3A_242 = arith.muli %add3A_238, %mul3A_241 : i32
      %add3A_243 = arith.addi %mul3A_240, %mul3A_242 : i32
      %run_scoped3A = arith.constant 0 : i32
      "tpu.region"() ({
        %run_scoped3A_244 = tpu.sem_alloc : memref<!tpu.dma_semaphore, #tpu.memory_space<semaphore_mem>>
        %dma_start3A_245 = arith.constant 0 : i32
        %dma_start3A_246 = arith.constant 0 : i32
        %dma_start3A_247 = tpu.memref_slice %arg8[%run_scoped3A, %dma_start3A_245, %dma_start3A_246] : memref<8x32x128xf32, #tpu.memory_space<vmem>> -> memref<1x32x128xf32, #tpu.memory_space<vmem>>
        %dma_start3A_248 = tpu.memref_squeeze %dma_start3A_247 : memref<1x32x128xf32, #tpu.memory_space<vmem>> -> memref<32x128xf32, #tpu.memory_space<vmem>>
        %dma_start3A_249 = arith.constant 0 : i32
        %dma_start3A_250 = tpu.memref_slice %arg9[%add3A_243, %dma_start3A_249] : memref<10240x128xf32, #tpu.memory_space<vmem_shared>> -> memref<32x128xf32, #tpu.memory_space<vmem_shared>>
        %dma_start3A_251 = arith.constant 0 : i32
        %dma_start3A_252 = tpu.memref_slice %arg9[%add3A_243, %dma_start3A_251] : memref<10240x128xf32, #tpu.memory_space<vmem_shared>> -> memref<32x128xf32, #tpu.memory_space<vmem_shared>>
        %dma_start3A_253 = arith.constant 0 : i32
        %dma_start3A_254 = arith.constant 0 : i32
        %dma_start3A_255 = tpu.memref_slice %arg8[%run_scoped3A, %dma_start3A_253, %dma_start3A_254] : memref<8x32x128xf32, #tpu.memory_space<vmem>> -> memref<1x32x128xf32, #tpu.memory_space<vmem>>
        %dma_start3A_256 = tpu.memref_squeeze %dma_start3A_255 : memref<1x32x128xf32, #tpu.memory_space<vmem>> -> memref<32x128xf32, #tpu.memory_space<vmem>>
        tpu.enqueue_dma source(%dma_start3A_256 : memref<32x128xf32, #tpu.memory_space<vmem>>) target(%dma_start3A_252 : memref<32x128xf32, #tpu.memory_space<vmem_shared>>) target_semaphore(%run_scoped3A_244 : memref<!tpu.dma_semaphore, #tpu.memory_space<semaphore_mem>>)
        %dma_wait3A_257 = arith.constant 0 : i32
        %dma_wait3A_258 = arith.constant 0 : i32
        %dma_wait3A_259 = tpu.memref_slice %arg8[%run_scoped3A, %dma_wait3A_257, %dma_wait3A_258] : memref<8x32x128xf32, #tpu.memory_space<vmem>> -> memref<1x32x128xf32, #tpu.memory_space<vmem>>
        %dma_wait3A_260 = tpu.memref_squeeze %dma_wait3A_259 : memref<1x32x128xf32, #tpu.memory_space<vmem>> -> memref<32x128xf32, #tpu.memory_space<vmem>>
        %dma_wait3A_261 = arith.constant 0 : i32
        %dma_wait3A_262 = tpu.memref_slice %arg9[%add3A_243, %dma_wait3A_261] : memref<10240x128xf32, #tpu.memory_space<vmem_shared>> -> memref<32x128xf32, #tpu.memory_space<vmem_shared>>
        %dma_wait3A_263 = arith.constant 0 : i32
        %dma_wait3A_264 = tpu.memref_slice %arg9[%add3A_243, %dma_wait3A_263] : memref<10240x128xf32, #tpu.memory_space<vmem_shared>> -> memref<32x128xf32, #tpu.memory_space<vmem_shared>>
        %dma_wait3A_265 = arith.constant 0 : i32
        %dma_wait3A_266 = arith.constant 0 : i32
        %dma_wait3A_267 = tpu.memref_slice %arg8[%run_scoped3A, %dma_wait3A_265, %dma_wait3A_266] : memref<8x32x128xf32, #tpu.memory_space<vmem>> -> memref<1x32x128xf32, #tpu.memory_space<vmem>>
        %dma_wait3A_268 = tpu.memref_squeeze %dma_wait3A_267 : memref<1x32x128xf32, #tpu.memory_space<vmem>> -> memref<32x128xf32, #tpu.memory_space<vmem>>
        tpu.wait_dma2 semaphore(%run_scoped3A_244 : memref<!tpu.dma_semaphore, #tpu.memory_space<semaphore_mem>>) src(%dma_wait3A_268 : memref<32x128xf32, #tpu.memory_space<vmem>>) dst(%dma_wait3A_264 : memref<32x128xf32, #tpu.memory_space<vmem_shared>>)
        tpu.yield
      }) : () -> ()
    }
    %scan3A_37 = arith.constant 20 : i32
    %dma_wait3A = arith.constant 0 : i32
    %dma_wait3A_38 = arith.constant 0 : i32
    %dma_wait3A_39 = arith.constant 0 : i32
    %dma_wait3A_40 = tpu.memref_slice %arg6[%dma_wait3A, %dma_wait3A_38, %dma_wait3A_39] : memref<2x16x32xi32, #tpu.memory_space<vmem>> -> memref<1x16x32xi32, #tpu.memory_space<vmem>>
    %dma_wait3A_41 = tpu.memref_squeeze %dma_wait3A_40 : memref<1x16x32xi32, #tpu.memory_space<vmem>> -> memref<16x32xi32, #tpu.memory_space<vmem>>
    %dma_wait3A_42 = arith.constant 0 : i32
    %dma_wait3A_43 = tpu.memref_slice %arg3[%mul3A_2, %dma_wait3A_42] : memref<10240x32xi32, #tpu.memory_space<hbm>> -> memref<16x32xi32, #tpu.memory_space<hbm>>
    %dma_wait3A_44 = arith.constant 0 : i32
    %dma_wait3A_45 = arith.constant 0 : i32
    %dma_wait3A_46 = tpu.memref_slice %arg6[%dma_wait3A, %dma_wait3A_44, %dma_wait3A_45] : memref<2x16x32xi32, #tpu.memory_space<vmem>> -> memref<1x16x32xi32, #tpu.memory_space<vmem>>
    %dma_wait3A_47 = tpu.memref_squeeze %dma_wait3A_46 : memref<1x16x32xi32, #tpu.memory_space<vmem>> -> memref<16x32xi32, #tpu.memory_space<vmem>>
    %dma_wait3A_48 = arith.constant 0 : i32
    %dma_wait3A_49 = tpu.memref_slice %arg3[%mul3A_2, %dma_wait3A_48] : memref<10240x32xi32, #tpu.memory_space<hbm>> -> memref<16x32xi32, #tpu.memory_space<hbm>>
    tpu.wait_dma2 semaphore(%arg11 : memref<!tpu.dma_semaphore, #tpu.memory_space<semaphore_mem>>) src(%dma_wait3A_49 : memref<16x32xi32, #tpu.memory_space<hbm>>) dst(%dma_wait3A_47 : memref<16x32xi32, #tpu.memory_space<vmem>>)
    %dma_wait3A_50 = arith.constant 0 : i32
    %dma_wait3A_51 = arith.constant 0 : i32
    %dma_wait3A_52 = arith.constant 0 : i32
    %dma_wait3A_53 = tpu.memref_slice %arg7[%dma_wait3A_50, %dma_wait3A_51, %dma_wait3A_52] : memref<2x16x32xi32, #tpu.memory_space<vmem>> -> memref<1x16x32xi32, #tpu.memory_space<vmem>>
    %dma_wait3A_54 = tpu.memref_squeeze %dma_wait3A_53 : memref<1x16x32xi32, #tpu.memory_space<vmem>> -> memref<16x32xi32, #tpu.memory_space<vmem>>
    %dma_wait3A_55 = arith.constant 0 : i32
    %dma_wait3A_56 = tpu.memref_slice %arg4[%mul3A_2, %dma_wait3A_55] : memref<10240x32xi32, #tpu.memory_space<hbm>> -> memref<16x32xi32, #tpu.memory_space<hbm>>
    %dma_wait3A_57 = arith.constant 0 : i32
    %dma_wait3A_58 = arith.constant 0 : i32
    %dma_wait3A_59 = tpu.memref_slice %arg7[%dma_wait3A_50, %dma_wait3A_57, %dma_wait3A_58] : memref<2x16x32xi32, #tpu.memory_space<vmem>> -> memref<1x16x32xi32, #tpu.memory_space<vmem>>
    %dma_wait3A_60 = tpu.memref_squeeze %dma_wait3A_59 : memref<1x16x32xi32, #tpu.memory_space<vmem>> -> memref<16x32xi32, #tpu.memory_space<vmem>>
    %dma_wait3A_61 = arith.constant 0 : i32
    %dma_wait3A_62 = tpu.memref_slice %arg4[%mul3A_2, %dma_wait3A_61] : memref<10240x32xi32, #tpu.memory_space<hbm>> -> memref<16x32xi32, #tpu.memory_space<hbm>>
    tpu.wait_dma2 semaphore(%arg11 : memref<!tpu.dma_semaphore, #tpu.memory_space<semaphore_mem>>) src(%dma_wait3A_62 : memref<16x32xi32, #tpu.memory_space<hbm>>) dst(%dma_wait3A_60 : memref<16x32xi32, #tpu.memory_space<vmem>>)
    %add3A_63 = arith.constant 16 : i32
    %add3A_64 = arith.addi %mul3A_2, %add3A_63 : i32
    %dma_start3A_65 = arith.constant 1 : i32
    %dma_start3A_66 = arith.constant 0 : i32
    %dma_start3A_67 = arith.constant 0 : i32
    %dma_start3A_68 = tpu.memref_slice %arg6[%dma_start3A_65, %dma_start3A_66, %dma_start3A_67] : memref<2x16x32xi32, #tpu.memory_space<vmem>> -> memref<1x16x32xi32, #tpu.memory_space<vmem>>
    %dma_start3A_69 = tpu.memref_squeeze %dma_start3A_68 : memref<1x16x32xi32, #tpu.memory_space<vmem>> -> memref<16x32xi32, #tpu.memory_space<vmem>>
    %dma_start3A_70 = arith.constant 0 : i32
    %dma_start3A_71 = tpu.memref_slice %arg3[%add3A_64, %dma_start3A_70] : memref<10240x32xi32, #tpu.memory_space<hbm>> -> memref<16x32xi32, #tpu.memory_space<hbm>>
    %dma_start3A_72 = arith.constant 0 : i32
    %dma_start3A_73 = arith.constant 0 : i32
    %dma_start3A_74 = tpu.memref_slice %arg6[%dma_start3A_65, %dma_start3A_72, %dma_start3A_73] : memref<2x16x32xi32, #tpu.memory_space<vmem>> -> memref<1x16x32xi32, #tpu.memory_space<vmem>>
    %dma_start3A_75 = tpu.memref_squeeze %dma_start3A_74 : memref<1x16x32xi32, #tpu.memory_space<vmem>> -> memref<16x32xi32, #tpu.memory_space<vmem>>
    %dma_start3A_76 = arith.constant 0 : i32
    %dma_start3A_77 = tpu.memref_slice %arg3[%add3A_64, %dma_start3A_76] : memref<10240x32xi32, #tpu.memory_space<hbm>> -> memref<16x32xi32, #tpu.memory_space<hbm>>
    tpu.enqueue_dma source(%dma_start3A_77 : memref<16x32xi32, #tpu.memory_space<hbm>>) target(%dma_start3A_75 : memref<16x32xi32, #tpu.memory_space<vmem>>) target_semaphore(%arg11 : memref<!tpu.dma_semaphore, #tpu.memory_space<semaphore_mem>>)
    %add3A_78 = arith.constant 16 : i32
    %add3A_79 = arith.addi %mul3A_2, %add3A_78 : i32
    %dma_start3A_80 = arith.constant 1 : i32
    %dma_start3A_81 = arith.constant 0 : i32
    %dma_start3A_82 = arith.constant 0 : i32
    %dma_start3A_83 = tpu.memref_slice %arg7[%dma_start3A_80, %dma_start3A_81, %dma_start3A_82] : memref<2x16x32xi32, #tpu.memory_space<vmem>> -> memref<1x16x32xi32, #tpu.memory_space<vmem>>
    %dma_start3A_84 = tpu.memref_squeeze %dma_start3A_83 : memref<1x16x32xi32, #tpu.memory_space<vmem>> -> memref<16x32xi32, #tpu.memory_space<vmem>>
    %dma_start3A_85 = arith.constant 0 : i32
    %dma_start3A_86 = tpu.memref_slice %arg4[%add3A_79, %dma_start3A_85] : memref<10240x32xi32, #tpu.memory_space<hbm>> -> memref<16x32xi32, #tpu.memory_space<hbm>>
    %dma_start3A_87 = arith.constant 0 : i32
    %dma_start3A_88 = arith.constant 0 : i32
    %dma_start3A_89 = tpu.memref_slice %arg7[%dma_start3A_80, %dma_start3A_87, %dma_start3A_88] : memref<2x16x32xi32, #tpu.memory_space<vmem>> -> memref<1x16x32xi32, #tpu.memory_space<vmem>>
    %dma_start3A_90 = tpu.memref_squeeze %dma_start3A_89 : memref<1x16x32xi32, #tpu.memory_space<vmem>> -> memref<16x32xi32, #tpu.memory_space<vmem>>
    %dma_start3A_91 = arith.constant 0 : i32
    %dma_start3A_92 = tpu.memref_slice %arg4[%add3A_79, %dma_start3A_91] : memref<10240x32xi32, #tpu.memory_space<hbm>> -> memref<16x32xi32, #tpu.memory_space<hbm>>
    tpu.enqueue_dma source(%dma_start3A_92 : memref<16x32xi32, #tpu.memory_space<hbm>>) target(%dma_start3A_90 : memref<16x32xi32, #tpu.memory_space<vmem>>) target_semaphore(%arg11 : memref<!tpu.dma_semaphore, #tpu.memory_space<semaphore_mem>>)
    %dma_start3A_93 = arith.constant 0 : i32
    %dma_start3A_94 = arith.constant 0 : i32
    %dma_start3A_95 = arith.constant 0 : i32
    %dma_start3A_96 = arith.constant 0 : i32
    %dma_start3A_97 = arith.constant 0 : i32
    %dma_start3A_98 = arith.constant 0 : i32
    %dma_start3A_99 = tpu.memref_slice %arg8[%dma_start3A_95, %dma_start3A_97, %dma_start3A_98] : memref<8x32x128xf32, #tpu.memory_space<vmem>> -> memref<1x32x128xf32, #tpu.memory_space<vmem>>
    %dma_start3A_100 = tpu.memref_squeeze %dma_start3A_99 : memref<1x32x128xf32, #tpu.memory_space<vmem>> -> memref<32x128xf32, #tpu.memory_space<vmem>>
    %dma_start3A_101 = arith.constant 0 : i32
    %dma_start3A_102 = tpu.memref_slice %arg6[%dma_start3A_93, %dma_start3A_94, %dma_start3A_101] : memref<2x16x32xi32, #tpu.memory_space<vmem>> -> memref<1x1x32xi32, #tpu.memory_space<vmem>>
    %dma_start3A_103 = tpu.memref_squeeze %dma_start3A_102 : memref<1x1x32xi32, #tpu.memory_space<vmem>> -> memref<32xi32, #tpu.memory_space<vmem>>
    %dma_start3A_104 = arith.constant 0 : i32
    %dma_start3A_105 = arith.constant 0 : i32
    %dma_start3A_106 = tpu.memref_slice %arg2[%dma_start3A_104, %dma_start3A_105] : memref<10000x128xf32, #tpu.memory_space<hbm>> -> memref<10000x128xf32, #tpu.memory_space<hbm>>
    %dma_start3A_107 = tpu.memref_slice %arg10[%dma_start3A_96] : memref<8x!tpu.dma_semaphore, #tpu.memory_space<semaphore_mem>> -> memref<1x!tpu.dma_semaphore, #tpu.memory_space<semaphore_mem>>
    %dma_start3A_108 = tpu.memref_squeeze %dma_start3A_107 : memref<1x!tpu.dma_semaphore, #tpu.memory_space<semaphore_mem>> -> memref<!tpu.dma_semaphore, #tpu.memory_space<semaphore_mem>>
    tpu.enqueue_indirect_dma source(%dma_start3A_106 : memref<10000x128xf32, #tpu.memory_space<hbm>>) target(%dma_start3A_100 : memref<32x128xf32, #tpu.memory_space<vmem>>) offsets(%dma_start3A_103 : memref<32xi32, #tpu.memory_space<vmem>>) semaphore(%dma_start3A_108 : memref<!tpu.dma_semaphore, #tpu.memory_space<semaphore_mem>>)
    %dma_start3A_109 = arith.constant 0 : i32
    %dma_start3A_110 = arith.constant 1 : i32
    %dma_start3A_111 = arith.constant 1 : i32
    %dma_start3A_112 = arith.constant 1 : i32
    %dma_start3A_113 = arith.constant 0 : i32
    %dma_start3A_114 = arith.constant 0 : i32
    %dma_start3A_115 = tpu.memref_slice %arg8[%dma_start3A_111, %dma_start3A_113, %dma_start3A_114] : memref<8x32x128xf32, #tpu.memory_space<vmem>> -> memref<1x32x128xf32, #tpu.memory_space<vmem>>
    %dma_start3A_116 = tpu.memref_squeeze %dma_start3A_115 : memref<1x32x128xf32, #tpu.memory_space<vmem>> -> memref<32x128xf32, #tpu.memory_space<vmem>>
    %dma_start3A_117 = arith.constant 0 : i32
    %dma_start3A_118 = tpu.memref_slice %arg6[%dma_start3A_109, %dma_start3A_110, %dma_start3A_117] : memref<2x16x32xi32, #tpu.memory_space<vmem>> -> memref<1x1x32xi32, #tpu.memory_space<vmem>>
    %dma_start3A_119 = tpu.memref_squeeze %dma_start3A_118 : memref<1x1x32xi32, #tpu.memory_space<vmem>> -> memref<32xi32, #tpu.memory_space<vmem>>
    %dma_start3A_120 = arith.constant 0 : i32
    %dma_start3A_121 = arith.constant 0 : i32
    %dma_start3A_122 = tpu.memref_slice %arg2[%dma_start3A_120, %dma_start3A_121] : memref<10000x128xf32, #tpu.memory_space<hbm>> -> memref<10000x128xf32, #tpu.memory_space<hbm>>
    %dma_start3A_123 = tpu.memref_slice %arg10[%dma_start3A_112] : memref<8x!tpu.dma_semaphore, #tpu.memory_space<semaphore_mem>> -> memref<1x!tpu.dma_semaphore, #tpu.memory_space<semaphore_mem>>
    %dma_start3A_124 = tpu.memref_squeeze %dma_start3A_123 : memref<1x!tpu.dma_semaphore, #tpu.memory_space<semaphore_mem>> -> memref<!tpu.dma_semaphore, #tpu.memory_space<semaphore_mem>>
    tpu.enqueue_indirect_dma source(%dma_start3A_122 : memref<10000x128xf32, #tpu.memory_space<hbm>>) target(%dma_start3A_116 : memref<32x128xf32, #tpu.memory_space<vmem>>) offsets(%dma_start3A_119 : memref<32xi32, #tpu.memory_space<vmem>>) semaphore(%dma_start3A_124 : memref<!tpu.dma_semaphore, #tpu.memory_space<semaphore_mem>>)
    %dma_start3A_125 = arith.constant 0 : i32
    %dma_start3A_126 = arith.constant 2 : i32
    %dma_start3A_127 = arith.constant 2 : i32
    %dma_start3A_128 = arith.constant 2 : i32
    %dma_start3A_129 = arith.constant 0 : i32
    %dma_start3A_130 = arith.constant 0 : i32
    %dma_start3A_131 = tpu.memref_slice %arg8[%dma_start3A_127, %dma_start3A_129, %dma_start3A_130] : memref<8x32x128xf32, #tpu.memory_space<vmem>> -> memref<1x32x128xf32, #tpu.memory_space<vmem>>
    %dma_start3A_132 = tpu.memref_squeeze %dma_start3A_131 : memref<1x32x128xf32, #tpu.memory_space<vmem>> -> memref<32x128xf32, #tpu.memory_space<vmem>>
    %dma_start3A_133 = arith.constant 0 : i32
    %dma_start3A_134 = tpu.memref_slice %arg6[%dma_start3A_125, %dma_start3A_126, %dma_start3A_133] : memref<2x16x32xi32, #tpu.memory_space<vmem>> -> memref<1x1x32xi32, #tpu.memory_space<vmem>>
    %dma_start3A_135 = tpu.memref_squeeze %dma_start3A_134 : memref<1x1x32xi32, #tpu.memory_space<vmem>> -> memref<32xi32, #tpu.memory_space<vmem>>
    %dma_start3A_136 = arith.constant 0 : i32
    %dma_start3A_137 = arith.constant 0 : i32
    %dma_start3A_138 = tpu.memref_slice %arg2[%dma_start3A_136, %dma_start3A_137] : memref<10000x128xf32, #tpu.memory_space<hbm>> -> memref<10000x128xf32, #tpu.memory_space<hbm>>
    %dma_start3A_139 = tpu.memref_slice %arg10[%dma_start3A_128] : memref<8x!tpu.dma_semaphore, #tpu.memory_space<semaphore_mem>> -> memref<1x!tpu.dma_semaphore, #tpu.memory_space<semaphore_mem>>
    %dma_start3A_140 = tpu.memref_squeeze %dma_start3A_139 : memref<1x!tpu.dma_semaphore, #tpu.memory_space<semaphore_mem>> -> memref<!tpu.dma_semaphore, #tpu.memory_space<semaphore_mem>>
    tpu.enqueue_indirect_dma source(%dma_start3A_138 : memref<10000x128xf32, #tpu.memory_space<hbm>>) target(%dma_start3A_132 : memref<32x128xf32, #tpu.memory_space<vmem>>) offsets(%dma_start3A_135 : memref<32xi32, #tpu.memory_space<vmem>>) semaphore(%dma_start3A_140 : memref<!tpu.dma_semaphore, #tpu.memory_space<semaphore_mem>>)
    %dma_start3A_141 = arith.constant 0 : i32
    %dma_start3A_142 = arith.constant 3 : i32
    %dma_start3A_143 = arith.constant 3 : i32
    %dma_start3A_144 = arith.constant 3 : i32
    %dma_start3A_145 = arith.constant 0 : i32
    %dma_start3A_146 = arith.constant 0 : i32
    %dma_start3A_147 = tpu.memref_slice %arg8[%dma_start3A_143, %dma_start3A_145, %dma_start3A_146] : memref<8x32x128xf32, #tpu.memory_space<vmem>> -> memref<1x32x128xf32, #tpu.memory_space<vmem>>
    %dma_start3A_148 = tpu.memref_squeeze %dma_start3A_147 : memref<1x32x128xf32, #tpu.memory_space<vmem>> -> memref<32x128xf32, #tpu.memory_space<vmem>>
    %dma_start3A_149 = arith.constant 0 : i32
    %dma_start3A_150 = tpu.memref_slice %arg6[%dma_start3A_141, %dma_start3A_142, %dma_start3A_149] : memref<2x16x32xi32, #tpu.memory_space<vmem>> -> memref<1x1x32xi32, #tpu.memory_space<vmem>>
    %dma_start3A_151 = tpu.memref_squeeze %dma_start3A_150 : memref<1x1x32xi32, #tpu.memory_space<vmem>> -> memref<32xi32, #tpu.memory_space<vmem>>
    %dma_start3A_152 = arith.constant 0 : i32
    %dma_start3A_153 = arith.constant 0 : i32
    %dma_start3A_154 = tpu.memref_slice %arg2[%dma_start3A_152, %dma_start3A_153] : memref<10000x128xf32, #tpu.memory_space<hbm>> -> memref<10000x128xf32, #tpu.memory_space<hbm>>
    %dma_start3A_155 = tpu.memref_slice %arg10[%dma_start3A_144] : memref<8x!tpu.dma_semaphore, #tpu.memory_space<semaphore_mem>> -> memref<1x!tpu.dma_semaphore, #tpu.memory_space<semaphore_mem>>
    %dma_start3A_156 = tpu.memref_squeeze %dma_start3A_155 : memref<1x!tpu.dma_semaphore, #tpu.memory_space<semaphore_mem>> -> memref<!tpu.dma_semaphore, #tpu.memory_space<semaphore_mem>>
    tpu.enqueue_indirect_dma source(%dma_start3A_154 : memref<10000x128xf32, #tpu.memory_space<hbm>>) target(%dma_start3A_148 : memref<32x128xf32, #tpu.memory_space<vmem>>) offsets(%dma_start3A_151 : memref<32xi32, #tpu.memory_space<vmem>>) semaphore(%dma_start3A_156 : memref<!tpu.dma_semaphore, #tpu.memory_space<semaphore_mem>>)
    %dma_start3A_157 = arith.constant 0 : i32
    %dma_start3A_158 = arith.constant 4 : i32
    %dma_start3A_159 = arith.constant 4 : i32
    %dma_start3A_160 = arith.constant 4 : i32
    %dma_start3A_161 = arith.constant 0 : i32
    %dma_start3A_162 = arith.constant 0 : i32
    %dma_start3A_163 = tpu.memref_slice %arg8[%dma_start3A_159, %dma_start3A_161, %dma_start3A_162] : memref<8x32x128xf32, #tpu.memory_space<vmem>> -> memref<1x32x128xf32, #tpu.memory_space<vmem>>
    %dma_start3A_164 = tpu.memref_squeeze %dma_start3A_163 : memref<1x32x128xf32, #tpu.memory_space<vmem>> -> memref<32x128xf32, #tpu.memory_space<vmem>>
    %dma_start3A_165 = arith.constant 0 : i32
    %dma_start3A_166 = tpu.memref_slice %arg6[%dma_start3A_157, %dma_start3A_158, %dma_start3A_165] : memref<2x16x32xi32, #tpu.memory_space<vmem>> -> memref<1x1x32xi32, #tpu.memory_space<vmem>>
    %dma_start3A_167 = tpu.memref_squeeze %dma_start3A_166 : memref<1x1x32xi32, #tpu.memory_space<vmem>> -> memref<32xi32, #tpu.memory_space<vmem>>
    %dma_start3A_168 = arith.constant 0 : i32
    %dma_start3A_169 = arith.constant 0 : i32
    %dma_start3A_170 = tpu.memref_slice %arg2[%dma_start3A_168, %dma_start3A_169] : memref<10000x128xf32, #tpu.memory_space<hbm>> -> memref<10000x128xf32, #tpu.memory_space<hbm>>
    %dma_start3A_171 = tpu.memref_slice %arg10[%dma_start3A_160] : memref<8x!tpu.dma_semaphore, #tpu.memory_space<semaphore_mem>> -> memref<1x!tpu.dma_semaphore, #tpu.memory_space<semaphore_mem>>
    %dma_start3A_172 = tpu.memref_squeeze %dma_start3A_171 : memref<1x!tpu.dma_semaphore, #tpu.memory_space<semaphore_mem>> -> memref<!tpu.dma_semaphore, #tpu.memory_space<semaphore_mem>>
    tpu.enqueue_indirect_dma source(%dma_start3A_170 : memref<10000x128xf32, #tpu.memory_space<hbm>>) target(%dma_start3A_164 : memref<32x128xf32, #tpu.memory_space<vmem>>) offsets(%dma_start3A_167 : memref<32xi32, #tpu.memory_space<vmem>>) semaphore(%dma_start3A_172 : memref<!tpu.dma_semaphore, #tpu.memory_space<semaphore_mem>>)
    %dma_start3A_173 = arith.constant 0 : i32
    %dma_start3A_174 = arith.constant 5 : i32
    %dma_start3A_175 = arith.constant 5 : i32
    %dma_start3A_176 = arith.constant 5 : i32
    %dma_start3A_177 = arith.constant 0 : i32
    %dma_start3A_178 = arith.constant 0 : i32
    %dma_start3A_179 = tpu.memref_slice %arg8[%dma_start3A_175, %dma_start3A_177, %dma_start3A_178] : memref<8x32x128xf32, #tpu.memory_space<vmem>> -> memref<1x32x128xf32, #tpu.memory_space<vmem>>
    %dma_start3A_180 = tpu.memref_squeeze %dma_start3A_179 : memref<1x32x128xf32, #tpu.memory_space<vmem>> -> memref<32x128xf32, #tpu.memory_space<vmem>>
    %dma_start3A_181 = arith.constant 0 : i32
    %dma_start3A_182 = tpu.memref_slice %arg6[%dma_start3A_173, %dma_start3A_174, %dma_start3A_181] : memref<2x16x32xi32, #tpu.memory_space<vmem>> -> memref<1x1x32xi32, #tpu.memory_space<vmem>>
    %dma_start3A_183 = tpu.memref_squeeze %dma_start3A_182 : memref<1x1x32xi32, #tpu.memory_space<vmem>> -> memref<32xi32, #tpu.memory_space<vmem>>
    %dma_start3A_184 = arith.constant 0 : i32
    %dma_start3A_185 = arith.constant 0 : i32
    %dma_start3A_186 = tpu.memref_slice %arg2[%dma_start3A_184, %dma_start3A_185] : memref<10000x128xf32, #tpu.memory_space<hbm>> -> memref<10000x128xf32, #tpu.memory_space<hbm>>
    %dma_start3A_187 = tpu.memref_slice %arg10[%dma_start3A_176] : memref<8x!tpu.dma_semaphore, #tpu.memory_space<semaphore_mem>> -> memref<1x!tpu.dma_semaphore, #tpu.memory_space<semaphore_mem>>
    %dma_start3A_188 = tpu.memref_squeeze %dma_start3A_187 : memref<1x!tpu.dma_semaphore, #tpu.memory_space<semaphore_mem>> -> memref<!tpu.dma_semaphore, #tpu.memory_space<semaphore_mem>>
    tpu.enqueue_indirect_dma source(%dma_start3A_186 : memref<10000x128xf32, #tpu.memory_space<hbm>>) target(%dma_start3A_180 : memref<32x128xf32, #tpu.memory_space<vmem>>) offsets(%dma_start3A_183 : memref<32xi32, #tpu.memory_space<vmem>>) semaphore(%dma_start3A_188 : memref<!tpu.dma_semaphore, #tpu.memory_space<semaphore_mem>>)
    %dma_start3A_189 = arith.constant 0 : i32
    %dma_start3A_190 = arith.constant 6 : i32
    %dma_start3A_191 = arith.constant 6 : i32
    %dma_start3A_192 = arith.constant 6 : i32
    %dma_start3A_193 = arith.constant 0 : i32
    %dma_start3A_194 = arith.constant 0 : i32
    %dma_start3A_195 = tpu.memref_slice %arg8[%dma_start3A_191, %dma_start3A_193, %dma_start3A_194] : memref<8x32x128xf32, #tpu.memory_space<vmem>> -> memref<1x32x128xf32, #tpu.memory_space<vmem>>
    %dma_start3A_196 = tpu.memref_squeeze %dma_start3A_195 : memref<1x32x128xf32, #tpu.memory_space<vmem>> -> memref<32x128xf32, #tpu.memory_space<vmem>>
    %dma_start3A_197 = arith.constant 0 : i32
    %dma_start3A_198 = tpu.memref_slice %arg6[%dma_start3A_189, %dma_start3A_190, %dma_start3A_197] : memref<2x16x32xi32, #tpu.memory_space<vmem>> -> memref<1x1x32xi32, #tpu.memory_space<vmem>>
    %dma_start3A_199 = tpu.memref_squeeze %dma_start3A_198 : memref<1x1x32xi32, #tpu.memory_space<vmem>> -> memref<32xi32, #tpu.memory_space<vmem>>
    %dma_start3A_200 = arith.constant 0 : i32
    %dma_start3A_201 = arith.constant 0 : i32
    %dma_start3A_202 = tpu.memref_slice %arg2[%dma_start3A_200, %dma_start3A_201] : memref<10000x128xf32, #tpu.memory_space<hbm>> -> memref<10000x128xf32, #tpu.memory_space<hbm>>
    %dma_start3A_203 = tpu.memref_slice %arg10[%dma_start3A_192] : memref<8x!tpu.dma_semaphore, #tpu.memory_space<semaphore_mem>> -> memref<1x!tpu.dma_semaphore, #tpu.memory_space<semaphore_mem>>
    %dma_start3A_204 = tpu.memref_squeeze %dma_start3A_203 : memref<1x!tpu.dma_semaphore, #tpu.memory_space<semaphore_mem>> -> memref<!tpu.dma_semaphore, #tpu.memory_space<semaphore_mem>>
    tpu.enqueue_indirect_dma source(%dma_start3A_202 : memref<10000x128xf32, #tpu.memory_space<hbm>>) target(%dma_start3A_196 : memref<32x128xf32, #tpu.memory_space<vmem>>) offsets(%dma_start3A_199 : memref<32xi32, #tpu.memory_space<vmem>>) semaphore(%dma_start3A_204 : memref<!tpu.dma_semaphore, #tpu.memory_space<semaphore_mem>>)
    %dma_start3A_205 = arith.constant 0 : i32
    %dma_start3A_206 = arith.constant 7 : i32
    %dma_start3A_207 = arith.constant 7 : i32
    %dma_start3A_208 = arith.constant 7 : i32
    %dma_start3A_209 = arith.constant 0 : i32
    %dma_start3A_210 = arith.constant 0 : i32
    %dma_start3A_211 = tpu.memref_slice %arg8[%dma_start3A_207, %dma_start3A_209, %dma_start3A_210] : memref<8x32x128xf32, #tpu.memory_space<vmem>> -> memref<1x32x128xf32, #tpu.memory_space<vmem>>
    %dma_start3A_212 = tpu.memref_squeeze %dma_start3A_211 : memref<1x32x128xf32, #tpu.memory_space<vmem>> -> memref<32x128xf32, #tpu.memory_space<vmem>>
    %dma_start3A_213 = arith.constant 0 : i32
    %dma_start3A_214 = tpu.memref_slice %arg6[%dma_start3A_205, %dma_start3A_206, %dma_start3A_213] : memref<2x16x32xi32, #tpu.memory_space<vmem>> -> memref<1x1x32xi32, #tpu.memory_space<vmem>>
    %dma_start3A_215 = tpu.memref_squeeze %dma_start3A_214 : memref<1x1x32xi32, #tpu.memory_space<vmem>> -> memref<32xi32, #tpu.memory_space<vmem>>
    %dma_start3A_216 = arith.constant 0 : i32
    %dma_start3A_217 = arith.constant 0 : i32
    %dma_start3A_218 = tpu.memref_slice %arg2[%dma_start3A_216, %dma_start3A_217] : memref<10000x128xf32, #tpu.memory_space<hbm>> -> memref<10000x128xf32, #tpu.memory_space<hbm>>
    %dma_start3A_219 = tpu.memref_slice %arg10[%dma_start3A_208] : memref<8x!tpu.dma_semaphore, #tpu.memory_space<semaphore_mem>> -> memref<1x!tpu.dma_semaphore, #tpu.memory_space<semaphore_mem>>
    %dma_start3A_220 = tpu.memref_squeeze %dma_start3A_219 : memref<1x!tpu.dma_semaphore, #tpu.memory_space<semaphore_mem>> -> memref<!tpu.dma_semaphore, #tpu.memory_space<semaphore_mem>>
    tpu.enqueue_indirect_dma source(%dma_start3A_218 : memref<10000x128xf32, #tpu.memory_space<hbm>>) target(%dma_start3A_212 : memref<32x128xf32, #tpu.memory_space<vmem>>) offsets(%dma_start3A_215 : memref<32xi32, #tpu.memory_space<vmem>>) semaphore(%dma_start3A_220 : memref<!tpu.dma_semaphore, #tpu.memory_space<semaphore_mem>>)
    %barrier3A = arith.constant 0 : index
    tpu.barrier barrier_id(%barrier3A)
    %broadcast_in_dim3A_221 = arith.constant 1.000000e+00 : f32
    %broadcast_in_dim3A_222 = vector.broadcast %broadcast_in_dim3A_221 : f32 to vector<16xf32>
    %scan3A_223 = arith.constant 0 : i32
    %scan3A_224 = arith.constant 20 : i32
    %scan3A_225 = arith.addi %scan3A_223, %scan3A_224 : i32
    %scan3A_226 = arith.constant 1 : i32
    scf.for %scan3A_234 = %scan3A_223 to %scan3A_225 step %scan3A_226  : i32 {
      %mul3A_235 = arith.constant 1 : i32
      %mul3A_236 = arith.muli %scan3A_234, %mul3A_235 : i32
      %add3A_237 = arith.constant 0 : i32
      %add3A_238 = arith.addi %add3A_237, %mul3A_236 : i32
      %rem3A = arith.constant 2 : i32
      %rem3A_239 = arith.remsi %add3A_238, %rem3A : i32
      %sub3A = arith.constant 1 : i32
      %sub3A_240 = arith.subi %sub3A, %rem3A_239 : i32
      %dma_wait3A_241 = arith.constant 0 : i32
      %dma_wait3A_242 = arith.constant 0 : i32
      %dma_wait3A_243 = arith.constant 0 : i32
      %dma_wait3A_244 = arith.constant 0 : i32
      %dma_wait3A_245 = arith.constant 0 : i32
      %dma_wait3A_246 = tpu.memref_slice %arg8[%dma_wait3A_242, %dma_wait3A_244, %dma_wait3A_245] : memref<8x32x128xf32, #tpu.memory_space<vmem>> -> memref<1x32x128xf32, #tpu.memory_space<vmem>>
      %dma_wait3A_247 = tpu.memref_squeeze %dma_wait3A_246 : memref<1x32x128xf32, #tpu.memory_space<vmem>> -> memref<32x128xf32, #tpu.memory_space<vmem>>
      %dma_wait3A_248 = arith.constant 0 : i32
      %dma_wait3A_249 = tpu.memref_slice %arg6[%rem3A_239, %dma_wait3A_241, %dma_wait3A_248] : memref<2x16x32xi32, #tpu.memory_space<vmem>> -> memref<1x1x32xi32, #tpu.memory_space<vmem>>
      %dma_wait3A_250 = tpu.memref_squeeze %dma_wait3A_249 : memref<1x1x32xi32, #tpu.memory_space<vmem>> -> memref<32xi32, #tpu.memory_space<vmem>>
      %dma_wait3A_251 = arith.constant 0 : i32
      %dma_wait3A_252 = arith.constant 0 : i32
      %dma_wait3A_253 = tpu.memref_slice %arg2[%dma_wait3A_251, %dma_wait3A_252] : memref<10000x128xf32, #tpu.memory_space<hbm>> -> memref<10000x128xf32, #tpu.memory_space<hbm>>
      %dma_wait3A_254 = tpu.memref_slice %arg10[%dma_wait3A_243] : memref<8x!tpu.dma_semaphore, #tpu.memory_space<semaphore_mem>> -> memref<1x!tpu.dma_semaphore, #tpu.memory_space<semaphore_mem>>
      %dma_wait3A_255 = tpu.memref_squeeze %dma_wait3A_254 : memref<1x!tpu.dma_semaphore, #tpu.memory_space<semaphore_mem>> -> memref<!tpu.dma_semaphore, #tpu.memory_space<semaphore_mem>>
      tpu.wait_indirect_dma semaphore(%dma_wait3A_255 : memref<!tpu.dma_semaphore, #tpu.memory_space<semaphore_mem>>) src(%dma_wait3A_253 : memref<10000x128xf32, #tpu.memory_space<hbm>>) dst(%dma_wait3A_247 : memref<32x128xf32, #tpu.memory_space<vmem>>)
      %run_scoped3A = arith.constant 0 : i32
      %run_scoped3A_256 = arith.constant 0 : i32
      "tpu.region"() ({
        %run_scoped3A_679 = tpu.sem_alloc : memref<!tpu.dma_semaphore, #tpu.memory_space<semaphore_mem>>
        %dma_start3A_680 = arith.constant 0 : i32
        %dma_start3A_681 = arith.constant 0 : i32
        %dma_start3A_682 = tpu.memref_slice %arg8[%run_scoped3A, %dma_start3A_680, %dma_start3A_681] : memref<8x32x128xf32, #tpu.memory_space<vmem>> -> memref<1x32x128xf32, #tpu.memory_space<vmem>>
        %dma_start3A_683 = tpu.memref_squeeze %dma_start3A_682 : memref<1x32x128xf32, #tpu.memory_space<vmem>> -> memref<32x128xf32, #tpu.memory_space<vmem>>
        %dma_start3A_684 = arith.constant 0 : i32
        %dma_start3A_685 = tpu.memref_slice %arg7[%rem3A_239, %run_scoped3A_256, %dma_start3A_684] : memref<2x16x32xi32, #tpu.memory_space<vmem>> -> memref<1x1x32xi32, #tpu.memory_space<vmem>>
        %dma_start3A_686 = tpu.memref_squeeze %dma_start3A_685 : memref<1x1x32xi32, #tpu.memory_space<vmem>> -> memref<32xi32, #tpu.memory_space<vmem>>
        %dma_start3A_687 = arith.constant 0 : i32
        %dma_start3A_688 = arith.constant 0 : i32
        %dma_start3A_689 = tpu.memref_slice %arg9[%dma_start3A_687, %dma_start3A_688] : memref<10240x128xf32, #tpu.memory_space<vmem_shared>> -> memref<10240x128xf32, #tpu.memory_space<vmem_shared>>
        tpu.enqueue_indirect_dma source(%dma_start3A_683 : memref<32x128xf32, #tpu.memory_space<vmem>>) target(%dma_start3A_689 : memref<10240x128xf32, #tpu.memory_space<vmem_shared>>) offsets(%dma_start3A_686 : memref<32xi32, #tpu.memory_space<vmem>>) semaphore(%run_scoped3A_679 : memref<!tpu.dma_semaphore, #tpu.memory_space<semaphore_mem>>) {add = true}
        %dma_wait3A_690 = arith.constant 0 : i32
        %dma_wait3A_691 = arith.constant 0 : i32
        %dma_wait3A_692 = tpu.memref_slice %arg8[%run_scoped3A, %dma_wait3A_690, %dma_wait3A_691] : memref<8x32x128xf32, #tpu.memory_space<vmem>> -> memref<1x32x128xf32, #tpu.memory_space<vmem>>
        %dma_wait3A_693 = tpu.memref_squeeze %dma_wait3A_692 : memref<1x32x128xf32, #tpu.memory_space<vmem>> -> memref<32x128xf32, #tpu.memory_space<vmem>>
        %dma_wait3A_694 = arith.constant 0 : i32
        %dma_wait3A_695 = tpu.memref_slice %arg7[%rem3A_239, %run_scoped3A_256, %dma_wait3A_694] : memref<2x16x32xi32, #tpu.memory_space<vmem>> -> memref<1x1x32xi32, #tpu.memory_space<vmem>>
        %dma_wait3A_696 = tpu.memref_squeeze %dma_wait3A_695 : memref<1x1x32xi32, #tpu.memory_space<vmem>> -> memref<32xi32, #tpu.memory_space<vmem>>
        %dma_wait3A_697 = arith.constant 0 : i32
        %dma_wait3A_698 = arith.constant 0 : i32
        %dma_wait3A_699 = tpu.memref_slice %arg9[%dma_wait3A_697, %dma_wait3A_698] : memref<10240x128xf32, #tpu.memory_space<vmem_shared>> -> memref<10240x128xf32, #tpu.memory_space<vmem_shared>>
        tpu.wait_indirect_dma semaphore(%run_scoped3A_679 : memref<!tpu.dma_semaphore, #tpu.memory_space<semaphore_mem>>) src(%dma_wait3A_693 : memref<32x128xf32, #tpu.memory_space<vmem>>) dst(%dma_wait3A_699 : memref<10240x128xf32, #tpu.memory_space<vmem_shared>>)
        tpu.yield
      }) : () -> ()
      %dma_start3A_257 = arith.constant 8 : i32
      %dma_start3A_258 = arith.constant 0 : i32
      %dma_start3A_259 = arith.constant 0 : i32
      %dma_start3A_260 = arith.constant 0 : i32
      %dma_start3A_261 = arith.constant 0 : i32
      %dma_start3A_262 = tpu.memref_slice %arg8[%dma_start3A_258, %dma_start3A_260, %dma_start3A_261] : memref<8x32x128xf32, #tpu.memory_space<vmem>> -> memref<1x32x128xf32, #tpu.memory_space<vmem>>
      %dma_start3A_263 = tpu.memref_squeeze %dma_start3A_262 : memref<1x32x128xf32, #tpu.memory_space<vmem>> -> memref<32x128xf32, #tpu.memory_space<vmem>>
      %dma_start3A_264 = arith.constant 0 : i32
      %dma_start3A_265 = tpu.memref_slice %arg6[%rem3A_239, %dma_start3A_257, %dma_start3A_264] : memref<2x16x32xi32, #tpu.memory_space<vmem>> -> memref<1x1x32xi32, #tpu.memory_space<vmem>>
      %dma_start3A_266 = tpu.memref_squeeze %dma_start3A_265 : memref<1x1x32xi32, #tpu.memory_space<vmem>> -> memref<32xi32, #tpu.memory_space<vmem>>
      %dma_start3A_267 = arith.constant 0 : i32
      %dma_start3A_268 = arith.constant 0 : i32
      %dma_start3A_269 = tpu.memref_slice %arg2[%dma_start3A_267, %dma_start3A_268] : memref<10000x128xf32, #tpu.memory_space<hbm>> -> memref<10000x128xf32, #tpu.memory_space<hbm>>
      %dma_start3A_270 = tpu.memref_slice %arg10[%dma_start3A_259] : memref<8x!tpu.dma_semaphore, #tpu.memory_space<semaphore_mem>> -> memref<1x!tpu.dma_semaphore, #tpu.memory_space<semaphore_mem>>
      %dma_start3A_271 = tpu.memref_squeeze %dma_start3A_270 : memref<1x!tpu.dma_semaphore, #tpu.memory_space<semaphore_mem>> -> memref<!tpu.dma_semaphore, #tpu.memory_space<semaphore_mem>>
      tpu.enqueue_indirect_dma source(%dma_start3A_269 : memref<10000x128xf32, #tpu.memory_space<hbm>>) target(%dma_start3A_263 : memref<32x128xf32, #tpu.memory_space<vmem>>) offsets(%dma_start3A_266 : memref<32xi32, #tpu.memory_space<vmem>>) semaphore(%dma_start3A_271 : memref<!tpu.dma_semaphore, #tpu.memory_space<semaphore_mem>>)
      %dma_wait3A_272 = arith.constant 1 : i32
      %dma_wait3A_273 = arith.constant 1 : i32
      %dma_wait3A_274 = arith.constant 1 : i32
      %dma_wait3A_275 = arith.constant 0 : i32
      %dma_wait3A_276 = arith.constant 0 : i32
      %dma_wait3A_277 = tpu.memref_slice %arg8[%dma_wait3A_273, %dma_wait3A_275, %dma_wait3A_276] : memref<8x32x128xf32, #tpu.memory_space<vmem>> -> memref<1x32x128xf32, #tpu.memory_space<vmem>>
      %dma_wait3A_278 = tpu.memref_squeeze %dma_wait3A_277 : memref<1x32x128xf32, #tpu.memory_space<vmem>> -> memref<32x128xf32, #tpu.memory_space<vmem>>
      %dma_wait3A_279 = arith.constant 0 : i32
      %dma_wait3A_280 = tpu.memref_slice %arg6[%rem3A_239, %dma_wait3A_272, %dma_wait3A_279] : memref<2x16x32xi32, #tpu.memory_space<vmem>> -> memref<1x1x32xi32, #tpu.memory_space<vmem>>
      %dma_wait3A_281 = tpu.memref_squeeze %dma_wait3A_280 : memref<1x1x32xi32, #tpu.memory_space<vmem>> -> memref<32xi32, #tpu.memory_space<vmem>>
      %dma_wait3A_282 = arith.constant 0 : i32
      %dma_wait3A_283 = arith.constant 0 : i32
      %dma_wait3A_284 = tpu.memref_slice %arg2[%dma_wait3A_282, %dma_wait3A_283] : memref<10000x128xf32, #tpu.memory_space<hbm>> -> memref<10000x128xf32, #tpu.memory_space<hbm>>
      %dma_wait3A_285 = tpu.memref_slice %arg10[%dma_wait3A_274] : memref<8x!tpu.dma_semaphore, #tpu.memory_space<semaphore_mem>> -> memref<1x!tpu.dma_semaphore, #tpu.memory_space<semaphore_mem>>
      %dma_wait3A_286 = tpu.memref_squeeze %dma_wait3A_285 : memref<1x!tpu.dma_semaphore, #tpu.memory_space<semaphore_mem>> -> memref<!tpu.dma_semaphore, #tpu.memory_space<semaphore_mem>>
      tpu.wait_indirect_dma semaphore(%dma_wait3A_286 : memref<!tpu.dma_semaphore, #tpu.memory_space<semaphore_mem>>) src(%dma_wait3A_284 : memref<10000x128xf32, #tpu.memory_space<hbm>>) dst(%dma_wait3A_278 : memref<32x128xf32, #tpu.memory_space<vmem>>)
      %run_scoped3A_287 = arith.constant 1 : i32
      %run_scoped3A_288 = arith.constant 1 : i32
      "tpu.region"() ({
        %run_scoped3A_679 = tpu.sem_alloc : memref<!tpu.dma_semaphore, #tpu.memory_space<semaphore_mem>>
        %dma_start3A_680 = arith.constant 0 : i32
        %dma_start3A_681 = arith.constant 0 : i32
        %dma_start3A_682 = tpu.memref_slice %arg8[%run_scoped3A_287, %dma_start3A_680, %dma_start3A_681] : memref<8x32x128xf32, #tpu.memory_space<vmem>> -> memref<1x32x128xf32, #tpu.memory_space<vmem>>
        %dma_start3A_683 = tpu.memref_squeeze %dma_start3A_682 : memref<1x32x128xf32, #tpu.memory_space<vmem>> -> memref<32x128xf32, #tpu.memory_space<vmem>>
        %dma_start3A_684 = arith.constant 0 : i32
        %dma_start3A_685 = tpu.memref_slice %arg7[%rem3A_239, %run_scoped3A_288, %dma_start3A_684] : memref<2x16x32xi32, #tpu.memory_space<vmem>> -> memref<1x1x32xi32, #tpu.memory_space<vmem>>
        %dma_start3A_686 = tpu.memref_squeeze %dma_start3A_685 : memref<1x1x32xi32, #tpu.memory_space<vmem>> -> memref<32xi32, #tpu.memory_space<vmem>>
        %dma_start3A_687 = arith.constant 0 : i32
        %dma_start3A_688 = arith.constant 0 : i32
        %dma_start3A_689 = tpu.memref_slice %arg9[%dma_start3A_687, %dma_start3A_688] : memref<10240x128xf32, #tpu.memory_space<vmem_shared>> -> memref<10240x128xf32, #tpu.memory_space<vmem_shared>>
        tpu.enqueue_indirect_dma source(%dma_start3A_683 : memref<32x128xf32, #tpu.memory_space<vmem>>) target(%dma_start3A_689 : memref<10240x128xf32, #tpu.memory_space<vmem_shared>>) offsets(%dma_start3A_686 : memref<32xi32, #tpu.memory_space<vmem>>) semaphore(%run_scoped3A_679 : memref<!tpu.dma_semaphore, #tpu.memory_space<semaphore_mem>>) {add = true}
        %dma_wait3A_690 = arith.constant 0 : i32
        %dma_wait3A_691 = arith.constant 0 : i32
        %dma_wait3A_692 = tpu.memref_slice %arg8[%run_scoped3A_287, %dma_wait3A_690, %dma_wait3A_691] : memref<8x32x128xf32, #tpu.memory_space<vmem>> -> memref<1x32x128xf32, #tpu.memory_space<vmem>>
        %dma_wait3A_693 = tpu.memref_squeeze %dma_wait3A_692 : memref<1x32x128xf32, #tpu.memory_space<vmem>> -> memref<32x128xf32, #tpu.memory_space<vmem>>
        %dma_wait3A_694 = arith.constant 0 : i32
        %dma_wait3A_695 = tpu.memref_slice %arg7[%rem3A_239, %run_scoped3A_288, %dma_wait3A_694] : memref<2x16x32xi32, #tpu.memory_space<vmem>> -> memref<1x1x32xi32, #tpu.memory_space<vmem>>
        %dma_wait3A_696 = tpu.memref_squeeze %dma_wait3A_695 : memref<1x1x32xi32, #tpu.memory_space<vmem>> -> memref<32xi32, #tpu.memory_space<vmem>>
        %dma_wait3A_697 = arith.constant 0 : i32
        %dma_wait3A_698 = arith.constant 0 : i32
        %dma_wait3A_699 = tpu.memref_slice %arg9[%dma_wait3A_697, %dma_wait3A_698] : memref<10240x128xf32, #tpu.memory_space<vmem_shared>> -> memref<10240x128xf32, #tpu.memory_space<vmem_shared>>
        tpu.wait_indirect_dma semaphore(%run_scoped3A_679 : memref<!tpu.dma_semaphore, #tpu.memory_space<semaphore_mem>>) src(%dma_wait3A_693 : memref<32x128xf32, #tpu.memory_space<vmem>>) dst(%dma_wait3A_699 : memref<10240x128xf32, #tpu.memory_space<vmem_shared>>)
        tpu.yield
      }) : () -> ()
      %dma_start3A_289 = arith.constant 9 : i32
      %dma_start3A_290 = arith.constant 1 : i32
      %dma_start3A_291 = arith.constant 1 : i32
      %dma_start3A_292 = arith.constant 0 : i32
      %dma_start3A_293 = arith.constant 0 : i32
      %dma_start3A_294 = tpu.memref_slice %arg8[%dma_start3A_290, %dma_start3A_292, %dma_start3A_293] : memref<8x32x128xf32, #tpu.memory_space<vmem>> -> memref<1x32x128xf32, #tpu.memory_space<vmem>>
      %dma_start3A_295 = tpu.memref_squeeze %dma_start3A_294 : memref<1x32x128xf32, #tpu.memory_space<vmem>> -> memref<32x128xf32, #tpu.memory_space<vmem>>
      %dma_start3A_296 = arith.constant 0 : i32
      %dma_start3A_297 = tpu.memref_slice %arg6[%rem3A_239, %dma_start3A_289, %dma_start3A_296] : memref<2x16x32xi32, #tpu.memory_space<vmem>> -> memref<1x1x32xi32, #tpu.memory_space<vmem>>
      %dma_start3A_298 = tpu.memref_squeeze %dma_start3A_297 : memref<1x1x32xi32, #tpu.memory_space<vmem>> -> memref<32xi32, #tpu.memory_space<vmem>>
      %dma_start3A_299 = arith.constant 0 : i32
      %dma_start3A_300 = arith.constant 0 : i32
      %dma_start3A_301 = tpu.memref_slice %arg2[%dma_start3A_299, %dma_start3A_300] : memref<10000x128xf32, #tpu.memory_space<hbm>> -> memref<10000x128xf32, #tpu.memory_space<hbm>>
      %dma_start3A_302 = tpu.memref_slice %arg10[%dma_start3A_291] : memref<8x!tpu.dma_semaphore, #tpu.memory_space<semaphore_mem>> -> memref<1x!tpu.dma_semaphore, #tpu.memory_space<semaphore_mem>>
      %dma_start3A_303 = tpu.memref_squeeze %dma_start3A_302 : memref<1x!tpu.dma_semaphore, #tpu.memory_space<semaphore_mem>> -> memref<!tpu.dma_semaphore, #tpu.memory_space<semaphore_mem>>
      tpu.enqueue_indirect_dma source(%dma_start3A_301 : memref<10000x128xf32, #tpu.memory_space<hbm>>) target(%dma_start3A_295 : memref<32x128xf32, #tpu.memory_space<vmem>>) offsets(%dma_start3A_298 : memref<32xi32, #tpu.memory_space<vmem>>) semaphore(%dma_start3A_303 : memref<!tpu.dma_semaphore, #tpu.memory_space<semaphore_mem>>)
      %dma_wait3A_304 = arith.constant 2 : i32
      %dma_wait3A_305 = arith.constant 2 : i32
      %dma_wait3A_306 = arith.constant 2 : i32
      %dma_wait3A_307 = arith.constant 0 : i32
      %dma_wait3A_308 = arith.constant 0 : i32
      %dma_wait3A_309 = tpu.memref_slice %arg8[%dma_wait3A_305, %dma_wait3A_307, %dma_wait3A_308] : memref<8x32x128xf32, #tpu.memory_space<vmem>> -> memref<1x32x128xf32, #tpu.memory_space<vmem>>
      %dma_wait3A_310 = tpu.memref_squeeze %dma_wait3A_309 : memref<1x32x128xf32, #tpu.memory_space<vmem>> -> memref<32x128xf32, #tpu.memory_space<vmem>>
      %dma_wait3A_311 = arith.constant 0 : i32
      %dma_wait3A_312 = tpu.memref_slice %arg6[%rem3A_239, %dma_wait3A_304, %dma_wait3A_311] : memref<2x16x32xi32, #tpu.memory_space<vmem>> -> memref<1x1x32xi32, #tpu.memory_space<vmem>>
      %dma_wait3A_313 = tpu.memref_squeeze %dma_wait3A_312 : memref<1x1x32xi32, #tpu.memory_space<vmem>> -> memref<32xi32, #tpu.memory_space<vmem>>
      %dma_wait3A_314 = arith.constant 0 : i32
      %dma_wait3A_315 = arith.constant 0 : i32
      %dma_wait3A_316 = tpu.memref_slice %arg2[%dma_wait3A_314, %dma_wait3A_315] : memref<10000x128xf32, #tpu.memory_space<hbm>> -> memref<10000x128xf32, #tpu.memory_space<hbm>>
      %dma_wait3A_317 = tpu.memref_slice %arg10[%dma_wait3A_306] : memref<8x!tpu.dma_semaphore, #tpu.memory_space<semaphore_mem>> -> memref<1x!tpu.dma_semaphore, #tpu.memory_space<semaphore_mem>>
      %dma_wait3A_318 = tpu.memref_squeeze %dma_wait3A_317 : memref<1x!tpu.dma_semaphore, #tpu.memory_space<semaphore_mem>> -> memref<!tpu.dma_semaphore, #tpu.memory_space<semaphore_mem>>
      tpu.wait_indirect_dma semaphore(%dma_wait3A_318 : memref<!tpu.dma_semaphore, #tpu.memory_space<semaphore_mem>>) src(%dma_wait3A_316 : memref<10000x128xf32, #tpu.memory_space<hbm>>) dst(%dma_wait3A_310 : memref<32x128xf32, #tpu.memory_space<vmem>>)
      %run_scoped3A_319 = arith.constant 2 : i32
      %run_scoped3A_320 = arith.constant 2 : i32
      "tpu.region"() ({
        %run_scoped3A_679 = tpu.sem_alloc : memref<!tpu.dma_semaphore, #tpu.memory_space<semaphore_mem>>
        %dma_start3A_680 = arith.constant 0 : i32
        %dma_start3A_681 = arith.constant 0 : i32
        %dma_start3A_682 = tpu.memref_slice %arg8[%run_scoped3A_319, %dma_start3A_680, %dma_start3A_681] : memref<8x32x128xf32, #tpu.memory_space<vmem>> -> memref<1x32x128xf32, #tpu.memory_space<vmem>>
        %dma_start3A_683 = tpu.memref_squeeze %dma_start3A_682 : memref<1x32x128xf32, #tpu.memory_space<vmem>> -> memref<32x128xf32, #tpu.memory_space<vmem>>
        %dma_start3A_684 = arith.constant 0 : i32
        %dma_start3A_685 = tpu.memref_slice %arg7[%rem3A_239, %run_scoped3A_320, %dma_start3A_684] : memref<2x16x32xi32, #tpu.memory_space<vmem>> -> memref<1x1x32xi32, #tpu.memory_space<vmem>>
        %dma_start3A_686 = tpu.memref_squeeze %dma_start3A_685 : memref<1x1x32xi32, #tpu.memory_space<vmem>> -> memref<32xi32, #tpu.memory_space<vmem>>
        %dma_start3A_687 = arith.constant 0 : i32
        %dma_start3A_688 = arith.constant 0 : i32
        %dma_start3A_689 = tpu.memref_slice %arg9[%dma_start3A_687, %dma_start3A_688] : memref<10240x128xf32, #tpu.memory_space<vmem_shared>> -> memref<10240x128xf32, #tpu.memory_space<vmem_shared>>
        tpu.enqueue_indirect_dma source(%dma_start3A_683 : memref<32x128xf32, #tpu.memory_space<vmem>>) target(%dma_start3A_689 : memref<10240x128xf32, #tpu.memory_space<vmem_shared>>) offsets(%dma_start3A_686 : memref<32xi32, #tpu.memory_space<vmem>>) semaphore(%run_scoped3A_679 : memref<!tpu.dma_semaphore, #tpu.memory_space<semaphore_mem>>) {add = true}
        %dma_wait3A_690 = arith.constant 0 : i32
        %dma_wait3A_691 = arith.constant 0 : i32
        %dma_wait3A_692 = tpu.memref_slice %arg8[%run_scoped3A_319, %dma_wait3A_690, %dma_wait3A_691] : memref<8x32x128xf32, #tpu.memory_space<vmem>> -> memref<1x32x128xf32, #tpu.memory_space<vmem>>
        %dma_wait3A_693 = tpu.memref_squeeze %dma_wait3A_692 : memref<1x32x128xf32, #tpu.memory_space<vmem>> -> memref<32x128xf32, #tpu.memory_space<vmem>>
        %dma_wait3A_694 = arith.constant 0 : i32
        %dma_wait3A_695 = tpu.memref_slice %arg7[%rem3A_239, %run_scoped3A_320, %dma_wait3A_694] : memref<2x16x32xi32, #tpu.memory_space<vmem>> -> memref<1x1x32xi32, #tpu.memory_space<vmem>>
        %dma_wait3A_696 = tpu.memref_squeeze %dma_wait3A_695 : memref<1x1x32xi32, #tpu.memory_space<vmem>> -> memref<32xi32, #tpu.memory_space<vmem>>
        %dma_wait3A_697 = arith.constant 0 : i32
        %dma_wait3A_698 = arith.constant 0 : i32
        %dma_wait3A_699 = tpu.memref_slice %arg9[%dma_wait3A_697, %dma_wait3A_698] : memref<10240x128xf32, #tpu.memory_space<vmem_shared>> -> memref<10240x128xf32, #tpu.memory_space<vmem_shared>>
        tpu.wait_indirect_dma semaphore(%run_scoped3A_679 : memref<!tpu.dma_semaphore, #tpu.memory_space<semaphore_mem>>) src(%dma_wait3A_693 : memref<32x128xf32, #tpu.memory_space<vmem>>) dst(%dma_wait3A_699 : memref<10240x128xf32, #tpu.memory_space<vmem_shared>>)
        tpu.yield
      }) : () -> ()
      %dma_start3A_321 = arith.constant 10 : i32
      %dma_start3A_322 = arith.constant 2 : i32
      %dma_start3A_323 = arith.constant 2 : i32
      %dma_start3A_324 = arith.constant 0 : i32
      %dma_start3A_325 = arith.constant 0 : i32
      %dma_start3A_326 = tpu.memref_slice %arg8[%dma_start3A_322, %dma_start3A_324, %dma_start3A_325] : memref<8x32x128xf32, #tpu.memory_space<vmem>> -> memref<1x32x128xf32, #tpu.memory_space<vmem>>
      %dma_start3A_327 = tpu.memref_squeeze %dma_start3A_326 : memref<1x32x128xf32, #tpu.memory_space<vmem>> -> memref<32x128xf32, #tpu.memory_space<vmem>>
      %dma_start3A_328 = arith.constant 0 : i32
      %dma_start3A_329 = tpu.memref_slice %arg6[%rem3A_239, %dma_start3A_321, %dma_start3A_328] : memref<2x16x32xi32, #tpu.memory_space<vmem>> -> memref<1x1x32xi32, #tpu.memory_space<vmem>>
      %dma_start3A_330 = tpu.memref_squeeze %dma_start3A_329 : memref<1x1x32xi32, #tpu.memory_space<vmem>> -> memref<32xi32, #tpu.memory_space<vmem>>
      %dma_start3A_331 = arith.constant 0 : i32
      %dma_start3A_332 = arith.constant 0 : i32
      %dma_start3A_333 = tpu.memref_slice %arg2[%dma_start3A_331, %dma_start3A_332] : memref<10000x128xf32, #tpu.memory_space<hbm>> -> memref<10000x128xf32, #tpu.memory_space<hbm>>
      %dma_start3A_334 = tpu.memref_slice %arg10[%dma_start3A_323] : memref<8x!tpu.dma_semaphore, #tpu.memory_space<semaphore_mem>> -> memref<1x!tpu.dma_semaphore, #tpu.memory_space<semaphore_mem>>
      %dma_start3A_335 = tpu.memref_squeeze %dma_start3A_334 : memref<1x!tpu.dma_semaphore, #tpu.memory_space<semaphore_mem>> -> memref<!tpu.dma_semaphore, #tpu.memory_space<semaphore_mem>>
      tpu.enqueue_indirect_dma source(%dma_start3A_333 : memref<10000x128xf32, #tpu.memory_space<hbm>>) target(%dma_start3A_327 : memref<32x128xf32, #tpu.memory_space<vmem>>) offsets(%dma_start3A_330 : memref<32xi32, #tpu.memory_space<vmem>>) semaphore(%dma_start3A_335 : memref<!tpu.dma_semaphore, #tpu.memory_space<semaphore_mem>>)
      %dma_wait3A_336 = arith.constant 3 : i32
      %dma_wait3A_337 = arith.constant 3 : i32
      %dma_wait3A_338 = arith.constant 3 : i32
      %dma_wait3A_339 = arith.constant 0 : i32
      %dma_wait3A_340 = arith.constant 0 : i32
      %dma_wait3A_341 = tpu.memref_slice %arg8[%dma_wait3A_337, %dma_wait3A_339, %dma_wait3A_340] : memref<8x32x128xf32, #tpu.memory_space<vmem>> -> memref<1x32x128xf32, #tpu.memory_space<vmem>>
      %dma_wait3A_342 = tpu.memref_squeeze %dma_wait3A_341 : memref<1x32x128xf32, #tpu.memory_space<vmem>> -> memref<32x128xf32, #tpu.memory_space<vmem>>
      %dma_wait3A_343 = arith.constant 0 : i32
      %dma_wait3A_344 = tpu.memref_slice %arg6[%rem3A_239, %dma_wait3A_336, %dma_wait3A_343] : memref<2x16x32xi32, #tpu.memory_space<vmem>> -> memref<1x1x32xi32, #tpu.memory_space<vmem>>
      %dma_wait3A_345 = tpu.memref_squeeze %dma_wait3A_344 : memref<1x1x32xi32, #tpu.memory_space<vmem>> -> memref<32xi32, #tpu.memory_space<vmem>>
      %dma_wait3A_346 = arith.constant 0 : i32
      %dma_wait3A_347 = arith.constant 0 : i32
      %dma_wait3A_348 = tpu.memref_slice %arg2[%dma_wait3A_346, %dma_wait3A_347] : memref<10000x128xf32, #tpu.memory_space<hbm>> -> memref<10000x128xf32, #tpu.memory_space<hbm>>
      %dma_wait3A_349 = tpu.memref_slice %arg10[%dma_wait3A_338] : memref<8x!tpu.dma_semaphore, #tpu.memory_space<semaphore_mem>> -> memref<1x!tpu.dma_semaphore, #tpu.memory_space<semaphore_mem>>
      %dma_wait3A_350 = tpu.memref_squeeze %dma_wait3A_349 : memref<1x!tpu.dma_semaphore, #tpu.memory_space<semaphore_mem>> -> memref<!tpu.dma_semaphore, #tpu.memory_space<semaphore_mem>>
      tpu.wait_indirect_dma semaphore(%dma_wait3A_350 : memref<!tpu.dma_semaphore, #tpu.memory_space<semaphore_mem>>) src(%dma_wait3A_348 : memref<10000x128xf32, #tpu.memory_space<hbm>>) dst(%dma_wait3A_342 : memref<32x128xf32, #tpu.memory_space<vmem>>)
      %run_scoped3A_351 = arith.constant 3 : i32
      %run_scoped3A_352 = arith.constant 3 : i32
      "tpu.region"() ({
        %run_scoped3A_679 = tpu.sem_alloc : memref<!tpu.dma_semaphore, #tpu.memory_space<semaphore_mem>>
        %dma_start3A_680 = arith.constant 0 : i32
        %dma_start3A_681 = arith.constant 0 : i32
        %dma_start3A_682 = tpu.memref_slice %arg8[%run_scoped3A_351, %dma_start3A_680, %dma_start3A_681] : memref<8x32x128xf32, #tpu.memory_space<vmem>> -> memref<1x32x128xf32, #tpu.memory_space<vmem>>
        %dma_start3A_683 = tpu.memref_squeeze %dma_start3A_682 : memref<1x32x128xf32, #tpu.memory_space<vmem>> -> memref<32x128xf32, #tpu.memory_space<vmem>>
        %dma_start3A_684 = arith.constant 0 : i32
        %dma_start3A_685 = tpu.memref_slice %arg7[%rem3A_239, %run_scoped3A_352, %dma_start3A_684] : memref<2x16x32xi32, #tpu.memory_space<vmem>> -> memref<1x1x32xi32, #tpu.memory_space<vmem>>
        %dma_start3A_686 = tpu.memref_squeeze %dma_start3A_685 : memref<1x1x32xi32, #tpu.memory_space<vmem>> -> memref<32xi32, #tpu.memory_space<vmem>>
        %dma_start3A_687 = arith.constant 0 : i32
        %dma_start3A_688 = arith.constant 0 : i32
        %dma_start3A_689 = tpu.memref_slice %arg9[%dma_start3A_687, %dma_start3A_688] : memref<10240x128xf32, #tpu.memory_space<vmem_shared>> -> memref<10240x128xf32, #tpu.memory_space<vmem_shared>>
        tpu.enqueue_indirect_dma source(%dma_start3A_683 : memref<32x128xf32, #tpu.memory_space<vmem>>) target(%dma_start3A_689 : memref<10240x128xf32, #tpu.memory_space<vmem_shared>>) offsets(%dma_start3A_686 : memref<32xi32, #tpu.memory_space<vmem>>) semaphore(%run_scoped3A_679 : memref<!tpu.dma_semaphore, #tpu.memory_space<semaphore_mem>>) {add = true}
        %dma_wait3A_690 = arith.constant 0 : i32
        %dma_wait3A_691 = arith.constant 0 : i32
        %dma_wait3A_692 = tpu.memref_slice %arg8[%run_scoped3A_351, %dma_wait3A_690, %dma_wait3A_691] : memref<8x32x128xf32, #tpu.memory_space<vmem>> -> memref<1x32x128xf32, #tpu.memory_space<vmem>>
        %dma_wait3A_693 = tpu.memref_squeeze %dma_wait3A_692 : memref<1x32x128xf32, #tpu.memory_space<vmem>> -> memref<32x128xf32, #tpu.memory_space<vmem>>
        %dma_wait3A_694 = arith.constant 0 : i32
        %dma_wait3A_695 = tpu.memref_slice %arg7[%rem3A_239, %run_scoped3A_352, %dma_wait3A_694] : memref<2x16x32xi32, #tpu.memory_space<vmem>> -> memref<1x1x32xi32, #tpu.memory_space<vmem>>
        %dma_wait3A_696 = tpu.memref_squeeze %dma_wait3A_695 : memref<1x1x32xi32, #tpu.memory_space<vmem>> -> memref<32xi32, #tpu.memory_space<vmem>>
        %dma_wait3A_697 = arith.constant 0 : i32
        %dma_wait3A_698 = arith.constant 0 : i32
        %dma_wait3A_699 = tpu.memref_slice %arg9[%dma_wait3A_697, %dma_wait3A_698] : memref<10240x128xf32, #tpu.memory_space<vmem_shared>> -> memref<10240x128xf32, #tpu.memory_space<vmem_shared>>
        tpu.wait_indirect_dma semaphore(%run_scoped3A_679 : memref<!tpu.dma_semaphore, #tpu.memory_space<semaphore_mem>>) src(%dma_wait3A_693 : memref<32x128xf32, #tpu.memory_space<vmem>>) dst(%dma_wait3A_699 : memref<10240x128xf32, #tpu.memory_space<vmem_shared>>)
        tpu.yield
      }) : () -> ()
      %dma_start3A_353 = arith.constant 11 : i32
      %dma_start3A_354 = arith.constant 3 : i32
      %dma_start3A_355 = arith.constant 3 : i32
      %dma_start3A_356 = arith.constant 0 : i32
      %dma_start3A_357 = arith.constant 0 : i32
      %dma_start3A_358 = tpu.memref_slice %arg8[%dma_start3A_354, %dma_start3A_356, %dma_start3A_357] : memref<8x32x128xf32, #tpu.memory_space<vmem>> -> memref<1x32x128xf32, #tpu.memory_space<vmem>>
      %dma_start3A_359 = tpu.memref_squeeze %dma_start3A_358 : memref<1x32x128xf32, #tpu.memory_space<vmem>> -> memref<32x128xf32, #tpu.memory_space<vmem>>
      %dma_start3A_360 = arith.constant 0 : i32
      %dma_start3A_361 = tpu.memref_slice %arg6[%rem3A_239, %dma_start3A_353, %dma_start3A_360] : memref<2x16x32xi32, #tpu.memory_space<vmem>> -> memref<1x1x32xi32, #tpu.memory_space<vmem>>
      %dma_start3A_362 = tpu.memref_squeeze %dma_start3A_361 : memref<1x1x32xi32, #tpu.memory_space<vmem>> -> memref<32xi32, #tpu.memory_space<vmem>>
      %dma_start3A_363 = arith.constant 0 : i32
      %dma_start3A_364 = arith.constant 0 : i32
      %dma_start3A_365 = tpu.memref_slice %arg2[%dma_start3A_363, %dma_start3A_364] : memref<10000x128xf32, #tpu.memory_space<hbm>> -> memref<10000x128xf32, #tpu.memory_space<hbm>>
      %dma_start3A_366 = tpu.memref_slice %arg10[%dma_start3A_355] : memref<8x!tpu.dma_semaphore, #tpu.memory_space<semaphore_mem>> -> memref<1x!tpu.dma_semaphore, #tpu.memory_space<semaphore_mem>>
      %dma_start3A_367 = tpu.memref_squeeze %dma_start3A_366 : memref<1x!tpu.dma_semaphore, #tpu.memory_space<semaphore_mem>> -> memref<!tpu.dma_semaphore, #tpu.memory_space<semaphore_mem>>
      tpu.enqueue_indirect_dma source(%dma_start3A_365 : memref<10000x128xf32, #tpu.memory_space<hbm>>) target(%dma_start3A_359 : memref<32x128xf32, #tpu.memory_space<vmem>>) offsets(%dma_start3A_362 : memref<32xi32, #tpu.memory_space<vmem>>) semaphore(%dma_start3A_367 : memref<!tpu.dma_semaphore, #tpu.memory_space<semaphore_mem>>)
      %dma_wait3A_368 = arith.constant 4 : i32
      %dma_wait3A_369 = arith.constant 4 : i32
      %dma_wait3A_370 = arith.constant 4 : i32
      %dma_wait3A_371 = arith.constant 0 : i32
      %dma_wait3A_372 = arith.constant 0 : i32
      %dma_wait3A_373 = tpu.memref_slice %arg8[%dma_wait3A_369, %dma_wait3A_371, %dma_wait3A_372] : memref<8x32x128xf32, #tpu.memory_space<vmem>> -> memref<1x32x128xf32, #tpu.memory_space<vmem>>
      %dma_wait3A_374 = tpu.memref_squeeze %dma_wait3A_373 : memref<1x32x128xf32, #tpu.memory_space<vmem>> -> memref<32x128xf32, #tpu.memory_space<vmem>>
      %dma_wait3A_375 = arith.constant 0 : i32
      %dma_wait3A_376 = tpu.memref_slice %arg6[%rem3A_239, %dma_wait3A_368, %dma_wait3A_375] : memref<2x16x32xi32, #tpu.memory_space<vmem>> -> memref<1x1x32xi32, #tpu.memory_space<vmem>>
      %dma_wait3A_377 = tpu.memref_squeeze %dma_wait3A_376 : memref<1x1x32xi32, #tpu.memory_space<vmem>> -> memref<32xi32, #tpu.memory_space<vmem>>
      %dma_wait3A_378 = arith.constant 0 : i32
      %dma_wait3A_379 = arith.constant 0 : i32
      %dma_wait3A_380 = tpu.memref_slice %arg2[%dma_wait3A_378, %dma_wait3A_379] : memref<10000x128xf32, #tpu.memory_space<hbm>> -> memref<10000x128xf32, #tpu.memory_space<hbm>>
      %dma_wait3A_381 = tpu.memref_slice %arg10[%dma_wait3A_370] : memref<8x!tpu.dma_semaphore, #tpu.memory_space<semaphore_mem>> -> memref<1x!tpu.dma_semaphore, #tpu.memory_space<semaphore_mem>>
      %dma_wait3A_382 = tpu.memref_squeeze %dma_wait3A_381 : memref<1x!tpu.dma_semaphore, #tpu.memory_space<semaphore_mem>> -> memref<!tpu.dma_semaphore, #tpu.memory_space<semaphore_mem>>
      tpu.wait_indirect_dma semaphore(%dma_wait3A_382 : memref<!tpu.dma_semaphore, #tpu.memory_space<semaphore_mem>>) src(%dma_wait3A_380 : memref<10000x128xf32, #tpu.memory_space<hbm>>) dst(%dma_wait3A_374 : memref<32x128xf32, #tpu.memory_space<vmem>>)
      %run_scoped3A_383 = arith.constant 4 : i32
      %run_scoped3A_384 = arith.constant 4 : i32
      "tpu.region"() ({
        %run_scoped3A_679 = tpu.sem_alloc : memref<!tpu.dma_semaphore, #tpu.memory_space<semaphore_mem>>
        %dma_start3A_680 = arith.constant 0 : i32
        %dma_start3A_681 = arith.constant 0 : i32
        %dma_start3A_682 = tpu.memref_slice %arg8[%run_scoped3A_383, %dma_start3A_680, %dma_start3A_681] : memref<8x32x128xf32, #tpu.memory_space<vmem>> -> memref<1x32x128xf32, #tpu.memory_space<vmem>>
        %dma_start3A_683 = tpu.memref_squeeze %dma_start3A_682 : memref<1x32x128xf32, #tpu.memory_space<vmem>> -> memref<32x128xf32, #tpu.memory_space<vmem>>
        %dma_start3A_684 = arith.constant 0 : i32
        %dma_start3A_685 = tpu.memref_slice %arg7[%rem3A_239, %run_scoped3A_384, %dma_start3A_684] : memref<2x16x32xi32, #tpu.memory_space<vmem>> -> memref<1x1x32xi32, #tpu.memory_space<vmem>>
        %dma_start3A_686 = tpu.memref_squeeze %dma_start3A_685 : memref<1x1x32xi32, #tpu.memory_space<vmem>> -> memref<32xi32, #tpu.memory_space<vmem>>
        %dma_start3A_687 = arith.constant 0 : i32
        %dma_start3A_688 = arith.constant 0 : i32
        %dma_start3A_689 = tpu.memref_slice %arg9[%dma_start3A_687, %dma_start3A_688] : memref<10240x128xf32, #tpu.memory_space<vmem_shared>> -> memref<10240x128xf32, #tpu.memory_space<vmem_shared>>
        tpu.enqueue_indirect_dma source(%dma_start3A_683 : memref<32x128xf32, #tpu.memory_space<vmem>>) target(%dma_start3A_689 : memref<10240x128xf32, #tpu.memory_space<vmem_shared>>) offsets(%dma_start3A_686 : memref<32xi32, #tpu.memory_space<vmem>>) semaphore(%run_scoped3A_679 : memref<!tpu.dma_semaphore, #tpu.memory_space<semaphore_mem>>) {add = true}
        %dma_wait3A_690 = arith.constant 0 : i32
        %dma_wait3A_691 = arith.constant 0 : i32
        %dma_wait3A_692 = tpu.memref_slice %arg8[%run_scoped3A_383, %dma_wait3A_690, %dma_wait3A_691] : memref<8x32x128xf32, #tpu.memory_space<vmem>> -> memref<1x32x128xf32, #tpu.memory_space<vmem>>
        %dma_wait3A_693 = tpu.memref_squeeze %dma_wait3A_692 : memref<1x32x128xf32, #tpu.memory_space<vmem>> -> memref<32x128xf32, #tpu.memory_space<vmem>>
        %dma_wait3A_694 = arith.constant 0 : i32
        %dma_wait3A_695 = tpu.memref_slice %arg7[%rem3A_239, %run_scoped3A_384, %dma_wait3A_694] : memref<2x16x32xi32, #tpu.memory_space<vmem>> -> memref<1x1x32xi32, #tpu.memory_space<vmem>>
        %dma_wait3A_696 = tpu.memref_squeeze %dma_wait3A_695 : memref<1x1x32xi32, #tpu.memory_space<vmem>> -> memref<32xi32, #tpu.memory_space<vmem>>
        %dma_wait3A_697 = arith.constant 0 : i32
        %dma_wait3A_698 = arith.constant 0 : i32
        %dma_wait3A_699 = tpu.memref_slice %arg9[%dma_wait3A_697, %dma_wait3A_698] : memref<10240x128xf32, #tpu.memory_space<vmem_shared>> -> memref<10240x128xf32, #tpu.memory_space<vmem_shared>>
        tpu.wait_indirect_dma semaphore(%run_scoped3A_679 : memref<!tpu.dma_semaphore, #tpu.memory_space<semaphore_mem>>) src(%dma_wait3A_693 : memref<32x128xf32, #tpu.memory_space<vmem>>) dst(%dma_wait3A_699 : memref<10240x128xf32, #tpu.memory_space<vmem_shared>>)
        tpu.yield
      }) : () -> ()
      %dma_start3A_385 = arith.constant 12 : i32
      %dma_start3A_386 = arith.constant 4 : i32
      %dma_start3A_387 = arith.constant 4 : i32
      %dma_start3A_388 = arith.constant 0 : i32
      %dma_start3A_389 = arith.constant 0 : i32
      %dma_start3A_390 = tpu.memref_slice %arg8[%dma_start3A_386, %dma_start3A_388, %dma_start3A_389] : memref<8x32x128xf32, #tpu.memory_space<vmem>> -> memref<1x32x128xf32, #tpu.memory_space<vmem>>
      %dma_start3A_391 = tpu.memref_squeeze %dma_start3A_390 : memref<1x32x128xf32, #tpu.memory_space<vmem>> -> memref<32x128xf32, #tpu.memory_space<vmem>>
      %dma_start3A_392 = arith.constant 0 : i32
      %dma_start3A_393 = tpu.memref_slice %arg6[%rem3A_239, %dma_start3A_385, %dma_start3A_392] : memref<2x16x32xi32, #tpu.memory_space<vmem>> -> memref<1x1x32xi32, #tpu.memory_space<vmem>>
      %dma_start3A_394 = tpu.memref_squeeze %dma_start3A_393 : memref<1x1x32xi32, #tpu.memory_space<vmem>> -> memref<32xi32, #tpu.memory_space<vmem>>
      %dma_start3A_395 = arith.constant 0 : i32
      %dma_start3A_396 = arith.constant 0 : i32
      %dma_start3A_397 = tpu.memref_slice %arg2[%dma_start3A_395, %dma_start3A_396] : memref<10000x128xf32, #tpu.memory_space<hbm>> -> memref<10000x128xf32, #tpu.memory_space<hbm>>
      %dma_start3A_398 = tpu.memref_slice %arg10[%dma_start3A_387] : memref<8x!tpu.dma_semaphore, #tpu.memory_space<semaphore_mem>> -> memref<1x!tpu.dma_semaphore, #tpu.memory_space<semaphore_mem>>
      %dma_start3A_399 = tpu.memref_squeeze %dma_start3A_398 : memref<1x!tpu.dma_semaphore, #tpu.memory_space<semaphore_mem>> -> memref<!tpu.dma_semaphore, #tpu.memory_space<semaphore_mem>>
      tpu.enqueue_indirect_dma source(%dma_start3A_397 : memref<10000x128xf32, #tpu.memory_space<hbm>>) target(%dma_start3A_391 : memref<32x128xf32, #tpu.memory_space<vmem>>) offsets(%dma_start3A_394 : memref<32xi32, #tpu.memory_space<vmem>>) semaphore(%dma_start3A_399 : memref<!tpu.dma_semaphore, #tpu.memory_space<semaphore_mem>>)
      %dma_wait3A_400 = arith.constant 5 : i32
      %dma_wait3A_401 = arith.constant 5 : i32
      %dma_wait3A_402 = arith.constant 5 : i32
      %dma_wait3A_403 = arith.constant 0 : i32
      %dma_wait3A_404 = arith.constant 0 : i32
      %dma_wait3A_405 = tpu.memref_slice %arg8[%dma_wait3A_401, %dma_wait3A_403, %dma_wait3A_404] : memref<8x32x128xf32, #tpu.memory_space<vmem>> -> memref<1x32x128xf32, #tpu.memory_space<vmem>>
      %dma_wait3A_406 = tpu.memref_squeeze %dma_wait3A_405 : memref<1x32x128xf32, #tpu.memory_space<vmem>> -> memref<32x128xf32, #tpu.memory_space<vmem>>
      %dma_wait3A_407 = arith.constant 0 : i32
      %dma_wait3A_408 = tpu.memref_slice %arg6[%rem3A_239, %dma_wait3A_400, %dma_wait3A_407] : memref<2x16x32xi32, #tpu.memory_space<vmem>> -> memref<1x1x32xi32, #tpu.memory_space<vmem>>
      %dma_wait3A_409 = tpu.memref_squeeze %dma_wait3A_408 : memref<1x1x32xi32, #tpu.memory_space<vmem>> -> memref<32xi32, #tpu.memory_space<vmem>>
      %dma_wait3A_410 = arith.constant 0 : i32
      %dma_wait3A_411 = arith.constant 0 : i32
      %dma_wait3A_412 = tpu.memref_slice %arg2[%dma_wait3A_410, %dma_wait3A_411] : memref<10000x128xf32, #tpu.memory_space<hbm>> -> memref<10000x128xf32, #tpu.memory_space<hbm>>
      %dma_wait3A_413 = tpu.memref_slice %arg10[%dma_wait3A_402] : memref<8x!tpu.dma_semaphore, #tpu.memory_space<semaphore_mem>> -> memref<1x!tpu.dma_semaphore, #tpu.memory_space<semaphore_mem>>
      %dma_wait3A_414 = tpu.memref_squeeze %dma_wait3A_413 : memref<1x!tpu.dma_semaphore, #tpu.memory_space<semaphore_mem>> -> memref<!tpu.dma_semaphore, #tpu.memory_space<semaphore_mem>>
      tpu.wait_indirect_dma semaphore(%dma_wait3A_414 : memref<!tpu.dma_semaphore, #tpu.memory_space<semaphore_mem>>) src(%dma_wait3A_412 : memref<10000x128xf32, #tpu.memory_space<hbm>>) dst(%dma_wait3A_406 : memref<32x128xf32, #tpu.memory_space<vmem>>)
      %run_scoped3A_415 = arith.constant 5 : i32
      %run_scoped3A_416 = arith.constant 5 : i32
      "tpu.region"() ({
        %run_scoped3A_679 = tpu.sem_alloc : memref<!tpu.dma_semaphore, #tpu.memory_space<semaphore_mem>>
        %dma_start3A_680 = arith.constant 0 : i32
        %dma_start3A_681 = arith.constant 0 : i32
        %dma_start3A_682 = tpu.memref_slice %arg8[%run_scoped3A_415, %dma_start3A_680, %dma_start3A_681] : memref<8x32x128xf32, #tpu.memory_space<vmem>> -> memref<1x32x128xf32, #tpu.memory_space<vmem>>
        %dma_start3A_683 = tpu.memref_squeeze %dma_start3A_682 : memref<1x32x128xf32, #tpu.memory_space<vmem>> -> memref<32x128xf32, #tpu.memory_space<vmem>>
        %dma_start3A_684 = arith.constant 0 : i32
        %dma_start3A_685 = tpu.memref_slice %arg7[%rem3A_239, %run_scoped3A_416, %dma_start3A_684] : memref<2x16x32xi32, #tpu.memory_space<vmem>> -> memref<1x1x32xi32, #tpu.memory_space<vmem>>
        %dma_start3A_686 = tpu.memref_squeeze %dma_start3A_685 : memref<1x1x32xi32, #tpu.memory_space<vmem>> -> memref<32xi32, #tpu.memory_space<vmem>>
        %dma_start3A_687 = arith.constant 0 : i32
        %dma_start3A_688 = arith.constant 0 : i32
        %dma_start3A_689 = tpu.memref_slice %arg9[%dma_start3A_687, %dma_start3A_688] : memref<10240x128xf32, #tpu.memory_space<vmem_shared>> -> memref<10240x128xf32, #tpu.memory_space<vmem_shared>>
        tpu.enqueue_indirect_dma source(%dma_start3A_683 : memref<32x128xf32, #tpu.memory_space<vmem>>) target(%dma_start3A_689 : memref<10240x128xf32, #tpu.memory_space<vmem_shared>>) offsets(%dma_start3A_686 : memref<32xi32, #tpu.memory_space<vmem>>) semaphore(%run_scoped3A_679 : memref<!tpu.dma_semaphore, #tpu.memory_space<semaphore_mem>>) {add = true}
        %dma_wait3A_690 = arith.constant 0 : i32
        %dma_wait3A_691 = arith.constant 0 : i32
        %dma_wait3A_692 = tpu.memref_slice %arg8[%run_scoped3A_415, %dma_wait3A_690, %dma_wait3A_691] : memref<8x32x128xf32, #tpu.memory_space<vmem>> -> memref<1x32x128xf32, #tpu.memory_space<vmem>>
        %dma_wait3A_693 = tpu.memref_squeeze %dma_wait3A_692 : memref<1x32x128xf32, #tpu.memory_space<vmem>> -> memref<32x128xf32, #tpu.memory_space<vmem>>
        %dma_wait3A_694 = arith.constant 0 : i32
        %dma_wait3A_695 = tpu.memref_slice %arg7[%rem3A_239, %run_scoped3A_416, %dma_wait3A_694] : memref<2x16x32xi32, #tpu.memory_space<vmem>> -> memref<1x1x32xi32, #tpu.memory_space<vmem>>
        %dma_wait3A_696 = tpu.memref_squeeze %dma_wait3A_695 : memref<1x1x32xi32, #tpu.memory_space<vmem>> -> memref<32xi32, #tpu.memory_space<vmem>>
        %dma_wait3A_697 = arith.constant 0 : i32
        %dma_wait3A_698 = arith.constant 0 : i32
        %dma_wait3A_699 = tpu.memref_slice %arg9[%dma_wait3A_697, %dma_wait3A_698] : memref<10240x128xf32, #tpu.memory_space<vmem_shared>> -> memref<10240x128xf32, #tpu.memory_space<vmem_shared>>
        tpu.wait_indirect_dma semaphore(%run_scoped3A_679 : memref<!tpu.dma_semaphore, #tpu.memory_space<semaphore_mem>>) src(%dma_wait3A_693 : memref<32x128xf32, #tpu.memory_space<vmem>>) dst(%dma_wait3A_699 : memref<10240x128xf32, #tpu.memory_space<vmem_shared>>)
        tpu.yield
      }) : () -> ()
      %dma_start3A_417 = arith.constant 13 : i32
      %dma_start3A_418 = arith.constant 5 : i32
      %dma_start3A_419 = arith.constant 5 : i32
      %dma_start3A_420 = arith.constant 0 : i32
      %dma_start3A_421 = arith.constant 0 : i32
      %dma_start3A_422 = tpu.memref_slice %arg8[%dma_start3A_418, %dma_start3A_420, %dma_start3A_421] : memref<8x32x128xf32, #tpu.memory_space<vmem>> -> memref<1x32x128xf32, #tpu.memory_space<vmem>>
      %dma_start3A_423 = tpu.memref_squeeze %dma_start3A_422 : memref<1x32x128xf32, #tpu.memory_space<vmem>> -> memref<32x128xf32, #tpu.memory_space<vmem>>
      %dma_start3A_424 = arith.constant 0 : i32
      %dma_start3A_425 = tpu.memref_slice %arg6[%rem3A_239, %dma_start3A_417, %dma_start3A_424] : memref<2x16x32xi32, #tpu.memory_space<vmem>> -> memref<1x1x32xi32, #tpu.memory_space<vmem>>
      %dma_start3A_426 = tpu.memref_squeeze %dma_start3A_425 : memref<1x1x32xi32, #tpu.memory_space<vmem>> -> memref<32xi32, #tpu.memory_space<vmem>>
      %dma_start3A_427 = arith.constant 0 : i32
      %dma_start3A_428 = arith.constant 0 : i32
      %dma_start3A_429 = tpu.memref_slice %arg2[%dma_start3A_427, %dma_start3A_428] : memref<10000x128xf32, #tpu.memory_space<hbm>> -> memref<10000x128xf32, #tpu.memory_space<hbm>>
      %dma_start3A_430 = tpu.memref_slice %arg10[%dma_start3A_419] : memref<8x!tpu.dma_semaphore, #tpu.memory_space<semaphore_mem>> -> memref<1x!tpu.dma_semaphore, #tpu.memory_space<semaphore_mem>>
      %dma_start3A_431 = tpu.memref_squeeze %dma_start3A_430 : memref<1x!tpu.dma_semaphore, #tpu.memory_space<semaphore_mem>> -> memref<!tpu.dma_semaphore, #tpu.memory_space<semaphore_mem>>
      tpu.enqueue_indirect_dma source(%dma_start3A_429 : memref<10000x128xf32, #tpu.memory_space<hbm>>) target(%dma_start3A_423 : memref<32x128xf32, #tpu.memory_space<vmem>>) offsets(%dma_start3A_426 : memref<32xi32, #tpu.memory_space<vmem>>) semaphore(%dma_start3A_431 : memref<!tpu.dma_semaphore, #tpu.memory_space<semaphore_mem>>)
      %dma_wait3A_432 = arith.constant 6 : i32
      %dma_wait3A_433 = arith.constant 6 : i32
      %dma_wait3A_434 = arith.constant 6 : i32
      %dma_wait3A_435 = arith.constant 0 : i32
      %dma_wait3A_436 = arith.constant 0 : i32
      %dma_wait3A_437 = tpu.memref_slice %arg8[%dma_wait3A_433, %dma_wait3A_435, %dma_wait3A_436] : memref<8x32x128xf32, #tpu.memory_space<vmem>> -> memref<1x32x128xf32, #tpu.memory_space<vmem>>
      %dma_wait3A_438 = tpu.memref_squeeze %dma_wait3A_437 : memref<1x32x128xf32, #tpu.memory_space<vmem>> -> memref<32x128xf32, #tpu.memory_space<vmem>>
      %dma_wait3A_439 = arith.constant 0 : i32
      %dma_wait3A_440 = tpu.memref_slice %arg6[%rem3A_239, %dma_wait3A_432, %dma_wait3A_439] : memref<2x16x32xi32, #tpu.memory_space<vmem>> -> memref<1x1x32xi32, #tpu.memory_space<vmem>>
      %dma_wait3A_441 = tpu.memref_squeeze %dma_wait3A_440 : memref<1x1x32xi32, #tpu.memory_space<vmem>> -> memref<32xi32, #tpu.memory_space<vmem>>
      %dma_wait3A_442 = arith.constant 0 : i32
      %dma_wait3A_443 = arith.constant 0 : i32
      %dma_wait3A_444 = tpu.memref_slice %arg2[%dma_wait3A_442, %dma_wait3A_443] : memref<10000x128xf32, #tpu.memory_space<hbm>> -> memref<10000x128xf32, #tpu.memory_space<hbm>>
      %dma_wait3A_445 = tpu.memref_slice %arg10[%dma_wait3A_434] : memref<8x!tpu.dma_semaphore, #tpu.memory_space<semaphore_mem>> -> memref<1x!tpu.dma_semaphore, #tpu.memory_space<semaphore_mem>>
      %dma_wait3A_446 = tpu.memref_squeeze %dma_wait3A_445 : memref<1x!tpu.dma_semaphore, #tpu.memory_space<semaphore_mem>> -> memref<!tpu.dma_semaphore, #tpu.memory_space<semaphore_mem>>
      tpu.wait_indirect_dma semaphore(%dma_wait3A_446 : memref<!tpu.dma_semaphore, #tpu.memory_space<semaphore_mem>>) src(%dma_wait3A_444 : memref<10000x128xf32, #tpu.memory_space<hbm>>) dst(%dma_wait3A_438 : memref<32x128xf32, #tpu.memory_space<vmem>>)
      %run_scoped3A_447 = arith.constant 6 : i32
      %run_scoped3A_448 = arith.constant 6 : i32
      "tpu.region"() ({
        %run_scoped3A_679 = tpu.sem_alloc : memref<!tpu.dma_semaphore, #tpu.memory_space<semaphore_mem>>
        %dma_start3A_680 = arith.constant 0 : i32
        %dma_start3A_681 = arith.constant 0 : i32
        %dma_start3A_682 = tpu.memref_slice %arg8[%run_scoped3A_447, %dma_start3A_680, %dma_start3A_681] : memref<8x32x128xf32, #tpu.memory_space<vmem>> -> memref<1x32x128xf32, #tpu.memory_space<vmem>>
        %dma_start3A_683 = tpu.memref_squeeze %dma_start3A_682 : memref<1x32x128xf32, #tpu.memory_space<vmem>> -> memref<32x128xf32, #tpu.memory_space<vmem>>
        %dma_start3A_684 = arith.constant 0 : i32
        %dma_start3A_685 = tpu.memref_slice %arg7[%rem3A_239, %run_scoped3A_448, %dma_start3A_684] : memref<2x16x32xi32, #tpu.memory_space<vmem>> -> memref<1x1x32xi32, #tpu.memory_space<vmem>>
        %dma_start3A_686 = tpu.memref_squeeze %dma_start3A_685 : memref<1x1x32xi32, #tpu.memory_space<vmem>> -> memref<32xi32, #tpu.memory_space<vmem>>
        %dma_start3A_687 = arith.constant 0 : i32
        %dma_start3A_688 = arith.constant 0 : i32
        %dma_start3A_689 = tpu.memref_slice %arg9[%dma_start3A_687, %dma_start3A_688] : memref<10240x128xf32, #tpu.memory_space<vmem_shared>> -> memref<10240x128xf32, #tpu.memory_space<vmem_shared>>
        tpu.enqueue_indirect_dma source(%dma_start3A_683 : memref<32x128xf32, #tpu.memory_space<vmem>>) target(%dma_start3A_689 : memref<10240x128xf32, #tpu.memory_space<vmem_shared>>) offsets(%dma_start3A_686 : memref<32xi32, #tpu.memory_space<vmem>>) semaphore(%run_scoped3A_679 : memref<!tpu.dma_semaphore, #tpu.memory_space<semaphore_mem>>) {add = true}
        %dma_wait3A_690 = arith.constant 0 : i32
        %dma_wait3A_691 = arith.constant 0 : i32
        %dma_wait3A_692 = tpu.memref_slice %arg8[%run_scoped3A_447, %dma_wait3A_690, %dma_wait3A_691] : memref<8x32x128xf32, #tpu.memory_space<vmem>> -> memref<1x32x128xf32, #tpu.memory_space<vmem>>
        %dma_wait3A_693 = tpu.memref_squeeze %dma_wait3A_692 : memref<1x32x128xf32, #tpu.memory_space<vmem>> -> memref<32x128xf32, #tpu.memory_space<vmem>>
        %dma_wait3A_694 = arith.constant 0 : i32
        %dma_wait3A_695 = tpu.memref_slice %arg7[%rem3A_239, %run_scoped3A_448, %dma_wait3A_694] : memref<2x16x32xi32, #tpu.memory_space<vmem>> -> memref<1x1x32xi32, #tpu.memory_space<vmem>>
        %dma_wait3A_696 = tpu.memref_squeeze %dma_wait3A_695 : memref<1x1x32xi32, #tpu.memory_space<vmem>> -> memref<32xi32, #tpu.memory_space<vmem>>
        %dma_wait3A_697 = arith.constant 0 : i32
        %dma_wait3A_698 = arith.constant 0 : i32
        %dma_wait3A_699 = tpu.memref_slice %arg9[%dma_wait3A_697, %dma_wait3A_698] : memref<10240x128xf32, #tpu.memory_space<vmem_shared>> -> memref<10240x128xf32, #tpu.memory_space<vmem_shared>>
        tpu.wait_indirect_dma semaphore(%run_scoped3A_679 : memref<!tpu.dma_semaphore, #tpu.memory_space<semaphore_mem>>) src(%dma_wait3A_693 : memref<32x128xf32, #tpu.memory_space<vmem>>) dst(%dma_wait3A_699 : memref<10240x128xf32, #tpu.memory_space<vmem_shared>>)
        tpu.yield
      }) : () -> ()
      %dma_start3A_449 = arith.constant 14 : i32
      %dma_start3A_450 = arith.constant 6 : i32
      %dma_start3A_451 = arith.constant 6 : i32
      %dma_start3A_452 = arith.constant 0 : i32
      %dma_start3A_453 = arith.constant 0 : i32
      %dma_start3A_454 = tpu.memref_slice %arg8[%dma_start3A_450, %dma_start3A_452, %dma_start3A_453] : memref<8x32x128xf32, #tpu.memory_space<vmem>> -> memref<1x32x128xf32, #tpu.memory_space<vmem>>
      %dma_start3A_455 = tpu.memref_squeeze %dma_start3A_454 : memref<1x32x128xf32, #tpu.memory_space<vmem>> -> memref<32x128xf32, #tpu.memory_space<vmem>>
      %dma_start3A_456 = arith.constant 0 : i32
      %dma_start3A_457 = tpu.memref_slice %arg6[%rem3A_239, %dma_start3A_449, %dma_start3A_456] : memref<2x16x32xi32, #tpu.memory_space<vmem>> -> memref<1x1x32xi32, #tpu.memory_space<vmem>>
      %dma_start3A_458 = tpu.memref_squeeze %dma_start3A_457 : memref<1x1x32xi32, #tpu.memory_space<vmem>> -> memref<32xi32, #tpu.memory_space<vmem>>
      %dma_start3A_459 = arith.constant 0 : i32
      %dma_start3A_460 = arith.constant 0 : i32
      %dma_start3A_461 = tpu.memref_slice %arg2[%dma_start3A_459, %dma_start3A_460] : memref<10000x128xf32, #tpu.memory_space<hbm>> -> memref<10000x128xf32, #tpu.memory_space<hbm>>
      %dma_start3A_462 = tpu.memref_slice %arg10[%dma_start3A_451] : memref<8x!tpu.dma_semaphore, #tpu.memory_space<semaphore_mem>> -> memref<1x!tpu.dma_semaphore, #tpu.memory_space<semaphore_mem>>
      %dma_start3A_463 = tpu.memref_squeeze %dma_start3A_462 : memref<1x!tpu.dma_semaphore, #tpu.memory_space<semaphore_mem>> -> memref<!tpu.dma_semaphore, #tpu.memory_space<semaphore_mem>>
      tpu.enqueue_indirect_dma source(%dma_start3A_461 : memref<10000x128xf32, #tpu.memory_space<hbm>>) target(%dma_start3A_455 : memref<32x128xf32, #tpu.memory_space<vmem>>) offsets(%dma_start3A_458 : memref<32xi32, #tpu.memory_space<vmem>>) semaphore(%dma_start3A_463 : memref<!tpu.dma_semaphore, #tpu.memory_space<semaphore_mem>>)
      %dma_wait3A_464 = arith.constant 7 : i32
      %dma_wait3A_465 = arith.constant 7 : i32
      %dma_wait3A_466 = arith.constant 7 : i32
      %dma_wait3A_467 = arith.constant 0 : i32
      %dma_wait3A_468 = arith.constant 0 : i32
      %dma_wait3A_469 = tpu.memref_slice %arg8[%dma_wait3A_465, %dma_wait3A_467, %dma_wait3A_468] : memref<8x32x128xf32, #tpu.memory_space<vmem>> -> memref<1x32x128xf32, #tpu.memory_space<vmem>>
      %dma_wait3A_470 = tpu.memref_squeeze %dma_wait3A_469 : memref<1x32x128xf32, #tpu.memory_space<vmem>> -> memref<32x128xf32, #tpu.memory_space<vmem>>
      %dma_wait3A_471 = arith.constant 0 : i32
      %dma_wait3A_472 = tpu.memref_slice %arg6[%rem3A_239, %dma_wait3A_464, %dma_wait3A_471] : memref<2x16x32xi32, #tpu.memory_space<vmem>> -> memref<1x1x32xi32, #tpu.memory_space<vmem>>
      %dma_wait3A_473 = tpu.memref_squeeze %dma_wait3A_472 : memref<1x1x32xi32, #tpu.memory_space<vmem>> -> memref<32xi32, #tpu.memory_space<vmem>>
      %dma_wait3A_474 = arith.constant 0 : i32
      %dma_wait3A_475 = arith.constant 0 : i32
      %dma_wait3A_476 = tpu.memref_slice %arg2[%dma_wait3A_474, %dma_wait3A_475] : memref<10000x128xf32, #tpu.memory_space<hbm>> -> memref<10000x128xf32, #tpu.memory_space<hbm>>
      %dma_wait3A_477 = tpu.memref_slice %arg10[%dma_wait3A_466] : memref<8x!tpu.dma_semaphore, #tpu.memory_space<semaphore_mem>> -> memref<1x!tpu.dma_semaphore, #tpu.memory_space<semaphore_mem>>
      %dma_wait3A_478 = tpu.memref_squeeze %dma_wait3A_477 : memref<1x!tpu.dma_semaphore, #tpu.memory_space<semaphore_mem>> -> memref<!tpu.dma_semaphore, #tpu.memory_space<semaphore_mem>>
      tpu.wait_indirect_dma semaphore(%dma_wait3A_478 : memref<!tpu.dma_semaphore, #tpu.memory_space<semaphore_mem>>) src(%dma_wait3A_476 : memref<10000x128xf32, #tpu.memory_space<hbm>>) dst(%dma_wait3A_470 : memref<32x128xf32, #tpu.memory_space<vmem>>)
      %run_scoped3A_479 = arith.constant 7 : i32
      %run_scoped3A_480 = arith.constant 7 : i32
      "tpu.region"() ({
        %run_scoped3A_679 = tpu.sem_alloc : memref<!tpu.dma_semaphore, #tpu.memory_space<semaphore_mem>>
        %dma_start3A_680 = arith.constant 0 : i32
        %dma_start3A_681 = arith.constant 0 : i32
        %dma_start3A_682 = tpu.memref_slice %arg8[%run_scoped3A_479, %dma_start3A_680, %dma_start3A_681] : memref<8x32x128xf32, #tpu.memory_space<vmem>> -> memref<1x32x128xf32, #tpu.memory_space<vmem>>
        %dma_start3A_683 = tpu.memref_squeeze %dma_start3A_682 : memref<1x32x128xf32, #tpu.memory_space<vmem>> -> memref<32x128xf32, #tpu.memory_space<vmem>>
        %dma_start3A_684 = arith.constant 0 : i32
        %dma_start3A_685 = tpu.memref_slice %arg7[%rem3A_239, %run_scoped3A_480, %dma_start3A_684] : memref<2x16x32xi32, #tpu.memory_space<vmem>> -> memref<1x1x32xi32, #tpu.memory_space<vmem>>
        %dma_start3A_686 = tpu.memref_squeeze %dma_start3A_685 : memref<1x1x32xi32, #tpu.memory_space<vmem>> -> memref<32xi32, #tpu.memory_space<vmem>>
        %dma_start3A_687 = arith.constant 0 : i32
        %dma_start3A_688 = arith.constant 0 : i32
        %dma_start3A_689 = tpu.memref_slice %arg9[%dma_start3A_687, %dma_start3A_688] : memref<10240x128xf32, #tpu.memory_space<vmem_shared>> -> memref<10240x128xf32, #tpu.memory_space<vmem_shared>>
        tpu.enqueue_indirect_dma source(%dma_start3A_683 : memref<32x128xf32, #tpu.memory_space<vmem>>) target(%dma_start3A_689 : memref<10240x128xf32, #tpu.memory_space<vmem_shared>>) offsets(%dma_start3A_686 : memref<32xi32, #tpu.memory_space<vmem>>) semaphore(%run_scoped3A_679 : memref<!tpu.dma_semaphore, #tpu.memory_space<semaphore_mem>>) {add = true}
        %dma_wait3A_690 = arith.constant 0 : i32
        %dma_wait3A_691 = arith.constant 0 : i32
        %dma_wait3A_692 = tpu.memref_slice %arg8[%run_scoped3A_479, %dma_wait3A_690, %dma_wait3A_691] : memref<8x32x128xf32, #tpu.memory_space<vmem>> -> memref<1x32x128xf32, #tpu.memory_space<vmem>>
        %dma_wait3A_693 = tpu.memref_squeeze %dma_wait3A_692 : memref<1x32x128xf32, #tpu.memory_space<vmem>> -> memref<32x128xf32, #tpu.memory_space<vmem>>
        %dma_wait3A_694 = arith.constant 0 : i32
        %dma_wait3A_695 = tpu.memref_slice %arg7[%rem3A_239, %run_scoped3A_480, %dma_wait3A_694] : memref<2x16x32xi32, #tpu.memory_space<vmem>> -> memref<1x1x32xi32, #tpu.memory_space<vmem>>
        %dma_wait3A_696 = tpu.memref_squeeze %dma_wait3A_695 : memref<1x1x32xi32, #tpu.memory_space<vmem>> -> memref<32xi32, #tpu.memory_space<vmem>>
        %dma_wait3A_697 = arith.constant 0 : i32
        %dma_wait3A_698 = arith.constant 0 : i32
        %dma_wait3A_699 = tpu.memref_slice %arg9[%dma_wait3A_697, %dma_wait3A_698] : memref<10240x128xf32, #tpu.memory_space<vmem_shared>> -> memref<10240x128xf32, #tpu.memory_space<vmem_shared>>
        tpu.wait_indirect_dma semaphore(%run_scoped3A_679 : memref<!tpu.dma_semaphore, #tpu.memory_space<semaphore_mem>>) src(%dma_wait3A_693 : memref<32x128xf32, #tpu.memory_space<vmem>>) dst(%dma_wait3A_699 : memref<10240x128xf32, #tpu.memory_space<vmem_shared>>)
        tpu.yield
      }) : () -> ()
      %dma_start3A_481 = arith.constant 15 : i32
      %dma_start3A_482 = arith.constant 7 : i32
      %dma_start3A_483 = arith.constant 7 : i32
      %dma_start3A_484 = arith.constant 0 : i32
      %dma_start3A_485 = arith.constant 0 : i32
      %dma_start3A_486 = tpu.memref_slice %arg8[%dma_start3A_482, %dma_start3A_484, %dma_start3A_485] : memref<8x32x128xf32, #tpu.memory_space<vmem>> -> memref<1x32x128xf32, #tpu.memory_space<vmem>>
      %dma_start3A_487 = tpu.memref_squeeze %dma_start3A_486 : memref<1x32x128xf32, #tpu.memory_space<vmem>> -> memref<32x128xf32, #tpu.memory_space<vmem>>
      %dma_start3A_488 = arith.constant 0 : i32
      %dma_start3A_489 = tpu.memref_slice %arg6[%rem3A_239, %dma_start3A_481, %dma_start3A_488] : memref<2x16x32xi32, #tpu.memory_space<vmem>> -> memref<1x1x32xi32, #tpu.memory_space<vmem>>
      %dma_start3A_490 = tpu.memref_squeeze %dma_start3A_489 : memref<1x1x32xi32, #tpu.memory_space<vmem>> -> memref<32xi32, #tpu.memory_space<vmem>>
      %dma_start3A_491 = arith.constant 0 : i32
      %dma_start3A_492 = arith.constant 0 : i32
      %dma_start3A_493 = tpu.memref_slice %arg2[%dma_start3A_491, %dma_start3A_492] : memref<10000x128xf32, #tpu.memory_space<hbm>> -> memref<10000x128xf32, #tpu.memory_space<hbm>>
      %dma_start3A_494 = tpu.memref_slice %arg10[%dma_start3A_483] : memref<8x!tpu.dma_semaphore, #tpu.memory_space<semaphore_mem>> -> memref<1x!tpu.dma_semaphore, #tpu.memory_space<semaphore_mem>>
      %dma_start3A_495 = tpu.memref_squeeze %dma_start3A_494 : memref<1x!tpu.dma_semaphore, #tpu.memory_space<semaphore_mem>> -> memref<!tpu.dma_semaphore, #tpu.memory_space<semaphore_mem>>
      tpu.enqueue_indirect_dma source(%dma_start3A_493 : memref<10000x128xf32, #tpu.memory_space<hbm>>) target(%dma_start3A_487 : memref<32x128xf32, #tpu.memory_space<vmem>>) offsets(%dma_start3A_490 : memref<32xi32, #tpu.memory_space<vmem>>) semaphore(%dma_start3A_495 : memref<!tpu.dma_semaphore, #tpu.memory_space<semaphore_mem>>)
      %dma_wait3A_496 = arith.constant 8 : i32
      %dma_wait3A_497 = arith.constant 0 : i32
      %dma_wait3A_498 = arith.constant 0 : i32
      %dma_wait3A_499 = arith.constant 0 : i32
      %dma_wait3A_500 = arith.constant 0 : i32
      %dma_wait3A_501 = tpu.memref_slice %arg8[%dma_wait3A_497, %dma_wait3A_499, %dma_wait3A_500] : memref<8x32x128xf32, #tpu.memory_space<vmem>> -> memref<1x32x128xf32, #tpu.memory_space<vmem>>
      %dma_wait3A_502 = tpu.memref_squeeze %dma_wait3A_501 : memref<1x32x128xf32, #tpu.memory_space<vmem>> -> memref<32x128xf32, #tpu.memory_space<vmem>>
      %dma_wait3A_503 = arith.constant 0 : i32
      %dma_wait3A_504 = tpu.memref_slice %arg6[%rem3A_239, %dma_wait3A_496, %dma_wait3A_503] : memref<2x16x32xi32, #tpu.memory_space<vmem>> -> memref<1x1x32xi32, #tpu.memory_space<vmem>>
      %dma_wait3A_505 = tpu.memref_squeeze %dma_wait3A_504 : memref<1x1x32xi32, #tpu.memory_space<vmem>> -> memref<32xi32, #tpu.memory_space<vmem>>
      %dma_wait3A_506 = arith.constant 0 : i32
      %dma_wait3A_507 = arith.constant 0 : i32
      %dma_wait3A_508 = tpu.memref_slice %arg2[%dma_wait3A_506, %dma_wait3A_507] : memref<10000x128xf32, #tpu.memory_space<hbm>> -> memref<10000x128xf32, #tpu.memory_space<hbm>>
      %dma_wait3A_509 = tpu.memref_slice %arg10[%dma_wait3A_498] : memref<8x!tpu.dma_semaphore, #tpu.memory_space<semaphore_mem>> -> memref<1x!tpu.dma_semaphore, #tpu.memory_space<semaphore_mem>>
      %dma_wait3A_510 = tpu.memref_squeeze %dma_wait3A_509 : memref<1x!tpu.dma_semaphore, #tpu.memory_space<semaphore_mem>> -> memref<!tpu.dma_semaphore, #tpu.memory_space<semaphore_mem>>
      tpu.wait_indirect_dma semaphore(%dma_wait3A_510 : memref<!tpu.dma_semaphore, #tpu.memory_space<semaphore_mem>>) src(%dma_wait3A_508 : memref<10000x128xf32, #tpu.memory_space<hbm>>) dst(%dma_wait3A_502 : memref<32x128xf32, #tpu.memory_space<vmem>>)
      %lt3A = arith.constant 19 : i32
      %lt3A_511 = arith.cmpi slt, %add3A_238, %lt3A : i32
      %convert_element_type3A = arith.extui %lt3A_511 : i1 to i32
      %cond3A = arith.constant 0 : i32
      %cond3A_512 = arith.cmpi ne, %convert_element_type3A, %cond3A : i32
      scf.if %cond3A_512 {
        %add3A_679 = arith.constant 1 : i32
        %add3A_680 = arith.addi %add3A_238, %add3A_679 : i32
        %mul3A_681 = arith.constant 16 : i32
        %mul3A_682 = arith.muli %add3A_680, %mul3A_681 : i32
        %add3A_683 = arith.addi %mul3A_2, %mul3A_682 : i32
        %dma_wait3A_684 = arith.constant 0 : i32
        %dma_wait3A_685 = arith.constant 0 : i32
        %dma_wait3A_686 = tpu.memref_slice %arg6[%sub3A_240, %dma_wait3A_684, %dma_wait3A_685] : memref<2x16x32xi32, #tpu.memory_space<vmem>> -> memref<1x16x32xi32, #tpu.memory_space<vmem>>
        %dma_wait3A_687 = tpu.memref_squeeze %dma_wait3A_686 : memref<1x16x32xi32, #tpu.memory_space<vmem>> -> memref<16x32xi32, #tpu.memory_space<vmem>>
        %dma_wait3A_688 = arith.constant 0 : i32
        %dma_wait3A_689 = tpu.memref_slice %arg3[%add3A_683, %dma_wait3A_688] : memref<10240x32xi32, #tpu.memory_space<hbm>> -> memref<16x32xi32, #tpu.memory_space<hbm>>
        %dma_wait3A_690 = arith.constant 0 : i32
        %dma_wait3A_691 = arith.constant 0 : i32
        %dma_wait3A_692 = tpu.memref_slice %arg6[%sub3A_240, %dma_wait3A_690, %dma_wait3A_691] : memref<2x16x32xi32, #tpu.memory_space<vmem>> -> memref<1x16x32xi32, #tpu.memory_space<vmem>>
        %dma_wait3A_693 = tpu.memref_squeeze %dma_wait3A_692 : memref<1x16x32xi32, #tpu.memory_space<vmem>> -> memref<16x32xi32, #tpu.memory_space<vmem>>
        %dma_wait3A_694 = arith.constant 0 : i32
        %dma_wait3A_695 = tpu.memref_slice %arg3[%add3A_683, %dma_wait3A_694] : memref<10240x32xi32, #tpu.memory_space<hbm>> -> memref<16x32xi32, #tpu.memory_space<hbm>>
        tpu.wait_dma2 semaphore(%arg11 : memref<!tpu.dma_semaphore, #tpu.memory_space<semaphore_mem>>) src(%dma_wait3A_695 : memref<16x32xi32, #tpu.memory_space<hbm>>) dst(%dma_wait3A_693 : memref<16x32xi32, #tpu.memory_space<vmem>>)
        %add3A_696 = arith.constant 1 : i32
        %add3A_697 = arith.addi %add3A_238, %add3A_696 : i32
        %mul3A_698 = arith.constant 16 : i32
        %mul3A_699 = arith.muli %add3A_697, %mul3A_698 : i32
        %add3A_700 = arith.addi %mul3A_2, %mul3A_699 : i32
        %dma_wait3A_701 = arith.constant 0 : i32
        %dma_wait3A_702 = arith.constant 0 : i32
        %dma_wait3A_703 = tpu.memref_slice %arg7[%sub3A_240, %dma_wait3A_701, %dma_wait3A_702] : memref<2x16x32xi32, #tpu.memory_space<vmem>> -> memref<1x16x32xi32, #tpu.memory_space<vmem>>
        %dma_wait3A_704 = tpu.memref_squeeze %dma_wait3A_703 : memref<1x16x32xi32, #tpu.memory_space<vmem>> -> memref<16x32xi32, #tpu.memory_space<vmem>>
        %dma_wait3A_705 = arith.constant 0 : i32
        %dma_wait3A_706 = tpu.memref_slice %arg4[%add3A_700, %dma_wait3A_705] : memref<10240x32xi32, #tpu.memory_space<hbm>> -> memref<16x32xi32, #tpu.memory_space<hbm>>
        %dma_wait3A_707 = arith.constant 0 : i32
        %dma_wait3A_708 = arith.constant 0 : i32
        %dma_wait3A_709 = tpu.memref_slice %arg7[%sub3A_240, %dma_wait3A_707, %dma_wait3A_708] : memref<2x16x32xi32, #tpu.memory_space<vmem>> -> memref<1x16x32xi32, #tpu.memory_space<vmem>>
        %dma_wait3A_710 = tpu.memref_squeeze %dma_wait3A_709 : memref<1x16x32xi32, #tpu.memory_space<vmem>> -> memref<16x32xi32, #tpu.memory_space<vmem>>
        %dma_wait3A_711 = arith.constant 0 : i32
        %dma_wait3A_712 = tpu.memref_slice %arg4[%add3A_700, %dma_wait3A_711] : memref<10240x32xi32, #tpu.memory_space<hbm>> -> memref<16x32xi32, #tpu.memory_space<hbm>>
        tpu.wait_dma2 semaphore(%arg11 : memref<!tpu.dma_semaphore, #tpu.memory_space<semaphore_mem>>) src(%dma_wait3A_712 : memref<16x32xi32, #tpu.memory_space<hbm>>) dst(%dma_wait3A_710 : memref<16x32xi32, #tpu.memory_space<vmem>>)
      } else {
      }
      %run_scoped3A_513 = arith.constant 0 : i32
      %run_scoped3A_514 = arith.constant 8 : i32
      "tpu.region"() ({
        %run_scoped3A_679 = tpu.sem_alloc : memref<!tpu.dma_semaphore, #tpu.memory_space<semaphore_mem>>
        %dma_start3A_680 = arith.constant 0 : i32
        %dma_start3A_681 = arith.constant 0 : i32
        %dma_start3A_682 = tpu.memref_slice %arg8[%run_scoped3A_513, %dma_start3A_680, %dma_start3A_681] : memref<8x32x128xf32, #tpu.memory_space<vmem>> -> memref<1x32x128xf32, #tpu.memory_space<vmem>>
        %dma_start3A_683 = tpu.memref_squeeze %dma_start3A_682 : memref<1x32x128xf32, #tpu.memory_space<vmem>> -> memref<32x128xf32, #tpu.memory_space<vmem>>
        %dma_start3A_684 = arith.constant 0 : i32
        %dma_start3A_685 = tpu.memref_slice %arg7[%rem3A_239, %run_scoped3A_514, %dma_start3A_684] : memref<2x16x32xi32, #tpu.memory_space<vmem>> -> memref<1x1x32xi32, #tpu.memory_space<vmem>>
        %dma_start3A_686 = tpu.memref_squeeze %dma_start3A_685 : memref<1x1x32xi32, #tpu.memory_space<vmem>> -> memref<32xi32, #tpu.memory_space<vmem>>
        %dma_start3A_687 = arith.constant 0 : i32
        %dma_start3A_688 = arith.constant 0 : i32
        %dma_start3A_689 = tpu.memref_slice %arg9[%dma_start3A_687, %dma_start3A_688] : memref<10240x128xf32, #tpu.memory_space<vmem_shared>> -> memref<10240x128xf32, #tpu.memory_space<vmem_shared>>
        tpu.enqueue_indirect_dma source(%dma_start3A_683 : memref<32x128xf32, #tpu.memory_space<vmem>>) target(%dma_start3A_689 : memref<10240x128xf32, #tpu.memory_space<vmem_shared>>) offsets(%dma_start3A_686 : memref<32xi32, #tpu.memory_space<vmem>>) semaphore(%run_scoped3A_679 : memref<!tpu.dma_semaphore, #tpu.memory_space<semaphore_mem>>) {add = true}
        %dma_wait3A_690 = arith.constant 0 : i32
        %dma_wait3A_691 = arith.constant 0 : i32
        %dma_wait3A_692 = tpu.memref_slice %arg8[%run_scoped3A_513, %dma_wait3A_690, %dma_wait3A_691] : memref<8x32x128xf32, #tpu.memory_space<vmem>> -> memref<1x32x128xf32, #tpu.memory_space<vmem>>
        %dma_wait3A_693 = tpu.memref_squeeze %dma_wait3A_692 : memref<1x32x128xf32, #tpu.memory_space<vmem>> -> memref<32x128xf32, #tpu.memory_space<vmem>>
        %dma_wait3A_694 = arith.constant 0 : i32
        %dma_wait3A_695 = tpu.memref_slice %arg7[%rem3A_239, %run_scoped3A_514, %dma_wait3A_694] : memref<2x16x32xi32, #tpu.memory_space<vmem>> -> memref<1x1x32xi32, #tpu.memory_space<vmem>>
        %dma_wait3A_696 = tpu.memref_squeeze %dma_wait3A_695 : memref<1x1x32xi32, #tpu.memory_space<vmem>> -> memref<32xi32, #tpu.memory_space<vmem>>
        %dma_wait3A_697 = arith.constant 0 : i32
        %dma_wait3A_698 = arith.constant 0 : i32
        %dma_wait3A_699 = tpu.memref_slice %arg9[%dma_wait3A_697, %dma_wait3A_698] : memref<10240x128xf32, #tpu.memory_space<vmem_shared>> -> memref<10240x128xf32, #tpu.memory_space<vmem_shared>>
        tpu.wait_indirect_dma semaphore(%run_scoped3A_679 : memref<!tpu.dma_semaphore, #tpu.memory_space<semaphore_mem>>) src(%dma_wait3A_693 : memref<32x128xf32, #tpu.memory_space<vmem>>) dst(%dma_wait3A_699 : memref<10240x128xf32, #tpu.memory_space<vmem_shared>>)
        tpu.yield
      }) : () -> ()
      %lt3A_515 = arith.constant 19 : i32
      %lt3A_516 = arith.cmpi slt, %add3A_238, %lt3A_515 : i32
      %convert_element_type3A_517 = arith.extui %lt3A_516 : i1 to i32
      %cond3A_518 = arith.constant 0 : i32
      %cond3A_519 = arith.cmpi ne, %convert_element_type3A_517, %cond3A_518 : i32
      scf.if %cond3A_519 {
        %dma_start3A_679 = arith.constant 0 : i32
        %dma_start3A_680 = arith.constant 0 : i32
        %dma_start3A_681 = arith.constant 0 : i32
        %dma_start3A_682 = arith.constant 0 : i32
        %dma_start3A_683 = arith.constant 0 : i32
        %dma_start3A_684 = tpu.memref_slice %arg8[%dma_start3A_680, %dma_start3A_682, %dma_start3A_683] : memref<8x32x128xf32, #tpu.memory_space<vmem>> -> memref<1x32x128xf32, #tpu.memory_space<vmem>>
        %dma_start3A_685 = tpu.memref_squeeze %dma_start3A_684 : memref<1x32x128xf32, #tpu.memory_space<vmem>> -> memref<32x128xf32, #tpu.memory_space<vmem>>
        %dma_start3A_686 = arith.constant 0 : i32
        %dma_start3A_687 = tpu.memref_slice %arg6[%sub3A_240, %dma_start3A_679, %dma_start3A_686] : memref<2x16x32xi32, #tpu.memory_space<vmem>> -> memref<1x1x32xi32, #tpu.memory_space<vmem>>
        %dma_start3A_688 = tpu.memref_squeeze %dma_start3A_687 : memref<1x1x32xi32, #tpu.memory_space<vmem>> -> memref<32xi32, #tpu.memory_space<vmem>>
        %dma_start3A_689 = arith.constant 0 : i32
        %dma_start3A_690 = arith.constant 0 : i32
        %dma_start3A_691 = tpu.memref_slice %arg2[%dma_start3A_689, %dma_start3A_690] : memref<10000x128xf32, #tpu.memory_space<hbm>> -> memref<10000x128xf32, #tpu.memory_space<hbm>>
        %dma_start3A_692 = tpu.memref_slice %arg10[%dma_start3A_681] : memref<8x!tpu.dma_semaphore, #tpu.memory_space<semaphore_mem>> -> memref<1x!tpu.dma_semaphore, #tpu.memory_space<semaphore_mem>>
        %dma_start3A_693 = tpu.memref_squeeze %dma_start3A_692 : memref<1x!tpu.dma_semaphore, #tpu.memory_space<semaphore_mem>> -> memref<!tpu.dma_semaphore, #tpu.memory_space<semaphore_mem>>
        tpu.enqueue_indirect_dma source(%dma_start3A_691 : memref<10000x128xf32, #tpu.memory_space<hbm>>) target(%dma_start3A_685 : memref<32x128xf32, #tpu.memory_space<vmem>>) offsets(%dma_start3A_688 : memref<32xi32, #tpu.memory_space<vmem>>) semaphore(%dma_start3A_693 : memref<!tpu.dma_semaphore, #tpu.memory_space<semaphore_mem>>)
      } else {
      }
      %dma_wait3A_520 = arith.constant 9 : i32
      %dma_wait3A_521 = arith.constant 1 : i32
      %dma_wait3A_522 = arith.constant 1 : i32
      %dma_wait3A_523 = arith.constant 0 : i32
      %dma_wait3A_524 = arith.constant 0 : i32
      %dma_wait3A_525 = tpu.memref_slice %arg8[%dma_wait3A_521, %dma_wait3A_523, %dma_wait3A_524] : memref<8x32x128xf32, #tpu.memory_space<vmem>> -> memref<1x32x128xf32, #tpu.memory_space<vmem>>
      %dma_wait3A_526 = tpu.memref_squeeze %dma_wait3A_525 : memref<1x32x128xf32, #tpu.memory_space<vmem>> -> memref<32x128xf32, #tpu.memory_space<vmem>>
      %dma_wait3A_527 = arith.constant 0 : i32
      %dma_wait3A_528 = tpu.memref_slice %arg6[%rem3A_239, %dma_wait3A_520, %dma_wait3A_527] : memref<2x16x32xi32, #tpu.memory_space<vmem>> -> memref<1x1x32xi32, #tpu.memory_space<vmem>>
      %dma_wait3A_529 = tpu.memref_squeeze %dma_wait3A_528 : memref<1x1x32xi32, #tpu.memory_space<vmem>> -> memref<32xi32, #tpu.memory_space<vmem>>
      %dma_wait3A_530 = arith.constant 0 : i32
      %dma_wait3A_531 = arith.constant 0 : i32
      %dma_wait3A_532 = tpu.memref_slice %arg2[%dma_wait3A_530, %dma_wait3A_531] : memref<10000x128xf32, #tpu.memory_space<hbm>> -> memref<10000x128xf32, #tpu.memory_space<hbm>>
      %dma_wait3A_533 = tpu.memref_slice %arg10[%dma_wait3A_522] : memref<8x!tpu.dma_semaphore, #tpu.memory_space<semaphore_mem>> -> memref<1x!tpu.dma_semaphore, #tpu.memory_space<semaphore_mem>>
      %dma_wait3A_534 = tpu.memref_squeeze %dma_wait3A_533 : memref<1x!tpu.dma_semaphore, #tpu.memory_space<semaphore_mem>> -> memref<!tpu.dma_semaphore, #tpu.memory_space<semaphore_mem>>
      tpu.wait_indirect_dma semaphore(%dma_wait3A_534 : memref<!tpu.dma_semaphore, #tpu.memory_space<semaphore_mem>>) src(%dma_wait3A_532 : memref<10000x128xf32, #tpu.memory_space<hbm>>) dst(%dma_wait3A_526 : memref<32x128xf32, #tpu.memory_space<vmem>>)
      %run_scoped3A_535 = arith.constant 1 : i32
      %run_scoped3A_536 = arith.constant 9 : i32
      "tpu.region"() ({
        %run_scoped3A_679 = tpu.sem_alloc : memref<!tpu.dma_semaphore, #tpu.memory_space<semaphore_mem>>
        %dma_start3A_680 = arith.constant 0 : i32
        %dma_start3A_681 = arith.constant 0 : i32
        %dma_start3A_682 = tpu.memref_slice %arg8[%run_scoped3A_535, %dma_start3A_680, %dma_start3A_681] : memref<8x32x128xf32, #tpu.memory_space<vmem>> -> memref<1x32x128xf32, #tpu.memory_space<vmem>>
        %dma_start3A_683 = tpu.memref_squeeze %dma_start3A_682 : memref<1x32x128xf32, #tpu.memory_space<vmem>> -> memref<32x128xf32, #tpu.memory_space<vmem>>
        %dma_start3A_684 = arith.constant 0 : i32
        %dma_start3A_685 = tpu.memref_slice %arg7[%rem3A_239, %run_scoped3A_536, %dma_start3A_684] : memref<2x16x32xi32, #tpu.memory_space<vmem>> -> memref<1x1x32xi32, #tpu.memory_space<vmem>>
        %dma_start3A_686 = tpu.memref_squeeze %dma_start3A_685 : memref<1x1x32xi32, #tpu.memory_space<vmem>> -> memref<32xi32, #tpu.memory_space<vmem>>
        %dma_start3A_687 = arith.constant 0 : i32
        %dma_start3A_688 = arith.constant 0 : i32
        %dma_start3A_689 = tpu.memref_slice %arg9[%dma_start3A_687, %dma_start3A_688] : memref<10240x128xf32, #tpu.memory_space<vmem_shared>> -> memref<10240x128xf32, #tpu.memory_space<vmem_shared>>
        tpu.enqueue_indirect_dma source(%dma_start3A_683 : memref<32x128xf32, #tpu.memory_space<vmem>>) target(%dma_start3A_689 : memref<10240x128xf32, #tpu.memory_space<vmem_shared>>) offsets(%dma_start3A_686 : memref<32xi32, #tpu.memory_space<vmem>>) semaphore(%run_scoped3A_679 : memref<!tpu.dma_semaphore, #tpu.memory_space<semaphore_mem>>) {add = true}
        %dma_wait3A_690 = arith.constant 0 : i32
        %dma_wait3A_691 = arith.constant 0 : i32
        %dma_wait3A_692 = tpu.memref_slice %arg8[%run_scoped3A_535, %dma_wait3A_690, %dma_wait3A_691] : memref<8x32x128xf32, #tpu.memory_space<vmem>> -> memref<1x32x128xf32, #tpu.memory_space<vmem>>
        %dma_wait3A_693 = tpu.memref_squeeze %dma_wait3A_692 : memref<1x32x128xf32, #tpu.memory_space<vmem>> -> memref<32x128xf32, #tpu.memory_space<vmem>>
        %dma_wait3A_694 = arith.constant 0 : i32
        %dma_wait3A_695 = tpu.memref_slice %arg7[%rem3A_239, %run_scoped3A_536, %dma_wait3A_694] : memref<2x16x32xi32, #tpu.memory_space<vmem>> -> memref<1x1x32xi32, #tpu.memory_space<vmem>>
        %dma_wait3A_696 = tpu.memref_squeeze %dma_wait3A_695 : memref<1x1x32xi32, #tpu.memory_space<vmem>> -> memref<32xi32, #tpu.memory_space<vmem>>
        %dma_wait3A_697 = arith.constant 0 : i32
        %dma_wait3A_698 = arith.constant 0 : i32
        %dma_wait3A_699 = tpu.memref_slice %arg9[%dma_wait3A_697, %dma_wait3A_698] : memref<10240x128xf32, #tpu.memory_space<vmem_shared>> -> memref<10240x128xf32, #tpu.memory_space<vmem_shared>>
        tpu.wait_indirect_dma semaphore(%run_scoped3A_679 : memref<!tpu.dma_semaphore, #tpu.memory_space<semaphore_mem>>) src(%dma_wait3A_693 : memref<32x128xf32, #tpu.memory_space<vmem>>) dst(%dma_wait3A_699 : memref<10240x128xf32, #tpu.memory_space<vmem_shared>>)
        tpu.yield
      }) : () -> ()
      %lt3A_537 = arith.constant 19 : i32
      %lt3A_538 = arith.cmpi slt, %add3A_238, %lt3A_537 : i32
      %convert_element_type3A_539 = arith.extui %lt3A_538 : i1 to i32
      %cond3A_540 = arith.constant 0 : i32
      %cond3A_541 = arith.cmpi ne, %convert_element_type3A_539, %cond3A_540 : i32
      scf.if %cond3A_541 {
        %dma_start3A_679 = arith.constant 1 : i32
        %dma_start3A_680 = arith.constant 1 : i32
        %dma_start3A_681 = arith.constant 1 : i32
        %dma_start3A_682 = arith.constant 0 : i32
        %dma_start3A_683 = arith.constant 0 : i32
        %dma_start3A_684 = tpu.memref_slice %arg8[%dma_start3A_680, %dma_start3A_682, %dma_start3A_683] : memref<8x32x128xf32, #tpu.memory_space<vmem>> -> memref<1x32x128xf32, #tpu.memory_space<vmem>>
        %dma_start3A_685 = tpu.memref_squeeze %dma_start3A_684 : memref<1x32x128xf32, #tpu.memory_space<vmem>> -> memref<32x128xf32, #tpu.memory_space<vmem>>
        %dma_start3A_686 = arith.constant 0 : i32
        %dma_start3A_687 = tpu.memref_slice %arg6[%sub3A_240, %dma_start3A_679, %dma_start3A_686] : memref<2x16x32xi32, #tpu.memory_space<vmem>> -> memref<1x1x32xi32, #tpu.memory_space<vmem>>
        %dma_start3A_688 = tpu.memref_squeeze %dma_start3A_687 : memref<1x1x32xi32, #tpu.memory_space<vmem>> -> memref<32xi32, #tpu.memory_space<vmem>>
        %dma_start3A_689 = arith.constant 0 : i32
        %dma_start3A_690 = arith.constant 0 : i32
        %dma_start3A_691 = tpu.memref_slice %arg2[%dma_start3A_689, %dma_start3A_690] : memref<10000x128xf32, #tpu.memory_space<hbm>> -> memref<10000x128xf32, #tpu.memory_space<hbm>>
        %dma_start3A_692 = tpu.memref_slice %arg10[%dma_start3A_681] : memref<8x!tpu.dma_semaphore, #tpu.memory_space<semaphore_mem>> -> memref<1x!tpu.dma_semaphore, #tpu.memory_space<semaphore_mem>>
        %dma_start3A_693 = tpu.memref_squeeze %dma_start3A_692 : memref<1x!tpu.dma_semaphore, #tpu.memory_space<semaphore_mem>> -> memref<!tpu.dma_semaphore, #tpu.memory_space<semaphore_mem>>
        tpu.enqueue_indirect_dma source(%dma_start3A_691 : memref<10000x128xf32, #tpu.memory_space<hbm>>) target(%dma_start3A_685 : memref<32x128xf32, #tpu.memory_space<vmem>>) offsets(%dma_start3A_688 : memref<32xi32, #tpu.memory_space<vmem>>) semaphore(%dma_start3A_693 : memref<!tpu.dma_semaphore, #tpu.memory_space<semaphore_mem>>)
      } else {
      }
      %dma_wait3A_542 = arith.constant 10 : i32
      %dma_wait3A_543 = arith.constant 2 : i32
      %dma_wait3A_544 = arith.constant 2 : i32
      %dma_wait3A_545 = arith.constant 0 : i32
      %dma_wait3A_546 = arith.constant 0 : i32
      %dma_wait3A_547 = tpu.memref_slice %arg8[%dma_wait3A_543, %dma_wait3A_545, %dma_wait3A_546] : memref<8x32x128xf32, #tpu.memory_space<vmem>> -> memref<1x32x128xf32, #tpu.memory_space<vmem>>
      %dma_wait3A_548 = tpu.memref_squeeze %dma_wait3A_547 : memref<1x32x128xf32, #tpu.memory_space<vmem>> -> memref<32x128xf32, #tpu.memory_space<vmem>>
      %dma_wait3A_549 = arith.constant 0 : i32
      %dma_wait3A_550 = tpu.memref_slice %arg6[%rem3A_239, %dma_wait3A_542, %dma_wait3A_549] : memref<2x16x32xi32, #tpu.memory_space<vmem>> -> memref<1x1x32xi32, #tpu.memory_space<vmem>>
      %dma_wait3A_551 = tpu.memref_squeeze %dma_wait3A_550 : memref<1x1x32xi32, #tpu.memory_space<vmem>> -> memref<32xi32, #tpu.memory_space<vmem>>
      %dma_wait3A_552 = arith.constant 0 : i32
      %dma_wait3A_553 = arith.constant 0 : i32
      %dma_wait3A_554 = tpu.memref_slice %arg2[%dma_wait3A_552, %dma_wait3A_553] : memref<10000x128xf32, #tpu.memory_space<hbm>> -> memref<10000x128xf32, #tpu.memory_space<hbm>>
      %dma_wait3A_555 = tpu.memref_slice %arg10[%dma_wait3A_544] : memref<8x!tpu.dma_semaphore, #tpu.memory_space<semaphore_mem>> -> memref<1x!tpu.dma_semaphore, #tpu.memory_space<semaphore_mem>>
      %dma_wait3A_556 = tpu.memref_squeeze %dma_wait3A_555 : memref<1x!tpu.dma_semaphore, #tpu.memory_space<semaphore_mem>> -> memref<!tpu.dma_semaphore, #tpu.memory_space<semaphore_mem>>
      tpu.wait_indirect_dma semaphore(%dma_wait3A_556 : memref<!tpu.dma_semaphore, #tpu.memory_space<semaphore_mem>>) src(%dma_wait3A_554 : memref<10000x128xf32, #tpu.memory_space<hbm>>) dst(%dma_wait3A_548 : memref<32x128xf32, #tpu.memory_space<vmem>>)
      %run_scoped3A_557 = arith.constant 2 : i32
      %run_scoped3A_558 = arith.constant 10 : i32
      "tpu.region"() ({
        %run_scoped3A_679 = tpu.sem_alloc : memref<!tpu.dma_semaphore, #tpu.memory_space<semaphore_mem>>
        %dma_start3A_680 = arith.constant 0 : i32
        %dma_start3A_681 = arith.constant 0 : i32
        %dma_start3A_682 = tpu.memref_slice %arg8[%run_scoped3A_557, %dma_start3A_680, %dma_start3A_681] : memref<8x32x128xf32, #tpu.memory_space<vmem>> -> memref<1x32x128xf32, #tpu.memory_space<vmem>>
        %dma_start3A_683 = tpu.memref_squeeze %dma_start3A_682 : memref<1x32x128xf32, #tpu.memory_space<vmem>> -> memref<32x128xf32, #tpu.memory_space<vmem>>
        %dma_start3A_684 = arith.constant 0 : i32
        %dma_start3A_685 = tpu.memref_slice %arg7[%rem3A_239, %run_scoped3A_558, %dma_start3A_684] : memref<2x16x32xi32, #tpu.memory_space<vmem>> -> memref<1x1x32xi32, #tpu.memory_space<vmem>>
        %dma_start3A_686 = tpu.memref_squeeze %dma_start3A_685 : memref<1x1x32xi32, #tpu.memory_space<vmem>> -> memref<32xi32, #tpu.memory_space<vmem>>
        %dma_start3A_687 = arith.constant 0 : i32
        %dma_start3A_688 = arith.constant 0 : i32
        %dma_start3A_689 = tpu.memref_slice %arg9[%dma_start3A_687, %dma_start3A_688] : memref<10240x128xf32, #tpu.memory_space<vmem_shared>> -> memref<10240x128xf32, #tpu.memory_space<vmem_shared>>
        tpu.enqueue_indirect_dma source(%dma_start3A_683 : memref<32x128xf32, #tpu.memory_space<vmem>>) target(%dma_start3A_689 : memref<10240x128xf32, #tpu.memory_space<vmem_shared>>) offsets(%dma_start3A_686 : memref<32xi32, #tpu.memory_space<vmem>>) semaphore(%run_scoped3A_679 : memref<!tpu.dma_semaphore, #tpu.memory_space<semaphore_mem>>) {add = true}
        %dma_wait3A_690 = arith.constant 0 : i32
        %dma_wait3A_691 = arith.constant 0 : i32
        %dma_wait3A_692 = tpu.memref_slice %arg8[%run_scoped3A_557, %dma_wait3A_690, %dma_wait3A_691] : memref<8x32x128xf32, #tpu.memory_space<vmem>> -> memref<1x32x128xf32, #tpu.memory_space<vmem>>
        %dma_wait3A_693 = tpu.memref_squeeze %dma_wait3A_692 : memref<1x32x128xf32, #tpu.memory_space<vmem>> -> memref<32x128xf32, #tpu.memory_space<vmem>>
        %dma_wait3A_694 = arith.constant 0 : i32
        %dma_wait3A_695 = tpu.memref_slice %arg7[%rem3A_239, %run_scoped3A_558, %dma_wait3A_694] : memref<2x16x32xi32, #tpu.memory_space<vmem>> -> memref<1x1x32xi32, #tpu.memory_space<vmem>>
        %dma_wait3A_696 = tpu.memref_squeeze %dma_wait3A_695 : memref<1x1x32xi32, #tpu.memory_space<vmem>> -> memref<32xi32, #tpu.memory_space<vmem>>
        %dma_wait3A_697 = arith.constant 0 : i32
        %dma_wait3A_698 = arith.constant 0 : i32
        %dma_wait3A_699 = tpu.memref_slice %arg9[%dma_wait3A_697, %dma_wait3A_698] : memref<10240x128xf32, #tpu.memory_space<vmem_shared>> -> memref<10240x128xf32, #tpu.memory_space<vmem_shared>>
        tpu.wait_indirect_dma semaphore(%run_scoped3A_679 : memref<!tpu.dma_semaphore, #tpu.memory_space<semaphore_mem>>) src(%dma_wait3A_693 : memref<32x128xf32, #tpu.memory_space<vmem>>) dst(%dma_wait3A_699 : memref<10240x128xf32, #tpu.memory_space<vmem_shared>>)
        tpu.yield
      }) : () -> ()
      %lt3A_559 = arith.constant 19 : i32
      %lt3A_560 = arith.cmpi slt, %add3A_238, %lt3A_559 : i32
      %convert_element_type3A_561 = arith.extui %lt3A_560 : i1 to i32
      %cond3A_562 = arith.constant 0 : i32
      %cond3A_563 = arith.cmpi ne, %convert_element_type3A_561, %cond3A_562 : i32
      scf.if %cond3A_563 {
        %dma_start3A_679 = arith.constant 2 : i32
        %dma_start3A_680 = arith.constant 2 : i32
        %dma_start3A_681 = arith.constant 2 : i32
        %dma_start3A_682 = arith.constant 0 : i32
        %dma_start3A_683 = arith.constant 0 : i32
        %dma_start3A_684 = tpu.memref_slice %arg8[%dma_start3A_680, %dma_start3A_682, %dma_start3A_683] : memref<8x32x128xf32, #tpu.memory_space<vmem>> -> memref<1x32x128xf32, #tpu.memory_space<vmem>>
        %dma_start3A_685 = tpu.memref_squeeze %dma_start3A_684 : memref<1x32x128xf32, #tpu.memory_space<vmem>> -> memref<32x128xf32, #tpu.memory_space<vmem>>
        %dma_start3A_686 = arith.constant 0 : i32
        %dma_start3A_687 = tpu.memref_slice %arg6[%sub3A_240, %dma_start3A_679, %dma_start3A_686] : memref<2x16x32xi32, #tpu.memory_space<vmem>> -> memref<1x1x32xi32, #tpu.memory_space<vmem>>
        %dma_start3A_688 = tpu.memref_squeeze %dma_start3A_687 : memref<1x1x32xi32, #tpu.memory_space<vmem>> -> memref<32xi32, #tpu.memory_space<vmem>>
        %dma_start3A_689 = arith.constant 0 : i32
        %dma_start3A_690 = arith.constant 0 : i32
        %dma_start3A_691 = tpu.memref_slice %arg2[%dma_start3A_689, %dma_start3A_690] : memref<10000x128xf32, #tpu.memory_space<hbm>> -> memref<10000x128xf32, #tpu.memory_space<hbm>>
        %dma_start3A_692 = tpu.memref_slice %arg10[%dma_start3A_681] : memref<8x!tpu.dma_semaphore, #tpu.memory_space<semaphore_mem>> -> memref<1x!tpu.dma_semaphore, #tpu.memory_space<semaphore_mem>>
        %dma_start3A_693 = tpu.memref_squeeze %dma_start3A_692 : memref<1x!tpu.dma_semaphore, #tpu.memory_space<semaphore_mem>> -> memref<!tpu.dma_semaphore, #tpu.memory_space<semaphore_mem>>
        tpu.enqueue_indirect_dma source(%dma_start3A_691 : memref<10000x128xf32, #tpu.memory_space<hbm>>) target(%dma_start3A_685 : memref<32x128xf32, #tpu.memory_space<vmem>>) offsets(%dma_start3A_688 : memref<32xi32, #tpu.memory_space<vmem>>) semaphore(%dma_start3A_693 : memref<!tpu.dma_semaphore, #tpu.memory_space<semaphore_mem>>)
      } else {
      }
      %dma_wait3A_564 = arith.constant 11 : i32
      %dma_wait3A_565 = arith.constant 3 : i32
      %dma_wait3A_566 = arith.constant 3 : i32
      %dma_wait3A_567 = arith.constant 0 : i32
      %dma_wait3A_568 = arith.constant 0 : i32
      %dma_wait3A_569 = tpu.memref_slice %arg8[%dma_wait3A_565, %dma_wait3A_567, %dma_wait3A_568] : memref<8x32x128xf32, #tpu.memory_space<vmem>> -> memref<1x32x128xf32, #tpu.memory_space<vmem>>
      %dma_wait3A_570 = tpu.memref_squeeze %dma_wait3A_569 : memref<1x32x128xf32, #tpu.memory_space<vmem>> -> memref<32x128xf32, #tpu.memory_space<vmem>>
      %dma_wait3A_571 = arith.constant 0 : i32
      %dma_wait3A_572 = tpu.memref_slice %arg6[%rem3A_239, %dma_wait3A_564, %dma_wait3A_571] : memref<2x16x32xi32, #tpu.memory_space<vmem>> -> memref<1x1x32xi32, #tpu.memory_space<vmem>>
      %dma_wait3A_573 = tpu.memref_squeeze %dma_wait3A_572 : memref<1x1x32xi32, #tpu.memory_space<vmem>> -> memref<32xi32, #tpu.memory_space<vmem>>
      %dma_wait3A_574 = arith.constant 0 : i32
      %dma_wait3A_575 = arith.constant 0 : i32
      %dma_wait3A_576 = tpu.memref_slice %arg2[%dma_wait3A_574, %dma_wait3A_575] : memref<10000x128xf32, #tpu.memory_space<hbm>> -> memref<10000x128xf32, #tpu.memory_space<hbm>>
      %dma_wait3A_577 = tpu.memref_slice %arg10[%dma_wait3A_566] : memref<8x!tpu.dma_semaphore, #tpu.memory_space<semaphore_mem>> -> memref<1x!tpu.dma_semaphore, #tpu.memory_space<semaphore_mem>>
      %dma_wait3A_578 = tpu.memref_squeeze %dma_wait3A_577 : memref<1x!tpu.dma_semaphore, #tpu.memory_space<semaphore_mem>> -> memref<!tpu.dma_semaphore, #tpu.memory_space<semaphore_mem>>
      tpu.wait_indirect_dma semaphore(%dma_wait3A_578 : memref<!tpu.dma_semaphore, #tpu.memory_space<semaphore_mem>>) src(%dma_wait3A_576 : memref<10000x128xf32, #tpu.memory_space<hbm>>) dst(%dma_wait3A_570 : memref<32x128xf32, #tpu.memory_space<vmem>>)
      %run_scoped3A_579 = arith.constant 3 : i32
      %run_scoped3A_580 = arith.constant 11 : i32
      "tpu.region"() ({
        %run_scoped3A_679 = tpu.sem_alloc : memref<!tpu.dma_semaphore, #tpu.memory_space<semaphore_mem>>
        %dma_start3A_680 = arith.constant 0 : i32
        %dma_start3A_681 = arith.constant 0 : i32
        %dma_start3A_682 = tpu.memref_slice %arg8[%run_scoped3A_579, %dma_start3A_680, %dma_start3A_681] : memref<8x32x128xf32, #tpu.memory_space<vmem>> -> memref<1x32x128xf32, #tpu.memory_space<vmem>>
        %dma_start3A_683 = tpu.memref_squeeze %dma_start3A_682 : memref<1x32x128xf32, #tpu.memory_space<vmem>> -> memref<32x128xf32, #tpu.memory_space<vmem>>
        %dma_start3A_684 = arith.constant 0 : i32
        %dma_start3A_685 = tpu.memref_slice %arg7[%rem3A_239, %run_scoped3A_580, %dma_start3A_684] : memref<2x16x32xi32, #tpu.memory_space<vmem>> -> memref<1x1x32xi32, #tpu.memory_space<vmem>>
        %dma_start3A_686 = tpu.memref_squeeze %dma_start3A_685 : memref<1x1x32xi32, #tpu.memory_space<vmem>> -> memref<32xi32, #tpu.memory_space<vmem>>
        %dma_start3A_687 = arith.constant 0 : i32
        %dma_start3A_688 = arith.constant 0 : i32
        %dma_start3A_689 = tpu.memref_slice %arg9[%dma_start3A_687, %dma_start3A_688] : memref<10240x128xf32, #tpu.memory_space<vmem_shared>> -> memref<10240x128xf32, #tpu.memory_space<vmem_shared>>
        tpu.enqueue_indirect_dma source(%dma_start3A_683 : memref<32x128xf32, #tpu.memory_space<vmem>>) target(%dma_start3A_689 : memref<10240x128xf32, #tpu.memory_space<vmem_shared>>) offsets(%dma_start3A_686 : memref<32xi32, #tpu.memory_space<vmem>>) semaphore(%run_scoped3A_679 : memref<!tpu.dma_semaphore, #tpu.memory_space<semaphore_mem>>) {add = true}
        %dma_wait3A_690 = arith.constant 0 : i32
        %dma_wait3A_691 = arith.constant 0 : i32
        %dma_wait3A_692 = tpu.memref_slice %arg8[%run_scoped3A_579, %dma_wait3A_690, %dma_wait3A_691] : memref<8x32x128xf32, #tpu.memory_space<vmem>> -> memref<1x32x128xf32, #tpu.memory_space<vmem>>
        %dma_wait3A_693 = tpu.memref_squeeze %dma_wait3A_692 : memref<1x32x128xf32, #tpu.memory_space<vmem>> -> memref<32x128xf32, #tpu.memory_space<vmem>>
        %dma_wait3A_694 = arith.constant 0 : i32
        %dma_wait3A_695 = tpu.memref_slice %arg7[%rem3A_239, %run_scoped3A_580, %dma_wait3A_694] : memref<2x16x32xi32, #tpu.memory_space<vmem>> -> memref<1x1x32xi32, #tpu.memory_space<vmem>>
        %dma_wait3A_696 = tpu.memref_squeeze %dma_wait3A_695 : memref<1x1x32xi32, #tpu.memory_space<vmem>> -> memref<32xi32, #tpu.memory_space<vmem>>
        %dma_wait3A_697 = arith.constant 0 : i32
        %dma_wait3A_698 = arith.constant 0 : i32
        %dma_wait3A_699 = tpu.memref_slice %arg9[%dma_wait3A_697, %dma_wait3A_698] : memref<10240x128xf32, #tpu.memory_space<vmem_shared>> -> memref<10240x128xf32, #tpu.memory_space<vmem_shared>>
        tpu.wait_indirect_dma semaphore(%run_scoped3A_679 : memref<!tpu.dma_semaphore, #tpu.memory_space<semaphore_mem>>) src(%dma_wait3A_693 : memref<32x128xf32, #tpu.memory_space<vmem>>) dst(%dma_wait3A_699 : memref<10240x128xf32, #tpu.memory_space<vmem_shared>>)
        tpu.yield
      }) : () -> ()
      %lt3A_581 = arith.constant 19 : i32
      %lt3A_582 = arith.cmpi slt, %add3A_238, %lt3A_581 : i32
      %convert_element_type3A_583 = arith.extui %lt3A_582 : i1 to i32
      %cond3A_584 = arith.constant 0 : i32
      %cond3A_585 = arith.cmpi ne, %convert_element_type3A_583, %cond3A_584 : i32
      scf.if %cond3A_585 {
        %dma_start3A_679 = arith.constant 3 : i32
        %dma_start3A_680 = arith.constant 3 : i32
        %dma_start3A_681 = arith.constant 3 : i32
        %dma_start3A_682 = arith.constant 0 : i32
        %dma_start3A_683 = arith.constant 0 : i32
        %dma_start3A_684 = tpu.memref_slice %arg8[%dma_start3A_680, %dma_start3A_682, %dma_start3A_683] : memref<8x32x128xf32, #tpu.memory_space<vmem>> -> memref<1x32x128xf32, #tpu.memory_space<vmem>>
        %dma_start3A_685 = tpu.memref_squeeze %dma_start3A_684 : memref<1x32x128xf32, #tpu.memory_space<vmem>> -> memref<32x128xf32, #tpu.memory_space<vmem>>
        %dma_start3A_686 = arith.constant 0 : i32
        %dma_start3A_687 = tpu.memref_slice %arg6[%sub3A_240, %dma_start3A_679, %dma_start3A_686] : memref<2x16x32xi32, #tpu.memory_space<vmem>> -> memref<1x1x32xi32, #tpu.memory_space<vmem>>
        %dma_start3A_688 = tpu.memref_squeeze %dma_start3A_687 : memref<1x1x32xi32, #tpu.memory_space<vmem>> -> memref<32xi32, #tpu.memory_space<vmem>>
        %dma_start3A_689 = arith.constant 0 : i32
        %dma_start3A_690 = arith.constant 0 : i32
        %dma_start3A_691 = tpu.memref_slice %arg2[%dma_start3A_689, %dma_start3A_690] : memref<10000x128xf32, #tpu.memory_space<hbm>> -> memref<10000x128xf32, #tpu.memory_space<hbm>>
        %dma_start3A_692 = tpu.memref_slice %arg10[%dma_start3A_681] : memref<8x!tpu.dma_semaphore, #tpu.memory_space<semaphore_mem>> -> memref<1x!tpu.dma_semaphore, #tpu.memory_space<semaphore_mem>>
        %dma_start3A_693 = tpu.memref_squeeze %dma_start3A_692 : memref<1x!tpu.dma_semaphore, #tpu.memory_space<semaphore_mem>> -> memref<!tpu.dma_semaphore, #tpu.memory_space<semaphore_mem>>
        tpu.enqueue_indirect_dma source(%dma_start3A_691 : memref<10000x128xf32, #tpu.memory_space<hbm>>) target(%dma_start3A_685 : memref<32x128xf32, #tpu.memory_space<vmem>>) offsets(%dma_start3A_688 : memref<32xi32, #tpu.memory_space<vmem>>) semaphore(%dma_start3A_693 : memref<!tpu.dma_semaphore, #tpu.memory_space<semaphore_mem>>)
      } else {
      }
      %dma_wait3A_586 = arith.constant 12 : i32
      %dma_wait3A_587 = arith.constant 4 : i32
      %dma_wait3A_588 = arith.constant 4 : i32
      %dma_wait3A_589 = arith.constant 0 : i32
      %dma_wait3A_590 = arith.constant 0 : i32
      %dma_wait3A_591 = tpu.memref_slice %arg8[%dma_wait3A_587, %dma_wait3A_589, %dma_wait3A_590] : memref<8x32x128xf32, #tpu.memory_space<vmem>> -> memref<1x32x128xf32, #tpu.memory_space<vmem>>
      %dma_wait3A_592 = tpu.memref_squeeze %dma_wait3A_591 : memref<1x32x128xf32, #tpu.memory_space<vmem>> -> memref<32x128xf32, #tpu.memory_space<vmem>>
      %dma_wait3A_593 = arith.constant 0 : i32
      %dma_wait3A_594 = tpu.memref_slice %arg6[%rem3A_239, %dma_wait3A_586, %dma_wait3A_593] : memref<2x16x32xi32, #tpu.memory_space<vmem>> -> memref<1x1x32xi32, #tpu.memory_space<vmem>>
      %dma_wait3A_595 = tpu.memref_squeeze %dma_wait3A_594 : memref<1x1x32xi32, #tpu.memory_space<vmem>> -> memref<32xi32, #tpu.memory_space<vmem>>
      %dma_wait3A_596 = arith.constant 0 : i32
      %dma_wait3A_597 = arith.constant 0 : i32
      %dma_wait3A_598 = tpu.memref_slice %arg2[%dma_wait3A_596, %dma_wait3A_597] : memref<10000x128xf32, #tpu.memory_space<hbm>> -> memref<10000x128xf32, #tpu.memory_space<hbm>>
      %dma_wait3A_599 = tpu.memref_slice %arg10[%dma_wait3A_588] : memref<8x!tpu.dma_semaphore, #tpu.memory_space<semaphore_mem>> -> memref<1x!tpu.dma_semaphore, #tpu.memory_space<semaphore_mem>>
      %dma_wait3A_600 = tpu.memref_squeeze %dma_wait3A_599 : memref<1x!tpu.dma_semaphore, #tpu.memory_space<semaphore_mem>> -> memref<!tpu.dma_semaphore, #tpu.memory_space<semaphore_mem>>
      tpu.wait_indirect_dma semaphore(%dma_wait3A_600 : memref<!tpu.dma_semaphore, #tpu.memory_space<semaphore_mem>>) src(%dma_wait3A_598 : memref<10000x128xf32, #tpu.memory_space<hbm>>) dst(%dma_wait3A_592 : memref<32x128xf32, #tpu.memory_space<vmem>>)
      %run_scoped3A_601 = arith.constant 4 : i32
      %run_scoped3A_602 = arith.constant 12 : i32
      "tpu.region"() ({
        %run_scoped3A_679 = tpu.sem_alloc : memref<!tpu.dma_semaphore, #tpu.memory_space<semaphore_mem>>
        %dma_start3A_680 = arith.constant 0 : i32
        %dma_start3A_681 = arith.constant 0 : i32
        %dma_start3A_682 = tpu.memref_slice %arg8[%run_scoped3A_601, %dma_start3A_680, %dma_start3A_681] : memref<8x32x128xf32, #tpu.memory_space<vmem>> -> memref<1x32x128xf32, #tpu.memory_space<vmem>>
        %dma_start3A_683 = tpu.memref_squeeze %dma_start3A_682 : memref<1x32x128xf32, #tpu.memory_space<vmem>> -> memref<32x128xf32, #tpu.memory_space<vmem>>
        %dma_start3A_684 = arith.constant 0 : i32
        %dma_start3A_685 = tpu.memref_slice %arg7[%rem3A_239, %run_scoped3A_602, %dma_start3A_684] : memref<2x16x32xi32, #tpu.memory_space<vmem>> -> memref<1x1x32xi32, #tpu.memory_space<vmem>>
        %dma_start3A_686 = tpu.memref_squeeze %dma_start3A_685 : memref<1x1x32xi32, #tpu.memory_space<vmem>> -> memref<32xi32, #tpu.memory_space<vmem>>
        %dma_start3A_687 = arith.constant 0 : i32
        %dma_start3A_688 = arith.constant 0 : i32
        %dma_start3A_689 = tpu.memref_slice %arg9[%dma_start3A_687, %dma_start3A_688] : memref<10240x128xf32, #tpu.memory_space<vmem_shared>> -> memref<10240x128xf32, #tpu.memory_space<vmem_shared>>
        tpu.enqueue_indirect_dma source(%dma_start3A_683 : memref<32x128xf32, #tpu.memory_space<vmem>>) target(%dma_start3A_689 : memref<10240x128xf32, #tpu.memory_space<vmem_shared>>) offsets(%dma_start3A_686 : memref<32xi32, #tpu.memory_space<vmem>>) semaphore(%run_scoped3A_679 : memref<!tpu.dma_semaphore, #tpu.memory_space<semaphore_mem>>) {add = true}
        %dma_wait3A_690 = arith.constant 0 : i32
        %dma_wait3A_691 = arith.constant 0 : i32
        %dma_wait3A_692 = tpu.memref_slice %arg8[%run_scoped3A_601, %dma_wait3A_690, %dma_wait3A_691] : memref<8x32x128xf32, #tpu.memory_space<vmem>> -> memref<1x32x128xf32, #tpu.memory_space<vmem>>
        %dma_wait3A_693 = tpu.memref_squeeze %dma_wait3A_692 : memref<1x32x128xf32, #tpu.memory_space<vmem>> -> memref<32x128xf32, #tpu.memory_space<vmem>>
        %dma_wait3A_694 = arith.constant 0 : i32
        %dma_wait3A_695 = tpu.memref_slice %arg7[%rem3A_239, %run_scoped3A_602, %dma_wait3A_694] : memref<2x16x32xi32, #tpu.memory_space<vmem>> -> memref<1x1x32xi32, #tpu.memory_space<vmem>>
        %dma_wait3A_696 = tpu.memref_squeeze %dma_wait3A_695 : memref<1x1x32xi32, #tpu.memory_space<vmem>> -> memref<32xi32, #tpu.memory_space<vmem>>
        %dma_wait3A_697 = arith.constant 0 : i32
        %dma_wait3A_698 = arith.constant 0 : i32
        %dma_wait3A_699 = tpu.memref_slice %arg9[%dma_wait3A_697, %dma_wait3A_698] : memref<10240x128xf32, #tpu.memory_space<vmem_shared>> -> memref<10240x128xf32, #tpu.memory_space<vmem_shared>>
        tpu.wait_indirect_dma semaphore(%run_scoped3A_679 : memref<!tpu.dma_semaphore, #tpu.memory_space<semaphore_mem>>) src(%dma_wait3A_693 : memref<32x128xf32, #tpu.memory_space<vmem>>) dst(%dma_wait3A_699 : memref<10240x128xf32, #tpu.memory_space<vmem_shared>>)
        tpu.yield
      }) : () -> ()
      %lt3A_603 = arith.constant 19 : i32
      %lt3A_604 = arith.cmpi slt, %add3A_238, %lt3A_603 : i32
      %convert_element_type3A_605 = arith.extui %lt3A_604 : i1 to i32
      %cond3A_606 = arith.constant 0 : i32
      %cond3A_607 = arith.cmpi ne, %convert_element_type3A_605, %cond3A_606 : i32
      scf.if %cond3A_607 {
        %dma_start3A_679 = arith.constant 4 : i32
        %dma_start3A_680 = arith.constant 4 : i32
        %dma_start3A_681 = arith.constant 4 : i32
        %dma_start3A_682 = arith.constant 0 : i32
        %dma_start3A_683 = arith.constant 0 : i32
        %dma_start3A_684 = tpu.memref_slice %arg8[%dma_start3A_680, %dma_start3A_682, %dma_start3A_683] : memref<8x32x128xf32, #tpu.memory_space<vmem>> -> memref<1x32x128xf32, #tpu.memory_space<vmem>>
        %dma_start3A_685 = tpu.memref_squeeze %dma_start3A_684 : memref<1x32x128xf32, #tpu.memory_space<vmem>> -> memref<32x128xf32, #tpu.memory_space<vmem>>
        %dma_start3A_686 = arith.constant 0 : i32
        %dma_start3A_687 = tpu.memref_slice %arg6[%sub3A_240, %dma_start3A_679, %dma_start3A_686] : memref<2x16x32xi32, #tpu.memory_space<vmem>> -> memref<1x1x32xi32, #tpu.memory_space<vmem>>
        %dma_start3A_688 = tpu.memref_squeeze %dma_start3A_687 : memref<1x1x32xi32, #tpu.memory_space<vmem>> -> memref<32xi32, #tpu.memory_space<vmem>>
        %dma_start3A_689 = arith.constant 0 : i32
        %dma_start3A_690 = arith.constant 0 : i32
        %dma_start3A_691 = tpu.memref_slice %arg2[%dma_start3A_689, %dma_start3A_690] : memref<10000x128xf32, #tpu.memory_space<hbm>> -> memref<10000x128xf32, #tpu.memory_space<hbm>>
        %dma_start3A_692 = tpu.memref_slice %arg10[%dma_start3A_681] : memref<8x!tpu.dma_semaphore, #tpu.memory_space<semaphore_mem>> -> memref<1x!tpu.dma_semaphore, #tpu.memory_space<semaphore_mem>>
        %dma_start3A_693 = tpu.memref_squeeze %dma_start3A_692 : memref<1x!tpu.dma_semaphore, #tpu.memory_space<semaphore_mem>> -> memref<!tpu.dma_semaphore, #tpu.memory_space<semaphore_mem>>
        tpu.enqueue_indirect_dma source(%dma_start3A_691 : memref<10000x128xf32, #tpu.memory_space<hbm>>) target(%dma_start3A_685 : memref<32x128xf32, #tpu.memory_space<vmem>>) offsets(%dma_start3A_688 : memref<32xi32, #tpu.memory_space<vmem>>) semaphore(%dma_start3A_693 : memref<!tpu.dma_semaphore, #tpu.memory_space<semaphore_mem>>)
      } else {
      }
      %dma_wait3A_608 = arith.constant 13 : i32
      %dma_wait3A_609 = arith.constant 5 : i32
      %dma_wait3A_610 = arith.constant 5 : i32
      %dma_wait3A_611 = arith.constant 0 : i32
      %dma_wait3A_612 = arith.constant 0 : i32
      %dma_wait3A_613 = tpu.memref_slice %arg8[%dma_wait3A_609, %dma_wait3A_611, %dma_wait3A_612] : memref<8x32x128xf32, #tpu.memory_space<vmem>> -> memref<1x32x128xf32, #tpu.memory_space<vmem>>
      %dma_wait3A_614 = tpu.memref_squeeze %dma_wait3A_613 : memref<1x32x128xf32, #tpu.memory_space<vmem>> -> memref<32x128xf32, #tpu.memory_space<vmem>>
      %dma_wait3A_615 = arith.constant 0 : i32
      %dma_wait3A_616 = tpu.memref_slice %arg6[%rem3A_239, %dma_wait3A_608, %dma_wait3A_615] : memref<2x16x32xi32, #tpu.memory_space<vmem>> -> memref<1x1x32xi32, #tpu.memory_space<vmem>>
      %dma_wait3A_617 = tpu.memref_squeeze %dma_wait3A_616 : memref<1x1x32xi32, #tpu.memory_space<vmem>> -> memref<32xi32, #tpu.memory_space<vmem>>
      %dma_wait3A_618 = arith.constant 0 : i32
      %dma_wait3A_619 = arith.constant 0 : i32
      %dma_wait3A_620 = tpu.memref_slice %arg2[%dma_wait3A_618, %dma_wait3A_619] : memref<10000x128xf32, #tpu.memory_space<hbm>> -> memref<10000x128xf32, #tpu.memory_space<hbm>>
      %dma_wait3A_621 = tpu.memref_slice %arg10[%dma_wait3A_610] : memref<8x!tpu.dma_semaphore, #tpu.memory_space<semaphore_mem>> -> memref<1x!tpu.dma_semaphore, #tpu.memory_space<semaphore_mem>>
      %dma_wait3A_622 = tpu.memref_squeeze %dma_wait3A_621 : memref<1x!tpu.dma_semaphore, #tpu.memory_space<semaphore_mem>> -> memref<!tpu.dma_semaphore, #tpu.memory_space<semaphore_mem>>
      tpu.wait_indirect_dma semaphore(%dma_wait3A_622 : memref<!tpu.dma_semaphore, #tpu.memory_space<semaphore_mem>>) src(%dma_wait3A_620 : memref<10000x128xf32, #tpu.memory_space<hbm>>) dst(%dma_wait3A_614 : memref<32x128xf32, #tpu.memory_space<vmem>>)
      %run_scoped3A_623 = arith.constant 5 : i32
      %run_scoped3A_624 = arith.constant 13 : i32
      "tpu.region"() ({
        %run_scoped3A_679 = tpu.sem_alloc : memref<!tpu.dma_semaphore, #tpu.memory_space<semaphore_mem>>
        %dma_start3A_680 = arith.constant 0 : i32
        %dma_start3A_681 = arith.constant 0 : i32
        %dma_start3A_682 = tpu.memref_slice %arg8[%run_scoped3A_623, %dma_start3A_680, %dma_start3A_681] : memref<8x32x128xf32, #tpu.memory_space<vmem>> -> memref<1x32x128xf32, #tpu.memory_space<vmem>>
        %dma_start3A_683 = tpu.memref_squeeze %dma_start3A_682 : memref<1x32x128xf32, #tpu.memory_space<vmem>> -> memref<32x128xf32, #tpu.memory_space<vmem>>
        %dma_start3A_684 = arith.constant 0 : i32
        %dma_start3A_685 = tpu.memref_slice %arg7[%rem3A_239, %run_scoped3A_624, %dma_start3A_684] : memref<2x16x32xi32, #tpu.memory_space<vmem>> -> memref<1x1x32xi32, #tpu.memory_space<vmem>>
        %dma_start3A_686 = tpu.memref_squeeze %dma_start3A_685 : memref<1x1x32xi32, #tpu.memory_space<vmem>> -> memref<32xi32, #tpu.memory_space<vmem>>
        %dma_start3A_687 = arith.constant 0 : i32
        %dma_start3A_688 = arith.constant 0 : i32
        %dma_start3A_689 = tpu.memref_slice %arg9[%dma_start3A_687, %dma_start3A_688] : memref<10240x128xf32, #tpu.memory_space<vmem_shared>> -> memref<10240x128xf32, #tpu.memory_space<vmem_shared>>
        tpu.enqueue_indirect_dma source(%dma_start3A_683 : memref<32x128xf32, #tpu.memory_space<vmem>>) target(%dma_start3A_689 : memref<10240x128xf32, #tpu.memory_space<vmem_shared>>) offsets(%dma_start3A_686 : memref<32xi32, #tpu.memory_space<vmem>>) semaphore(%run_scoped3A_679 : memref<!tpu.dma_semaphore, #tpu.memory_space<semaphore_mem>>) {add = true}
        %dma_wait3A_690 = arith.constant 0 : i32
        %dma_wait3A_691 = arith.constant 0 : i32
        %dma_wait3A_692 = tpu.memref_slice %arg8[%run_scoped3A_623, %dma_wait3A_690, %dma_wait3A_691] : memref<8x32x128xf32, #tpu.memory_space<vmem>> -> memref<1x32x128xf32, #tpu.memory_space<vmem>>
        %dma_wait3A_693 = tpu.memref_squeeze %dma_wait3A_692 : memref<1x32x128xf32, #tpu.memory_space<vmem>> -> memref<32x128xf32, #tpu.memory_space<vmem>>
        %dma_wait3A_694 = arith.constant 0 : i32
        %dma_wait3A_695 = tpu.memref_slice %arg7[%rem3A_239, %run_scoped3A_624, %dma_wait3A_694] : memref<2x16x32xi32, #tpu.memory_space<vmem>> -> memref<1x1x32xi32, #tpu.memory_space<vmem>>
        %dma_wait3A_696 = tpu.memref_squeeze %dma_wait3A_695 : memref<1x1x32xi32, #tpu.memory_space<vmem>> -> memref<32xi32, #tpu.memory_space<vmem>>
        %dma_wait3A_697 = arith.constant 0 : i32
        %dma_wait3A_698 = arith.constant 0 : i32
        %dma_wait3A_699 = tpu.memref_slice %arg9[%dma_wait3A_697, %dma_wait3A_698] : memref<10240x128xf32, #tpu.memory_space<vmem_shared>> -> memref<10240x128xf32, #tpu.memory_space<vmem_shared>>
        tpu.wait_indirect_dma semaphore(%run_scoped3A_679 : memref<!tpu.dma_semaphore, #tpu.memory_space<semaphore_mem>>) src(%dma_wait3A_693 : memref<32x128xf32, #tpu.memory_space<vmem>>) dst(%dma_wait3A_699 : memref<10240x128xf32, #tpu.memory_space<vmem_shared>>)
        tpu.yield
      }) : () -> ()
      %lt3A_625 = arith.constant 19 : i32
      %lt3A_626 = arith.cmpi slt, %add3A_238, %lt3A_625 : i32
      %convert_element_type3A_627 = arith.extui %lt3A_626 : i1 to i32
      %cond3A_628 = arith.constant 0 : i32
      %cond3A_629 = arith.cmpi ne, %convert_element_type3A_627, %cond3A_628 : i32
      scf.if %cond3A_629 {
        %dma_start3A_679 = arith.constant 5 : i32
        %dma_start3A_680 = arith.constant 5 : i32
        %dma_start3A_681 = arith.constant 5 : i32
        %dma_start3A_682 = arith.constant 0 : i32
        %dma_start3A_683 = arith.constant 0 : i32
        %dma_start3A_684 = tpu.memref_slice %arg8[%dma_start3A_680, %dma_start3A_682, %dma_start3A_683] : memref<8x32x128xf32, #tpu.memory_space<vmem>> -> memref<1x32x128xf32, #tpu.memory_space<vmem>>
        %dma_start3A_685 = tpu.memref_squeeze %dma_start3A_684 : memref<1x32x128xf32, #tpu.memory_space<vmem>> -> memref<32x128xf32, #tpu.memory_space<vmem>>
        %dma_start3A_686 = arith.constant 0 : i32
        %dma_start3A_687 = tpu.memref_slice %arg6[%sub3A_240, %dma_start3A_679, %dma_start3A_686] : memref<2x16x32xi32, #tpu.memory_space<vmem>> -> memref<1x1x32xi32, #tpu.memory_space<vmem>>
        %dma_start3A_688 = tpu.memref_squeeze %dma_start3A_687 : memref<1x1x32xi32, #tpu.memory_space<vmem>> -> memref<32xi32, #tpu.memory_space<vmem>>
        %dma_start3A_689 = arith.constant 0 : i32
        %dma_start3A_690 = arith.constant 0 : i32
        %dma_start3A_691 = tpu.memref_slice %arg2[%dma_start3A_689, %dma_start3A_690] : memref<10000x128xf32, #tpu.memory_space<hbm>> -> memref<10000x128xf32, #tpu.memory_space<hbm>>
        %dma_start3A_692 = tpu.memref_slice %arg10[%dma_start3A_681] : memref<8x!tpu.dma_semaphore, #tpu.memory_space<semaphore_mem>> -> memref<1x!tpu.dma_semaphore, #tpu.memory_space<semaphore_mem>>
        %dma_start3A_693 = tpu.memref_squeeze %dma_start3A_692 : memref<1x!tpu.dma_semaphore, #tpu.memory_space<semaphore_mem>> -> memref<!tpu.dma_semaphore, #tpu.memory_space<semaphore_mem>>
        tpu.enqueue_indirect_dma source(%dma_start3A_691 : memref<10000x128xf32, #tpu.memory_space<hbm>>) target(%dma_start3A_685 : memref<32x128xf32, #tpu.memory_space<vmem>>) offsets(%dma_start3A_688 : memref<32xi32, #tpu.memory_space<vmem>>) semaphore(%dma_start3A_693 : memref<!tpu.dma_semaphore, #tpu.memory_space<semaphore_mem>>)
      } else {
      }
      %dma_wait3A_630 = arith.constant 14 : i32
      %dma_wait3A_631 = arith.constant 6 : i32
      %dma_wait3A_632 = arith.constant 6 : i32
      %dma_wait3A_633 = arith.constant 0 : i32
      %dma_wait3A_634 = arith.constant 0 : i32
      %dma_wait3A_635 = tpu.memref_slice %arg8[%dma_wait3A_631, %dma_wait3A_633, %dma_wait3A_634] : memref<8x32x128xf32, #tpu.memory_space<vmem>> -> memref<1x32x128xf32, #tpu.memory_space<vmem>>
      %dma_wait3A_636 = tpu.memref_squeeze %dma_wait3A_635 : memref<1x32x128xf32, #tpu.memory_space<vmem>> -> memref<32x128xf32, #tpu.memory_space<vmem>>
      %dma_wait3A_637 = arith.constant 0 : i32
      %dma_wait3A_638 = tpu.memref_slice %arg6[%rem3A_239, %dma_wait3A_630, %dma_wait3A_637] : memref<2x16x32xi32, #tpu.memory_space<vmem>> -> memref<1x1x32xi32, #tpu.memory_space<vmem>>
      %dma_wait3A_639 = tpu.memref_squeeze %dma_wait3A_638 : memref<1x1x32xi32, #tpu.memory_space<vmem>> -> memref<32xi32, #tpu.memory_space<vmem>>
      %dma_wait3A_640 = arith.constant 0 : i32
      %dma_wait3A_641 = arith.constant 0 : i32
      %dma_wait3A_642 = tpu.memref_slice %arg2[%dma_wait3A_640, %dma_wait3A_641] : memref<10000x128xf32, #tpu.memory_space<hbm>> -> memref<10000x128xf32, #tpu.memory_space<hbm>>
      %dma_wait3A_643 = tpu.memref_slice %arg10[%dma_wait3A_632] : memref<8x!tpu.dma_semaphore, #tpu.memory_space<semaphore_mem>> -> memref<1x!tpu.dma_semaphore, #tpu.memory_space<semaphore_mem>>
      %dma_wait3A_644 = tpu.memref_squeeze %dma_wait3A_643 : memref<1x!tpu.dma_semaphore, #tpu.memory_space<semaphore_mem>> -> memref<!tpu.dma_semaphore, #tpu.memory_space<semaphore_mem>>
      tpu.wait_indirect_dma semaphore(%dma_wait3A_644 : memref<!tpu.dma_semaphore, #tpu.memory_space<semaphore_mem>>) src(%dma_wait3A_642 : memref<10000x128xf32, #tpu.memory_space<hbm>>) dst(%dma_wait3A_636 : memref<32x128xf32, #tpu.memory_space<vmem>>)
      %run_scoped3A_645 = arith.constant 6 : i32
      %run_scoped3A_646 = arith.constant 14 : i32
      "tpu.region"() ({
        %run_scoped3A_679 = tpu.sem_alloc : memref<!tpu.dma_semaphore, #tpu.memory_space<semaphore_mem>>
        %dma_start3A_680 = arith.constant 0 : i32
        %dma_start3A_681 = arith.constant 0 : i32
        %dma_start3A_682 = tpu.memref_slice %arg8[%run_scoped3A_645, %dma_start3A_680, %dma_start3A_681] : memref<8x32x128xf32, #tpu.memory_space<vmem>> -> memref<1x32x128xf32, #tpu.memory_space<vmem>>
        %dma_start3A_683 = tpu.memref_squeeze %dma_start3A_682 : memref<1x32x128xf32, #tpu.memory_space<vmem>> -> memref<32x128xf32, #tpu.memory_space<vmem>>
        %dma_start3A_684 = arith.constant 0 : i32
        %dma_start3A_685 = tpu.memref_slice %arg7[%rem3A_239, %run_scoped3A_646, %dma_start3A_684] : memref<2x16x32xi32, #tpu.memory_space<vmem>> -> memref<1x1x32xi32, #tpu.memory_space<vmem>>
        %dma_start3A_686 = tpu.memref_squeeze %dma_start3A_685 : memref<1x1x32xi32, #tpu.memory_space<vmem>> -> memref<32xi32, #tpu.memory_space<vmem>>
        %dma_start3A_687 = arith.constant 0 : i32
        %dma_start3A_688 = arith.constant 0 : i32
        %dma_start3A_689 = tpu.memref_slice %arg9[%dma_start3A_687, %dma_start3A_688] : memref<10240x128xf32, #tpu.memory_space<vmem_shared>> -> memref<10240x128xf32, #tpu.memory_space<vmem_shared>>
        tpu.enqueue_indirect_dma source(%dma_start3A_683 : memref<32x128xf32, #tpu.memory_space<vmem>>) target(%dma_start3A_689 : memref<10240x128xf32, #tpu.memory_space<vmem_shared>>) offsets(%dma_start3A_686 : memref<32xi32, #tpu.memory_space<vmem>>) semaphore(%run_scoped3A_679 : memref<!tpu.dma_semaphore, #tpu.memory_space<semaphore_mem>>) {add = true}
        %dma_wait3A_690 = arith.constant 0 : i32
        %dma_wait3A_691 = arith.constant 0 : i32
        %dma_wait3A_692 = tpu.memref_slice %arg8[%run_scoped3A_645, %dma_wait3A_690, %dma_wait3A_691] : memref<8x32x128xf32, #tpu.memory_space<vmem>> -> memref<1x32x128xf32, #tpu.memory_space<vmem>>
        %dma_wait3A_693 = tpu.memref_squeeze %dma_wait3A_692 : memref<1x32x128xf32, #tpu.memory_space<vmem>> -> memref<32x128xf32, #tpu.memory_space<vmem>>
        %dma_wait3A_694 = arith.constant 0 : i32
        %dma_wait3A_695 = tpu.memref_slice %arg7[%rem3A_239, %run_scoped3A_646, %dma_wait3A_694] : memref<2x16x32xi32, #tpu.memory_space<vmem>> -> memref<1x1x32xi32, #tpu.memory_space<vmem>>
        %dma_wait3A_696 = tpu.memref_squeeze %dma_wait3A_695 : memref<1x1x32xi32, #tpu.memory_space<vmem>> -> memref<32xi32, #tpu.memory_space<vmem>>
        %dma_wait3A_697 = arith.constant 0 : i32
        %dma_wait3A_698 = arith.constant 0 : i32
        %dma_wait3A_699 = tpu.memref_slice %arg9[%dma_wait3A_697, %dma_wait3A_698] : memref<10240x128xf32, #tpu.memory_space<vmem_shared>> -> memref<10240x128xf32, #tpu.memory_space<vmem_shared>>
        tpu.wait_indirect_dma semaphore(%run_scoped3A_679 : memref<!tpu.dma_semaphore, #tpu.memory_space<semaphore_mem>>) src(%dma_wait3A_693 : memref<32x128xf32, #tpu.memory_space<vmem>>) dst(%dma_wait3A_699 : memref<10240x128xf32, #tpu.memory_space<vmem_shared>>)
        tpu.yield
      }) : () -> ()
      %lt3A_647 = arith.constant 19 : i32
      %lt3A_648 = arith.cmpi slt, %add3A_238, %lt3A_647 : i32
      %convert_element_type3A_649 = arith.extui %lt3A_648 : i1 to i32
      %cond3A_650 = arith.constant 0 : i32
      %cond3A_651 = arith.cmpi ne, %convert_element_type3A_649, %cond3A_650 : i32
      scf.if %cond3A_651 {
        %dma_start3A_679 = arith.constant 6 : i32
        %dma_start3A_680 = arith.constant 6 : i32
        %dma_start3A_681 = arith.constant 6 : i32
        %dma_start3A_682 = arith.constant 0 : i32
        %dma_start3A_683 = arith.constant 0 : i32
        %dma_start3A_684 = tpu.memref_slice %arg8[%dma_start3A_680, %dma_start3A_682, %dma_start3A_683] : memref<8x32x128xf32, #tpu.memory_space<vmem>> -> memref<1x32x128xf32, #tpu.memory_space<vmem>>
        %dma_start3A_685 = tpu.memref_squeeze %dma_start3A_684 : memref<1x32x128xf32, #tpu.memory_space<vmem>> -> memref<32x128xf32, #tpu.memory_space<vmem>>
        %dma_start3A_686 = arith.constant 0 : i32
        %dma_start3A_687 = tpu.memref_slice %arg6[%sub3A_240, %dma_start3A_679, %dma_start3A_686] : memref<2x16x32xi32, #tpu.memory_space<vmem>> -> memref<1x1x32xi32, #tpu.memory_space<vmem>>
        %dma_start3A_688 = tpu.memref_squeeze %dma_start3A_687 : memref<1x1x32xi32, #tpu.memory_space<vmem>> -> memref<32xi32, #tpu.memory_space<vmem>>
        %dma_start3A_689 = arith.constant 0 : i32
        %dma_start3A_690 = arith.constant 0 : i32
        %dma_start3A_691 = tpu.memref_slice %arg2[%dma_start3A_689, %dma_start3A_690] : memref<10000x128xf32, #tpu.memory_space<hbm>> -> memref<10000x128xf32, #tpu.memory_space<hbm>>
        %dma_start3A_692 = tpu.memref_slice %arg10[%dma_start3A_681] : memref<8x!tpu.dma_semaphore, #tpu.memory_space<semaphore_mem>> -> memref<1x!tpu.dma_semaphore, #tpu.memory_space<semaphore_mem>>
        %dma_start3A_693 = tpu.memref_squeeze %dma_start3A_692 : memref<1x!tpu.dma_semaphore, #tpu.memory_space<semaphore_mem>> -> memref<!tpu.dma_semaphore, #tpu.memory_space<semaphore_mem>>
        tpu.enqueue_indirect_dma source(%dma_start3A_691 : memref<10000x128xf32, #tpu.memory_space<hbm>>) target(%dma_start3A_685 : memref<32x128xf32, #tpu.memory_space<vmem>>) offsets(%dma_start3A_688 : memref<32xi32, #tpu.memory_space<vmem>>) semaphore(%dma_start3A_693 : memref<!tpu.dma_semaphore, #tpu.memory_space<semaphore_mem>>)
      } else {
      }
      %dma_wait3A_652 = arith.constant 15 : i32
      %dma_wait3A_653 = arith.constant 7 : i32
      %dma_wait3A_654 = arith.constant 7 : i32
      %dma_wait3A_655 = arith.constant 0 : i32
      %dma_wait3A_656 = arith.constant 0 : i32
      %dma_wait3A_657 = tpu.memref_slice %arg8[%dma_wait3A_653, %dma_wait3A_655, %dma_wait3A_656] : memref<8x32x128xf32, #tpu.memory_space<vmem>> -> memref<1x32x128xf32, #tpu.memory_space<vmem>>
      %dma_wait3A_658 = tpu.memref_squeeze %dma_wait3A_657 : memref<1x32x128xf32, #tpu.memory_space<vmem>> -> memref<32x128xf32, #tpu.memory_space<vmem>>
      %dma_wait3A_659 = arith.constant 0 : i32
      %dma_wait3A_660 = tpu.memref_slice %arg6[%rem3A_239, %dma_wait3A_652, %dma_wait3A_659] : memref<2x16x32xi32, #tpu.memory_space<vmem>> -> memref<1x1x32xi32, #tpu.memory_space<vmem>>
      %dma_wait3A_661 = tpu.memref_squeeze %dma_wait3A_660 : memref<1x1x32xi32, #tpu.memory_space<vmem>> -> memref<32xi32, #tpu.memory_space<vmem>>
      %dma_wait3A_662 = arith.constant 0 : i32
      %dma_wait3A_663 = arith.constant 0 : i32
      %dma_wait3A_664 = tpu.memref_slice %arg2[%dma_wait3A_662, %dma_wait3A_663] : memref<10000x128xf32, #tpu.memory_space<hbm>> -> memref<10000x128xf32, #tpu.memory_space<hbm>>
      %dma_wait3A_665 = tpu.memref_slice %arg10[%dma_wait3A_654] : memref<8x!tpu.dma_semaphore, #tpu.memory_space<semaphore_mem>> -> memref<1x!tpu.dma_semaphore, #tpu.memory_space<semaphore_mem>>
      %dma_wait3A_666 = tpu.memref_squeeze %dma_wait3A_665 : memref<1x!tpu.dma_semaphore, #tpu.memory_space<semaphore_mem>> -> memref<!tpu.dma_semaphore, #tpu.memory_space<semaphore_mem>>
      tpu.wait_indirect_dma semaphore(%dma_wait3A_666 : memref<!tpu.dma_semaphore, #tpu.memory_space<semaphore_mem>>) src(%dma_wait3A_664 : memref<10000x128xf32, #tpu.memory_space<hbm>>) dst(%dma_wait3A_658 : memref<32x128xf32, #tpu.memory_space<vmem>>)
      %run_scoped3A_667 = arith.constant 7 : i32
      %run_scoped3A_668 = arith.constant 15 : i32
      "tpu.region"() ({
        %run_scoped3A_679 = tpu.sem_alloc : memref<!tpu.dma_semaphore, #tpu.memory_space<semaphore_mem>>
        %dma_start3A_680 = arith.constant 0 : i32
        %dma_start3A_681 = arith.constant 0 : i32
        %dma_start3A_682 = tpu.memref_slice %arg8[%run_scoped3A_667, %dma_start3A_680, %dma_start3A_681] : memref<8x32x128xf32, #tpu.memory_space<vmem>> -> memref<1x32x128xf32, #tpu.memory_space<vmem>>
        %dma_start3A_683 = tpu.memref_squeeze %dma_start3A_682 : memref<1x32x128xf32, #tpu.memory_space<vmem>> -> memref<32x128xf32, #tpu.memory_space<vmem>>
        %dma_start3A_684 = arith.constant 0 : i32
        %dma_start3A_685 = tpu.memref_slice %arg7[%rem3A_239, %run_scoped3A_668, %dma_start3A_684] : memref<2x16x32xi32, #tpu.memory_space<vmem>> -> memref<1x1x32xi32, #tpu.memory_space<vmem>>
        %dma_start3A_686 = tpu.memref_squeeze %dma_start3A_685 : memref<1x1x32xi32, #tpu.memory_space<vmem>> -> memref<32xi32, #tpu.memory_space<vmem>>
        %dma_start3A_687 = arith.constant 0 : i32
        %dma_start3A_688 = arith.constant 0 : i32
        %dma_start3A_689 = tpu.memref_slice %arg9[%dma_start3A_687, %dma_start3A_688] : memref<10240x128xf32, #tpu.memory_space<vmem_shared>> -> memref<10240x128xf32, #tpu.memory_space<vmem_shared>>
        tpu.enqueue_indirect_dma source(%dma_start3A_683 : memref<32x128xf32, #tpu.memory_space<vmem>>) target(%dma_start3A_689 : memref<10240x128xf32, #tpu.memory_space<vmem_shared>>) offsets(%dma_start3A_686 : memref<32xi32, #tpu.memory_space<vmem>>) semaphore(%run_scoped3A_679 : memref<!tpu.dma_semaphore, #tpu.memory_space<semaphore_mem>>) {add = true}
        %dma_wait3A_690 = arith.constant 0 : i32
        %dma_wait3A_691 = arith.constant 0 : i32
        %dma_wait3A_692 = tpu.memref_slice %arg8[%run_scoped3A_667, %dma_wait3A_690, %dma_wait3A_691] : memref<8x32x128xf32, #tpu.memory_space<vmem>> -> memref<1x32x128xf32, #tpu.memory_space<vmem>>
        %dma_wait3A_693 = tpu.memref_squeeze %dma_wait3A_692 : memref<1x32x128xf32, #tpu.memory_space<vmem>> -> memref<32x128xf32, #tpu.memory_space<vmem>>
        %dma_wait3A_694 = arith.constant 0 : i32
        %dma_wait3A_695 = tpu.memref_slice %arg7[%rem3A_239, %run_scoped3A_668, %dma_wait3A_694] : memref<2x16x32xi32, #tpu.memory_space<vmem>> -> memref<1x1x32xi32, #tpu.memory_space<vmem>>
        %dma_wait3A_696 = tpu.memref_squeeze %dma_wait3A_695 : memref<1x1x32xi32, #tpu.memory_space<vmem>> -> memref<32xi32, #tpu.memory_space<vmem>>
        %dma_wait3A_697 = arith.constant 0 : i32
        %dma_wait3A_698 = arith.constant 0 : i32
        %dma_wait3A_699 = tpu.memref_slice %arg9[%dma_wait3A_697, %dma_wait3A_698] : memref<10240x128xf32, #tpu.memory_space<vmem_shared>> -> memref<10240x128xf32, #tpu.memory_space<vmem_shared>>
        tpu.wait_indirect_dma semaphore(%run_scoped3A_679 : memref<!tpu.dma_semaphore, #tpu.memory_space<semaphore_mem>>) src(%dma_wait3A_693 : memref<32x128xf32, #tpu.memory_space<vmem>>) dst(%dma_wait3A_699 : memref<10240x128xf32, #tpu.memory_space<vmem_shared>>)
        tpu.yield
      }) : () -> ()
      %lt3A_669 = arith.constant 19 : i32
      %lt3A_670 = arith.cmpi slt, %add3A_238, %lt3A_669 : i32
      %convert_element_type3A_671 = arith.extui %lt3A_670 : i1 to i32
      %cond3A_672 = arith.constant 0 : i32
      %cond3A_673 = arith.cmpi ne, %convert_element_type3A_671, %cond3A_672 : i32
      scf.if %cond3A_673 {
        %dma_start3A_679 = arith.constant 7 : i32
        %dma_start3A_680 = arith.constant 7 : i32
        %dma_start3A_681 = arith.constant 7 : i32
        %dma_start3A_682 = arith.constant 0 : i32
        %dma_start3A_683 = arith.constant 0 : i32
        %dma_start3A_684 = tpu.memref_slice %arg8[%dma_start3A_680, %dma_start3A_682, %dma_start3A_683] : memref<8x32x128xf32, #tpu.memory_space<vmem>> -> memref<1x32x128xf32, #tpu.memory_space<vmem>>
        %dma_start3A_685 = tpu.memref_squeeze %dma_start3A_684 : memref<1x32x128xf32, #tpu.memory_space<vmem>> -> memref<32x128xf32, #tpu.memory_space<vmem>>
        %dma_start3A_686 = arith.constant 0 : i32
        %dma_start3A_687 = tpu.memref_slice %arg6[%sub3A_240, %dma_start3A_679, %dma_start3A_686] : memref<2x16x32xi32, #tpu.memory_space<vmem>> -> memref<1x1x32xi32, #tpu.memory_space<vmem>>
        %dma_start3A_688 = tpu.memref_squeeze %dma_start3A_687 : memref<1x1x32xi32, #tpu.memory_space<vmem>> -> memref<32xi32, #tpu.memory_space<vmem>>
        %dma_start3A_689 = arith.constant 0 : i32
        %dma_start3A_690 = arith.constant 0 : i32
        %dma_start3A_691 = tpu.memref_slice %arg2[%dma_start3A_689, %dma_start3A_690] : memref<10000x128xf32, #tpu.memory_space<hbm>> -> memref<10000x128xf32, #tpu.memory_space<hbm>>
        %dma_start3A_692 = tpu.memref_slice %arg10[%dma_start3A_681] : memref<8x!tpu.dma_semaphore, #tpu.memory_space<semaphore_mem>> -> memref<1x!tpu.dma_semaphore, #tpu.memory_space<semaphore_mem>>
        %dma_start3A_693 = tpu.memref_squeeze %dma_start3A_692 : memref<1x!tpu.dma_semaphore, #tpu.memory_space<semaphore_mem>> -> memref<!tpu.dma_semaphore, #tpu.memory_space<semaphore_mem>>
        tpu.enqueue_indirect_dma source(%dma_start3A_691 : memref<10000x128xf32, #tpu.memory_space<hbm>>) target(%dma_start3A_685 : memref<32x128xf32, #tpu.memory_space<vmem>>) offsets(%dma_start3A_688 : memref<32xi32, #tpu.memory_space<vmem>>) semaphore(%dma_start3A_693 : memref<!tpu.dma_semaphore, #tpu.memory_space<semaphore_mem>>)
      } else {
      }
      %lt3A_674 = arith.constant 18 : i32
      %lt3A_675 = arith.cmpi slt, %add3A_238, %lt3A_674 : i32
      %convert_element_type3A_676 = arith.extui %lt3A_675 : i1 to i32
      %cond3A_677 = arith.constant 0 : i32
      %cond3A_678 = arith.cmpi ne, %convert_element_type3A_676, %cond3A_677 : i32
      scf.if %cond3A_678 {
        %add3A_679 = arith.constant 2 : i32
        %add3A_680 = arith.addi %add3A_238, %add3A_679 : i32
        %mul3A_681 = arith.constant 16 : i32
        %mul3A_682 = arith.muli %add3A_680, %mul3A_681 : i32
        %add3A_683 = arith.addi %mul3A_2, %mul3A_682 : i32
        %dma_start3A_684 = arith.constant 0 : i32
        %dma_start3A_685 = arith.constant 0 : i32
        %dma_start3A_686 = tpu.memref_slice %arg6[%rem3A_239, %dma_start3A_684, %dma_start3A_685] : memref<2x16x32xi32, #tpu.memory_space<vmem>> -> memref<1x16x32xi32, #tpu.memory_space<vmem>>
        %dma_start3A_687 = tpu.memref_squeeze %dma_start3A_686 : memref<1x16x32xi32, #tpu.memory_space<vmem>> -> memref<16x32xi32, #tpu.memory_space<vmem>>
        %dma_start3A_688 = arith.constant 0 : i32
        %dma_start3A_689 = tpu.memref_slice %arg3[%add3A_683, %dma_start3A_688] : memref<10240x32xi32, #tpu.memory_space<hbm>> -> memref<16x32xi32, #tpu.memory_space<hbm>>
        %dma_start3A_690 = arith.constant 0 : i32
        %dma_start3A_691 = arith.constant 0 : i32
        %dma_start3A_692 = tpu.memref_slice %arg6[%rem3A_239, %dma_start3A_690, %dma_start3A_691] : memref<2x16x32xi32, #tpu.memory_space<vmem>> -> memref<1x16x32xi32, #tpu.memory_space<vmem>>
        %dma_start3A_693 = tpu.memref_squeeze %dma_start3A_692 : memref<1x16x32xi32, #tpu.memory_space<vmem>> -> memref<16x32xi32, #tpu.memory_space<vmem>>
        %dma_start3A_694 = arith.constant 0 : i32
        %dma_start3A_695 = tpu.memref_slice %arg3[%add3A_683, %dma_start3A_694] : memref<10240x32xi32, #tpu.memory_space<hbm>> -> memref<16x32xi32, #tpu.memory_space<hbm>>
        tpu.enqueue_dma source(%dma_start3A_695 : memref<16x32xi32, #tpu.memory_space<hbm>>) target(%dma_start3A_693 : memref<16x32xi32, #tpu.memory_space<vmem>>) target_semaphore(%arg11 : memref<!tpu.dma_semaphore, #tpu.memory_space<semaphore_mem>>)
        %add3A_696 = arith.constant 2 : i32
        %add3A_697 = arith.addi %add3A_238, %add3A_696 : i32
        %mul3A_698 = arith.constant 16 : i32
        %mul3A_699 = arith.muli %add3A_697, %mul3A_698 : i32
        %add3A_700 = arith.addi %mul3A_2, %mul3A_699 : i32
        %dma_start3A_701 = arith.constant 0 : i32
        %dma_start3A_702 = arith.constant 0 : i32
        %dma_start3A_703 = tpu.memref_slice %arg7[%rem3A_239, %dma_start3A_701, %dma_start3A_702] : memref<2x16x32xi32, #tpu.memory_space<vmem>> -> memref<1x16x32xi32, #tpu.memory_space<vmem>>
        %dma_start3A_704 = tpu.memref_squeeze %dma_start3A_703 : memref<1x16x32xi32, #tpu.memory_space<vmem>> -> memref<16x32xi32, #tpu.memory_space<vmem>>
        %dma_start3A_705 = arith.constant 0 : i32
        %dma_start3A_706 = tpu.memref_slice %arg4[%add3A_700, %dma_start3A_705] : memref<10240x32xi32, #tpu.memory_space<hbm>> -> memref<16x32xi32, #tpu.memory_space<hbm>>
        %dma_start3A_707 = arith.constant 0 : i32
        %dma_start3A_708 = arith.constant 0 : i32
        %dma_start3A_709 = tpu.memref_slice %arg7[%rem3A_239, %dma_start3A_707, %dma_start3A_708] : memref<2x16x32xi32, #tpu.memory_space<vmem>> -> memref<1x16x32xi32, #tpu.memory_space<vmem>>
        %dma_start3A_710 = tpu.memref_squeeze %dma_start3A_709 : memref<1x16x32xi32, #tpu.memory_space<vmem>> -> memref<16x32xi32, #tpu.memory_space<vmem>>
        %dma_start3A_711 = arith.constant 0 : i32
        %dma_start3A_712 = tpu.memref_slice %arg4[%add3A_700, %dma_start3A_711] : memref<10240x32xi32, #tpu.memory_space<hbm>> -> memref<16x32xi32, #tpu.memory_space<hbm>>
        tpu.enqueue_dma source(%dma_start3A_712 : memref<16x32xi32, #tpu.memory_space<hbm>>) target(%dma_start3A_710 : memref<16x32xi32, #tpu.memory_space<vmem>>) target_semaphore(%arg11 : memref<!tpu.dma_semaphore, #tpu.memory_space<semaphore_mem>>)
      } else {
      }
    }
    %scan3A_227 = arith.constant 20 : i32
    %barrier3A_228 = arith.constant 0 : index
    tpu.barrier barrier_id(%barrier3A_228)
    %scan3A_229 = arith.constant 0 : i32
    %scan3A_230 = arith.constant 20 : i32
    %scan3A_231 = arith.addi %scan3A_229, %scan3A_230 : i32
    %scan3A_232 = arith.constant 1 : i32
    scf.for %scan3A_234 = %scan3A_229 to %scan3A_231 step %scan3A_232  : i32 {
      %mul3A_235 = arith.constant 1 : i32
      %mul3A_236 = arith.muli %scan3A_234, %mul3A_235 : i32
      %add3A_237 = arith.constant 0 : i32
      %add3A_238 = arith.addi %add3A_237, %mul3A_236 : i32
      %mul3A_239 = arith.constant 640 : i32
      %mul3A_240 = arith.muli %arg1, %mul3A_239 : i32
      %mul3A_241 = arith.constant 32 : i32
      %mul3A_242 = arith.muli %add3A_238, %mul3A_241 : i32
      %add3A_243 = arith.addi %mul3A_240, %mul3A_242 : i32
      "tpu.region"() ({
        %run_scoped3A = tpu.sem_alloc : memref<!tpu.dma_semaphore, #tpu.memory_space<semaphore_mem>>
        %dma_start3A_244 = arith.constant 0 : i32
        %dma_start3A_245 = tpu.memref_slice %arg5[%arg0, %add3A_243, %dma_start3A_244] : memref<2x10240x128xf32, #tpu.memory_space<hbm>> -> memref<1x32x128xf32, #tpu.memory_space<hbm>>
        %dma_start3A_246 = tpu.memref_squeeze %dma_start3A_245 : memref<1x32x128xf32, #tpu.memory_space<hbm>> -> memref<32x128xf32, #tpu.memory_space<hbm>>
        %dma_start3A_247 = arith.constant 0 : i32
        %dma_start3A_248 = tpu.memref_slice %arg9[%add3A_243, %dma_start3A_247] : memref<10240x128xf32, #tpu.memory_space<vmem_shared>> -> memref<32x128xf32, #tpu.memory_space<vmem_shared>>
        tpu.enqueue_dma source(%dma_start3A_248 : memref<32x128xf32, #tpu.memory_space<vmem_shared>>) target(%dma_start3A_246 : memref<32x128xf32, #tpu.memory_space<hbm>>) target_semaphore(%run_scoped3A : memref<!tpu.dma_semaphore, #tpu.memory_space<semaphore_mem>>)
        %dma_wait3A_249 = arith.constant 0 : i32
        %dma_wait3A_250 = tpu.memref_slice %arg5[%arg0, %add3A_243, %dma_wait3A_249] : memref<2x10240x128xf32, #tpu.memory_space<hbm>> -> memref<1x32x128xf32, #tpu.memory_space<hbm>>
        %dma_wait3A_251 = tpu.memref_squeeze %dma_wait3A_250 : memref<1x32x128xf32, #tpu.memory_space<hbm>> -> memref<32x128xf32, #tpu.memory_space<hbm>>
        %dma_wait3A_252 = arith.constant 0 : i32
        %dma_wait3A_253 = tpu.memref_slice %arg9[%add3A_243, %dma_wait3A_252] : memref<10240x128xf32, #tpu.memory_space<vmem_shared>> -> memref<32x128xf32, #tpu.memory_space<vmem_shared>>
        tpu.wait_dma2 semaphore(%run_scoped3A : memref<!tpu.dma_semaphore, #tpu.memory_space<semaphore_mem>>) src(%dma_wait3A_253 : memref<32x128xf32, #tpu.memory_space<vmem_shared>>) dst(%dma_wait3A_251 : memref<32x128xf32, #tpu.memory_space<hbm>>)
        tpu.yield
      }) : () -> ()
    }
    %scan3A_233 = arith.constant 20 : i32
    return
  }
}

#map = affine_map<(d0, d1) -> (0, 0)>
#map1 = affine_map<(d0, d1) -> (0, 0, 0)>
module attributes {stable_mosaic.version = 14 : i64} {
  func.func @body(%arg0: i32, %arg1: i32, %arg2: memref<10000x128xf32, #tpu.memory_space<hbm>>, %arg3: memref<10240x32xi32, #tpu.memory_space<hbm>>, %arg4: memref<10240x32xi32, #tpu.memory_space<hbm>>, %arg5: memref<2x10240x128xf32, #tpu.memory_space<hbm>>, %arg6: memref<2x16x32xi32, #tpu.memory_space<vmem>>, %arg7: memref<2x16x32xi32, #tpu.memory_space<vmem>>, %arg8: memref<8x32x128xf32, #tpu.memory_space<vmem>>, %arg9: memref<10240x128xf32, #tpu.memory_space<vmem_shared>>, %arg10: memref<8x!tpu.dma_semaphore, #tpu.memory_space<semaphore_mem>>, %arg11: memref<!tpu.dma_semaphore, #tpu.memory_space<semaphore_mem>>) attributes {dimension_semantics = [#tpu.dimension_semantics<core_parallel>, #tpu.dimension_semantics<subcore_parallel>], iteration_bounds = array<i64: 2, 16>, scalar_prefetch = 0 : i64, scratch_operands = 6 : i64, tpu.core_type = #tpu.core_type<sc_vector_subcore>, window_params = [{transform_indices = #map}, {transform_indices = #map}, {transform_indices = #map}, {transform_indices = #map1}]} {
    %mul3A = arith.constant 16 : i32
    %mul3A_0 = arith.muli %arg0, %mul3A : i32
    %add3A = arith.addi %mul3A_0, %arg1 : i32
    %mul3A_1 = arith.constant 320 : i32
    %mul3A_2 = arith.muli %add3A, %mul3A_1 : i32
    %broadcast_in_dim3A = arith.constant 0.000000e+00 : f32
    %broadcast_in_dim3A_3 = vector.broadcast %broadcast_in_dim3A : f32 to vector<16xf32>
    %dma_start3A = arith.constant 0 : i32
    %dma_start3A_4 = arith.constant 0 : i32
    %dma_start3A_5 = arith.constant 0 : i32
    %dma_start3A_6 = tpu.memref_slice %arg6[%dma_start3A, %dma_start3A_4, %dma_start3A_5] : memref<2x16x32xi32, #tpu.memory_space<vmem>> -> memref<1x16x32xi32, #tpu.memory_space<vmem>>
    %dma_start3A_7 = tpu.memref_squeeze %dma_start3A_6 : memref<1x16x32xi32, #tpu.memory_space<vmem>> -> memref<16x32xi32, #tpu.memory_space<vmem>>
    %dma_start3A_8 = arith.constant 0 : i32
    %dma_start3A_9 = tpu.memref_slice %arg3[%mul3A_2, %dma_start3A_8] : memref<10240x32xi32, #tpu.memory_space<hbm>> -> memref<16x32xi32, #tpu.memory_space<hbm>>
    %dma_start3A_10 = arith.constant 0 : i32
    %dma_start3A_11 = arith.constant 0 : i32
    %dma_start3A_12 = tpu.memref_slice %arg6[%dma_start3A, %dma_start3A_10, %dma_start3A_11] : memref<2x16x32xi32, #tpu.memory_space<vmem>> -> memref<1x16x32xi32, #tpu.memory_space<vmem>>
    %dma_start3A_13 = tpu.memref_squeeze %dma_start3A_12 : memref<1x16x32xi32, #tpu.memory_space<vmem>> -> memref<16x32xi32, #tpu.memory_space<vmem>>
    %dma_start3A_14 = arith.constant 0 : i32
    %dma_start3A_15 = tpu.memref_slice %arg3[%mul3A_2, %dma_start3A_14] : memref<10240x32xi32, #tpu.memory_space<hbm>> -> memref<16x32xi32, #tpu.memory_space<hbm>>
    tpu.enqueue_dma source(%dma_start3A_15 : memref<16x32xi32, #tpu.memory_space<hbm>>) target(%dma_start3A_13 : memref<16x32xi32, #tpu.memory_space<vmem>>) target_semaphore(%arg11 : memref<!tpu.dma_semaphore, #tpu.memory_space<semaphore_mem>>)
    %dma_start3A_16 = arith.constant 0 : i32
    %dma_start3A_17 = arith.constant 0 : i32
    %dma_start3A_18 = arith.constant 0 : i32
    %dma_start3A_19 = tpu.memref_slice %arg7[%dma_start3A_16, %dma_start3A_17, %dma_start3A_18] : memref<2x16x32xi32, #tpu.memory_space<vmem>> -> memref<1x16x32xi32, #tpu.memory_space<vmem>>
    %dma_start3A_20 = tpu.memref_squeeze %dma_start3A_19 : memref<1x16x32xi32, #tpu.memory_space<vmem>> -> memref<16x32xi32, #tpu.memory_space<vmem>>
    %dma_start3A_21 = arith.constant 0 : i32
    %dma_start3A_22 = tpu.memref_slice %arg4[%mul3A_2, %dma_start3A_21] : memref<10240x32xi32, #tpu.memory_space<hbm>> -> memref<16x32xi32, #tpu.memory_space<hbm>>
    %dma_start3A_23 = arith.constant 0 : i32
    %dma_start3A_24 = arith.constant 0 : i32
    %dma_start3A_25 = tpu.memref_slice %arg7[%dma_start3A_16, %dma_start3A_23, %dma_start3A_24] : memref<2x16x32xi32, #tpu.memory_space<vmem>> -> memref<1x16x32xi32, #tpu.memory_space<vmem>>
    %dma_start3A_26 = tpu.memref_squeeze %dma_start3A_25 : memref<1x16x32xi32, #tpu.memory_space<vmem>> -> memref<16x32xi32, #tpu.memory_space<vmem>>
    %dma_start3A_27 = arith.constant 0 : i32
    %dma_start3A_28 = tpu.memref_slice %arg4[%mul3A_2, %dma_start3A_27] : memref<10240x32xi32, #tpu.memory_space<hbm>> -> memref<16x32xi32, #tpu.memory_space<hbm>>
    tpu.enqueue_dma source(%dma_start3A_28 : memref<16x32xi32, #tpu.memory_space<hbm>>) target(%dma_start3A_26 : memref<16x32xi32, #tpu.memory_space<vmem>>) target_semaphore(%arg11 : memref<!tpu.dma_semaphore, #tpu.memory_space<semaphore_mem>>)
    %scan3A = arith.constant 0 : i32
    %scan3A_29 = arith.constant 32 : i32
    %scan3A_30 = arith.addi %scan3A, %scan3A_29 : i32
    %scan3A_31 = arith.constant 1 : i32
    scf.for %scan3A_234 = %scan3A to %scan3A_30 step %scan3A_31  : i32 {
      %mul3A_235 = arith.constant 1 : i32
      %mul3A_236 = arith.muli %scan3A_234, %mul3A_235 : i32
      %add3A_237 = arith.constant 0 : i32
      %add3A_238 = arith.addi %add3A_237, %mul3A_236 : i32
      %scan3A_239 = arith.constant 0 : i32
      %scan3A_240 = arith.constant 8 : i32
      %scan3A_241 = arith.addi %scan3A_239, %scan3A_240 : i32
      %scan3A_242 = arith.constant 1 : i32
      scf.for %scan3A_244 = %scan3A_239 to %scan3A_241 step %scan3A_242  : i32 {
        %mul3A_245 = arith.constant 1 : i32
        %mul3A_246 = arith.muli %scan3A_244, %mul3A_245 : i32
        %add3A_247 = arith.constant 0 : i32
        %add3A_248 = arith.addi %add3A_247, %mul3A_246 : i32
        %mul3A_249 = arith.constant 16 : i32
        %mul3A_250 = arith.muli %add3A_248, %mul3A_249 : i32
        %swap3A = arith.constant 0 : i32
        %swap3A_251 = arith.index_cast %swap3A : i32 to index
        %swap3A_252 = arith.index_cast %add3A_238 : i32 to index
        %swap3A_253 = arith.index_cast %mul3A_250 : i32 to index
        %swap3A_254 = tpu.vector_load %arg8[%swap3A_251, %swap3A_252, %swap3A_253] {strides = array<i32>} : memref<8x32x128xf32, #tpu.memory_space<vmem>>, vector<16xf32>,
        tpu.vector_store %arg8[%swap3A_251, %swap3A_252, %swap3A_253], %broadcast_in_dim3A_3 {strides = array<i32>} : memref<8x32x128xf32, #tpu.memory_space<vmem>>, vector<16xf32>,
      }
      %scan3A_243 = arith.constant 8 : i32
    }
    %scan3A_32 = arith.constant 32 : i32
    %scan3A_33 = arith.constant 0 : i32
    %scan3A_34 = arith.constant 20 : i32
    %scan3A_35 = arith.addi %scan3A_33, %scan3A_34 : i32
    %scan3A_36 = arith.constant 1 : i32
    scf.for %scan3A_234 = %scan3A_33 to %scan3A_35 step %scan3A_36  : i32 {
      %mul3A_235 = arith.constant 1 : i32
      %mul3A_236 = arith.muli %scan3A_234, %mul3A_235 : i32
      %add3A_237 = arith.constant 0 : i32
      %add3A_238 = arith.addi %add3A_237, %mul3A_236 : i32
      %mul3A_239 = arith.constant 640 : i32
      %mul3A_240 = arith.muli %arg1, %mul3A_239 : i32
      %mul3A_241 = arith.constant 32 : i32
      %mul3A_242 = arith.muli %add3A_238, %mul3A_241 : i32
      %add3A_243 = arith.addi %mul3A_240, %mul3A_242 : i32
      %run_scoped3A = arith.constant 0 : i32
      "tpu.region"() ({
        %run_scoped3A_244 = tpu.sem_alloc : memref<!tpu.dma_semaphore, #tpu.memory_space<semaphore_mem>>
        %dma_start3A_245 = arith.constant 0 : i32
        %dma_start3A_246 = arith.constant 0 : i32
        %dma_start3A_247 = tpu.memref_slice %arg8[%run_scoped3A, %dma_start3A_245, %dma_start3A_246] : memref<8x32x128xf32, #tpu.memory_space<vmem>> -> memref<1x32x128xf32, #tpu.memory_space<vmem>>
        %dma_start3A_248 = tpu.memref_squeeze %dma_start3A_247 : memref<1x32x128xf32, #tpu.memory_space<vmem>> -> memref<32x128xf32, #tpu.memory_space<vmem>>
        %dma_start3A_249 = arith.constant 0 : i32
        %dma_start3A_250 = tpu.memref_slice %arg9[%add3A_243, %dma_start3A_249] : memref<10240x128xf32, #tpu.memory_space<vmem_shared>> -> memref<32x128xf32, #tpu.memory_space<vmem_shared>>
        %dma_start3A_251 = arith.constant 0 : i32
        %dma_start3A_252 = tpu.memref_slice %arg9[%add3A_243, %dma_start3A_251] : memref<10240x128xf32, #tpu.memory_space<vmem_shared>> -> memref<32x128xf32, #tpu.memory_space<vmem_shared>>
        %dma_start3A_253 = arith.constant 0 : i32
        %dma_start3A_254 = arith.constant 0 : i32
        %dma_start3A_255 = tpu.memref_slice %arg8[%run_scoped3A, %dma_start3A_253, %dma_start3A_254] : memref<8x32x128xf32, #tpu.memory_space<vmem>> -> memref<1x32x128xf32, #tpu.memory_space<vmem>>
        %dma_start3A_256 = tpu.memref_squeeze %dma_start3A_255 : memref<1x32x128xf32, #tpu.memory_space<vmem>> -> memref<32x128xf32, #tpu.memory_space<vmem>>
        tpu.enqueue_dma source(%dma_start3A_256 : memref<32x128xf32, #tpu.memory_space<vmem>>) target(%dma_start3A_252 : memref<32x128xf32, #tpu.memory_space<vmem_shared>>) target_semaphore(%run_scoped3A_244 : memref<!tpu.dma_semaphore, #tpu.memory_space<semaphore_mem>>)
        %dma_wait3A_257 = arith.constant 0 : i32
        %dma_wait3A_258 = arith.constant 0 : i32
        %dma_wait3A_259 = tpu.memref_slice %arg8[%run_scoped3A, %dma_wait3A_257, %dma_wait3A_258] : memref<8x32x128xf32, #tpu.memory_space<vmem>> -> memref<1x32x128xf32, #tpu.memory_space<vmem>>
        %dma_wait3A_260 = tpu.memref_squeeze %dma_wait3A_259 : memref<1x32x128xf32, #tpu.memory_space<vmem>> -> memref<32x128xf32, #tpu.memory_space<vmem>>
        %dma_wait3A_261 = arith.constant 0 : i32
        %dma_wait3A_262 = tpu.memref_slice %arg9[%add3A_243, %dma_wait3A_261] : memref<10240x128xf32, #tpu.memory_space<vmem_shared>> -> memref<32x128xf32, #tpu.memory_space<vmem_shared>>
        %dma_wait3A_263 = arith.constant 0 : i32
        %dma_wait3A_264 = tpu.memref_slice %arg9[%add3A_243, %dma_wait3A_263] : memref<10240x128xf32, #tpu.memory_space<vmem_shared>> -> memref<32x128xf32, #tpu.memory_space<vmem_shared>>
        %dma_wait3A_265 = arith.constant 0 : i32
        %dma_wait3A_266 = arith.constant 0 : i32
        %dma_wait3A_267 = tpu.memref_slice %arg8[%run_scoped3A, %dma_wait3A_265, %dma_wait3A_266] : memref<8x32x128xf32, #tpu.memory_space<vmem>> -> memref<1x32x128xf32, #tpu.memory_space<vmem>>
        %dma_wait3A_268 = tpu.memref_squeeze %dma_wait3A_267 : memref<1x32x128xf32, #tpu.memory_space<vmem>> -> memref<32x128xf32, #tpu.memory_space<vmem>>
        tpu.wait_dma2 semaphore(%run_scoped3A_244 : memref<!tpu.dma_semaphore, #tpu.memory_space<semaphore_mem>>) src(%dma_wait3A_268 : memref<32x128xf32, #tpu.memory_space<vmem>>) dst(%dma_wait3A_264 : memref<32x128xf32, #tpu.memory_space<vmem_shared>>)
        tpu.yield
      }) : () -> ()
    }
    %scan3A_37 = arith.constant 20 : i32
    %dma_wait3A = arith.constant 0 : i32
    %dma_wait3A_38 = arith.constant 0 : i32
    %dma_wait3A_39 = arith.constant 0 : i32
    %dma_wait3A_40 = tpu.memref_slice %arg6[%dma_wait3A, %dma_wait3A_38, %dma_wait3A_39] : memref<2x16x32xi32, #tpu.memory_space<vmem>> -> memref<1x16x32xi32, #tpu.memory_space<vmem>>
    %dma_wait3A_41 = tpu.memref_squeeze %dma_wait3A_40 : memref<1x16x32xi32, #tpu.memory_space<vmem>> -> memref<16x32xi32, #tpu.memory_space<vmem>>
    %dma_wait3A_42 = arith.constant 0 : i32
    %dma_wait3A_43 = tpu.memref_slice %arg3[%mul3A_2, %dma_wait3A_42] : memref<10240x32xi32, #tpu.memory_space<hbm>> -> memref<16x32xi32, #tpu.memory_space<hbm>>
    %dma_wait3A_44 = arith.constant 0 : i32
    %dma_wait3A_45 = arith.constant 0 : i32
    %dma_wait3A_46 = tpu.memref_slice %arg6[%dma_wait3A, %dma_wait3A_44, %dma_wait3A_45] : memref<2x16x32xi32, #tpu.memory_space<vmem>> -> memref<1x16x32xi32, #tpu.memory_space<vmem>>
    %dma_wait3A_47 = tpu.memref_squeeze %dma_wait3A_46 : memref<1x16x32xi32, #tpu.memory_space<vmem>> -> memref<16x32xi32, #tpu.memory_space<vmem>>
    %dma_wait3A_48 = arith.constant 0 : i32
    %dma_wait3A_49 = tpu.memref_slice %arg3[%mul3A_2, %dma_wait3A_48] : memref<10240x32xi32, #tpu.memory_space<hbm>> -> memref<16x32xi32, #tpu.memory_space<hbm>>
    tpu.wait_dma2 semaphore(%arg11 : memref<!tpu.dma_semaphore, #tpu.memory_space<semaphore_mem>>) src(%dma_wait3A_49 : memref<16x32xi32, #tpu.memory_space<hbm>>) dst(%dma_wait3A_47 : memref<16x32xi32, #tpu.memory_space<vmem>>)
    %dma_wait3A_50 = arith.constant 0 : i32
    %dma_wait3A_51 = arith.constant 0 : i32
    %dma_wait3A_52 = arith.constant 0 : i32
    %dma_wait3A_53 = tpu.memref_slice %arg7[%dma_wait3A_50, %dma_wait3A_51, %dma_wait3A_52] : memref<2x16x32xi32, #tpu.memory_space<vmem>> -> memref<1x16x32xi32, #tpu.memory_space<vmem>>
    %dma_wait3A_54 = tpu.memref_squeeze %dma_wait3A_53 : memref<1x16x32xi32, #tpu.memory_space<vmem>> -> memref<16x32xi32, #tpu.memory_space<vmem>>
    %dma_wait3A_55 = arith.constant 0 : i32
    %dma_wait3A_56 = tpu.memref_slice %arg4[%mul3A_2, %dma_wait3A_55] : memref<10240x32xi32, #tpu.memory_space<hbm>> -> memref<16x32xi32, #tpu.memory_space<hbm>>
    %dma_wait3A_57 = arith.constant 0 : i32
    %dma_wait3A_58 = arith.constant 0 : i32
    %dma_wait3A_59 = tpu.memref_slice %arg7[%dma_wait3A_50, %dma_wait3A_57, %dma_wait3A_58] : memref<2x16x32xi32, #tpu.memory_space<vmem>> -> memref<1x16x32xi32, #tpu.memory_space<vmem>>
    %dma_wait3A_60 = tpu.memref_squeeze %dma_wait3A_59 : memref<1x16x32xi32, #tpu.memory_space<vmem>> -> memref<16x32xi32, #tpu.memory_space<vmem>>
    %dma_wait3A_61 = arith.constant 0 : i32
    %dma_wait3A_62 = tpu.memref_slice %arg4[%mul3A_2, %dma_wait3A_61] : memref<10240x32xi32, #tpu.memory_space<hbm>> -> memref<16x32xi32, #tpu.memory_space<hbm>>
    tpu.wait_dma2 semaphore(%arg11 : memref<!tpu.dma_semaphore, #tpu.memory_space<semaphore_mem>>) src(%dma_wait3A_62 : memref<16x32xi32, #tpu.memory_space<hbm>>) dst(%dma_wait3A_60 : memref<16x32xi32, #tpu.memory_space<vmem>>)
    %add3A_63 = arith.constant 16 : i32
    %add3A_64 = arith.addi %mul3A_2, %add3A_63 : i32
    %dma_start3A_65 = arith.constant 1 : i32
    %dma_start3A_66 = arith.constant 0 : i32
    %dma_start3A_67 = arith.constant 0 : i32
    %dma_start3A_68 = tpu.memref_slice %arg6[%dma_start3A_65, %dma_start3A_66, %dma_start3A_67] : memref<2x16x32xi32, #tpu.memory_space<vmem>> -> memref<1x16x32xi32, #tpu.memory_space<vmem>>
    %dma_start3A_69 = tpu.memref_squeeze %dma_start3A_68 : memref<1x16x32xi32, #tpu.memory_space<vmem>> -> memref<16x32xi32, #tpu.memory_space<vmem>>
    %dma_start3A_70 = arith.constant 0 : i32
    %dma_start3A_71 = tpu.memref_slice %arg3[%add3A_64, %dma_start3A_70] : memref<10240x32xi32, #tpu.memory_space<hbm>> -> memref<16x32xi32, #tpu.memory_space<hbm>>
    %dma_start3A_72 = arith.constant 0 : i32
    %dma_start3A_73 = arith.constant 0 : i32
    %dma_start3A_74 = tpu.memref_slice %arg6[%dma_start3A_65, %dma_start3A_72, %dma_start3A_73] : memref<2x16x32xi32, #tpu.memory_space<vmem>> -> memref<1x16x32xi32, #tpu.memory_space<vmem>>
    %dma_start3A_75 = tpu.memref_squeeze %dma_start3A_74 : memref<1x16x32xi32, #tpu.memory_space<vmem>> -> memref<16x32xi32, #tpu.memory_space<vmem>>
    %dma_start3A_76 = arith.constant 0 : i32
    %dma_start3A_77 = tpu.memref_slice %arg3[%add3A_64, %dma_start3A_76] : memref<10240x32xi32, #tpu.memory_space<hbm>> -> memref<16x32xi32, #tpu.memory_space<hbm>>
    tpu.enqueue_dma source(%dma_start3A_77 : memref<16x32xi32, #tpu.memory_space<hbm>>) target(%dma_start3A_75 : memref<16x32xi32, #tpu.memory_space<vmem>>) target_semaphore(%arg11 : memref<!tpu.dma_semaphore, #tpu.memory_space<semaphore_mem>>)
    %add3A_78 = arith.constant 16 : i32
    %add3A_79 = arith.addi %mul3A_2, %add3A_78 : i32
    %dma_start3A_80 = arith.constant 1 : i32
    %dma_start3A_81 = arith.constant 0 : i32
    %dma_start3A_82 = arith.constant 0 : i32
    %dma_start3A_83 = tpu.memref_slice %arg7[%dma_start3A_80, %dma_start3A_81, %dma_start3A_82] : memref<2x16x32xi32, #tpu.memory_space<vmem>> -> memref<1x16x32xi32, #tpu.memory_space<vmem>>
    %dma_start3A_84 = tpu.memref_squeeze %dma_start3A_83 : memref<1x16x32xi32, #tpu.memory_space<vmem>> -> memref<16x32xi32, #tpu.memory_space<vmem>>
    %dma_start3A_85 = arith.constant 0 : i32
    %dma_start3A_86 = tpu.memref_slice %arg4[%add3A_79, %dma_start3A_85] : memref<10240x32xi32, #tpu.memory_space<hbm>> -> memref<16x32xi32, #tpu.memory_space<hbm>>
    %dma_start3A_87 = arith.constant 0 : i32
    %dma_start3A_88 = arith.constant 0 : i32
    %dma_start3A_89 = tpu.memref_slice %arg7[%dma_start3A_80, %dma_start3A_87, %dma_start3A_88] : memref<2x16x32xi32, #tpu.memory_space<vmem>> -> memref<1x16x32xi32, #tpu.memory_space<vmem>>
    %dma_start3A_90 = tpu.memref_squeeze %dma_start3A_89 : memref<1x16x32xi32, #tpu.memory_space<vmem>> -> memref<16x32xi32, #tpu.memory_space<vmem>>
    %dma_start3A_91 = arith.constant 0 : i32
    %dma_start3A_92 = tpu.memref_slice %arg4[%add3A_79, %dma_start3A_91] : memref<10240x32xi32, #tpu.memory_space<hbm>> -> memref<16x32xi32, #tpu.memory_space<hbm>>
    tpu.enqueue_dma source(%dma_start3A_92 : memref<16x32xi32, #tpu.memory_space<hbm>>) target(%dma_start3A_90 : memref<16x32xi32, #tpu.memory_space<vmem>>) target_semaphore(%arg11 : memref<!tpu.dma_semaphore, #tpu.memory_space<semaphore_mem>>)
    %dma_start3A_93 = arith.constant 0 : i32
    %dma_start3A_94 = arith.constant 0 : i32
    %dma_start3A_95 = arith.constant 0 : i32
    %dma_start3A_96 = arith.constant 0 : i32
    %dma_start3A_97 = arith.constant 0 : i32
    %dma_start3A_98 = arith.constant 0 : i32
    %dma_start3A_99 = tpu.memref_slice %arg8[%dma_start3A_95, %dma_start3A_97, %dma_start3A_98] : memref<8x32x128xf32, #tpu.memory_space<vmem>> -> memref<1x32x128xf32, #tpu.memory_space<vmem>>
    %dma_start3A_100 = tpu.memref_squeeze %dma_start3A_99 : memref<1x32x128xf32, #tpu.memory_space<vmem>> -> memref<32x128xf32, #tpu.memory_space<vmem>>
    %dma_start3A_101 = arith.constant 0 : i32
    %dma_start3A_102 = tpu.memref_slice %arg6[%dma_start3A_93, %dma_start3A_94, %dma_start3A_101] : memref<2x16x32xi32, #tpu.memory_space<vmem>> -> memref<1x1x32xi32, #tpu.memory_space<vmem>>
    %dma_start3A_103 = tpu.memref_squeeze %dma_start3A_102 : memref<1x1x32xi32, #tpu.memory_space<vmem>> -> memref<32xi32, #tpu.memory_space<vmem>>
    %dma_start3A_104 = arith.constant 0 : i32
    %dma_start3A_105 = arith.constant 0 : i32
    %dma_start3A_106 = tpu.memref_slice %arg2[%dma_start3A_104, %dma_start3A_105] : memref<10000x128xf32, #tpu.memory_space<hbm>> -> memref<10000x128xf32, #tpu.memory_space<hbm>>
    %dma_start3A_107 = tpu.memref_slice %arg10[%dma_start3A_96] : memref<8x!tpu.dma_semaphore, #tpu.memory_space<semaphore_mem>> -> memref<1x!tpu.dma_semaphore, #tpu.memory_space<semaphore_mem>>
    %dma_start3A_108 = tpu.memref_squeeze %dma_start3A_107 : memref<1x!tpu.dma_semaphore, #tpu.memory_space<semaphore_mem>> -> memref<!tpu.dma_semaphore, #tpu.memory_space<semaphore_mem>>
    tpu.enqueue_indirect_dma source(%dma_start3A_106 : memref<10000x128xf32, #tpu.memory_space<hbm>>) target(%dma_start3A_100 : memref<32x128xf32, #tpu.memory_space<vmem>>) offsets(%dma_start3A_103 : memref<32xi32, #tpu.memory_space<vmem>>) semaphore(%dma_start3A_108 : memref<!tpu.dma_semaphore, #tpu.memory_space<semaphore_mem>>)
    %dma_start3A_109 = arith.constant 0 : i32
    %dma_start3A_110 = arith.constant 1 : i32
    %dma_start3A_111 = arith.constant 1 : i32
    %dma_start3A_112 = arith.constant 1 : i32
    %dma_start3A_113 = arith.constant 0 : i32
    %dma_start3A_114 = arith.constant 0 : i32
    %dma_start3A_115 = tpu.memref_slice %arg8[%dma_start3A_111, %dma_start3A_113, %dma_start3A_114] : memref<8x32x128xf32, #tpu.memory_space<vmem>> -> memref<1x32x128xf32, #tpu.memory_space<vmem>>
    %dma_start3A_116 = tpu.memref_squeeze %dma_start3A_115 : memref<1x32x128xf32, #tpu.memory_space<vmem>> -> memref<32x128xf32, #tpu.memory_space<vmem>>
    %dma_start3A_117 = arith.constant 0 : i32
    %dma_start3A_118 = tpu.memref_slice %arg6[%dma_start3A_109, %dma_start3A_110, %dma_start3A_117] : memref<2x16x32xi32, #tpu.memory_space<vmem>> -> memref<1x1x32xi32, #tpu.memory_space<vmem>>
    %dma_start3A_119 = tpu.memref_squeeze %dma_start3A_118 : memref<1x1x32xi32, #tpu.memory_space<vmem>> -> memref<32xi32, #tpu.memory_space<vmem>>
    %dma_start3A_120 = arith.constant 0 : i32
    %dma_start3A_121 = arith.constant 0 : i32
    %dma_start3A_122 = tpu.memref_slice %arg2[%dma_start3A_120, %dma_start3A_121] : memref<10000x128xf32, #tpu.memory_space<hbm>> -> memref<10000x128xf32, #tpu.memory_space<hbm>>
    %dma_start3A_123 = tpu.memref_slice %arg10[%dma_start3A_112] : memref<8x!tpu.dma_semaphore, #tpu.memory_space<semaphore_mem>> -> memref<1x!tpu.dma_semaphore, #tpu.memory_space<semaphore_mem>>
    %dma_start3A_124 = tpu.memref_squeeze %dma_start3A_123 : memref<1x!tpu.dma_semaphore, #tpu.memory_space<semaphore_mem>> -> memref<!tpu.dma_semaphore, #tpu.memory_space<semaphore_mem>>
    tpu.enqueue_indirect_dma source(%dma_start3A_122 : memref<10000x128xf32, #tpu.memory_space<hbm>>) target(%dma_start3A_116 : memref<32x128xf32, #tpu.memory_space<vmem>>) offsets(%dma_start3A_119 : memref<32xi32, #tpu.memory_space<vmem>>) semaphore(%dma_start3A_124 : memref<!tpu.dma_semaphore, #tpu.memory_space<semaphore_mem>>)
    %dma_start3A_125 = arith.constant 0 : i32
    %dma_start3A_126 = arith.constant 2 : i32
    %dma_start3A_127 = arith.constant 2 : i32
    %dma_start3A_128 = arith.constant 2 : i32
    %dma_start3A_129 = arith.constant 0 : i32
    %dma_start3A_130 = arith.constant 0 : i32
    %dma_start3A_131 = tpu.memref_slice %arg8[%dma_start3A_127, %dma_start3A_129, %dma_start3A_130] : memref<8x32x128xf32, #tpu.memory_space<vmem>> -> memref<1x32x128xf32, #tpu.memory_space<vmem>>
    %dma_start3A_132 = tpu.memref_squeeze %dma_start3A_131 : memref<1x32x128xf32, #tpu.memory_space<vmem>> -> memref<32x128xf32, #tpu.memory_space<vmem>>
    %dma_start3A_133 = arith.constant 0 : i32
    %dma_start3A_134 = tpu.memref_slice %arg6[%dma_start3A_125, %dma_start3A_126, %dma_start3A_133] : memref<2x16x32xi32, #tpu.memory_space<vmem>> -> memref<1x1x32xi32, #tpu.memory_space<vmem>>
    %dma_start3A_135 = tpu.memref_squeeze %dma_start3A_134 : memref<1x1x32xi32, #tpu.memory_space<vmem>> -> memref<32xi32, #tpu.memory_space<vmem>>
    %dma_start3A_136 = arith.constant 0 : i32
    %dma_start3A_137 = arith.constant 0 : i32
    %dma_start3A_138 = tpu.memref_slice %arg2[%dma_start3A_136, %dma_start3A_137] : memref<10000x128xf32, #tpu.memory_space<hbm>> -> memref<10000x128xf32, #tpu.memory_space<hbm>>
    %dma_start3A_139 = tpu.memref_slice %arg10[%dma_start3A_128] : memref<8x!tpu.dma_semaphore, #tpu.memory_space<semaphore_mem>> -> memref<1x!tpu.dma_semaphore, #tpu.memory_space<semaphore_mem>>
    %dma_start3A_140 = tpu.memref_squeeze %dma_start3A_139 : memref<1x!tpu.dma_semaphore, #tpu.memory_space<semaphore_mem>> -> memref<!tpu.dma_semaphore, #tpu.memory_space<semaphore_mem>>
    tpu.enqueue_indirect_dma source(%dma_start3A_138 : memref<10000x128xf32, #tpu.memory_space<hbm>>) target(%dma_start3A_132 : memref<32x128xf32, #tpu.memory_space<vmem>>) offsets(%dma_start3A_135 : memref<32xi32, #tpu.memory_space<vmem>>) semaphore(%dma_start3A_140 : memref<!tpu.dma_semaphore, #tpu.memory_space<semaphore_mem>>)
    %dma_start3A_141 = arith.constant 0 : i32
    %dma_start3A_142 = arith.constant 3 : i32
    %dma_start3A_143 = arith.constant 3 : i32
    %dma_start3A_144 = arith.constant 3 : i32
    %dma_start3A_145 = arith.constant 0 : i32
    %dma_start3A_146 = arith.constant 0 : i32
    %dma_start3A_147 = tpu.memref_slice %arg8[%dma_start3A_143, %dma_start3A_145, %dma_start3A_146] : memref<8x32x128xf32, #tpu.memory_space<vmem>> -> memref<1x32x128xf32, #tpu.memory_space<vmem>>
    %dma_start3A_148 = tpu.memref_squeeze %dma_start3A_147 : memref<1x32x128xf32, #tpu.memory_space<vmem>> -> memref<32x128xf32, #tpu.memory_space<vmem>>
    %dma_start3A_149 = arith.constant 0 : i32
    %dma_start3A_150 = tpu.memref_slice %arg6[%dma_start3A_141, %dma_start3A_142, %dma_start3A_149] : memref<2x16x32xi32, #tpu.memory_space<vmem>> -> memref<1x1x32xi32, #tpu.memory_space<vmem>>
    %dma_start3A_151 = tpu.memref_squeeze %dma_start3A_150 : memref<1x1x32xi32, #tpu.memory_space<vmem>> -> memref<32xi32, #tpu.memory_space<vmem>>
    %dma_start3A_152 = arith.constant 0 : i32
    %dma_start3A_153 = arith.constant 0 : i32
    %dma_start3A_154 = tpu.memref_slice %arg2[%dma_start3A_152, %dma_start3A_153] : memref<10000x128xf32, #tpu.memory_space<hbm>> -> memref<10000x128xf32, #tpu.memory_space<hbm>>
    %dma_start3A_155 = tpu.memref_slice %arg10[%dma_start3A_144] : memref<8x!tpu.dma_semaphore, #tpu.memory_space<semaphore_mem>> -> memref<1x!tpu.dma_semaphore, #tpu.memory_space<semaphore_mem>>
    %dma_start3A_156 = tpu.memref_squeeze %dma_start3A_155 : memref<1x!tpu.dma_semaphore, #tpu.memory_space<semaphore_mem>> -> memref<!tpu.dma_semaphore, #tpu.memory_space<semaphore_mem>>
    tpu.enqueue_indirect_dma source(%dma_start3A_154 : memref<10000x128xf32, #tpu.memory_space<hbm>>) target(%dma_start3A_148 : memref<32x128xf32, #tpu.memory_space<vmem>>) offsets(%dma_start3A_151 : memref<32xi32, #tpu.memory_space<vmem>>) semaphore(%dma_start3A_156 : memref<!tpu.dma_semaphore, #tpu.memory_space<semaphore_mem>>)
    %dma_start3A_157 = arith.constant 0 : i32
    %dma_start3A_158 = arith.constant 4 : i32
    %dma_start3A_159 = arith.constant 4 : i32
    %dma_start3A_160 = arith.constant 4 : i32
    %dma_start3A_161 = arith.constant 0 : i32
    %dma_start3A_162 = arith.constant 0 : i32
    %dma_start3A_163 = tpu.memref_slice %arg8[%dma_start3A_159, %dma_start3A_161, %dma_start3A_162] : memref<8x32x128xf32, #tpu.memory_space<vmem>> -> memref<1x32x128xf32, #tpu.memory_space<vmem>>
    %dma_start3A_164 = tpu.memref_squeeze %dma_start3A_163 : memref<1x32x128xf32, #tpu.memory_space<vmem>> -> memref<32x128xf32, #tpu.memory_space<vmem>>
    %dma_start3A_165 = arith.constant 0 : i32
    %dma_start3A_166 = tpu.memref_slice %arg6[%dma_start3A_157, %dma_start3A_158, %dma_start3A_165] : memref<2x16x32xi32, #tpu.memory_space<vmem>> -> memref<1x1x32xi32, #tpu.memory_space<vmem>>
    %dma_start3A_167 = tpu.memref_squeeze %dma_start3A_166 : memref<1x1x32xi32, #tpu.memory_space<vmem>> -> memref<32xi32, #tpu.memory_space<vmem>>
    %dma_start3A_168 = arith.constant 0 : i32
    %dma_start3A_169 = arith.constant 0 : i32
    %dma_start3A_170 = tpu.memref_slice %arg2[%dma_start3A_168, %dma_start3A_169] : memref<10000x128xf32, #tpu.memory_space<hbm>> -> memref<10000x128xf32, #tpu.memory_space<hbm>>
    %dma_start3A_171 = tpu.memref_slice %arg10[%dma_start3A_160] : memref<8x!tpu.dma_semaphore, #tpu.memory_space<semaphore_mem>> -> memref<1x!tpu.dma_semaphore, #tpu.memory_space<semaphore_mem>>
    %dma_start3A_172 = tpu.memref_squeeze %dma_start3A_171 : memref<1x!tpu.dma_semaphore, #tpu.memory_space<semaphore_mem>> -> memref<!tpu.dma_semaphore, #tpu.memory_space<semaphore_mem>>
    tpu.enqueue_indirect_dma source(%dma_start3A_170 : memref<10000x128xf32, #tpu.memory_space<hbm>>) target(%dma_start3A_164 : memref<32x128xf32, #tpu.memory_space<vmem>>) offsets(%dma_start3A_167 : memref<32xi32, #tpu.memory_space<vmem>>) semaphore(%dma_start3A_172 : memref<!tpu.dma_semaphore, #tpu.memory_space<semaphore_mem>>)
    %dma_start3A_173 = arith.constant 0 : i32
    %dma_start3A_174 = arith.constant 5 : i32
    %dma_start3A_175 = arith.constant 5 : i32
    %dma_start3A_176 = arith.constant 5 : i32
    %dma_start3A_177 = arith.constant 0 : i32
    %dma_start3A_178 = arith.constant 0 : i32
    %dma_start3A_179 = tpu.memref_slice %arg8[%dma_start3A_175, %dma_start3A_177, %dma_start3A_178] : memref<8x32x128xf32, #tpu.memory_space<vmem>> -> memref<1x32x128xf32, #tpu.memory_space<vmem>>
    %dma_start3A_180 = tpu.memref_squeeze %dma_start3A_179 : memref<1x32x128xf32, #tpu.memory_space<vmem>> -> memref<32x128xf32, #tpu.memory_space<vmem>>
    %dma_start3A_181 = arith.constant 0 : i32
    %dma_start3A_182 = tpu.memref_slice %arg6[%dma_start3A_173, %dma_start3A_174, %dma_start3A_181] : memref<2x16x32xi32, #tpu.memory_space<vmem>> -> memref<1x1x32xi32, #tpu.memory_space<vmem>>
    %dma_start3A_183 = tpu.memref_squeeze %dma_start3A_182 : memref<1x1x32xi32, #tpu.memory_space<vmem>> -> memref<32xi32, #tpu.memory_space<vmem>>
    %dma_start3A_184 = arith.constant 0 : i32
    %dma_start3A_185 = arith.constant 0 : i32
    %dma_start3A_186 = tpu.memref_slice %arg2[%dma_start3A_184, %dma_start3A_185] : memref<10000x128xf32, #tpu.memory_space<hbm>> -> memref<10000x128xf32, #tpu.memory_space<hbm>>
    %dma_start3A_187 = tpu.memref_slice %arg10[%dma_start3A_176] : memref<8x!tpu.dma_semaphore, #tpu.memory_space<semaphore_mem>> -> memref<1x!tpu.dma_semaphore, #tpu.memory_space<semaphore_mem>>
    %dma_start3A_188 = tpu.memref_squeeze %dma_start3A_187 : memref<1x!tpu.dma_semaphore, #tpu.memory_space<semaphore_mem>> -> memref<!tpu.dma_semaphore, #tpu.memory_space<semaphore_mem>>
    tpu.enqueue_indirect_dma source(%dma_start3A_186 : memref<10000x128xf32, #tpu.memory_space<hbm>>) target(%dma_start3A_180 : memref<32x128xf32, #tpu.memory_space<vmem>>) offsets(%dma_start3A_183 : memref<32xi32, #tpu.memory_space<vmem>>) semaphore(%dma_start3A_188 : memref<!tpu.dma_semaphore, #tpu.memory_space<semaphore_mem>>)
    %dma_start3A_189 = arith.constant 0 : i32
    %dma_start3A_190 = arith.constant 6 : i32
    %dma_start3A_191 = arith.constant 6 : i32
    %dma_start3A_192 = arith.constant 6 : i32
    %dma_start3A_193 = arith.constant 0 : i32
    %dma_start3A_194 = arith.constant 0 : i32
    %dma_start3A_195 = tpu.memref_slice %arg8[%dma_start3A_191, %dma_start3A_193, %dma_start3A_194] : memref<8x32x128xf32, #tpu.memory_space<vmem>> -> memref<1x32x128xf32, #tpu.memory_space<vmem>>
    %dma_start3A_196 = tpu.memref_squeeze %dma_start3A_195 : memref<1x32x128xf32, #tpu.memory_space<vmem>> -> memref<32x128xf32, #tpu.memory_space<vmem>>
    %dma_start3A_197 = arith.constant 0 : i32
    %dma_start3A_198 = tpu.memref_slice %arg6[%dma_start3A_189, %dma_start3A_190, %dma_start3A_197] : memref<2x16x32xi32, #tpu.memory_space<vmem>> -> memref<1x1x32xi32, #tpu.memory_space<vmem>>
    %dma_start3A_199 = tpu.memref_squeeze %dma_start3A_198 : memref<1x1x32xi32, #tpu.memory_space<vmem>> -> memref<32xi32, #tpu.memory_space<vmem>>
    %dma_start3A_200 = arith.constant 0 : i32
    %dma_start3A_201 = arith.constant 0 : i32
    %dma_start3A_202 = tpu.memref_slice %arg2[%dma_start3A_200, %dma_start3A_201] : memref<10000x128xf32, #tpu.memory_space<hbm>> -> memref<10000x128xf32, #tpu.memory_space<hbm>>
    %dma_start3A_203 = tpu.memref_slice %arg10[%dma_start3A_192] : memref<8x!tpu.dma_semaphore, #tpu.memory_space<semaphore_mem>> -> memref<1x!tpu.dma_semaphore, #tpu.memory_space<semaphore_mem>>
    %dma_start3A_204 = tpu.memref_squeeze %dma_start3A_203 : memref<1x!tpu.dma_semaphore, #tpu.memory_space<semaphore_mem>> -> memref<!tpu.dma_semaphore, #tpu.memory_space<semaphore_mem>>
    tpu.enqueue_indirect_dma source(%dma_start3A_202 : memref<10000x128xf32, #tpu.memory_space<hbm>>) target(%dma_start3A_196 : memref<32x128xf32, #tpu.memory_space<vmem>>) offsets(%dma_start3A_199 : memref<32xi32, #tpu.memory_space<vmem>>) semaphore(%dma_start3A_204 : memref<!tpu.dma_semaphore, #tpu.memory_space<semaphore_mem>>)
    %dma_start3A_205 = arith.constant 0 : i32
    %dma_start3A_206 = arith.constant 7 : i32
    %dma_start3A_207 = arith.constant 7 : i32
    %dma_start3A_208 = arith.constant 7 : i32
    %dma_start3A_209 = arith.constant 0 : i32
    %dma_start3A_210 = arith.constant 0 : i32
    %dma_start3A_211 = tpu.memref_slice %arg8[%dma_start3A_207, %dma_start3A_209, %dma_start3A_210] : memref<8x32x128xf32, #tpu.memory_space<vmem>> -> memref<1x32x128xf32, #tpu.memory_space<vmem>>
    %dma_start3A_212 = tpu.memref_squeeze %dma_start3A_211 : memref<1x32x128xf32, #tpu.memory_space<vmem>> -> memref<32x128xf32, #tpu.memory_space<vmem>>
    %dma_start3A_213 = arith.constant 0 : i32
    %dma_start3A_214 = tpu.memref_slice %arg6[%dma_start3A_205, %dma_start3A_206, %dma_start3A_213] : memref<2x16x32xi32, #tpu.memory_space<vmem>> -> memref<1x1x32xi32, #tpu.memory_space<vmem>>
    %dma_start3A_215 = tpu.memref_squeeze %dma_start3A_214 : memref<1x1x32xi32, #tpu.memory_space<vmem>> -> memref<32xi32, #tpu.memory_space<vmem>>
    %dma_start3A_216 = arith.constant 0 : i32
    %dma_start3A_217 = arith.constant 0 : i32
    %dma_start3A_218 = tpu.memref_slice %arg2[%dma_start3A_216, %dma_start3A_217] : memref<10000x128xf32, #tpu.memory_space<hbm>> -> memref<10000x128xf32, #tpu.memory_space<hbm>>
    %dma_start3A_219 = tpu.memref_slice %arg10[%dma_start3A_208] : memref<8x!tpu.dma_semaphore, #tpu.memory_space<semaphore_mem>> -> memref<1x!tpu.dma_semaphore, #tpu.memory_space<semaphore_mem>>
    %dma_start3A_220 = tpu.memref_squeeze %dma_start3A_219 : memref<1x!tpu.dma_semaphore, #tpu.memory_space<semaphore_mem>> -> memref<!tpu.dma_semaphore, #tpu.memory_space<semaphore_mem>>
    tpu.enqueue_indirect_dma source(%dma_start3A_218 : memref<10000x128xf32, #tpu.memory_space<hbm>>) target(%dma_start3A_212 : memref<32x128xf32, #tpu.memory_space<vmem>>) offsets(%dma_start3A_215 : memref<32xi32, #tpu.memory_space<vmem>>) semaphore(%dma_start3A_220 : memref<!tpu.dma_semaphore, #tpu.memory_space<semaphore_mem>>)
    %barrier3A = arith.constant 0 : index
    tpu.barrier barrier_id(%barrier3A)
    %broadcast_in_dim3A_221 = arith.constant 1.000000e+00 : f32
    %broadcast_in_dim3A_222 = vector.broadcast %broadcast_in_dim3A_221 : f32 to vector<16xf32>
    %scan3A_223 = arith.constant 0 : i32
    %scan3A_224 = arith.constant 20 : i32
    %scan3A_225 = arith.addi %scan3A_223, %scan3A_224 : i32
    %scan3A_226 = arith.constant 1 : i32
    scf.for %scan3A_234 = %scan3A_223 to %scan3A_225 step %scan3A_226  : i32 {
      %mul3A_235 = arith.constant 1 : i32
      %mul3A_236 = arith.muli %scan3A_234, %mul3A_235 : i32
      %add3A_237 = arith.constant 0 : i32
      %add3A_238 = arith.addi %add3A_237, %mul3A_236 : i32
      %rem3A = arith.constant 2 : i32
      %rem3A_239 = arith.remsi %add3A_238, %rem3A : i32
      %sub3A = arith.constant 1 : i32
      %sub3A_240 = arith.subi %sub3A, %rem3A_239 : i32
      %dma_wait3A_241 = arith.constant 0 : i32
      %dma_wait3A_242 = arith.constant 0 : i32
      %dma_wait3A_243 = arith.constant 0 : i32
      %dma_wait3A_244 = arith.constant 0 : i32
      %dma_wait3A_245 = arith.constant 0 : i32
      %dma_wait3A_246 = tpu.memref_slice %arg8[%dma_wait3A_242, %dma_wait3A_244, %dma_wait3A_245] : memref<8x32x128xf32, #tpu.memory_space<vmem>> -> memref<1x32x128xf32, #tpu.memory_space<vmem>>
      %dma_wait3A_247 = tpu.memref_squeeze %dma_wait3A_246 : memref<1x32x128xf32, #tpu.memory_space<vmem>> -> memref<32x128xf32, #tpu.memory_space<vmem>>
      %dma_wait3A_248 = arith.constant 0 : i32
      %dma_wait3A_249 = tpu.memref_slice %arg6[%rem3A_239, %dma_wait3A_241, %dma_wait3A_248] : memref<2x16x32xi32, #tpu.memory_space<vmem>> -> memref<1x1x32xi32, #tpu.memory_space<vmem>>
      %dma_wait3A_250 = tpu.memref_squeeze %dma_wait3A_249 : memref<1x1x32xi32, #tpu.memory_space<vmem>> -> memref<32xi32, #tpu.memory_space<vmem>>
      %dma_wait3A_251 = arith.constant 0 : i32
      %dma_wait3A_252 = arith.constant 0 : i32
      %dma_wait3A_253 = tpu.memref_slice %arg2[%dma_wait3A_251, %dma_wait3A_252] : memref<10000x128xf32, #tpu.memory_space<hbm>> -> memref<10000x128xf32, #tpu.memory_space<hbm>>
      %dma_wait3A_254 = tpu.memref_slice %arg10[%dma_wait3A_243] : memref<8x!tpu.dma_semaphore, #tpu.memory_space<semaphore_mem>> -> memref<1x!tpu.dma_semaphore, #tpu.memory_space<semaphore_mem>>
      %dma_wait3A_255 = tpu.memref_squeeze %dma_wait3A_254 : memref<1x!tpu.dma_semaphore, #tpu.memory_space<semaphore_mem>> -> memref<!tpu.dma_semaphore, #tpu.memory_space<semaphore_mem>>
      tpu.wait_indirect_dma semaphore(%dma_wait3A_255 : memref<!tpu.dma_semaphore, #tpu.memory_space<semaphore_mem>>) src(%dma_wait3A_253 : memref<10000x128xf32, #tpu.memory_space<hbm>>) dst(%dma_wait3A_247 : memref<32x128xf32, #tpu.memory_space<vmem>>)
      %run_scoped3A = arith.constant 0 : i32
      %run_scoped3A_256 = arith.constant 0 : i32
      "tpu.region"() ({
        %run_scoped3A_679 = tpu.sem_alloc : memref<!tpu.dma_semaphore, #tpu.memory_space<semaphore_mem>>
        %dma_start3A_680 = arith.constant 0 : i32
        %dma_start3A_681 = arith.constant 0 : i32
        %dma_start3A_682 = tpu.memref_slice %arg8[%run_scoped3A, %dma_start3A_680, %dma_start3A_681] : memref<8x32x128xf32, #tpu.memory_space<vmem>> -> memref<1x32x128xf32, #tpu.memory_space<vmem>>
        %dma_start3A_683 = tpu.memref_squeeze %dma_start3A_682 : memref<1x32x128xf32, #tpu.memory_space<vmem>> -> memref<32x128xf32, #tpu.memory_space<vmem>>
        %dma_start3A_684 = arith.constant 0 : i32
        %dma_start3A_685 = tpu.memref_slice %arg7[%rem3A_239, %run_scoped3A_256, %dma_start3A_684] : memref<2x16x32xi32, #tpu.memory_space<vmem>> -> memref<1x1x32xi32, #tpu.memory_space<vmem>>
        %dma_start3A_686 = tpu.memref_squeeze %dma_start3A_685 : memref<1x1x32xi32, #tpu.memory_space<vmem>> -> memref<32xi32, #tpu.memory_space<vmem>>
        %dma_start3A_687 = arith.constant 0 : i32
        %dma_start3A_688 = arith.constant 0 : i32
        %dma_start3A_689 = tpu.memref_slice %arg9[%dma_start3A_687, %dma_start3A_688] : memref<10240x128xf32, #tpu.memory_space<vmem_shared>> -> memref<10240x128xf32, #tpu.memory_space<vmem_shared>>
        tpu.enqueue_indirect_dma source(%dma_start3A_683 : memref<32x128xf32, #tpu.memory_space<vmem>>) target(%dma_start3A_689 : memref<10240x128xf32, #tpu.memory_space<vmem_shared>>) offsets(%dma_start3A_686 : memref<32xi32, #tpu.memory_space<vmem>>) semaphore(%run_scoped3A_679 : memref<!tpu.dma_semaphore, #tpu.memory_space<semaphore_mem>>) {add = true}
        %dma_wait3A_690 = arith.constant 0 : i32
        %dma_wait3A_691 = arith.constant 0 : i32
        %dma_wait3A_692 = tpu.memref_slice %arg8[%run_scoped3A, %dma_wait3A_690, %dma_wait3A_691] : memref<8x32x128xf32, #tpu.memory_space<vmem>> -> memref<1x32x128xf32, #tpu.memory_space<vmem>>
        %dma_wait3A_693 = tpu.memref_squeeze %dma_wait3A_692 : memref<1x32x128xf32, #tpu.memory_space<vmem>> -> memref<32x128xf32, #tpu.memory_space<vmem>>
        %dma_wait3A_694 = arith.constant 0 : i32
        %dma_wait3A_695 = tpu.memref_slice %arg7[%rem3A_239, %run_scoped3A_256, %dma_wait3A_694] : memref<2x16x32xi32, #tpu.memory_space<vmem>> -> memref<1x1x32xi32, #tpu.memory_space<vmem>>
        %dma_wait3A_696 = tpu.memref_squeeze %dma_wait3A_695 : memref<1x1x32xi32, #tpu.memory_space<vmem>> -> memref<32xi32, #tpu.memory_space<vmem>>
        %dma_wait3A_697 = arith.constant 0 : i32
        %dma_wait3A_698 = arith.constant 0 : i32
        %dma_wait3A_699 = tpu.memref_slice %arg9[%dma_wait3A_697, %dma_wait3A_698] : memref<10240x128xf32, #tpu.memory_space<vmem_shared>> -> memref<10240x128xf32, #tpu.memory_space<vmem_shared>>
        tpu.wait_indirect_dma semaphore(%run_scoped3A_679 : memref<!tpu.dma_semaphore, #tpu.memory_space<semaphore_mem>>) src(%dma_wait3A_693 : memref<32x128xf32, #tpu.memory_space<vmem>>) dst(%dma_wait3A_699 : memref<10240x128xf32, #tpu.memory_space<vmem_shared>>)
        tpu.yield
      }) : () -> ()
      %dma_start3A_257 = arith.constant 8 : i32
      %dma_start3A_258 = arith.constant 0 : i32
      %dma_start3A_259 = arith.constant 0 : i32
      %dma_start3A_260 = arith.constant 0 : i32
      %dma_start3A_261 = arith.constant 0 : i32
      %dma_start3A_262 = tpu.memref_slice %arg8[%dma_start3A_258, %dma_start3A_260, %dma_start3A_261] : memref<8x32x128xf32, #tpu.memory_space<vmem>> -> memref<1x32x128xf32, #tpu.memory_space<vmem>>
      %dma_start3A_263 = tpu.memref_squeeze %dma_start3A_262 : memref<1x32x128xf32, #tpu.memory_space<vmem>> -> memref<32x128xf32, #tpu.memory_space<vmem>>
      %dma_start3A_264 = arith.constant 0 : i32
      %dma_start3A_265 = tpu.memref_slice %arg6[%rem3A_239, %dma_start3A_257, %dma_start3A_264] : memref<2x16x32xi32, #tpu.memory_space<vmem>> -> memref<1x1x32xi32, #tpu.memory_space<vmem>>
      %dma_start3A_266 = tpu.memref_squeeze %dma_start3A_265 : memref<1x1x32xi32, #tpu.memory_space<vmem>> -> memref<32xi32, #tpu.memory_space<vmem>>
      %dma_start3A_267 = arith.constant 0 : i32
      %dma_start3A_268 = arith.constant 0 : i32
      %dma_start3A_269 = tpu.memref_slice %arg2[%dma_start3A_267, %dma_start3A_268] : memref<10000x128xf32, #tpu.memory_space<hbm>> -> memref<10000x128xf32, #tpu.memory_space<hbm>>
      %dma_start3A_270 = tpu.memref_slice %arg10[%dma_start3A_259] : memref<8x!tpu.dma_semaphore, #tpu.memory_space<semaphore_mem>> -> memref<1x!tpu.dma_semaphore, #tpu.memory_space<semaphore_mem>>
      %dma_start3A_271 = tpu.memref_squeeze %dma_start3A_270 : memref<1x!tpu.dma_semaphore, #tpu.memory_space<semaphore_mem>> -> memref<!tpu.dma_semaphore, #tpu.memory_space<semaphore_mem>>
      tpu.enqueue_indirect_dma source(%dma_start3A_269 : memref<10000x128xf32, #tpu.memory_space<hbm>>) target(%dma_start3A_263 : memref<32x128xf32, #tpu.memory_space<vmem>>) offsets(%dma_start3A_266 : memref<32xi32, #tpu.memory_space<vmem>>) semaphore(%dma_start3A_271 : memref<!tpu.dma_semaphore, #tpu.memory_space<semaphore_mem>>)
      %dma_wait3A_272 = arith.constant 1 : i32
      %dma_wait3A_273 = arith.constant 1 : i32
      %dma_wait3A_274 = arith.constant 1 : i32
      %dma_wait3A_275 = arith.constant 0 : i32
      %dma_wait3A_276 = arith.constant 0 : i32
      %dma_wait3A_277 = tpu.memref_slice %arg8[%dma_wait3A_273, %dma_wait3A_275, %dma_wait3A_276] : memref<8x32x128xf32, #tpu.memory_space<vmem>> -> memref<1x32x128xf32, #tpu.memory_space<vmem>>
      %dma_wait3A_278 = tpu.memref_squeeze %dma_wait3A_277 : memref<1x32x128xf32, #tpu.memory_space<vmem>> -> memref<32x128xf32, #tpu.memory_space<vmem>>
      %dma_wait3A_279 = arith.constant 0 : i32
      %dma_wait3A_280 = tpu.memref_slice %arg6[%rem3A_239, %dma_wait3A_272, %dma_wait3A_279] : memref<2x16x32xi32, #tpu.memory_space<vmem>> -> memref<1x1x32xi32, #tpu.memory_space<vmem>>
      %dma_wait3A_281 = tpu.memref_squeeze %dma_wait3A_280 : memref<1x1x32xi32, #tpu.memory_space<vmem>> -> memref<32xi32, #tpu.memory_space<vmem>>
      %dma_wait3A_282 = arith.constant 0 : i32
      %dma_wait3A_283 = arith.constant 0 : i32
      %dma_wait3A_284 = tpu.memref_slice %arg2[%dma_wait3A_282, %dma_wait3A_283] : memref<10000x128xf32, #tpu.memory_space<hbm>> -> memref<10000x128xf32, #tpu.memory_space<hbm>>
      %dma_wait3A_285 = tpu.memref_slice %arg10[%dma_wait3A_274] : memref<8x!tpu.dma_semaphore, #tpu.memory_space<semaphore_mem>> -> memref<1x!tpu.dma_semaphore, #tpu.memory_space<semaphore_mem>>
      %dma_wait3A_286 = tpu.memref_squeeze %dma_wait3A_285 : memref<1x!tpu.dma_semaphore, #tpu.memory_space<semaphore_mem>> -> memref<!tpu.dma_semaphore, #tpu.memory_space<semaphore_mem>>
      tpu.wait_indirect_dma semaphore(%dma_wait3A_286 : memref<!tpu.dma_semaphore, #tpu.memory_space<semaphore_mem>>) src(%dma_wait3A_284 : memref<10000x128xf32, #tpu.memory_space<hbm>>) dst(%dma_wait3A_278 : memref<32x128xf32, #tpu.memory_space<vmem>>)
      %run_scoped3A_287 = arith.constant 1 : i32
      %run_scoped3A_288 = arith.constant 1 : i32
      "tpu.region"() ({
        %run_scoped3A_679 = tpu.sem_alloc : memref<!tpu.dma_semaphore, #tpu.memory_space<semaphore_mem>>
        %dma_start3A_680 = arith.constant 0 : i32
        %dma_start3A_681 = arith.constant 0 : i32
        %dma_start3A_682 = tpu.memref_slice %arg8[%run_scoped3A_287, %dma_start3A_680, %dma_start3A_681] : memref<8x32x128xf32, #tpu.memory_space<vmem>> -> memref<1x32x128xf32, #tpu.memory_space<vmem>>
        %dma_start3A_683 = tpu.memref_squeeze %dma_start3A_682 : memref<1x32x128xf32, #tpu.memory_space<vmem>> -> memref<32x128xf32, #tpu.memory_space<vmem>>
        %dma_start3A_684 = arith.constant 0 : i32
        %dma_start3A_685 = tpu.memref_slice %arg7[%rem3A_239, %run_scoped3A_288, %dma_start3A_684] : memref<2x16x32xi32, #tpu.memory_space<vmem>> -> memref<1x1x32xi32, #tpu.memory_space<vmem>>
        %dma_start3A_686 = tpu.memref_squeeze %dma_start3A_685 : memref<1x1x32xi32, #tpu.memory_space<vmem>> -> memref<32xi32, #tpu.memory_space<vmem>>
        %dma_start3A_687 = arith.constant 0 : i32
        %dma_start3A_688 = arith.constant 0 : i32
        %dma_start3A_689 = tpu.memref_slice %arg9[%dma_start3A_687, %dma_start3A_688] : memref<10240x128xf32, #tpu.memory_space<vmem_shared>> -> memref<10240x128xf32, #tpu.memory_space<vmem_shared>>
        tpu.enqueue_indirect_dma source(%dma_start3A_683 : memref<32x128xf32, #tpu.memory_space<vmem>>) target(%dma_start3A_689 : memref<10240x128xf32, #tpu.memory_space<vmem_shared>>) offsets(%dma_start3A_686 : memref<32xi32, #tpu.memory_space<vmem>>) semaphore(%run_scoped3A_679 : memref<!tpu.dma_semaphore, #tpu.memory_space<semaphore_mem>>) {add = true}
        %dma_wait3A_690 = arith.constant 0 : i32
        %dma_wait3A_691 = arith.constant 0 : i32
        %dma_wait3A_692 = tpu.memref_slice %arg8[%run_scoped3A_287, %dma_wait3A_690, %dma_wait3A_691] : memref<8x32x128xf32, #tpu.memory_space<vmem>> -> memref<1x32x128xf32, #tpu.memory_space<vmem>>
        %dma_wait3A_693 = tpu.memref_squeeze %dma_wait3A_692 : memref<1x32x128xf32, #tpu.memory_space<vmem>> -> memref<32x128xf32, #tpu.memory_space<vmem>>
        %dma_wait3A_694 = arith.constant 0 : i32
        %dma_wait3A_695 = tpu.memref_slice %arg7[%rem3A_239, %run_scoped3A_288, %dma_wait3A_694] : memref<2x16x32xi32, #tpu.memory_space<vmem>> -> memref<1x1x32xi32, #tpu.memory_space<vmem>>
        %dma_wait3A_696 = tpu.memref_squeeze %dma_wait3A_695 : memref<1x1x32xi32, #tpu.memory_space<vmem>> -> memref<32xi32, #tpu.memory_space<vmem>>
        %dma_wait3A_697 = arith.constant 0 : i32
        %dma_wait3A_698 = arith.constant 0 : i32
        %dma_wait3A_699 = tpu.memref_slice %arg9[%dma_wait3A_697, %dma_wait3A_698] : memref<10240x128xf32, #tpu.memory_space<vmem_shared>> -> memref<10240x128xf32, #tpu.memory_space<vmem_shared>>
        tpu.wait_indirect_dma semaphore(%run_scoped3A_679 : memref<!tpu.dma_semaphore, #tpu.memory_space<semaphore_mem>>) src(%dma_wait3A_693 : memref<32x128xf32, #tpu.memory_space<vmem>>) dst(%dma_wait3A_699 : memref<10240x128xf32, #tpu.memory_space<vmem_shared>>)
        tpu.yield
      }) : () -> ()
      %dma_start3A_289 = arith.constant 9 : i32
      %dma_start3A_290 = arith.constant 1 : i32
      %dma_start3A_291 = arith.constant 1 : i32
      %dma_start3A_292 = arith.constant 0 : i32
      %dma_start3A_293 = arith.constant 0 : i32
      %dma_start3A_294 = tpu.memref_slice %arg8[%dma_start3A_290, %dma_start3A_292, %dma_start3A_293] : memref<8x32x128xf32, #tpu.memory_space<vmem>> -> memref<1x32x128xf32, #tpu.memory_space<vmem>>
      %dma_start3A_295 = tpu.memref_squeeze %dma_start3A_294 : memref<1x32x128xf32, #tpu.memory_space<vmem>> -> memref<32x128xf32, #tpu.memory_space<vmem>>
      %dma_start3A_296 = arith.constant 0 : i32
      %dma_start3A_297 = tpu.memref_slice %arg6[%rem3A_239, %dma_start3A_289, %dma_start3A_296] : memref<2x16x32xi32, #tpu.memory_space<vmem>> -> memref<1x1x32xi32, #tpu.memory_space<vmem>>
      %dma_start3A_298 = tpu.memref_squeeze %dma_start3A_297 : memref<1x1x32xi32, #tpu.memory_space<vmem>> -> memref<32xi32, #tpu.memory_space<vmem>>
      %dma_start3A_299 = arith.constant 0 : i32
      %dma_start3A_300 = arith.constant 0 : i32
      %dma_start3A_301 = tpu.memref_slice %arg2[%dma_start3A_299, %dma_start3A_300] : memref<10000x128xf32, #tpu.memory_space<hbm>> -> memref<10000x128xf32, #tpu.memory_space<hbm>>
      %dma_start3A_302 = tpu.memref_slice %arg10[%dma_start3A_291] : memref<8x!tpu.dma_semaphore, #tpu.memory_space<semaphore_mem>> -> memref<1x!tpu.dma_semaphore, #tpu.memory_space<semaphore_mem>>
      %dma_start3A_303 = tpu.memref_squeeze %dma_start3A_302 : memref<1x!tpu.dma_semaphore, #tpu.memory_space<semaphore_mem>> -> memref<!tpu.dma_semaphore, #tpu.memory_space<semaphore_mem>>
      tpu.enqueue_indirect_dma source(%dma_start3A_301 : memref<10000x128xf32, #tpu.memory_space<hbm>>) target(%dma_start3A_295 : memref<32x128xf32, #tpu.memory_space<vmem>>) offsets(%dma_start3A_298 : memref<32xi32, #tpu.memory_space<vmem>>) semaphore(%dma_start3A_303 : memref<!tpu.dma_semaphore, #tpu.memory_space<semaphore_mem>>)
      %dma_wait3A_304 = arith.constant 2 : i32
      %dma_wait3A_305 = arith.constant 2 : i32
      %dma_wait3A_306 = arith.constant 2 : i32
      %dma_wait3A_307 = arith.constant 0 : i32
      %dma_wait3A_308 = arith.constant 0 : i32
      %dma_wait3A_309 = tpu.memref_slice %arg8[%dma_wait3A_305, %dma_wait3A_307, %dma_wait3A_308] : memref<8x32x128xf32, #tpu.memory_space<vmem>> -> memref<1x32x128xf32, #tpu.memory_space<vmem>>
      %dma_wait3A_310 = tpu.memref_squeeze %dma_wait3A_309 : memref<1x32x128xf32, #tpu.memory_space<vmem>> -> memref<32x128xf32, #tpu.memory_space<vmem>>
      %dma_wait3A_311 = arith.constant 0 : i32
      %dma_wait3A_312 = tpu.memref_slice %arg6[%rem3A_239, %dma_wait3A_304, %dma_wait3A_311] : memref<2x16x32xi32, #tpu.memory_space<vmem>> -> memref<1x1x32xi32, #tpu.memory_space<vmem>>
      %dma_wait3A_313 = tpu.memref_squeeze %dma_wait3A_312 : memref<1x1x32xi32, #tpu.memory_space<vmem>> -> memref<32xi32, #tpu.memory_space<vmem>>
      %dma_wait3A_314 = arith.constant 0 : i32
      %dma_wait3A_315 = arith.constant 0 : i32
      %dma_wait3A_316 = tpu.memref_slice %arg2[%dma_wait3A_314, %dma_wait3A_315] : memref<10000x128xf32, #tpu.memory_space<hbm>> -> memref<10000x128xf32, #tpu.memory_space<hbm>>
      %dma_wait3A_317 = tpu.memref_slice %arg10[%dma_wait3A_306] : memref<8x!tpu.dma_semaphore, #tpu.memory_space<semaphore_mem>> -> memref<1x!tpu.dma_semaphore, #tpu.memory_space<semaphore_mem>>
      %dma_wait3A_318 = tpu.memref_squeeze %dma_wait3A_317 : memref<1x!tpu.dma_semaphore, #tpu.memory_space<semaphore_mem>> -> memref<!tpu.dma_semaphore, #tpu.memory_space<semaphore_mem>>
      tpu.wait_indirect_dma semaphore(%dma_wait3A_318 : memref<!tpu.dma_semaphore, #tpu.memory_space<semaphore_mem>>) src(%dma_wait3A_316 : memref<10000x128xf32, #tpu.memory_space<hbm>>) dst(%dma_wait3A_310 : memref<32x128xf32, #tpu.memory_space<vmem>>)
      %run_scoped3A_319 = arith.constant 2 : i32
      %run_scoped3A_320 = arith.constant 2 : i32
      "tpu.region"() ({
        %run_scoped3A_679 = tpu.sem_alloc : memref<!tpu.dma_semaphore, #tpu.memory_space<semaphore_mem>>
        %dma_start3A_680 = arith.constant 0 : i32
        %dma_start3A_681 = arith.constant 0 : i32
        %dma_start3A_682 = tpu.memref_slice %arg8[%run_scoped3A_319, %dma_start3A_680, %dma_start3A_681] : memref<8x32x128xf32, #tpu.memory_space<vmem>> -> memref<1x32x128xf32, #tpu.memory_space<vmem>>
        %dma_start3A_683 = tpu.memref_squeeze %dma_start3A_682 : memref<1x32x128xf32, #tpu.memory_space<vmem>> -> memref<32x128xf32, #tpu.memory_space<vmem>>
        %dma_start3A_684 = arith.constant 0 : i32
        %dma_start3A_685 = tpu.memref_slice %arg7[%rem3A_239, %run_scoped3A_320, %dma_start3A_684] : memref<2x16x32xi32, #tpu.memory_space<vmem>> -> memref<1x1x32xi32, #tpu.memory_space<vmem>>
        %dma_start3A_686 = tpu.memref_squeeze %dma_start3A_685 : memref<1x1x32xi32, #tpu.memory_space<vmem>> -> memref<32xi32, #tpu.memory_space<vmem>>
        %dma_start3A_687 = arith.constant 0 : i32
        %dma_start3A_688 = arith.constant 0 : i32
        %dma_start3A_689 = tpu.memref_slice %arg9[%dma_start3A_687, %dma_start3A_688] : memref<10240x128xf32, #tpu.memory_space<vmem_shared>> -> memref<10240x128xf32, #tpu.memory_space<vmem_shared>>
        tpu.enqueue_indirect_dma source(%dma_start3A_683 : memref<32x128xf32, #tpu.memory_space<vmem>>) target(%dma_start3A_689 : memref<10240x128xf32, #tpu.memory_space<vmem_shared>>) offsets(%dma_start3A_686 : memref<32xi32, #tpu.memory_space<vmem>>) semaphore(%run_scoped3A_679 : memref<!tpu.dma_semaphore, #tpu.memory_space<semaphore_mem>>) {add = true}
        %dma_wait3A_690 = arith.constant 0 : i32
        %dma_wait3A_691 = arith.constant 0 : i32
        %dma_wait3A_692 = tpu.memref_slice %arg8[%run_scoped3A_319, %dma_wait3A_690, %dma_wait3A_691] : memref<8x32x128xf32, #tpu.memory_space<vmem>> -> memref<1x32x128xf32, #tpu.memory_space<vmem>>
        %dma_wait3A_693 = tpu.memref_squeeze %dma_wait3A_692 : memref<1x32x128xf32, #tpu.memory_space<vmem>> -> memref<32x128xf32, #tpu.memory_space<vmem>>
        %dma_wait3A_694 = arith.constant 0 : i32
        %dma_wait3A_695 = tpu.memref_slice %arg7[%rem3A_239, %run_scoped3A_320, %dma_wait3A_694] : memref<2x16x32xi32, #tpu.memory_space<vmem>> -> memref<1x1x32xi32, #tpu.memory_space<vmem>>
        %dma_wait3A_696 = tpu.memref_squeeze %dma_wait3A_695 : memref<1x1x32xi32, #tpu.memory_space<vmem>> -> memref<32xi32, #tpu.memory_space<vmem>>
        %dma_wait3A_697 = arith.constant 0 : i32
        %dma_wait3A_698 = arith.constant 0 : i32
        %dma_wait3A_699 = tpu.memref_slice %arg9[%dma_wait3A_697, %dma_wait3A_698] : memref<10240x128xf32, #tpu.memory_space<vmem_shared>> -> memref<10240x128xf32, #tpu.memory_space<vmem_shared>>
        tpu.wait_indirect_dma semaphore(%run_scoped3A_679 : memref<!tpu.dma_semaphore, #tpu.memory_space<semaphore_mem>>) src(%dma_wait3A_693 : memref<32x128xf32, #tpu.memory_space<vmem>>) dst(%dma_wait3A_699 : memref<10240x128xf32, #tpu.memory_space<vmem_shared>>)
        tpu.yield
      }) : () -> ()
      %dma_start3A_321 = arith.constant 10 : i32
      %dma_start3A_322 = arith.constant 2 : i32
      %dma_start3A_323 = arith.constant 2 : i32
      %dma_start3A_324 = arith.constant 0 : i32
      %dma_start3A_325 = arith.constant 0 : i32
      %dma_start3A_326 = tpu.memref_slice %arg8[%dma_start3A_322, %dma_start3A_324, %dma_start3A_325] : memref<8x32x128xf32, #tpu.memory_space<vmem>> -> memref<1x32x128xf32, #tpu.memory_space<vmem>>
      %dma_start3A_327 = tpu.memref_squeeze %dma_start3A_326 : memref<1x32x128xf32, #tpu.memory_space<vmem>> -> memref<32x128xf32, #tpu.memory_space<vmem>>
      %dma_start3A_328 = arith.constant 0 : i32
      %dma_start3A_329 = tpu.memref_slice %arg6[%rem3A_239, %dma_start3A_321, %dma_start3A_328] : memref<2x16x32xi32, #tpu.memory_space<vmem>> -> memref<1x1x32xi32, #tpu.memory_space<vmem>>
      %dma_start3A_330 = tpu.memref_squeeze %dma_start3A_329 : memref<1x1x32xi32, #tpu.memory_space<vmem>> -> memref<32xi32, #tpu.memory_space<vmem>>
      %dma_start3A_331 = arith.constant 0 : i32
      %dma_start3A_332 = arith.constant 0 : i32
      %dma_start3A_333 = tpu.memref_slice %arg2[%dma_start3A_331, %dma_start3A_332] : memref<10000x128xf32, #tpu.memory_space<hbm>> -> memref<10000x128xf32, #tpu.memory_space<hbm>>
      %dma_start3A_334 = tpu.memref_slice %arg10[%dma_start3A_323] : memref<8x!tpu.dma_semaphore, #tpu.memory_space<semaphore_mem>> -> memref<1x!tpu.dma_semaphore, #tpu.memory_space<semaphore_mem>>
      %dma_start3A_335 = tpu.memref_squeeze %dma_start3A_334 : memref<1x!tpu.dma_semaphore, #tpu.memory_space<semaphore_mem>> -> memref<!tpu.dma_semaphore, #tpu.memory_space<semaphore_mem>>
      tpu.enqueue_indirect_dma source(%dma_start3A_333 : memref<10000x128xf32, #tpu.memory_space<hbm>>) target(%dma_start3A_327 : memref<32x128xf32, #tpu.memory_space<vmem>>) offsets(%dma_start3A_330 : memref<32xi32, #tpu.memory_space<vmem>>) semaphore(%dma_start3A_335 : memref<!tpu.dma_semaphore, #tpu.memory_space<semaphore_mem>>)
      %dma_wait3A_336 = arith.constant 3 : i32
      %dma_wait3A_337 = arith.constant 3 : i32
      %dma_wait3A_338 = arith.constant 3 : i32
      %dma_wait3A_339 = arith.constant 0 : i32
      %dma_wait3A_340 = arith.constant 0 : i32
      %dma_wait3A_341 = tpu.memref_slice %arg8[%dma_wait3A_337, %dma_wait3A_339, %dma_wait3A_340] : memref<8x32x128xf32, #tpu.memory_space<vmem>> -> memref<1x32x128xf32, #tpu.memory_space<vmem>>
      %dma_wait3A_342 = tpu.memref_squeeze %dma_wait3A_341 : memref<1x32x128xf32, #tpu.memory_space<vmem>> -> memref<32x128xf32, #tpu.memory_space<vmem>>
      %dma_wait3A_343 = arith.constant 0 : i32
      %dma_wait3A_344 = tpu.memref_slice %arg6[%rem3A_239, %dma_wait3A_336, %dma_wait3A_343] : memref<2x16x32xi32, #tpu.memory_space<vmem>> -> memref<1x1x32xi32, #tpu.memory_space<vmem>>
      %dma_wait3A_345 = tpu.memref_squeeze %dma_wait3A_344 : memref<1x1x32xi32, #tpu.memory_space<vmem>> -> memref<32xi32, #tpu.memory_space<vmem>>
      %dma_wait3A_346 = arith.constant 0 : i32
      %dma_wait3A_347 = arith.constant 0 : i32
      %dma_wait3A_348 = tpu.memref_slice %arg2[%dma_wait3A_346, %dma_wait3A_347] : memref<10000x128xf32, #tpu.memory_space<hbm>> -> memref<10000x128xf32, #tpu.memory_space<hbm>>
      %dma_wait3A_349 = tpu.memref_slice %arg10[%dma_wait3A_338] : memref<8x!tpu.dma_semaphore, #tpu.memory_space<semaphore_mem>> -> memref<1x!tpu.dma_semaphore, #tpu.memory_space<semaphore_mem>>
      %dma_wait3A_350 = tpu.memref_squeeze %dma_wait3A_349 : memref<1x!tpu.dma_semaphore, #tpu.memory_space<semaphore_mem>> -> memref<!tpu.dma_semaphore, #tpu.memory_space<semaphore_mem>>
      tpu.wait_indirect_dma semaphore(%dma_wait3A_350 : memref<!tpu.dma_semaphore, #tpu.memory_space<semaphore_mem>>) src(%dma_wait3A_348 : memref<10000x128xf32, #tpu.memory_space<hbm>>) dst(%dma_wait3A_342 : memref<32x128xf32, #tpu.memory_space<vmem>>)
      %run_scoped3A_351 = arith.constant 3 : i32
      %run_scoped3A_352 = arith.constant 3 : i32
      "tpu.region"() ({
        %run_scoped3A_679 = tpu.sem_alloc : memref<!tpu.dma_semaphore, #tpu.memory_space<semaphore_mem>>
        %dma_start3A_680 = arith.constant 0 : i32
        %dma_start3A_681 = arith.constant 0 : i32
        %dma_start3A_682 = tpu.memref_slice %arg8[%run_scoped3A_351, %dma_start3A_680, %dma_start3A_681] : memref<8x32x128xf32, #tpu.memory_space<vmem>> -> memref<1x32x128xf32, #tpu.memory_space<vmem>>
        %dma_start3A_683 = tpu.memref_squeeze %dma_start3A_682 : memref<1x32x128xf32, #tpu.memory_space<vmem>> -> memref<32x128xf32, #tpu.memory_space<vmem>>
        %dma_start3A_684 = arith.constant 0 : i32
        %dma_start3A_685 = tpu.memref_slice %arg7[%rem3A_239, %run_scoped3A_352, %dma_start3A_684] : memref<2x16x32xi32, #tpu.memory_space<vmem>> -> memref<1x1x32xi32, #tpu.memory_space<vmem>>
        %dma_start3A_686 = tpu.memref_squeeze %dma_start3A_685 : memref<1x1x32xi32, #tpu.memory_space<vmem>> -> memref<32xi32, #tpu.memory_space<vmem>>
        %dma_start3A_687 = arith.constant 0 : i32
        %dma_start3A_688 = arith.constant 0 : i32
        %dma_start3A_689 = tpu.memref_slice %arg9[%dma_start3A_687, %dma_start3A_688] : memref<10240x128xf32, #tpu.memory_space<vmem_shared>> -> memref<10240x128xf32, #tpu.memory_space<vmem_shared>>
        tpu.enqueue_indirect_dma source(%dma_start3A_683 : memref<32x128xf32, #tpu.memory_space<vmem>>) target(%dma_start3A_689 : memref<10240x128xf32, #tpu.memory_space<vmem_shared>>) offsets(%dma_start3A_686 : memref<32xi32, #tpu.memory_space<vmem>>) semaphore(%run_scoped3A_679 : memref<!tpu.dma_semaphore, #tpu.memory_space<semaphore_mem>>) {add = true}
        %dma_wait3A_690 = arith.constant 0 : i32
        %dma_wait3A_691 = arith.constant 0 : i32
        %dma_wait3A_692 = tpu.memref_slice %arg8[%run_scoped3A_351, %dma_wait3A_690, %dma_wait3A_691] : memref<8x32x128xf32, #tpu.memory_space<vmem>> -> memref<1x32x128xf32, #tpu.memory_space<vmem>>
        %dma_wait3A_693 = tpu.memref_squeeze %dma_wait3A_692 : memref<1x32x128xf32, #tpu.memory_space<vmem>> -> memref<32x128xf32, #tpu.memory_space<vmem>>
        %dma_wait3A_694 = arith.constant 0 : i32
        %dma_wait3A_695 = tpu.memref_slice %arg7[%rem3A_239, %run_scoped3A_352, %dma_wait3A_694] : memref<2x16x32xi32, #tpu.memory_space<vmem>> -> memref<1x1x32xi32, #tpu.memory_space<vmem>>
        %dma_wait3A_696 = tpu.memref_squeeze %dma_wait3A_695 : memref<1x1x32xi32, #tpu.memory_space<vmem>> -> memref<32xi32, #tpu.memory_space<vmem>>
        %dma_wait3A_697 = arith.constant 0 : i32
        %dma_wait3A_698 = arith.constant 0 : i32
        %dma_wait3A_699 = tpu.memref_slice %arg9[%dma_wait3A_697, %dma_wait3A_698] : memref<10240x128xf32, #tpu.memory_space<vmem_shared>> -> memref<10240x128xf32, #tpu.memory_space<vmem_shared>>
        tpu.wait_indirect_dma semaphore(%run_scoped3A_679 : memref<!tpu.dma_semaphore, #tpu.memory_space<semaphore_mem>>) src(%dma_wait3A_693 : memref<32x128xf32, #tpu.memory_space<vmem>>) dst(%dma_wait3A_699 : memref<10240x128xf32, #tpu.memory_space<vmem_shared>>)
        tpu.yield
      }) : () -> ()
      %dma_start3A_353 = arith.constant 11 : i32
      %dma_start3A_354 = arith.constant 3 : i32
      %dma_start3A_355 = arith.constant 3 : i32
      %dma_start3A_356 = arith.constant 0 : i32
      %dma_start3A_357 = arith.constant 0 : i32
      %dma_start3A_358 = tpu.memref_slice %arg8[%dma_start3A_354, %dma_start3A_356, %dma_start3A_357] : memref<8x32x128xf32, #tpu.memory_space<vmem>> -> memref<1x32x128xf32, #tpu.memory_space<vmem>>
      %dma_start3A_359 = tpu.memref_squeeze %dma_start3A_358 : memref<1x32x128xf32, #tpu.memory_space<vmem>> -> memref<32x128xf32, #tpu.memory_space<vmem>>
      %dma_start3A_360 = arith.constant 0 : i32
      %dma_start3A_361 = tpu.memref_slice %arg6[%rem3A_239, %dma_start3A_353, %dma_start3A_360] : memref<2x16x32xi32, #tpu.memory_space<vmem>> -> memref<1x1x32xi32, #tpu.memory_space<vmem>>
      %dma_start3A_362 = tpu.memref_squeeze %dma_start3A_361 : memref<1x1x32xi32, #tpu.memory_space<vmem>> -> memref<32xi32, #tpu.memory_space<vmem>>
      %dma_start3A_363 = arith.constant 0 : i32
      %dma_start3A_364 = arith.constant 0 : i32
      %dma_start3A_365 = tpu.memref_slice %arg2[%dma_start3A_363, %dma_start3A_364] : memref<10000x128xf32, #tpu.memory_space<hbm>> -> memref<10000x128xf32, #tpu.memory_space<hbm>>
      %dma_start3A_366 = tpu.memref_slice %arg10[%dma_start3A_355] : memref<8x!tpu.dma_semaphore, #tpu.memory_space<semaphore_mem>> -> memref<1x!tpu.dma_semaphore, #tpu.memory_space<semaphore_mem>>
      %dma_start3A_367 = tpu.memref_squeeze %dma_start3A_366 : memref<1x!tpu.dma_semaphore, #tpu.memory_space<semaphore_mem>> -> memref<!tpu.dma_semaphore, #tpu.memory_space<semaphore_mem>>
      tpu.enqueue_indirect_dma source(%dma_start3A_365 : memref<10000x128xf32, #tpu.memory_space<hbm>>) target(%dma_start3A_359 : memref<32x128xf32, #tpu.memory_space<vmem>>) offsets(%dma_start3A_362 : memref<32xi32, #tpu.memory_space<vmem>>) semaphore(%dma_start3A_367 : memref<!tpu.dma_semaphore, #tpu.memory_space<semaphore_mem>>)
      %dma_wait3A_368 = arith.constant 4 : i32
      %dma_wait3A_369 = arith.constant 4 : i32
      %dma_wait3A_370 = arith.constant 4 : i32
      %dma_wait3A_371 = arith.constant 0 : i32
      %dma_wait3A_372 = arith.constant 0 : i32
      %dma_wait3A_373 = tpu.memref_slice %arg8[%dma_wait3A_369, %dma_wait3A_371, %dma_wait3A_372] : memref<8x32x128xf32, #tpu.memory_space<vmem>> -> memref<1x32x128xf32, #tpu.memory_space<vmem>>
      %dma_wait3A_374 = tpu.memref_squeeze %dma_wait3A_373 : memref<1x32x128xf32, #tpu.memory_space<vmem>> -> memref<32x128xf32, #tpu.memory_space<vmem>>
      %dma_wait3A_375 = arith.constant 0 : i32
      %dma_wait3A_376 = tpu.memref_slice %arg6[%rem3A_239, %dma_wait3A_368, %dma_wait3A_375] : memref<2x16x32xi32, #tpu.memory_space<vmem>> -> memref<1x1x32xi32, #tpu.memory_space<vmem>>
      %dma_wait3A_377 = tpu.memref_squeeze %dma_wait3A_376 : memref<1x1x32xi32, #tpu.memory_space<vmem>> -> memref<32xi32, #tpu.memory_space<vmem>>
      %dma_wait3A_378 = arith.constant 0 : i32
      %dma_wait3A_379 = arith.constant 0 : i32
      %dma_wait3A_380 = tpu.memref_slice %arg2[%dma_wait3A_378, %dma_wait3A_379] : memref<10000x128xf32, #tpu.memory_space<hbm>> -> memref<10000x128xf32, #tpu.memory_space<hbm>>
      %dma_wait3A_381 = tpu.memref_slice %arg10[%dma_wait3A_370] : memref<8x!tpu.dma_semaphore, #tpu.memory_space<semaphore_mem>> -> memref<1x!tpu.dma_semaphore, #tpu.memory_space<semaphore_mem>>
      %dma_wait3A_382 = tpu.memref_squeeze %dma_wait3A_381 : memref<1x!tpu.dma_semaphore, #tpu.memory_space<semaphore_mem>> -> memref<!tpu.dma_semaphore, #tpu.memory_space<semaphore_mem>>
      tpu.wait_indirect_dma semaphore(%dma_wait3A_382 : memref<!tpu.dma_semaphore, #tpu.memory_space<semaphore_mem>>) src(%dma_wait3A_380 : memref<10000x128xf32, #tpu.memory_space<hbm>>) dst(%dma_wait3A_374 : memref<32x128xf32, #tpu.memory_space<vmem>>)
      %run_scoped3A_383 = arith.constant 4 : i32
      %run_scoped3A_384 = arith.constant 4 : i32
      "tpu.region"() ({
        %run_scoped3A_679 = tpu.sem_alloc : memref<!tpu.dma_semaphore, #tpu.memory_space<semaphore_mem>>
        %dma_start3A_680 = arith.constant 0 : i32
        %dma_start3A_681 = arith.constant 0 : i32
        %dma_start3A_682 = tpu.memref_slice %arg8[%run_scoped3A_383, %dma_start3A_680, %dma_start3A_681] : memref<8x32x128xf32, #tpu.memory_space<vmem>> -> memref<1x32x128xf32, #tpu.memory_space<vmem>>
        %dma_start3A_683 = tpu.memref_squeeze %dma_start3A_682 : memref<1x32x128xf32, #tpu.memory_space<vmem>> -> memref<32x128xf32, #tpu.memory_space<vmem>>
        %dma_start3A_684 = arith.constant 0 : i32
        %dma_start3A_685 = tpu.memref_slice %arg7[%rem3A_239, %run_scoped3A_384, %dma_start3A_684] : memref<2x16x32xi32, #tpu.memory_space<vmem>> -> memref<1x1x32xi32, #tpu.memory_space<vmem>>
        %dma_start3A_686 = tpu.memref_squeeze %dma_start3A_685 : memref<1x1x32xi32, #tpu.memory_space<vmem>> -> memref<32xi32, #tpu.memory_space<vmem>>
        %dma_start3A_687 = arith.constant 0 : i32
        %dma_start3A_688 = arith.constant 0 : i32
        %dma_start3A_689 = tpu.memref_slice %arg9[%dma_start3A_687, %dma_start3A_688] : memref<10240x128xf32, #tpu.memory_space<vmem_shared>> -> memref<10240x128xf32, #tpu.memory_space<vmem_shared>>
        tpu.enqueue_indirect_dma source(%dma_start3A_683 : memref<32x128xf32, #tpu.memory_space<vmem>>) target(%dma_start3A_689 : memref<10240x128xf32, #tpu.memory_space<vmem_shared>>) offsets(%dma_start3A_686 : memref<32xi32, #tpu.memory_space<vmem>>) semaphore(%run_scoped3A_679 : memref<!tpu.dma_semaphore, #tpu.memory_space<semaphore_mem>>) {add = true}
        %dma_wait3A_690 = arith.constant 0 : i32
        %dma_wait3A_691 = arith.constant 0 : i32
        %dma_wait3A_692 = tpu.memref_slice %arg8[%run_scoped3A_383, %dma_wait3A_690, %dma_wait3A_691] : memref<8x32x128xf32, #tpu.memory_space<vmem>> -> memref<1x32x128xf32, #tpu.memory_space<vmem>>
        %dma_wait3A_693 = tpu.memref_squeeze %dma_wait3A_692 : memref<1x32x128xf32, #tpu.memory_space<vmem>> -> memref<32x128xf32, #tpu.memory_space<vmem>>
        %dma_wait3A_694 = arith.constant 0 : i32
        %dma_wait3A_695 = tpu.memref_slice %arg7[%rem3A_239, %run_scoped3A_384, %dma_wait3A_694] : memref<2x16x32xi32, #tpu.memory_space<vmem>> -> memref<1x1x32xi32, #tpu.memory_space<vmem>>
        %dma_wait3A_696 = tpu.memref_squeeze %dma_wait3A_695 : memref<1x1x32xi32, #tpu.memory_space<vmem>> -> memref<32xi32, #tpu.memory_space<vmem>>
        %dma_wait3A_697 = arith.constant 0 : i32
        %dma_wait3A_698 = arith.constant 0 : i32
        %dma_wait3A_699 = tpu.memref_slice %arg9[%dma_wait3A_697, %dma_wait3A_698] : memref<10240x128xf32, #tpu.memory_space<vmem_shared>> -> memref<10240x128xf32, #tpu.memory_space<vmem_shared>>
        tpu.wait_indirect_dma semaphore(%run_scoped3A_679 : memref<!tpu.dma_semaphore, #tpu.memory_space<semaphore_mem>>) src(%dma_wait3A_693 : memref<32x128xf32, #tpu.memory_space<vmem>>) dst(%dma_wait3A_699 : memref<10240x128xf32, #tpu.memory_space<vmem_shared>>)
        tpu.yield
      }) : () -> ()
      %dma_start3A_385 = arith.constant 12 : i32
      %dma_start3A_386 = arith.constant 4 : i32
      %dma_start3A_387 = arith.constant 4 : i32
      %dma_start3A_388 = arith.constant 0 : i32
      %dma_start3A_389 = arith.constant 0 : i32
      %dma_start3A_390 = tpu.memref_slice %arg8[%dma_start3A_386, %dma_start3A_388, %dma_start3A_389] : memref<8x32x128xf32, #tpu.memory_space<vmem>> -> memref<1x32x128xf32, #tpu.memory_space<vmem>>
      %dma_start3A_391 = tpu.memref_squeeze %dma_start3A_390 : memref<1x32x128xf32, #tpu.memory_space<vmem>> -> memref<32x128xf32, #tpu.memory_space<vmem>>
      %dma_start3A_392 = arith.constant 0 : i32
      %dma_start3A_393 = tpu.memref_slice %arg6[%rem3A_239, %dma_start3A_385, %dma_start3A_392] : memref<2x16x32xi32, #tpu.memory_space<vmem>> -> memref<1x1x32xi32, #tpu.memory_space<vmem>>
      %dma_start3A_394 = tpu.memref_squeeze %dma_start3A_393 : memref<1x1x32xi32, #tpu.memory_space<vmem>> -> memref<32xi32, #tpu.memory_space<vmem>>
      %dma_start3A_395 = arith.constant 0 : i32
      %dma_start3A_396 = arith.constant 0 : i32
      %dma_start3A_397 = tpu.memref_slice %arg2[%dma_start3A_395, %dma_start3A_396] : memref<10000x128xf32, #tpu.memory_space<hbm>> -> memref<10000x128xf32, #tpu.memory_space<hbm>>
      %dma_start3A_398 = tpu.memref_slice %arg10[%dma_start3A_387] : memref<8x!tpu.dma_semaphore, #tpu.memory_space<semaphore_mem>> -> memref<1x!tpu.dma_semaphore, #tpu.memory_space<semaphore_mem>>
      %dma_start3A_399 = tpu.memref_squeeze %dma_start3A_398 : memref<1x!tpu.dma_semaphore, #tpu.memory_space<semaphore_mem>> -> memref<!tpu.dma_semaphore, #tpu.memory_space<semaphore_mem>>
      tpu.enqueue_indirect_dma source(%dma_start3A_397 : memref<10000x128xf32, #tpu.memory_space<hbm>>) target(%dma_start3A_391 : memref<32x128xf32, #tpu.memory_space<vmem>>) offsets(%dma_start3A_394 : memref<32xi32, #tpu.memory_space<vmem>>) semaphore(%dma_start3A_399 : memref<!tpu.dma_semaphore, #tpu.memory_space<semaphore_mem>>)
      %dma_wait3A_400 = arith.constant 5 : i32
      %dma_wait3A_401 = arith.constant 5 : i32
      %dma_wait3A_402 = arith.constant 5 : i32
      %dma_wait3A_403 = arith.constant 0 : i32
      %dma_wait3A_404 = arith.constant 0 : i32
      %dma_wait3A_405 = tpu.memref_slice %arg8[%dma_wait3A_401, %dma_wait3A_403, %dma_wait3A_404] : memref<8x32x128xf32, #tpu.memory_space<vmem>> -> memref<1x32x128xf32, #tpu.memory_space<vmem>>
      %dma_wait3A_406 = tpu.memref_squeeze %dma_wait3A_405 : memref<1x32x128xf32, #tpu.memory_space<vmem>> -> memref<32x128xf32, #tpu.memory_space<vmem>>
      %dma_wait3A_407 = arith.constant 0 : i32
      %dma_wait3A_408 = tpu.memref_slice %arg6[%rem3A_239, %dma_wait3A_400, %dma_wait3A_407] : memref<2x16x32xi32, #tpu.memory_space<vmem>> -> memref<1x1x32xi32, #tpu.memory_space<vmem>>
      %dma_wait3A_409 = tpu.memref_squeeze %dma_wait3A_408 : memref<1x1x32xi32, #tpu.memory_space<vmem>> -> memref<32xi32, #tpu.memory_space<vmem>>
      %dma_wait3A_410 = arith.constant 0 : i32
      %dma_wait3A_411 = arith.constant 0 : i32
      %dma_wait3A_412 = tpu.memref_slice %arg2[%dma_wait3A_410, %dma_wait3A_411] : memref<10000x128xf32, #tpu.memory_space<hbm>> -> memref<10000x128xf32, #tpu.memory_space<hbm>>
      %dma_wait3A_413 = tpu.memref_slice %arg10[%dma_wait3A_402] : memref<8x!tpu.dma_semaphore, #tpu.memory_space<semaphore_mem>> -> memref<1x!tpu.dma_semaphore, #tpu.memory_space<semaphore_mem>>
      %dma_wait3A_414 = tpu.memref_squeeze %dma_wait3A_413 : memref<1x!tpu.dma_semaphore, #tpu.memory_space<semaphore_mem>> -> memref<!tpu.dma_semaphore, #tpu.memory_space<semaphore_mem>>
      tpu.wait_indirect_dma semaphore(%dma_wait3A_414 : memref<!tpu.dma_semaphore, #tpu.memory_space<semaphore_mem>>) src(%dma_wait3A_412 : memref<10000x128xf32, #tpu.memory_space<hbm>>) dst(%dma_wait3A_406 : memref<32x128xf32, #tpu.memory_space<vmem>>)
      %run_scoped3A_415 = arith.constant 5 : i32
      %run_scoped3A_416 = arith.constant 5 : i32
      "tpu.region"() ({
        %run_scoped3A_679 = tpu.sem_alloc : memref<!tpu.dma_semaphore, #tpu.memory_space<semaphore_mem>>
        %dma_start3A_680 = arith.constant 0 : i32
        %dma_start3A_681 = arith.constant 0 : i32
        %dma_start3A_682 = tpu.memref_slice %arg8[%run_scoped3A_415, %dma_start3A_680, %dma_start3A_681] : memref<8x32x128xf32, #tpu.memory_space<vmem>> -> memref<1x32x128xf32, #tpu.memory_space<vmem>>
        %dma_start3A_683 = tpu.memref_squeeze %dma_start3A_682 : memref<1x32x128xf32, #tpu.memory_space<vmem>> -> memref<32x128xf32, #tpu.memory_space<vmem>>
        %dma_start3A_684 = arith.constant 0 : i32
        %dma_start3A_685 = tpu.memref_slice %arg7[%rem3A_239, %run_scoped3A_416, %dma_start3A_684] : memref<2x16x32xi32, #tpu.memory_space<vmem>> -> memref<1x1x32xi32, #tpu.memory_space<vmem>>
        %dma_start3A_686 = tpu.memref_squeeze %dma_start3A_685 : memref<1x1x32xi32, #tpu.memory_space<vmem>> -> memref<32xi32, #tpu.memory_space<vmem>>
        %dma_start3A_687 = arith.constant 0 : i32
        %dma_start3A_688 = arith.constant 0 : i32
        %dma_start3A_689 = tpu.memref_slice %arg9[%dma_start3A_687, %dma_start3A_688] : memref<10240x128xf32, #tpu.memory_space<vmem_shared>> -> memref<10240x128xf32, #tpu.memory_space<vmem_shared>>
        tpu.enqueue_indirect_dma source(%dma_start3A_683 : memref<32x128xf32, #tpu.memory_space<vmem>>) target(%dma_start3A_689 : memref<10240x128xf32, #tpu.memory_space<vmem_shared>>) offsets(%dma_start3A_686 : memref<32xi32, #tpu.memory_space<vmem>>) semaphore(%run_scoped3A_679 : memref<!tpu.dma_semaphore, #tpu.memory_space<semaphore_mem>>) {add = true}
        %dma_wait3A_690 = arith.constant 0 : i32
        %dma_wait3A_691 = arith.constant 0 : i32
        %dma_wait3A_692 = tpu.memref_slice %arg8[%run_scoped3A_415, %dma_wait3A_690, %dma_wait3A_691] : memref<8x32x128xf32, #tpu.memory_space<vmem>> -> memref<1x32x128xf32, #tpu.memory_space<vmem>>
        %dma_wait3A_693 = tpu.memref_squeeze %dma_wait3A_692 : memref<1x32x128xf32, #tpu.memory_space<vmem>> -> memref<32x128xf32, #tpu.memory_space<vmem>>
        %dma_wait3A_694 = arith.constant 0 : i32
        %dma_wait3A_695 = tpu.memref_slice %arg7[%rem3A_239, %run_scoped3A_416, %dma_wait3A_694] : memref<2x16x32xi32, #tpu.memory_space<vmem>> -> memref<1x1x32xi32, #tpu.memory_space<vmem>>
        %dma_wait3A_696 = tpu.memref_squeeze %dma_wait3A_695 : memref<1x1x32xi32, #tpu.memory_space<vmem>> -> memref<32xi32, #tpu.memory_space<vmem>>
        %dma_wait3A_697 = arith.constant 0 : i32
        %dma_wait3A_698 = arith.constant 0 : i32
        %dma_wait3A_699 = tpu.memref_slice %arg9[%dma_wait3A_697, %dma_wait3A_698] : memref<10240x128xf32, #tpu.memory_space<vmem_shared>> -> memref<10240x128xf32, #tpu.memory_space<vmem_shared>>
        tpu.wait_indirect_dma semaphore(%run_scoped3A_679 : memref<!tpu.dma_semaphore, #tpu.memory_space<semaphore_mem>>) src(%dma_wait3A_693 : memref<32x128xf32, #tpu.memory_space<vmem>>) dst(%dma_wait3A_699 : memref<10240x128xf32, #tpu.memory_space<vmem_shared>>)
        tpu.yield
      }) : () -> ()
      %dma_start3A_417 = arith.constant 13 : i32
      %dma_start3A_418 = arith.constant 5 : i32
      %dma_start3A_419 = arith.constant 5 : i32
      %dma_start3A_420 = arith.constant 0 : i32
      %dma_start3A_421 = arith.constant 0 : i32
      %dma_start3A_422 = tpu.memref_slice %arg8[%dma_start3A_418, %dma_start3A_420, %dma_start3A_421] : memref<8x32x128xf32, #tpu.memory_space<vmem>> -> memref<1x32x128xf32, #tpu.memory_space<vmem>>
      %dma_start3A_423 = tpu.memref_squeeze %dma_start3A_422 : memref<1x32x128xf32, #tpu.memory_space<vmem>> -> memref<32x128xf32, #tpu.memory_space<vmem>>
      %dma_start3A_424 = arith.constant 0 : i32
      %dma_start3A_425 = tpu.memref_slice %arg6[%rem3A_239, %dma_start3A_417, %dma_start3A_424] : memref<2x16x32xi32, #tpu.memory_space<vmem>> -> memref<1x1x32xi32, #tpu.memory_space<vmem>>
      %dma_start3A_426 = tpu.memref_squeeze %dma_start3A_425 : memref<1x1x32xi32, #tpu.memory_space<vmem>> -> memref<32xi32, #tpu.memory_space<vmem>>
      %dma_start3A_427 = arith.constant 0 : i32
      %dma_start3A_428 = arith.constant 0 : i32
      %dma_start3A_429 = tpu.memref_slice %arg2[%dma_start3A_427, %dma_start3A_428] : memref<10000x128xf32, #tpu.memory_space<hbm>> -> memref<10000x128xf32, #tpu.memory_space<hbm>>
      %dma_start3A_430 = tpu.memref_slice %arg10[%dma_start3A_419] : memref<8x!tpu.dma_semaphore, #tpu.memory_space<semaphore_mem>> -> memref<1x!tpu.dma_semaphore, #tpu.memory_space<semaphore_mem>>
      %dma_start3A_431 = tpu.memref_squeeze %dma_start3A_430 : memref<1x!tpu.dma_semaphore, #tpu.memory_space<semaphore_mem>> -> memref<!tpu.dma_semaphore, #tpu.memory_space<semaphore_mem>>
      tpu.enqueue_indirect_dma source(%dma_start3A_429 : memref<10000x128xf32, #tpu.memory_space<hbm>>) target(%dma_start3A_423 : memref<32x128xf32, #tpu.memory_space<vmem>>) offsets(%dma_start3A_426 : memref<32xi32, #tpu.memory_space<vmem>>) semaphore(%dma_start3A_431 : memref<!tpu.dma_semaphore, #tpu.memory_space<semaphore_mem>>)
      %dma_wait3A_432 = arith.constant 6 : i32
      %dma_wait3A_433 = arith.constant 6 : i32
      %dma_wait3A_434 = arith.constant 6 : i32
      %dma_wait3A_435 = arith.constant 0 : i32
      %dma_wait3A_436 = arith.constant 0 : i32
      %dma_wait3A_437 = tpu.memref_slice %arg8[%dma_wait3A_433, %dma_wait3A_435, %dma_wait3A_436] : memref<8x32x128xf32, #tpu.memory_space<vmem>> -> memref<1x32x128xf32, #tpu.memory_space<vmem>>
      %dma_wait3A_438 = tpu.memref_squeeze %dma_wait3A_437 : memref<1x32x128xf32, #tpu.memory_space<vmem>> -> memref<32x128xf32, #tpu.memory_space<vmem>>
      %dma_wait3A_439 = arith.constant 0 : i32
      %dma_wait3A_440 = tpu.memref_slice %arg6[%rem3A_239, %dma_wait3A_432, %dma_wait3A_439] : memref<2x16x32xi32, #tpu.memory_space<vmem>> -> memref<1x1x32xi32, #tpu.memory_space<vmem>>
      %dma_wait3A_441 = tpu.memref_squeeze %dma_wait3A_440 : memref<1x1x32xi32, #tpu.memory_space<vmem>> -> memref<32xi32, #tpu.memory_space<vmem>>
      %dma_wait3A_442 = arith.constant 0 : i32
      %dma_wait3A_443 = arith.constant 0 : i32
      %dma_wait3A_444 = tpu.memref_slice %arg2[%dma_wait3A_442, %dma_wait3A_443] : memref<10000x128xf32, #tpu.memory_space<hbm>> -> memref<10000x128xf32, #tpu.memory_space<hbm>>
      %dma_wait3A_445 = tpu.memref_slice %arg10[%dma_wait3A_434] : memref<8x!tpu.dma_semaphore, #tpu.memory_space<semaphore_mem>> -> memref<1x!tpu.dma_semaphore, #tpu.memory_space<semaphore_mem>>
      %dma_wait3A_446 = tpu.memref_squeeze %dma_wait3A_445 : memref<1x!tpu.dma_semaphore, #tpu.memory_space<semaphore_mem>> -> memref<!tpu.dma_semaphore, #tpu.memory_space<semaphore_mem>>
      tpu.wait_indirect_dma semaphore(%dma_wait3A_446 : memref<!tpu.dma_semaphore, #tpu.memory_space<semaphore_mem>>) src(%dma_wait3A_444 : memref<10000x128xf32, #tpu.memory_space<hbm>>) dst(%dma_wait3A_438 : memref<32x128xf32, #tpu.memory_space<vmem>>)
      %run_scoped3A_447 = arith.constant 6 : i32
      %run_scoped3A_448 = arith.constant 6 : i32
      "tpu.region"() ({
        %run_scoped3A_679 = tpu.sem_alloc : memref<!tpu.dma_semaphore, #tpu.memory_space<semaphore_mem>>
        %dma_start3A_680 = arith.constant 0 : i32
        %dma_start3A_681 = arith.constant 0 : i32
        %dma_start3A_682 = tpu.memref_slice %arg8[%run_scoped3A_447, %dma_start3A_680, %dma_start3A_681] : memref<8x32x128xf32, #tpu.memory_space<vmem>> -> memref<1x32x128xf32, #tpu.memory_space<vmem>>
        %dma_start3A_683 = tpu.memref_squeeze %dma_start3A_682 : memref<1x32x128xf32, #tpu.memory_space<vmem>> -> memref<32x128xf32, #tpu.memory_space<vmem>>
        %dma_start3A_684 = arith.constant 0 : i32
        %dma_start3A_685 = tpu.memref_slice %arg7[%rem3A_239, %run_scoped3A_448, %dma_start3A_684] : memref<2x16x32xi32, #tpu.memory_space<vmem>> -> memref<1x1x32xi32, #tpu.memory_space<vmem>>
        %dma_start3A_686 = tpu.memref_squeeze %dma_start3A_685 : memref<1x1x32xi32, #tpu.memory_space<vmem>> -> memref<32xi32, #tpu.memory_space<vmem>>
        %dma_start3A_687 = arith.constant 0 : i32
        %dma_start3A_688 = arith.constant 0 : i32
        %dma_start3A_689 = tpu.memref_slice %arg9[%dma_start3A_687, %dma_start3A_688] : memref<10240x128xf32, #tpu.memory_space<vmem_shared>> -> memref<10240x128xf32, #tpu.memory_space<vmem_shared>>
        tpu.enqueue_indirect_dma source(%dma_start3A_683 : memref<32x128xf32, #tpu.memory_space<vmem>>) target(%dma_start3A_689 : memref<10240x128xf32, #tpu.memory_space<vmem_shared>>) offsets(%dma_start3A_686 : memref<32xi32, #tpu.memory_space<vmem>>) semaphore(%run_scoped3A_679 : memref<!tpu.dma_semaphore, #tpu.memory_space<semaphore_mem>>) {add = true}
        %dma_wait3A_690 = arith.constant 0 : i32
        %dma_wait3A_691 = arith.constant 0 : i32
        %dma_wait3A_692 = tpu.memref_slice %arg8[%run_scoped3A_447, %dma_wait3A_690, %dma_wait3A_691] : memref<8x32x128xf32, #tpu.memory_space<vmem>> -> memref<1x32x128xf32, #tpu.memory_space<vmem>>
        %dma_wait3A_693 = tpu.memref_squeeze %dma_wait3A_692 : memref<1x32x128xf32, #tpu.memory_space<vmem>> -> memref<32x128xf32, #tpu.memory_space<vmem>>
        %dma_wait3A_694 = arith.constant 0 : i32
        %dma_wait3A_695 = tpu.memref_slice %arg7[%rem3A_239, %run_scoped3A_448, %dma_wait3A_694] : memref<2x16x32xi32, #tpu.memory_space<vmem>> -> memref<1x1x32xi32, #tpu.memory_space<vmem>>
        %dma_wait3A_696 = tpu.memref_squeeze %dma_wait3A_695 : memref<1x1x32xi32, #tpu.memory_space<vmem>> -> memref<32xi32, #tpu.memory_space<vmem>>
        %dma_wait3A_697 = arith.constant 0 : i32
        %dma_wait3A_698 = arith.constant 0 : i32
        %dma_wait3A_699 = tpu.memref_slice %arg9[%dma_wait3A_697, %dma_wait3A_698] : memref<10240x128xf32, #tpu.memory_space<vmem_shared>> -> memref<10240x128xf32, #tpu.memory_space<vmem_shared>>
        tpu.wait_indirect_dma semaphore(%run_scoped3A_679 : memref<!tpu.dma_semaphore, #tpu.memory_space<semaphore_mem>>) src(%dma_wait3A_693 : memref<32x128xf32, #tpu.memory_space<vmem>>) dst(%dma_wait3A_699 : memref<10240x128xf32, #tpu.memory_space<vmem_shared>>)
        tpu.yield
      }) : () -> ()
      %dma_start3A_449 = arith.constant 14 : i32
      %dma_start3A_450 = arith.constant 6 : i32
      %dma_start3A_451 = arith.constant 6 : i32
      %dma_start3A_452 = arith.constant 0 : i32
      %dma_start3A_453 = arith.constant 0 : i32
      %dma_start3A_454 = tpu.memref_slice %arg8[%dma_start3A_450, %dma_start3A_452, %dma_start3A_453] : memref<8x32x128xf32, #tpu.memory_space<vmem>> -> memref<1x32x128xf32, #tpu.memory_space<vmem>>
      %dma_start3A_455 = tpu.memref_squeeze %dma_start3A_454 : memref<1x32x128xf32, #tpu.memory_space<vmem>> -> memref<32x128xf32, #tpu.memory_space<vmem>>
      %dma_start3A_456 = arith.constant 0 : i32
      %dma_start3A_457 = tpu.memref_slice %arg6[%rem3A_239, %dma_start3A_449, %dma_start3A_456] : memref<2x16x32xi32, #tpu.memory_space<vmem>> -> memref<1x1x32xi32, #tpu.memory_space<vmem>>
      %dma_start3A_458 = tpu.memref_squeeze %dma_start3A_457 : memref<1x1x32xi32, #tpu.memory_space<vmem>> -> memref<32xi32, #tpu.memory_space<vmem>>
      %dma_start3A_459 = arith.constant 0 : i32
      %dma_start3A_460 = arith.constant 0 : i32
      %dma_start3A_461 = tpu.memref_slice %arg2[%dma_start3A_459, %dma_start3A_460] : memref<10000x128xf32, #tpu.memory_space<hbm>> -> memref<10000x128xf32, #tpu.memory_space<hbm>>
      %dma_start3A_462 = tpu.memref_slice %arg10[%dma_start3A_451] : memref<8x!tpu.dma_semaphore, #tpu.memory_space<semaphore_mem>> -> memref<1x!tpu.dma_semaphore, #tpu.memory_space<semaphore_mem>>
      %dma_start3A_463 = tpu.memref_squeeze %dma_start3A_462 : memref<1x!tpu.dma_semaphore, #tpu.memory_space<semaphore_mem>> -> memref<!tpu.dma_semaphore, #tpu.memory_space<semaphore_mem>>
      tpu.enqueue_indirect_dma source(%dma_start3A_461 : memref<10000x128xf32, #tpu.memory_space<hbm>>) target(%dma_start3A_455 : memref<32x128xf32, #tpu.memory_space<vmem>>) offsets(%dma_start3A_458 : memref<32xi32, #tpu.memory_space<vmem>>) semaphore(%dma_start3A_463 : memref<!tpu.dma_semaphore, #tpu.memory_space<semaphore_mem>>)
      %dma_wait3A_464 = arith.constant 7 : i32
      %dma_wait3A_465 = arith.constant 7 : i32
      %dma_wait3A_466 = arith.constant 7 : i32
      %dma_wait3A_467 = arith.constant 0 : i32
      %dma_wait3A_468 = arith.constant 0 : i32
      %dma_wait3A_469 = tpu.memref_slice %arg8[%dma_wait3A_465, %dma_wait3A_467, %dma_wait3A_468] : memref<8x32x128xf32, #tpu.memory_space<vmem>> -> memref<1x32x128xf32, #tpu.memory_space<vmem>>
      %dma_wait3A_470 = tpu.memref_squeeze %dma_wait3A_469 : memref<1x32x128xf32, #tpu.memory_space<vmem>> -> memref<32x128xf32, #tpu.memory_space<vmem>>
      %dma_wait3A_471 = arith.constant 0 : i32
      %dma_wait3A_472 = tpu.memref_slice %arg6[%rem3A_239, %dma_wait3A_464, %dma_wait3A_471] : memref<2x16x32xi32, #tpu.memory_space<vmem>> -> memref<1x1x32xi32, #tpu.memory_space<vmem>>
      %dma_wait3A_473 = tpu.memref_squeeze %dma_wait3A_472 : memref<1x1x32xi32, #tpu.memory_space<vmem>> -> memref<32xi32, #tpu.memory_space<vmem>>
      %dma_wait3A_474 = arith.constant 0 : i32
      %dma_wait3A_475 = arith.constant 0 : i32
      %dma_wait3A_476 = tpu.memref_slice %arg2[%dma_wait3A_474, %dma_wait3A_475] : memref<10000x128xf32, #tpu.memory_space<hbm>> -> memref<10000x128xf32, #tpu.memory_space<hbm>>
      %dma_wait3A_477 = tpu.memref_slice %arg10[%dma_wait3A_466] : memref<8x!tpu.dma_semaphore, #tpu.memory_space<semaphore_mem>> -> memref<1x!tpu.dma_semaphore, #tpu.memory_space<semaphore_mem>>
      %dma_wait3A_478 = tpu.memref_squeeze %dma_wait3A_477 : memref<1x!tpu.dma_semaphore, #tpu.memory_space<semaphore_mem>> -> memref<!tpu.dma_semaphore, #tpu.memory_space<semaphore_mem>>
      tpu.wait_indirect_dma semaphore(%dma_wait3A_478 : memref<!tpu.dma_semaphore, #tpu.memory_space<semaphore_mem>>) src(%dma_wait3A_476 : memref<10000x128xf32, #tpu.memory_space<hbm>>) dst(%dma_wait3A_470 : memref<32x128xf32, #tpu.memory_space<vmem>>)
      %run_scoped3A_479 = arith.constant 7 : i32
      %run_scoped3A_480 = arith.constant 7 : i32
      "tpu.region"() ({
        %run_scoped3A_679 = tpu.sem_alloc : memref<!tpu.dma_semaphore, #tpu.memory_space<semaphore_mem>>
        %dma_start3A_680 = arith.constant 0 : i32
        %dma_start3A_681 = arith.constant 0 : i32
        %dma_start3A_682 = tpu.memref_slice %arg8[%run_scoped3A_479, %dma_start3A_680, %dma_start3A_681] : memref<8x32x128xf32, #tpu.memory_space<vmem>> -> memref<1x32x128xf32, #tpu.memory_space<vmem>>
        %dma_start3A_683 = tpu.memref_squeeze %dma_start3A_682 : memref<1x32x128xf32, #tpu.memory_space<vmem>> -> memref<32x128xf32, #tpu.memory_space<vmem>>
        %dma_start3A_684 = arith.constant 0 : i32
        %dma_start3A_685 = tpu.memref_slice %arg7[%rem3A_239, %run_scoped3A_480, %dma_start3A_684] : memref<2x16x32xi32, #tpu.memory_space<vmem>> -> memref<1x1x32xi32, #tpu.memory_space<vmem>>
        %dma_start3A_686 = tpu.memref_squeeze %dma_start3A_685 : memref<1x1x32xi32, #tpu.memory_space<vmem>> -> memref<32xi32, #tpu.memory_space<vmem>>
        %dma_start3A_687 = arith.constant 0 : i32
        %dma_start3A_688 = arith.constant 0 : i32
        %dma_start3A_689 = tpu.memref_slice %arg9[%dma_start3A_687, %dma_start3A_688] : memref<10240x128xf32, #tpu.memory_space<vmem_shared>> -> memref<10240x128xf32, #tpu.memory_space<vmem_shared>>
        tpu.enqueue_indirect_dma source(%dma_start3A_683 : memref<32x128xf32, #tpu.memory_space<vmem>>) target(%dma_start3A_689 : memref<10240x128xf32, #tpu.memory_space<vmem_shared>>) offsets(%dma_start3A_686 : memref<32xi32, #tpu.memory_space<vmem>>) semaphore(%run_scoped3A_679 : memref<!tpu.dma_semaphore, #tpu.memory_space<semaphore_mem>>) {add = true}
        %dma_wait3A_690 = arith.constant 0 : i32
        %dma_wait3A_691 = arith.constant 0 : i32
        %dma_wait3A_692 = tpu.memref_slice %arg8[%run_scoped3A_479, %dma_wait3A_690, %dma_wait3A_691] : memref<8x32x128xf32, #tpu.memory_space<vmem>> -> memref<1x32x128xf32, #tpu.memory_space<vmem>>
        %dma_wait3A_693 = tpu.memref_squeeze %dma_wait3A_692 : memref<1x32x128xf32, #tpu.memory_space<vmem>> -> memref<32x128xf32, #tpu.memory_space<vmem>>
        %dma_wait3A_694 = arith.constant 0 : i32
        %dma_wait3A_695 = tpu.memref_slice %arg7[%rem3A_239, %run_scoped3A_480, %dma_wait3A_694] : memref<2x16x32xi32, #tpu.memory_space<vmem>> -> memref<1x1x32xi32, #tpu.memory_space<vmem>>
        %dma_wait3A_696 = tpu.memref_squeeze %dma_wait3A_695 : memref<1x1x32xi32, #tpu.memory_space<vmem>> -> memref<32xi32, #tpu.memory_space<vmem>>
        %dma_wait3A_697 = arith.constant 0 : i32
        %dma_wait3A_698 = arith.constant 0 : i32
        %dma_wait3A_699 = tpu.memref_slice %arg9[%dma_wait3A_697, %dma_wait3A_698] : memref<10240x128xf32, #tpu.memory_space<vmem_shared>> -> memref<10240x128xf32, #tpu.memory_space<vmem_shared>>
        tpu.wait_indirect_dma semaphore(%run_scoped3A_679 : memref<!tpu.dma_semaphore, #tpu.memory_space<semaphore_mem>>) src(%dma_wait3A_693 : memref<32x128xf32, #tpu.memory_space<vmem>>) dst(%dma_wait3A_699 : memref<10240x128xf32, #tpu.memory_space<vmem_shared>>)
        tpu.yield
      }) : () -> ()
      %dma_start3A_481 = arith.constant 15 : i32
      %dma_start3A_482 = arith.constant 7 : i32
      %dma_start3A_483 = arith.constant 7 : i32
      %dma_start3A_484 = arith.constant 0 : i32
      %dma_start3A_485 = arith.constant 0 : i32
      %dma_start3A_486 = tpu.memref_slice %arg8[%dma_start3A_482, %dma_start3A_484, %dma_start3A_485] : memref<8x32x128xf32, #tpu.memory_space<vmem>> -> memref<1x32x128xf32, #tpu.memory_space<vmem>>
      %dma_start3A_487 = tpu.memref_squeeze %dma_start3A_486 : memref<1x32x128xf32, #tpu.memory_space<vmem>> -> memref<32x128xf32, #tpu.memory_space<vmem>>
      %dma_start3A_488 = arith.constant 0 : i32
      %dma_start3A_489 = tpu.memref_slice %arg6[%rem3A_239, %dma_start3A_481, %dma_start3A_488] : memref<2x16x32xi32, #tpu.memory_space<vmem>> -> memref<1x1x32xi32, #tpu.memory_space<vmem>>
      %dma_start3A_490 = tpu.memref_squeeze %dma_start3A_489 : memref<1x1x32xi32, #tpu.memory_space<vmem>> -> memref<32xi32, #tpu.memory_space<vmem>>
      %dma_start3A_491 = arith.constant 0 : i32
      %dma_start3A_492 = arith.constant 0 : i32
      %dma_start3A_493 = tpu.memref_slice %arg2[%dma_start3A_491, %dma_start3A_492] : memref<10000x128xf32, #tpu.memory_space<hbm>> -> memref<10000x128xf32, #tpu.memory_space<hbm>>
      %dma_start3A_494 = tpu.memref_slice %arg10[%dma_start3A_483] : memref<8x!tpu.dma_semaphore, #tpu.memory_space<semaphore_mem>> -> memref<1x!tpu.dma_semaphore, #tpu.memory_space<semaphore_mem>>
      %dma_start3A_495 = tpu.memref_squeeze %dma_start3A_494 : memref<1x!tpu.dma_semaphore, #tpu.memory_space<semaphore_mem>> -> memref<!tpu.dma_semaphore, #tpu.memory_space<semaphore_mem>>
      tpu.enqueue_indirect_dma source(%dma_start3A_493 : memref<10000x128xf32, #tpu.memory_space<hbm>>) target(%dma_start3A_487 : memref<32x128xf32, #tpu.memory_space<vmem>>) offsets(%dma_start3A_490 : memref<32xi32, #tpu.memory_space<vmem>>) semaphore(%dma_start3A_495 : memref<!tpu.dma_semaphore, #tpu.memory_space<semaphore_mem>>)
      %dma_wait3A_496 = arith.constant 8 : i32
      %dma_wait3A_497 = arith.constant 0 : i32
      %dma_wait3A_498 = arith.constant 0 : i32
      %dma_wait3A_499 = arith.constant 0 : i32
      %dma_wait3A_500 = arith.constant 0 : i32
      %dma_wait3A_501 = tpu.memref_slice %arg8[%dma_wait3A_497, %dma_wait3A_499, %dma_wait3A_500] : memref<8x32x128xf32, #tpu.memory_space<vmem>> -> memref<1x32x128xf32, #tpu.memory_space<vmem>>
      %dma_wait3A_502 = tpu.memref_squeeze %dma_wait3A_501 : memref<1x32x128xf32, #tpu.memory_space<vmem>> -> memref<32x128xf32, #tpu.memory_space<vmem>>
      %dma_wait3A_503 = arith.constant 0 : i32
      %dma_wait3A_504 = tpu.memref_slice %arg6[%rem3A_239, %dma_wait3A_496, %dma_wait3A_503] : memref<2x16x32xi32, #tpu.memory_space<vmem>> -> memref<1x1x32xi32, #tpu.memory_space<vmem>>
      %dma_wait3A_505 = tpu.memref_squeeze %dma_wait3A_504 : memref<1x1x32xi32, #tpu.memory_space<vmem>> -> memref<32xi32, #tpu.memory_space<vmem>>
      %dma_wait3A_506 = arith.constant 0 : i32
      %dma_wait3A_507 = arith.constant 0 : i32
      %dma_wait3A_508 = tpu.memref_slice %arg2[%dma_wait3A_506, %dma_wait3A_507] : memref<10000x128xf32, #tpu.memory_space<hbm>> -> memref<10000x128xf32, #tpu.memory_space<hbm>>
      %dma_wait3A_509 = tpu.memref_slice %arg10[%dma_wait3A_498] : memref<8x!tpu.dma_semaphore, #tpu.memory_space<semaphore_mem>> -> memref<1x!tpu.dma_semaphore, #tpu.memory_space<semaphore_mem>>
      %dma_wait3A_510 = tpu.memref_squeeze %dma_wait3A_509 : memref<1x!tpu.dma_semaphore, #tpu.memory_space<semaphore_mem>> -> memref<!tpu.dma_semaphore, #tpu.memory_space<semaphore_mem>>
      tpu.wait_indirect_dma semaphore(%dma_wait3A_510 : memref<!tpu.dma_semaphore, #tpu.memory_space<semaphore_mem>>) src(%dma_wait3A_508 : memref<10000x128xf32, #tpu.memory_space<hbm>>) dst(%dma_wait3A_502 : memref<32x128xf32, #tpu.memory_space<vmem>>)
      %lt3A = arith.constant 19 : i32
      %lt3A_511 = arith.cmpi slt, %add3A_238, %lt3A : i32
      %convert_element_type3A = arith.extui %lt3A_511 : i1 to i32
      %cond3A = arith.constant 0 : i32
      %cond3A_512 = arith.cmpi ne, %convert_element_type3A, %cond3A : i32
      scf.if %cond3A_512 {
        %add3A_679 = arith.constant 1 : i32
        %add3A_680 = arith.addi %add3A_238, %add3A_679 : i32
        %mul3A_681 = arith.constant 16 : i32
        %mul3A_682 = arith.muli %add3A_680, %mul3A_681 : i32
        %add3A_683 = arith.addi %mul3A_2, %mul3A_682 : i32
        %dma_wait3A_684 = arith.constant 0 : i32
        %dma_wait3A_685 = arith.constant 0 : i32
        %dma_wait3A_686 = tpu.memref_slice %arg6[%sub3A_240, %dma_wait3A_684, %dma_wait3A_685] : memref<2x16x32xi32, #tpu.memory_space<vmem>> -> memref<1x16x32xi32, #tpu.memory_space<vmem>>
        %dma_wait3A_687 = tpu.memref_squeeze %dma_wait3A_686 : memref<1x16x32xi32, #tpu.memory_space<vmem>> -> memref<16x32xi32, #tpu.memory_space<vmem>>
        %dma_wait3A_688 = arith.constant 0 : i32
        %dma_wait3A_689 = tpu.memref_slice %arg3[%add3A_683, %dma_wait3A_688] : memref<10240x32xi32, #tpu.memory_space<hbm>> -> memref<16x32xi32, #tpu.memory_space<hbm>>
        %dma_wait3A_690 = arith.constant 0 : i32
        %dma_wait3A_691 = arith.constant 0 : i32
        %dma_wait3A_692 = tpu.memref_slice %arg6[%sub3A_240, %dma_wait3A_690, %dma_wait3A_691] : memref<2x16x32xi32, #tpu.memory_space<vmem>> -> memref<1x16x32xi32, #tpu.memory_space<vmem>>
        %dma_wait3A_693 = tpu.memref_squeeze %dma_wait3A_692 : memref<1x16x32xi32, #tpu.memory_space<vmem>> -> memref<16x32xi32, #tpu.memory_space<vmem>>
        %dma_wait3A_694 = arith.constant 0 : i32
        %dma_wait3A_695 = tpu.memref_slice %arg3[%add3A_683, %dma_wait3A_694] : memref<10240x32xi32, #tpu.memory_space<hbm>> -> memref<16x32xi32, #tpu.memory_space<hbm>>
        tpu.wait_dma2 semaphore(%arg11 : memref<!tpu.dma_semaphore, #tpu.memory_space<semaphore_mem>>) src(%dma_wait3A_695 : memref<16x32xi32, #tpu.memory_space<hbm>>) dst(%dma_wait3A_693 : memref<16x32xi32, #tpu.memory_space<vmem>>)
        %add3A_696 = arith.constant 1 : i32
        %add3A_697 = arith.addi %add3A_238, %add3A_696 : i32
        %mul3A_698 = arith.constant 16 : i32
        %mul3A_699 = arith.muli %add3A_697, %mul3A_698 : i32
        %add3A_700 = arith.addi %mul3A_2, %mul3A_699 : i32
        %dma_wait3A_701 = arith.constant 0 : i32
        %dma_wait3A_702 = arith.constant 0 : i32
        %dma_wait3A_703 = tpu.memref_slice %arg7[%sub3A_240, %dma_wait3A_701, %dma_wait3A_702] : memref<2x16x32xi32, #tpu.memory_space<vmem>> -> memref<1x16x32xi32, #tpu.memory_space<vmem>>
        %dma_wait3A_704 = tpu.memref_squeeze %dma_wait3A_703 : memref<1x16x32xi32, #tpu.memory_space<vmem>> -> memref<16x32xi32, #tpu.memory_space<vmem>>
        %dma_wait3A_705 = arith.constant 0 : i32
        %dma_wait3A_706 = tpu.memref_slice %arg4[%add3A_700, %dma_wait3A_705] : memref<10240x32xi32, #tpu.memory_space<hbm>> -> memref<16x32xi32, #tpu.memory_space<hbm>>
        %dma_wait3A_707 = arith.constant 0 : i32
        %dma_wait3A_708 = arith.constant 0 : i32
        %dma_wait3A_709 = tpu.memref_slice %arg7[%sub3A_240, %dma_wait3A_707, %dma_wait3A_708] : memref<2x16x32xi32, #tpu.memory_space<vmem>> -> memref<1x16x32xi32, #tpu.memory_space<vmem>>
        %dma_wait3A_710 = tpu.memref_squeeze %dma_wait3A_709 : memref<1x16x32xi32, #tpu.memory_space<vmem>> -> memref<16x32xi32, #tpu.memory_space<vmem>>
        %dma_wait3A_711 = arith.constant 0 : i32
        %dma_wait3A_712 = tpu.memref_slice %arg4[%add3A_700, %dma_wait3A_711] : memref<10240x32xi32, #tpu.memory_space<hbm>> -> memref<16x32xi32, #tpu.memory_space<hbm>>
        tpu.wait_dma2 semaphore(%arg11 : memref<!tpu.dma_semaphore, #tpu.memory_space<semaphore_mem>>) src(%dma_wait3A_712 : memref<16x32xi32, #tpu.memory_space<hbm>>) dst(%dma_wait3A_710 : memref<16x32xi32, #tpu.memory_space<vmem>>)
      } else {
      }
      %run_scoped3A_513 = arith.constant 0 : i32
      %run_scoped3A_514 = arith.constant 8 : i32
      "tpu.region"() ({
        %run_scoped3A_679 = tpu.sem_alloc : memref<!tpu.dma_semaphore, #tpu.memory_space<semaphore_mem>>
        %dma_start3A_680 = arith.constant 0 : i32
        %dma_start3A_681 = arith.constant 0 : i32
        %dma_start3A_682 = tpu.memref_slice %arg8[%run_scoped3A_513, %dma_start3A_680, %dma_start3A_681] : memref<8x32x128xf32, #tpu.memory_space<vmem>> -> memref<1x32x128xf32, #tpu.memory_space<vmem>>
        %dma_start3A_683 = tpu.memref_squeeze %dma_start3A_682 : memref<1x32x128xf32, #tpu.memory_space<vmem>> -> memref<32x128xf32, #tpu.memory_space<vmem>>
        %dma_start3A_684 = arith.constant 0 : i32
        %dma_start3A_685 = tpu.memref_slice %arg7[%rem3A_239, %run_scoped3A_514, %dma_start3A_684] : memref<2x16x32xi32, #tpu.memory_space<vmem>> -> memref<1x1x32xi32, #tpu.memory_space<vmem>>
        %dma_start3A_686 = tpu.memref_squeeze %dma_start3A_685 : memref<1x1x32xi32, #tpu.memory_space<vmem>> -> memref<32xi32, #tpu.memory_space<vmem>>
        %dma_start3A_687 = arith.constant 0 : i32
        %dma_start3A_688 = arith.constant 0 : i32
        %dma_start3A_689 = tpu.memref_slice %arg9[%dma_start3A_687, %dma_start3A_688] : memref<10240x128xf32, #tpu.memory_space<vmem_shared>> -> memref<10240x128xf32, #tpu.memory_space<vmem_shared>>
        tpu.enqueue_indirect_dma source(%dma_start3A_683 : memref<32x128xf32, #tpu.memory_space<vmem>>) target(%dma_start3A_689 : memref<10240x128xf32, #tpu.memory_space<vmem_shared>>) offsets(%dma_start3A_686 : memref<32xi32, #tpu.memory_space<vmem>>) semaphore(%run_scoped3A_679 : memref<!tpu.dma_semaphore, #tpu.memory_space<semaphore_mem>>) {add = true}
        %dma_wait3A_690 = arith.constant 0 : i32
        %dma_wait3A_691 = arith.constant 0 : i32
        %dma_wait3A_692 = tpu.memref_slice %arg8[%run_scoped3A_513, %dma_wait3A_690, %dma_wait3A_691] : memref<8x32x128xf32, #tpu.memory_space<vmem>> -> memref<1x32x128xf32, #tpu.memory_space<vmem>>
        %dma_wait3A_693 = tpu.memref_squeeze %dma_wait3A_692 : memref<1x32x128xf32, #tpu.memory_space<vmem>> -> memref<32x128xf32, #tpu.memory_space<vmem>>
        %dma_wait3A_694 = arith.constant 0 : i32
        %dma_wait3A_695 = tpu.memref_slice %arg7[%rem3A_239, %run_scoped3A_514, %dma_wait3A_694] : memref<2x16x32xi32, #tpu.memory_space<vmem>> -> memref<1x1x32xi32, #tpu.memory_space<vmem>>
        %dma_wait3A_696 = tpu.memref_squeeze %dma_wait3A_695 : memref<1x1x32xi32, #tpu.memory_space<vmem>> -> memref<32xi32, #tpu.memory_space<vmem>>
        %dma_wait3A_697 = arith.constant 0 : i32
        %dma_wait3A_698 = arith.constant 0 : i32
        %dma_wait3A_699 = tpu.memref_slice %arg9[%dma_wait3A_697, %dma_wait3A_698] : memref<10240x128xf32, #tpu.memory_space<vmem_shared>> -> memref<10240x128xf32, #tpu.memory_space<vmem_shared>>
        tpu.wait_indirect_dma semaphore(%run_scoped3A_679 : memref<!tpu.dma_semaphore, #tpu.memory_space<semaphore_mem>>) src(%dma_wait3A_693 : memref<32x128xf32, #tpu.memory_space<vmem>>) dst(%dma_wait3A_699 : memref<10240x128xf32, #tpu.memory_space<vmem_shared>>)
        tpu.yield
      }) : () -> ()
      %lt3A_515 = arith.constant 19 : i32
      %lt3A_516 = arith.cmpi slt, %add3A_238, %lt3A_515 : i32
      %convert_element_type3A_517 = arith.extui %lt3A_516 : i1 to i32
      %cond3A_518 = arith.constant 0 : i32
      %cond3A_519 = arith.cmpi ne, %convert_element_type3A_517, %cond3A_518 : i32
      scf.if %cond3A_519 {
        %dma_start3A_679 = arith.constant 0 : i32
        %dma_start3A_680 = arith.constant 0 : i32
        %dma_start3A_681 = arith.constant 0 : i32
        %dma_start3A_682 = arith.constant 0 : i32
        %dma_start3A_683 = arith.constant 0 : i32
        %dma_start3A_684 = tpu.memref_slice %arg8[%dma_start3A_680, %dma_start3A_682, %dma_start3A_683] : memref<8x32x128xf32, #tpu.memory_space<vmem>> -> memref<1x32x128xf32, #tpu.memory_space<vmem>>
        %dma_start3A_685 = tpu.memref_squeeze %dma_start3A_684 : memref<1x32x128xf32, #tpu.memory_space<vmem>> -> memref<32x128xf32, #tpu.memory_space<vmem>>
        %dma_start3A_686 = arith.constant 0 : i32
        %dma_start3A_687 = tpu.memref_slice %arg6[%sub3A_240, %dma_start3A_679, %dma_start3A_686] : memref<2x16x32xi32, #tpu.memory_space<vmem>> -> memref<1x1x32xi32, #tpu.memory_space<vmem>>
        %dma_start3A_688 = tpu.memref_squeeze %dma_start3A_687 : memref<1x1x32xi32, #tpu.memory_space<vmem>> -> memref<32xi32, #tpu.memory_space<vmem>>
        %dma_start3A_689 = arith.constant 0 : i32
        %dma_start3A_690 = arith.constant 0 : i32
        %dma_start3A_691 = tpu.memref_slice %arg2[%dma_start3A_689, %dma_start3A_690] : memref<10000x128xf32, #tpu.memory_space<hbm>> -> memref<10000x128xf32, #tpu.memory_space<hbm>>
        %dma_start3A_692 = tpu.memref_slice %arg10[%dma_start3A_681] : memref<8x!tpu.dma_semaphore, #tpu.memory_space<semaphore_mem>> -> memref<1x!tpu.dma_semaphore, #tpu.memory_space<semaphore_mem>>
        %dma_start3A_693 = tpu.memref_squeeze %dma_start3A_692 : memref<1x!tpu.dma_semaphore, #tpu.memory_space<semaphore_mem>> -> memref<!tpu.dma_semaphore, #tpu.memory_space<semaphore_mem>>
        tpu.enqueue_indirect_dma source(%dma_start3A_691 : memref<10000x128xf32, #tpu.memory_space<hbm>>) target(%dma_start3A_685 : memref<32x128xf32, #tpu.memory_space<vmem>>) offsets(%dma_start3A_688 : memref<32xi32, #tpu.memory_space<vmem>>) semaphore(%dma_start3A_693 : memref<!tpu.dma_semaphore, #tpu.memory_space<semaphore_mem>>)
      } else {
      }
      %dma_wait3A_520 = arith.constant 9 : i32
      %dma_wait3A_521 = arith.constant 1 : i32
      %dma_wait3A_522 = arith.constant 1 : i32
      %dma_wait3A_523 = arith.constant 0 : i32
      %dma_wait3A_524 = arith.constant 0 : i32
      %dma_wait3A_525 = tpu.memref_slice %arg8[%dma_wait3A_521, %dma_wait3A_523, %dma_wait3A_524] : memref<8x32x128xf32, #tpu.memory_space<vmem>> -> memref<1x32x128xf32, #tpu.memory_space<vmem>>
      %dma_wait3A_526 = tpu.memref_squeeze %dma_wait3A_525 : memref<1x32x128xf32, #tpu.memory_space<vmem>> -> memref<32x128xf32, #tpu.memory_space<vmem>>
      %dma_wait3A_527 = arith.constant 0 : i32
      %dma_wait3A_528 = tpu.memref_slice %arg6[%rem3A_239, %dma_wait3A_520, %dma_wait3A_527] : memref<2x16x32xi32, #tpu.memory_space<vmem>> -> memref<1x1x32xi32, #tpu.memory_space<vmem>>
      %dma_wait3A_529 = tpu.memref_squeeze %dma_wait3A_528 : memref<1x1x32xi32, #tpu.memory_space<vmem>> -> memref<32xi32, #tpu.memory_space<vmem>>
      %dma_wait3A_530 = arith.constant 0 : i32
      %dma_wait3A_531 = arith.constant 0 : i32
      %dma_wait3A_532 = tpu.memref_slice %arg2[%dma_wait3A_530, %dma_wait3A_531] : memref<10000x128xf32, #tpu.memory_space<hbm>> -> memref<10000x128xf32, #tpu.memory_space<hbm>>
      %dma_wait3A_533 = tpu.memref_slice %arg10[%dma_wait3A_522] : memref<8x!tpu.dma_semaphore, #tpu.memory_space<semaphore_mem>> -> memref<1x!tpu.dma_semaphore, #tpu.memory_space<semaphore_mem>>
      %dma_wait3A_534 = tpu.memref_squeeze %dma_wait3A_533 : memref<1x!tpu.dma_semaphore, #tpu.memory_space<semaphore_mem>> -> memref<!tpu.dma_semaphore, #tpu.memory_space<semaphore_mem>>
      tpu.wait_indirect_dma semaphore(%dma_wait3A_534 : memref<!tpu.dma_semaphore, #tpu.memory_space<semaphore_mem>>) src(%dma_wait3A_532 : memref<10000x128xf32, #tpu.memory_space<hbm>>) dst(%dma_wait3A_526 : memref<32x128xf32, #tpu.memory_space<vmem>>)
      %run_scoped3A_535 = arith.constant 1 : i32
      %run_scoped3A_536 = arith.constant 9 : i32
      "tpu.region"() ({
        %run_scoped3A_679 = tpu.sem_alloc : memref<!tpu.dma_semaphore, #tpu.memory_space<semaphore_mem>>
        %dma_start3A_680 = arith.constant 0 : i32
        %dma_start3A_681 = arith.constant 0 : i32
        %dma_start3A_682 = tpu.memref_slice %arg8[%run_scoped3A_535, %dma_start3A_680, %dma_start3A_681] : memref<8x32x128xf32, #tpu.memory_space<vmem>> -> memref<1x32x128xf32, #tpu.memory_space<vmem>>
        %dma_start3A_683 = tpu.memref_squeeze %dma_start3A_682 : memref<1x32x128xf32, #tpu.memory_space<vmem>> -> memref<32x128xf32, #tpu.memory_space<vmem>>
        %dma_start3A_684 = arith.constant 0 : i32
        %dma_start3A_685 = tpu.memref_slice %arg7[%rem3A_239, %run_scoped3A_536, %dma_start3A_684] : memref<2x16x32xi32, #tpu.memory_space<vmem>> -> memref<1x1x32xi32, #tpu.memory_space<vmem>>
        %dma_start3A_686 = tpu.memref_squeeze %dma_start3A_685 : memref<1x1x32xi32, #tpu.memory_space<vmem>> -> memref<32xi32, #tpu.memory_space<vmem>>
        %dma_start3A_687 = arith.constant 0 : i32
        %dma_start3A_688 = arith.constant 0 : i32
        %dma_start3A_689 = tpu.memref_slice %arg9[%dma_start3A_687, %dma_start3A_688] : memref<10240x128xf32, #tpu.memory_space<vmem_shared>> -> memref<10240x128xf32, #tpu.memory_space<vmem_shared>>
        tpu.enqueue_indirect_dma source(%dma_start3A_683 : memref<32x128xf32, #tpu.memory_space<vmem>>) target(%dma_start3A_689 : memref<10240x128xf32, #tpu.memory_space<vmem_shared>>) offsets(%dma_start3A_686 : memref<32xi32, #tpu.memory_space<vmem>>) semaphore(%run_scoped3A_679 : memref<!tpu.dma_semaphore, #tpu.memory_space<semaphore_mem>>) {add = true}
        %dma_wait3A_690 = arith.constant 0 : i32
        %dma_wait3A_691 = arith.constant 0 : i32
        %dma_wait3A_692 = tpu.memref_slice %arg8[%run_scoped3A_535, %dma_wait3A_690, %dma_wait3A_691] : memref<8x32x128xf32, #tpu.memory_space<vmem>> -> memref<1x32x128xf32, #tpu.memory_space<vmem>>
        %dma_wait3A_693 = tpu.memref_squeeze %dma_wait3A_692 : memref<1x32x128xf32, #tpu.memory_space<vmem>> -> memref<32x128xf32, #tpu.memory_space<vmem>>
        %dma_wait3A_694 = arith.constant 0 : i32
        %dma_wait3A_695 = tpu.memref_slice %arg7[%rem3A_239, %run_scoped3A_536, %dma_wait3A_694] : memref<2x16x32xi32, #tpu.memory_space<vmem>> -> memref<1x1x32xi32, #tpu.memory_space<vmem>>
        %dma_wait3A_696 = tpu.memref_squeeze %dma_wait3A_695 : memref<1x1x32xi32, #tpu.memory_space<vmem>> -> memref<32xi32, #tpu.memory_space<vmem>>
        %dma_wait3A_697 = arith.constant 0 : i32
        %dma_wait3A_698 = arith.constant 0 : i32
        %dma_wait3A_699 = tpu.memref_slice %arg9[%dma_wait3A_697, %dma_wait3A_698] : memref<10240x128xf32, #tpu.memory_space<vmem_shared>> -> memref<10240x128xf32, #tpu.memory_space<vmem_shared>>
        tpu.wait_indirect_dma semaphore(%run_scoped3A_679 : memref<!tpu.dma_semaphore, #tpu.memory_space<semaphore_mem>>) src(%dma_wait3A_693 : memref<32x128xf32, #tpu.memory_space<vmem>>) dst(%dma_wait3A_699 : memref<10240x128xf32, #tpu.memory_space<vmem_shared>>)
        tpu.yield
      }) : () -> ()
      %lt3A_537 = arith.constant 19 : i32
      %lt3A_538 = arith.cmpi slt, %add3A_238, %lt3A_537 : i32
      %convert_element_type3A_539 = arith.extui %lt3A_538 : i1 to i32
      %cond3A_540 = arith.constant 0 : i32
      %cond3A_541 = arith.cmpi ne, %convert_element_type3A_539, %cond3A_540 : i32
      scf.if %cond3A_541 {
        %dma_start3A_679 = arith.constant 1 : i32
        %dma_start3A_680 = arith.constant 1 : i32
        %dma_start3A_681 = arith.constant 1 : i32
        %dma_start3A_682 = arith.constant 0 : i32
        %dma_start3A_683 = arith.constant 0 : i32
        %dma_start3A_684 = tpu.memref_slice %arg8[%dma_start3A_680, %dma_start3A_682, %dma_start3A_683] : memref<8x32x128xf32, #tpu.memory_space<vmem>> -> memref<1x32x128xf32, #tpu.memory_space<vmem>>
        %dma_start3A_685 = tpu.memref_squeeze %dma_start3A_684 : memref<1x32x128xf32, #tpu.memory_space<vmem>> -> memref<32x128xf32, #tpu.memory_space<vmem>>
        %dma_start3A_686 = arith.constant 0 : i32
        %dma_start3A_687 = tpu.memref_slice %arg6[%sub3A_240, %dma_start3A_679, %dma_start3A_686] : memref<2x16x32xi32, #tpu.memory_space<vmem>> -> memref<1x1x32xi32, #tpu.memory_space<vmem>>
        %dma_start3A_688 = tpu.memref_squeeze %dma_start3A_687 : memref<1x1x32xi32, #tpu.memory_space<vmem>> -> memref<32xi32, #tpu.memory_space<vmem>>
        %dma_start3A_689 = arith.constant 0 : i32
        %dma_start3A_690 = arith.constant 0 : i32
        %dma_start3A_691 = tpu.memref_slice %arg2[%dma_start3A_689, %dma_start3A_690] : memref<10000x128xf32, #tpu.memory_space<hbm>> -> memref<10000x128xf32, #tpu.memory_space<hbm>>
        %dma_start3A_692 = tpu.memref_slice %arg10[%dma_start3A_681] : memref<8x!tpu.dma_semaphore, #tpu.memory_space<semaphore_mem>> -> memref<1x!tpu.dma_semaphore, #tpu.memory_space<semaphore_mem>>
        %dma_start3A_693 = tpu.memref_squeeze %dma_start3A_692 : memref<1x!tpu.dma_semaphore, #tpu.memory_space<semaphore_mem>> -> memref<!tpu.dma_semaphore, #tpu.memory_space<semaphore_mem>>
        tpu.enqueue_indirect_dma source(%dma_start3A_691 : memref<10000x128xf32, #tpu.memory_space<hbm>>) target(%dma_start3A_685 : memref<32x128xf32, #tpu.memory_space<vmem>>) offsets(%dma_start3A_688 : memref<32xi32, #tpu.memory_space<vmem>>) semaphore(%dma_start3A_693 : memref<!tpu.dma_semaphore, #tpu.memory_space<semaphore_mem>>)
      } else {
      }
      %dma_wait3A_542 = arith.constant 10 : i32
      %dma_wait3A_543 = arith.constant 2 : i32
      %dma_wait3A_544 = arith.constant 2 : i32
      %dma_wait3A_545 = arith.constant 0 : i32
      %dma_wait3A_546 = arith.constant 0 : i32
      %dma_wait3A_547 = tpu.memref_slice %arg8[%dma_wait3A_543, %dma_wait3A_545, %dma_wait3A_546] : memref<8x32x128xf32, #tpu.memory_space<vmem>> -> memref<1x32x128xf32, #tpu.memory_space<vmem>>
      %dma_wait3A_548 = tpu.memref_squeeze %dma_wait3A_547 : memref<1x32x128xf32, #tpu.memory_space<vmem>> -> memref<32x128xf32, #tpu.memory_space<vmem>>
      %dma_wait3A_549 = arith.constant 0 : i32
      %dma_wait3A_550 = tpu.memref_slice %arg6[%rem3A_239, %dma_wait3A_542, %dma_wait3A_549] : memref<2x16x32xi32, #tpu.memory_space<vmem>> -> memref<1x1x32xi32, #tpu.memory_space<vmem>>
      %dma_wait3A_551 = tpu.memref_squeeze %dma_wait3A_550 : memref<1x1x32xi32, #tpu.memory_space<vmem>> -> memref<32xi32, #tpu.memory_space<vmem>>
      %dma_wait3A_552 = arith.constant 0 : i32
      %dma_wait3A_553 = arith.constant 0 : i32
      %dma_wait3A_554 = tpu.memref_slice %arg2[%dma_wait3A_552, %dma_wait3A_553] : memref<10000x128xf32, #tpu.memory_space<hbm>> -> memref<10000x128xf32, #tpu.memory_space<hbm>>
      %dma_wait3A_555 = tpu.memref_slice %arg10[%dma_wait3A_544] : memref<8x!tpu.dma_semaphore, #tpu.memory_space<semaphore_mem>> -> memref<1x!tpu.dma_semaphore, #tpu.memory_space<semaphore_mem>>
      %dma_wait3A_556 = tpu.memref_squeeze %dma_wait3A_555 : memref<1x!tpu.dma_semaphore, #tpu.memory_space<semaphore_mem>> -> memref<!tpu.dma_semaphore, #tpu.memory_space<semaphore_mem>>
      tpu.wait_indirect_dma semaphore(%dma_wait3A_556 : memref<!tpu.dma_semaphore, #tpu.memory_space<semaphore_mem>>) src(%dma_wait3A_554 : memref<10000x128xf32, #tpu.memory_space<hbm>>) dst(%dma_wait3A_548 : memref<32x128xf32, #tpu.memory_space<vmem>>)
      %run_scoped3A_557 = arith.constant 2 : i32
      %run_scoped3A_558 = arith.constant 10 : i32
      "tpu.region"() ({
        %run_scoped3A_679 = tpu.sem_alloc : memref<!tpu.dma_semaphore, #tpu.memory_space<semaphore_mem>>
        %dma_start3A_680 = arith.constant 0 : i32
        %dma_start3A_681 = arith.constant 0 : i32
        %dma_start3A_682 = tpu.memref_slice %arg8[%run_scoped3A_557, %dma_start3A_680, %dma_start3A_681] : memref<8x32x128xf32, #tpu.memory_space<vmem>> -> memref<1x32x128xf32, #tpu.memory_space<vmem>>
        %dma_start3A_683 = tpu.memref_squeeze %dma_start3A_682 : memref<1x32x128xf32, #tpu.memory_space<vmem>> -> memref<32x128xf32, #tpu.memory_space<vmem>>
        %dma_start3A_684 = arith.constant 0 : i32
        %dma_start3A_685 = tpu.memref_slice %arg7[%rem3A_239, %run_scoped3A_558, %dma_start3A_684] : memref<2x16x32xi32, #tpu.memory_space<vmem>> -> memref<1x1x32xi32, #tpu.memory_space<vmem>>
        %dma_start3A_686 = tpu.memref_squeeze %dma_start3A_685 : memref<1x1x32xi32, #tpu.memory_space<vmem>> -> memref<32xi32, #tpu.memory_space<vmem>>
        %dma_start3A_687 = arith.constant 0 : i32
        %dma_start3A_688 = arith.constant 0 : i32
        %dma_start3A_689 = tpu.memref_slice %arg9[%dma_start3A_687, %dma_start3A_688] : memref<10240x128xf32, #tpu.memory_space<vmem_shared>> -> memref<10240x128xf32, #tpu.memory_space<vmem_shared>>
        tpu.enqueue_indirect_dma source(%dma_start3A_683 : memref<32x128xf32, #tpu.memory_space<vmem>>) target(%dma_start3A_689 : memref<10240x128xf32, #tpu.memory_space<vmem_shared>>) offsets(%dma_start3A_686 : memref<32xi32, #tpu.memory_space<vmem>>) semaphore(%run_scoped3A_679 : memref<!tpu.dma_semaphore, #tpu.memory_space<semaphore_mem>>) {add = true}
        %dma_wait3A_690 = arith.constant 0 : i32
        %dma_wait3A_691 = arith.constant 0 : i32
        %dma_wait3A_692 = tpu.memref_slice %arg8[%run_scoped3A_557, %dma_wait3A_690, %dma_wait3A_691] : memref<8x32x128xf32, #tpu.memory_space<vmem>> -> memref<1x32x128xf32, #tpu.memory_space<vmem>>
        %dma_wait3A_693 = tpu.memref_squeeze %dma_wait3A_692 : memref<1x32x128xf32, #tpu.memory_space<vmem>> -> memref<32x128xf32, #tpu.memory_space<vmem>>
        %dma_wait3A_694 = arith.constant 0 : i32
        %dma_wait3A_695 = tpu.memref_slice %arg7[%rem3A_239, %run_scoped3A_558, %dma_wait3A_694] : memref<2x16x32xi32, #tpu.memory_space<vmem>> -> memref<1x1x32xi32, #tpu.memory_space<vmem>>
        %dma_wait3A_696 = tpu.memref_squeeze %dma_wait3A_695 : memref<1x1x32xi32, #tpu.memory_space<vmem>> -> memref<32xi32, #tpu.memory_space<vmem>>
        %dma_wait3A_697 = arith.constant 0 : i32
        %dma_wait3A_698 = arith.constant 0 : i32
        %dma_wait3A_699 = tpu.memref_slice %arg9[%dma_wait3A_697, %dma_wait3A_698] : memref<10240x128xf32, #tpu.memory_space<vmem_shared>> -> memref<10240x128xf32, #tpu.memory_space<vmem_shared>>
        tpu.wait_indirect_dma semaphore(%run_scoped3A_679 : memref<!tpu.dma_semaphore, #tpu.memory_space<semaphore_mem>>) src(%dma_wait3A_693 : memref<32x128xf32, #tpu.memory_space<vmem>>) dst(%dma_wait3A_699 : memref<10240x128xf32, #tpu.memory_space<vmem_shared>>)
        tpu.yield
      }) : () -> ()
      %lt3A_559 = arith.constant 19 : i32
      %lt3A_560 = arith.cmpi slt, %add3A_238, %lt3A_559 : i32
      %convert_element_type3A_561 = arith.extui %lt3A_560 : i1 to i32
      %cond3A_562 = arith.constant 0 : i32
      %cond3A_563 = arith.cmpi ne, %convert_element_type3A_561, %cond3A_562 : i32
      scf.if %cond3A_563 {
        %dma_start3A_679 = arith.constant 2 : i32
        %dma_start3A_680 = arith.constant 2 : i32
        %dma_start3A_681 = arith.constant 2 : i32
        %dma_start3A_682 = arith.constant 0 : i32
        %dma_start3A_683 = arith.constant 0 : i32
        %dma_start3A_684 = tpu.memref_slice %arg8[%dma_start3A_680, %dma_start3A_682, %dma_start3A_683] : memref<8x32x128xf32, #tpu.memory_space<vmem>> -> memref<1x32x128xf32, #tpu.memory_space<vmem>>
        %dma_start3A_685 = tpu.memref_squeeze %dma_start3A_684 : memref<1x32x128xf32, #tpu.memory_space<vmem>> -> memref<32x128xf32, #tpu.memory_space<vmem>>
        %dma_start3A_686 = arith.constant 0 : i32
        %dma_start3A_687 = tpu.memref_slice %arg6[%sub3A_240, %dma_start3A_679, %dma_start3A_686] : memref<2x16x32xi32, #tpu.memory_space<vmem>> -> memref<1x1x32xi32, #tpu.memory_space<vmem>>
        %dma_start3A_688 = tpu.memref_squeeze %dma_start3A_687 : memref<1x1x32xi32, #tpu.memory_space<vmem>> -> memref<32xi32, #tpu.memory_space<vmem>>
        %dma_start3A_689 = arith.constant 0 : i32
        %dma_start3A_690 = arith.constant 0 : i32
        %dma_start3A_691 = tpu.memref_slice %arg2[%dma_start3A_689, %dma_start3A_690] : memref<10000x128xf32, #tpu.memory_space<hbm>> -> memref<10000x128xf32, #tpu.memory_space<hbm>>
        %dma_start3A_692 = tpu.memref_slice %arg10[%dma_start3A_681] : memref<8x!tpu.dma_semaphore, #tpu.memory_space<semaphore_mem>> -> memref<1x!tpu.dma_semaphore, #tpu.memory_space<semaphore_mem>>
        %dma_start3A_693 = tpu.memref_squeeze %dma_start3A_692 : memref<1x!tpu.dma_semaphore, #tpu.memory_space<semaphore_mem>> -> memref<!tpu.dma_semaphore, #tpu.memory_space<semaphore_mem>>
        tpu.enqueue_indirect_dma source(%dma_start3A_691 : memref<10000x128xf32, #tpu.memory_space<hbm>>) target(%dma_start3A_685 : memref<32x128xf32, #tpu.memory_space<vmem>>) offsets(%dma_start3A_688 : memref<32xi32, #tpu.memory_space<vmem>>) semaphore(%dma_start3A_693 : memref<!tpu.dma_semaphore, #tpu.memory_space<semaphore_mem>>)
      } else {
      }
      %dma_wait3A_564 = arith.constant 11 : i32
      %dma_wait3A_565 = arith.constant 3 : i32
      %dma_wait3A_566 = arith.constant 3 : i32
      %dma_wait3A_567 = arith.constant 0 : i32
      %dma_wait3A_568 = arith.constant 0 : i32
      %dma_wait3A_569 = tpu.memref_slice %arg8[%dma_wait3A_565, %dma_wait3A_567, %dma_wait3A_568] : memref<8x32x128xf32, #tpu.memory_space<vmem>> -> memref<1x32x128xf32, #tpu.memory_space<vmem>>
      %dma_wait3A_570 = tpu.memref_squeeze %dma_wait3A_569 : memref<1x32x128xf32, #tpu.memory_space<vmem>> -> memref<32x128xf32, #tpu.memory_space<vmem>>
      %dma_wait3A_571 = arith.constant 0 : i32
      %dma_wait3A_572 = tpu.memref_slice %arg6[%rem3A_239, %dma_wait3A_564, %dma_wait3A_571] : memref<2x16x32xi32, #tpu.memory_space<vmem>> -> memref<1x1x32xi32, #tpu.memory_space<vmem>>
      %dma_wait3A_573 = tpu.memref_squeeze %dma_wait3A_572 : memref<1x1x32xi32, #tpu.memory_space<vmem>> -> memref<32xi32, #tpu.memory_space<vmem>>
      %dma_wait3A_574 = arith.constant 0 : i32
      %dma_wait3A_575 = arith.constant 0 : i32
      %dma_wait3A_576 = tpu.memref_slice %arg2[%dma_wait3A_574, %dma_wait3A_575] : memref<10000x128xf32, #tpu.memory_space<hbm>> -> memref<10000x128xf32, #tpu.memory_space<hbm>>
      %dma_wait3A_577 = tpu.memref_slice %arg10[%dma_wait3A_566] : memref<8x!tpu.dma_semaphore, #tpu.memory_space<semaphore_mem>> -> memref<1x!tpu.dma_semaphore, #tpu.memory_space<semaphore_mem>>
      %dma_wait3A_578 = tpu.memref_squeeze %dma_wait3A_577 : memref<1x!tpu.dma_semaphore, #tpu.memory_space<semaphore_mem>> -> memref<!tpu.dma_semaphore, #tpu.memory_space<semaphore_mem>>
      tpu.wait_indirect_dma semaphore(%dma_wait3A_578 : memref<!tpu.dma_semaphore, #tpu.memory_space<semaphore_mem>>) src(%dma_wait3A_576 : memref<10000x128xf32, #tpu.memory_space<hbm>>) dst(%dma_wait3A_570 : memref<32x128xf32, #tpu.memory_space<vmem>>)
      %run_scoped3A_579 = arith.constant 3 : i32
      %run_scoped3A_580 = arith.constant 11 : i32
      "tpu.region"() ({
        %run_scoped3A_679 = tpu.sem_alloc : memref<!tpu.dma_semaphore, #tpu.memory_space<semaphore_mem>>
        %dma_start3A_680 = arith.constant 0 : i32
        %dma_start3A_681 = arith.constant 0 : i32
        %dma_start3A_682 = tpu.memref_slice %arg8[%run_scoped3A_579, %dma_start3A_680, %dma_start3A_681] : memref<8x32x128xf32, #tpu.memory_space<vmem>> -> memref<1x32x128xf32, #tpu.memory_space<vmem>>
        %dma_start3A_683 = tpu.memref_squeeze %dma_start3A_682 : memref<1x32x128xf32, #tpu.memory_space<vmem>> -> memref<32x128xf32, #tpu.memory_space<vmem>>
        %dma_start3A_684 = arith.constant 0 : i32
        %dma_start3A_685 = tpu.memref_slice %arg7[%rem3A_239, %run_scoped3A_580, %dma_start3A_684] : memref<2x16x32xi32, #tpu.memory_space<vmem>> -> memref<1x1x32xi32, #tpu.memory_space<vmem>>
        %dma_start3A_686 = tpu.memref_squeeze %dma_start3A_685 : memref<1x1x32xi32, #tpu.memory_space<vmem>> -> memref<32xi32, #tpu.memory_space<vmem>>
        %dma_start3A_687 = arith.constant 0 : i32
        %dma_start3A_688 = arith.constant 0 : i32
        %dma_start3A_689 = tpu.memref_slice %arg9[%dma_start3A_687, %dma_start3A_688] : memref<10240x128xf32, #tpu.memory_space<vmem_shared>> -> memref<10240x128xf32, #tpu.memory_space<vmem_shared>>
        tpu.enqueue_indirect_dma source(%dma_start3A_683 : memref<32x128xf32, #tpu.memory_space<vmem>>) target(%dma_start3A_689 : memref<10240x128xf32, #tpu.memory_space<vmem_shared>>) offsets(%dma_start3A_686 : memref<32xi32, #tpu.memory_space<vmem>>) semaphore(%run_scoped3A_679 : memref<!tpu.dma_semaphore, #tpu.memory_space<semaphore_mem>>) {add = true}
        %dma_wait3A_690 = arith.constant 0 : i32
        %dma_wait3A_691 = arith.constant 0 : i32
        %dma_wait3A_692 = tpu.memref_slice %arg8[%run_scoped3A_579, %dma_wait3A_690, %dma_wait3A_691] : memref<8x32x128xf32, #tpu.memory_space<vmem>> -> memref<1x32x128xf32, #tpu.memory_space<vmem>>
        %dma_wait3A_693 = tpu.memref_squeeze %dma_wait3A_692 : memref<1x32x128xf32, #tpu.memory_space<vmem>> -> memref<32x128xf32, #tpu.memory_space<vmem>>
        %dma_wait3A_694 = arith.constant 0 : i32
        %dma_wait3A_695 = tpu.memref_slice %arg7[%rem3A_239, %run_scoped3A_580, %dma_wait3A_694] : memref<2x16x32xi32, #tpu.memory_space<vmem>> -> memref<1x1x32xi32, #tpu.memory_space<vmem>>
        %dma_wait3A_696 = tpu.memref_squeeze %dma_wait3A_695 : memref<1x1x32xi32, #tpu.memory_space<vmem>> -> memref<32xi32, #tpu.memory_space<vmem>>
        %dma_wait3A_697 = arith.constant 0 : i32
        %dma_wait3A_698 = arith.constant 0 : i32
        %dma_wait3A_699 = tpu.memref_slice %arg9[%dma_wait3A_697, %dma_wait3A_698] : memref<10240x128xf32, #tpu.memory_space<vmem_shared>> -> memref<10240x128xf32, #tpu.memory_space<vmem_shared>>
        tpu.wait_indirect_dma semaphore(%run_scoped3A_679 : memref<!tpu.dma_semaphore, #tpu.memory_space<semaphore_mem>>) src(%dma_wait3A_693 : memref<32x128xf32, #tpu.memory_space<vmem>>) dst(%dma_wait3A_699 : memref<10240x128xf32, #tpu.memory_space<vmem_shared>>)
        tpu.yield
      }) : () -> ()
      %lt3A_581 = arith.constant 19 : i32
      %lt3A_582 = arith.cmpi slt, %add3A_238, %lt3A_581 : i32
      %convert_element_type3A_583 = arith.extui %lt3A_582 : i1 to i32
      %cond3A_584 = arith.constant 0 : i32
      %cond3A_585 = arith.cmpi ne, %convert_element_type3A_583, %cond3A_584 : i32
      scf.if %cond3A_585 {
        %dma_start3A_679 = arith.constant 3 : i32
        %dma_start3A_680 = arith.constant 3 : i32
        %dma_start3A_681 = arith.constant 3 : i32
        %dma_start3A_682 = arith.constant 0 : i32
        %dma_start3A_683 = arith.constant 0 : i32
        %dma_start3A_684 = tpu.memref_slice %arg8[%dma_start3A_680, %dma_start3A_682, %dma_start3A_683] : memref<8x32x128xf32, #tpu.memory_space<vmem>> -> memref<1x32x128xf32, #tpu.memory_space<vmem>>
        %dma_start3A_685 = tpu.memref_squeeze %dma_start3A_684 : memref<1x32x128xf32, #tpu.memory_space<vmem>> -> memref<32x128xf32, #tpu.memory_space<vmem>>
        %dma_start3A_686 = arith.constant 0 : i32
        %dma_start3A_687 = tpu.memref_slice %arg6[%sub3A_240, %dma_start3A_679, %dma_start3A_686] : memref<2x16x32xi32, #tpu.memory_space<vmem>> -> memref<1x1x32xi32, #tpu.memory_space<vmem>>
        %dma_start3A_688 = tpu.memref_squeeze %dma_start3A_687 : memref<1x1x32xi32, #tpu.memory_space<vmem>> -> memref<32xi32, #tpu.memory_space<vmem>>
        %dma_start3A_689 = arith.constant 0 : i32
        %dma_start3A_690 = arith.constant 0 : i32
        %dma_start3A_691 = tpu.memref_slice %arg2[%dma_start3A_689, %dma_start3A_690] : memref<10000x128xf32, #tpu.memory_space<hbm>> -> memref<10000x128xf32, #tpu.memory_space<hbm>>
        %dma_start3A_692 = tpu.memref_slice %arg10[%dma_start3A_681] : memref<8x!tpu.dma_semaphore, #tpu.memory_space<semaphore_mem>> -> memref<1x!tpu.dma_semaphore, #tpu.memory_space<semaphore_mem>>
        %dma_start3A_693 = tpu.memref_squeeze %dma_start3A_692 : memref<1x!tpu.dma_semaphore, #tpu.memory_space<semaphore_mem>> -> memref<!tpu.dma_semaphore, #tpu.memory_space<semaphore_mem>>
        tpu.enqueue_indirect_dma source(%dma_start3A_691 : memref<10000x128xf32, #tpu.memory_space<hbm>>) target(%dma_start3A_685 : memref<32x128xf32, #tpu.memory_space<vmem>>) offsets(%dma_start3A_688 : memref<32xi32, #tpu.memory_space<vmem>>) semaphore(%dma_start3A_693 : memref<!tpu.dma_semaphore, #tpu.memory_space<semaphore_mem>>)
      } else {
      }
      %dma_wait3A_586 = arith.constant 12 : i32
      %dma_wait3A_587 = arith.constant 4 : i32
      %dma_wait3A_588 = arith.constant 4 : i32
      %dma_wait3A_589 = arith.constant 0 : i32
      %dma_wait3A_590 = arith.constant 0 : i32
      %dma_wait3A_591 = tpu.memref_slice %arg8[%dma_wait3A_587, %dma_wait3A_589, %dma_wait3A_590] : memref<8x32x128xf32, #tpu.memory_space<vmem>> -> memref<1x32x128xf32, #tpu.memory_space<vmem>>
      %dma_wait3A_592 = tpu.memref_squeeze %dma_wait3A_591 : memref<1x32x128xf32, #tpu.memory_space<vmem>> -> memref<32x128xf32, #tpu.memory_space<vmem>>
      %dma_wait3A_593 = arith.constant 0 : i32
      %dma_wait3A_594 = tpu.memref_slice %arg6[%rem3A_239, %dma_wait3A_586, %dma_wait3A_593] : memref<2x16x32xi32, #tpu.memory_space<vmem>> -> memref<1x1x32xi32, #tpu.memory_space<vmem>>
      %dma_wait3A_595 = tpu.memref_squeeze %dma_wait3A_594 : memref<1x1x32xi32, #tpu.memory_space<vmem>> -> memref<32xi32, #tpu.memory_space<vmem>>
      %dma_wait3A_596 = arith.constant 0 : i32
      %dma_wait3A_597 = arith.constant 0 : i32
      %dma_wait3A_598 = tpu.memref_slice %arg2[%dma_wait3A_596, %dma_wait3A_597] : memref<10000x128xf32, #tpu.memory_space<hbm>> -> memref<10000x128xf32, #tpu.memory_space<hbm>>
      %dma_wait3A_599 = tpu.memref_slice %arg10[%dma_wait3A_588] : memref<8x!tpu.dma_semaphore, #tpu.memory_space<semaphore_mem>> -> memref<1x!tpu.dma_semaphore, #tpu.memory_space<semaphore_mem>>
      %dma_wait3A_600 = tpu.memref_squeeze %dma_wait3A_599 : memref<1x!tpu.dma_semaphore, #tpu.memory_space<semaphore_mem>> -> memref<!tpu.dma_semaphore, #tpu.memory_space<semaphore_mem>>
      tpu.wait_indirect_dma semaphore(%dma_wait3A_600 : memref<!tpu.dma_semaphore, #tpu.memory_space<semaphore_mem>>) src(%dma_wait3A_598 : memref<10000x128xf32, #tpu.memory_space<hbm>>) dst(%dma_wait3A_592 : memref<32x128xf32, #tpu.memory_space<vmem>>)
      %run_scoped3A_601 = arith.constant 4 : i32
      %run_scoped3A_602 = arith.constant 12 : i32
      "tpu.region"() ({
        %run_scoped3A_679 = tpu.sem_alloc : memref<!tpu.dma_semaphore, #tpu.memory_space<semaphore_mem>>
        %dma_start3A_680 = arith.constant 0 : i32
        %dma_start3A_681 = arith.constant 0 : i32
        %dma_start3A_682 = tpu.memref_slice %arg8[%run_scoped3A_601, %dma_start3A_680, %dma_start3A_681] : memref<8x32x128xf32, #tpu.memory_space<vmem>> -> memref<1x32x128xf32, #tpu.memory_space<vmem>>
        %dma_start3A_683 = tpu.memref_squeeze %dma_start3A_682 : memref<1x32x128xf32, #tpu.memory_space<vmem>> -> memref<32x128xf32, #tpu.memory_space<vmem>>
        %dma_start3A_684 = arith.constant 0 : i32
        %dma_start3A_685 = tpu.memref_slice %arg7[%rem3A_239, %run_scoped3A_602, %dma_start3A_684] : memref<2x16x32xi32, #tpu.memory_space<vmem>> -> memref<1x1x32xi32, #tpu.memory_space<vmem>>
        %dma_start3A_686 = tpu.memref_squeeze %dma_start3A_685 : memref<1x1x32xi32, #tpu.memory_space<vmem>> -> memref<32xi32, #tpu.memory_space<vmem>>
        %dma_start3A_687 = arith.constant 0 : i32
        %dma_start3A_688 = arith.constant 0 : i32
        %dma_start3A_689 = tpu.memref_slice %arg9[%dma_start3A_687, %dma_start3A_688] : memref<10240x128xf32, #tpu.memory_space<vmem_shared>> -> memref<10240x128xf32, #tpu.memory_space<vmem_shared>>
        tpu.enqueue_indirect_dma source(%dma_start3A_683 : memref<32x128xf32, #tpu.memory_space<vmem>>) target(%dma_start3A_689 : memref<10240x128xf32, #tpu.memory_space<vmem_shared>>) offsets(%dma_start3A_686 : memref<32xi32, #tpu.memory_space<vmem>>) semaphore(%run_scoped3A_679 : memref<!tpu.dma_semaphore, #tpu.memory_space<semaphore_mem>>) {add = true}
        %dma_wait3A_690 = arith.constant 0 : i32
        %dma_wait3A_691 = arith.constant 0 : i32
        %dma_wait3A_692 = tpu.memref_slice %arg8[%run_scoped3A_601, %dma_wait3A_690, %dma_wait3A_691] : memref<8x32x128xf32, #tpu.memory_space<vmem>> -> memref<1x32x128xf32, #tpu.memory_space<vmem>>
        %dma_wait3A_693 = tpu.memref_squeeze %dma_wait3A_692 : memref<1x32x128xf32, #tpu.memory_space<vmem>> -> memref<32x128xf32, #tpu.memory_space<vmem>>
        %dma_wait3A_694 = arith.constant 0 : i32
        %dma_wait3A_695 = tpu.memref_slice %arg7[%rem3A_239, %run_scoped3A_602, %dma_wait3A_694] : memref<2x16x32xi32, #tpu.memory_space<vmem>> -> memref<1x1x32xi32, #tpu.memory_space<vmem>>
        %dma_wait3A_696 = tpu.memref_squeeze %dma_wait3A_695 : memref<1x1x32xi32, #tpu.memory_space<vmem>> -> memref<32xi32, #tpu.memory_space<vmem>>
        %dma_wait3A_697 = arith.constant 0 : i32
        %dma_wait3A_698 = arith.constant 0 : i32
        %dma_wait3A_699 = tpu.memref_slice %arg9[%dma_wait3A_697, %dma_wait3A_698] : memref<10240x128xf32, #tpu.memory_space<vmem_shared>> -> memref<10240x128xf32, #tpu.memory_space<vmem_shared>>
        tpu.wait_indirect_dma semaphore(%run_scoped3A_679 : memref<!tpu.dma_semaphore, #tpu.memory_space<semaphore_mem>>) src(%dma_wait3A_693 : memref<32x128xf32, #tpu.memory_space<vmem>>) dst(%dma_wait3A_699 : memref<10240x128xf32, #tpu.memory_space<vmem_shared>>)
        tpu.yield
      }) : () -> ()
      %lt3A_603 = arith.constant 19 : i32
      %lt3A_604 = arith.cmpi slt, %add3A_238, %lt3A_603 : i32
      %convert_element_type3A_605 = arith.extui %lt3A_604 : i1 to i32
      %cond3A_606 = arith.constant 0 : i32
      %cond3A_607 = arith.cmpi ne, %convert_element_type3A_605, %cond3A_606 : i32
      scf.if %cond3A_607 {
        %dma_start3A_679 = arith.constant 4 : i32
        %dma_start3A_680 = arith.constant 4 : i32
        %dma_start3A_681 = arith.constant 4 : i32
        %dma_start3A_682 = arith.constant 0 : i32
        %dma_start3A_683 = arith.constant 0 : i32
        %dma_start3A_684 = tpu.memref_slice %arg8[%dma_start3A_680, %dma_start3A_682, %dma_start3A_683] : memref<8x32x128xf32, #tpu.memory_space<vmem>> -> memref<1x32x128xf32, #tpu.memory_space<vmem>>
        %dma_start3A_685 = tpu.memref_squeeze %dma_start3A_684 : memref<1x32x128xf32, #tpu.memory_space<vmem>> -> memref<32x128xf32, #tpu.memory_space<vmem>>
        %dma_start3A_686 = arith.constant 0 : i32
        %dma_start3A_687 = tpu.memref_slice %arg6[%sub3A_240, %dma_start3A_679, %dma_start3A_686] : memref<2x16x32xi32, #tpu.memory_space<vmem>> -> memref<1x1x32xi32, #tpu.memory_space<vmem>>
        %dma_start3A_688 = tpu.memref_squeeze %dma_start3A_687 : memref<1x1x32xi32, #tpu.memory_space<vmem>> -> memref<32xi32, #tpu.memory_space<vmem>>
        %dma_start3A_689 = arith.constant 0 : i32
        %dma_start3A_690 = arith.constant 0 : i32
        %dma_start3A_691 = tpu.memref_slice %arg2[%dma_start3A_689, %dma_start3A_690] : memref<10000x128xf32, #tpu.memory_space<hbm>> -> memref<10000x128xf32, #tpu.memory_space<hbm>>
        %dma_start3A_692 = tpu.memref_slice %arg10[%dma_start3A_681] : memref<8x!tpu.dma_semaphore, #tpu.memory_space<semaphore_mem>> -> memref<1x!tpu.dma_semaphore, #tpu.memory_space<semaphore_mem>>
        %dma_start3A_693 = tpu.memref_squeeze %dma_start3A_692 : memref<1x!tpu.dma_semaphore, #tpu.memory_space<semaphore_mem>> -> memref<!tpu.dma_semaphore, #tpu.memory_space<semaphore_mem>>
        tpu.enqueue_indirect_dma source(%dma_start3A_691 : memref<10000x128xf32, #tpu.memory_space<hbm>>) target(%dma_start3A_685 : memref<32x128xf32, #tpu.memory_space<vmem>>) offsets(%dma_start3A_688 : memref<32xi32, #tpu.memory_space<vmem>>) semaphore(%dma_start3A_693 : memref<!tpu.dma_semaphore, #tpu.memory_space<semaphore_mem>>)
      } else {
      }
      %dma_wait3A_608 = arith.constant 13 : i32
      %dma_wait3A_609 = arith.constant 5 : i32
      %dma_wait3A_610 = arith.constant 5 : i32
      %dma_wait3A_611 = arith.constant 0 : i32
      %dma_wait3A_612 = arith.constant 0 : i32
      %dma_wait3A_613 = tpu.memref_slice %arg8[%dma_wait3A_609, %dma_wait3A_611, %dma_wait3A_612] : memref<8x32x128xf32, #tpu.memory_space<vmem>> -> memref<1x32x128xf32, #tpu.memory_space<vmem>>
      %dma_wait3A_614 = tpu.memref_squeeze %dma_wait3A_613 : memref<1x32x128xf32, #tpu.memory_space<vmem>> -> memref<32x128xf32, #tpu.memory_space<vmem>>
      %dma_wait3A_615 = arith.constant 0 : i32
      %dma_wait3A_616 = tpu.memref_slice %arg6[%rem3A_239, %dma_wait3A_608, %dma_wait3A_615] : memref<2x16x32xi32, #tpu.memory_space<vmem>> -> memref<1x1x32xi32, #tpu.memory_space<vmem>>
      %dma_wait3A_617 = tpu.memref_squeeze %dma_wait3A_616 : memref<1x1x32xi32, #tpu.memory_space<vmem>> -> memref<32xi32, #tpu.memory_space<vmem>>
      %dma_wait3A_618 = arith.constant 0 : i32
      %dma_wait3A_619 = arith.constant 0 : i32
      %dma_wait3A_620 = tpu.memref_slice %arg2[%dma_wait3A_618, %dma_wait3A_619] : memref<10000x128xf32, #tpu.memory_space<hbm>> -> memref<10000x128xf32, #tpu.memory_space<hbm>>
      %dma_wait3A_621 = tpu.memref_slice %arg10[%dma_wait3A_610] : memref<8x!tpu.dma_semaphore, #tpu.memory_space<semaphore_mem>> -> memref<1x!tpu.dma_semaphore, #tpu.memory_space<semaphore_mem>>
      %dma_wait3A_622 = tpu.memref_squeeze %dma_wait3A_621 : memref<1x!tpu.dma_semaphore, #tpu.memory_space<semaphore_mem>> -> memref<!tpu.dma_semaphore, #tpu.memory_space<semaphore_mem>>
      tpu.wait_indirect_dma semaphore(%dma_wait3A_622 : memref<!tpu.dma_semaphore, #tpu.memory_space<semaphore_mem>>) src(%dma_wait3A_620 : memref<10000x128xf32, #tpu.memory_space<hbm>>) dst(%dma_wait3A_614 : memref<32x128xf32, #tpu.memory_space<vmem>>)
      %run_scoped3A_623 = arith.constant 5 : i32
      %run_scoped3A_624 = arith.constant 13 : i32
      "tpu.region"() ({
        %run_scoped3A_679 = tpu.sem_alloc : memref<!tpu.dma_semaphore, #tpu.memory_space<semaphore_mem>>
        %dma_start3A_680 = arith.constant 0 : i32
        %dma_start3A_681 = arith.constant 0 : i32
        %dma_start3A_682 = tpu.memref_slice %arg8[%run_scoped3A_623, %dma_start3A_680, %dma_start3A_681] : memref<8x32x128xf32, #tpu.memory_space<vmem>> -> memref<1x32x128xf32, #tpu.memory_space<vmem>>
        %dma_start3A_683 = tpu.memref_squeeze %dma_start3A_682 : memref<1x32x128xf32, #tpu.memory_space<vmem>> -> memref<32x128xf32, #tpu.memory_space<vmem>>
        %dma_start3A_684 = arith.constant 0 : i32
        %dma_start3A_685 = tpu.memref_slice %arg7[%rem3A_239, %run_scoped3A_624, %dma_start3A_684] : memref<2x16x32xi32, #tpu.memory_space<vmem>> -> memref<1x1x32xi32, #tpu.memory_space<vmem>>
        %dma_start3A_686 = tpu.memref_squeeze %dma_start3A_685 : memref<1x1x32xi32, #tpu.memory_space<vmem>> -> memref<32xi32, #tpu.memory_space<vmem>>
        %dma_start3A_687 = arith.constant 0 : i32
        %dma_start3A_688 = arith.constant 0 : i32
        %dma_start3A_689 = tpu.memref_slice %arg9[%dma_start3A_687, %dma_start3A_688] : memref<10240x128xf32, #tpu.memory_space<vmem_shared>> -> memref<10240x128xf32, #tpu.memory_space<vmem_shared>>
        tpu.enqueue_indirect_dma source(%dma_start3A_683 : memref<32x128xf32, #tpu.memory_space<vmem>>) target(%dma_start3A_689 : memref<10240x128xf32, #tpu.memory_space<vmem_shared>>) offsets(%dma_start3A_686 : memref<32xi32, #tpu.memory_space<vmem>>) semaphore(%run_scoped3A_679 : memref<!tpu.dma_semaphore, #tpu.memory_space<semaphore_mem>>) {add = true}
        %dma_wait3A_690 = arith.constant 0 : i32
        %dma_wait3A_691 = arith.constant 0 : i32
        %dma_wait3A_692 = tpu.memref_slice %arg8[%run_scoped3A_623, %dma_wait3A_690, %dma_wait3A_691] : memref<8x32x128xf32, #tpu.memory_space<vmem>> -> memref<1x32x128xf32, #tpu.memory_space<vmem>>
        %dma_wait3A_693 = tpu.memref_squeeze %dma_wait3A_692 : memref<1x32x128xf32, #tpu.memory_space<vmem>> -> memref<32x128xf32, #tpu.memory_space<vmem>>
        %dma_wait3A_694 = arith.constant 0 : i32
        %dma_wait3A_695 = tpu.memref_slice %arg7[%rem3A_239, %run_scoped3A_624, %dma_wait3A_694] : memref<2x16x32xi32, #tpu.memory_space<vmem>> -> memref<1x1x32xi32, #tpu.memory_space<vmem>>
        %dma_wait3A_696 = tpu.memref_squeeze %dma_wait3A_695 : memref<1x1x32xi32, #tpu.memory_space<vmem>> -> memref<32xi32, #tpu.memory_space<vmem>>
        %dma_wait3A_697 = arith.constant 0 : i32
        %dma_wait3A_698 = arith.constant 0 : i32
        %dma_wait3A_699 = tpu.memref_slice %arg9[%dma_wait3A_697, %dma_wait3A_698] : memref<10240x128xf32, #tpu.memory_space<vmem_shared>> -> memref<10240x128xf32, #tpu.memory_space<vmem_shared>>
        tpu.wait_indirect_dma semaphore(%run_scoped3A_679 : memref<!tpu.dma_semaphore, #tpu.memory_space<semaphore_mem>>) src(%dma_wait3A_693 : memref<32x128xf32, #tpu.memory_space<vmem>>) dst(%dma_wait3A_699 : memref<10240x128xf32, #tpu.memory_space<vmem_shared>>)
        tpu.yield
      }) : () -> ()
      %lt3A_625 = arith.constant 19 : i32
      %lt3A_626 = arith.cmpi slt, %add3A_238, %lt3A_625 : i32
      %convert_element_type3A_627 = arith.extui %lt3A_626 : i1 to i32
      %cond3A_628 = arith.constant 0 : i32
      %cond3A_629 = arith.cmpi ne, %convert_element_type3A_627, %cond3A_628 : i32
      scf.if %cond3A_629 {
        %dma_start3A_679 = arith.constant 5 : i32
        %dma_start3A_680 = arith.constant 5 : i32
        %dma_start3A_681 = arith.constant 5 : i32
        %dma_start3A_682 = arith.constant 0 : i32
        %dma_start3A_683 = arith.constant 0 : i32
        %dma_start3A_684 = tpu.memref_slice %arg8[%dma_start3A_680, %dma_start3A_682, %dma_start3A_683] : memref<8x32x128xf32, #tpu.memory_space<vmem>> -> memref<1x32x128xf32, #tpu.memory_space<vmem>>
        %dma_start3A_685 = tpu.memref_squeeze %dma_start3A_684 : memref<1x32x128xf32, #tpu.memory_space<vmem>> -> memref<32x128xf32, #tpu.memory_space<vmem>>
        %dma_start3A_686 = arith.constant 0 : i32
        %dma_start3A_687 = tpu.memref_slice %arg6[%sub3A_240, %dma_start3A_679, %dma_start3A_686] : memref<2x16x32xi32, #tpu.memory_space<vmem>> -> memref<1x1x32xi32, #tpu.memory_space<vmem>>
        %dma_start3A_688 = tpu.memref_squeeze %dma_start3A_687 : memref<1x1x32xi32, #tpu.memory_space<vmem>> -> memref<32xi32, #tpu.memory_space<vmem>>
        %dma_start3A_689 = arith.constant 0 : i32
        %dma_start3A_690 = arith.constant 0 : i32
        %dma_start3A_691 = tpu.memref_slice %arg2[%dma_start3A_689, %dma_start3A_690] : memref<10000x128xf32, #tpu.memory_space<hbm>> -> memref<10000x128xf32, #tpu.memory_space<hbm>>
        %dma_start3A_692 = tpu.memref_slice %arg10[%dma_start3A_681] : memref<8x!tpu.dma_semaphore, #tpu.memory_space<semaphore_mem>> -> memref<1x!tpu.dma_semaphore, #tpu.memory_space<semaphore_mem>>
        %dma_start3A_693 = tpu.memref_squeeze %dma_start3A_692 : memref<1x!tpu.dma_semaphore, #tpu.memory_space<semaphore_mem>> -> memref<!tpu.dma_semaphore, #tpu.memory_space<semaphore_mem>>
        tpu.enqueue_indirect_dma source(%dma_start3A_691 : memref<10000x128xf32, #tpu.memory_space<hbm>>) target(%dma_start3A_685 : memref<32x128xf32, #tpu.memory_space<vmem>>) offsets(%dma_start3A_688 : memref<32xi32, #tpu.memory_space<vmem>>) semaphore(%dma_start3A_693 : memref<!tpu.dma_semaphore, #tpu.memory_space<semaphore_mem>>)
      } else {
      }
      %dma_wait3A_630 = arith.constant 14 : i32
      %dma_wait3A_631 = arith.constant 6 : i32
      %dma_wait3A_632 = arith.constant 6 : i32
      %dma_wait3A_633 = arith.constant 0 : i32
      %dma_wait3A_634 = arith.constant 0 : i32
      %dma_wait3A_635 = tpu.memref_slice %arg8[%dma_wait3A_631, %dma_wait3A_633, %dma_wait3A_634] : memref<8x32x128xf32, #tpu.memory_space<vmem>> -> memref<1x32x128xf32, #tpu.memory_space<vmem>>
      %dma_wait3A_636 = tpu.memref_squeeze %dma_wait3A_635 : memref<1x32x128xf32, #tpu.memory_space<vmem>> -> memref<32x128xf32, #tpu.memory_space<vmem>>
      %dma_wait3A_637 = arith.constant 0 : i32
      %dma_wait3A_638 = tpu.memref_slice %arg6[%rem3A_239, %dma_wait3A_630, %dma_wait3A_637] : memref<2x16x32xi32, #tpu.memory_space<vmem>> -> memref<1x1x32xi32, #tpu.memory_space<vmem>>
      %dma_wait3A_639 = tpu.memref_squeeze %dma_wait3A_638 : memref<1x1x32xi32, #tpu.memory_space<vmem>> -> memref<32xi32, #tpu.memory_space<vmem>>
      %dma_wait3A_640 = arith.constant 0 : i32
      %dma_wait3A_641 = arith.constant 0 : i32
      %dma_wait3A_642 = tpu.memref_slice %arg2[%dma_wait3A_640, %dma_wait3A_641] : memref<10000x128xf32, #tpu.memory_space<hbm>> -> memref<10000x128xf32, #tpu.memory_space<hbm>>
      %dma_wait3A_643 = tpu.memref_slice %arg10[%dma_wait3A_632] : memref<8x!tpu.dma_semaphore, #tpu.memory_space<semaphore_mem>> -> memref<1x!tpu.dma_semaphore, #tpu.memory_space<semaphore_mem>>
      %dma_wait3A_644 = tpu.memref_squeeze %dma_wait3A_643 : memref<1x!tpu.dma_semaphore, #tpu.memory_space<semaphore_mem>> -> memref<!tpu.dma_semaphore, #tpu.memory_space<semaphore_mem>>
      tpu.wait_indirect_dma semaphore(%dma_wait3A_644 : memref<!tpu.dma_semaphore, #tpu.memory_space<semaphore_mem>>) src(%dma_wait3A_642 : memref<10000x128xf32, #tpu.memory_space<hbm>>) dst(%dma_wait3A_636 : memref<32x128xf32, #tpu.memory_space<vmem>>)
      %run_scoped3A_645 = arith.constant 6 : i32
      %run_scoped3A_646 = arith.constant 14 : i32
      "tpu.region"() ({
        %run_scoped3A_679 = tpu.sem_alloc : memref<!tpu.dma_semaphore, #tpu.memory_space<semaphore_mem>>
        %dma_start3A_680 = arith.constant 0 : i32
        %dma_start3A_681 = arith.constant 0 : i32
        %dma_start3A_682 = tpu.memref_slice %arg8[%run_scoped3A_645, %dma_start3A_680, %dma_start3A_681] : memref<8x32x128xf32, #tpu.memory_space<vmem>> -> memref<1x32x128xf32, #tpu.memory_space<vmem>>
        %dma_start3A_683 = tpu.memref_squeeze %dma_start3A_682 : memref<1x32x128xf32, #tpu.memory_space<vmem>> -> memref<32x128xf32, #tpu.memory_space<vmem>>
        %dma_start3A_684 = arith.constant 0 : i32
        %dma_start3A_685 = tpu.memref_slice %arg7[%rem3A_239, %run_scoped3A_646, %dma_start3A_684] : memref<2x16x32xi32, #tpu.memory_space<vmem>> -> memref<1x1x32xi32, #tpu.memory_space<vmem>>
        %dma_start3A_686 = tpu.memref_squeeze %dma_start3A_685 : memref<1x1x32xi32, #tpu.memory_space<vmem>> -> memref<32xi32, #tpu.memory_space<vmem>>
        %dma_start3A_687 = arith.constant 0 : i32
        %dma_start3A_688 = arith.constant 0 : i32
        %dma_start3A_689 = tpu.memref_slice %arg9[%dma_start3A_687, %dma_start3A_688] : memref<10240x128xf32, #tpu.memory_space<vmem_shared>> -> memref<10240x128xf32, #tpu.memory_space<vmem_shared>>
        tpu.enqueue_indirect_dma source(%dma_start3A_683 : memref<32x128xf32, #tpu.memory_space<vmem>>) target(%dma_start3A_689 : memref<10240x128xf32, #tpu.memory_space<vmem_shared>>) offsets(%dma_start3A_686 : memref<32xi32, #tpu.memory_space<vmem>>) semaphore(%run_scoped3A_679 : memref<!tpu.dma_semaphore, #tpu.memory_space<semaphore_mem>>) {add = true}
        %dma_wait3A_690 = arith.constant 0 : i32
        %dma_wait3A_691 = arith.constant 0 : i32
        %dma_wait3A_692 = tpu.memref_slice %arg8[%run_scoped3A_645, %dma_wait3A_690, %dma_wait3A_691] : memref<8x32x128xf32, #tpu.memory_space<vmem>> -> memref<1x32x128xf32, #tpu.memory_space<vmem>>
        %dma_wait3A_693 = tpu.memref_squeeze %dma_wait3A_692 : memref<1x32x128xf32, #tpu.memory_space<vmem>> -> memref<32x128xf32, #tpu.memory_space<vmem>>
        %dma_wait3A_694 = arith.constant 0 : i32
        %dma_wait3A_695 = tpu.memref_slice %arg7[%rem3A_239, %run_scoped3A_646, %dma_wait3A_694] : memref<2x16x32xi32, #tpu.memory_space<vmem>> -> memref<1x1x32xi32, #tpu.memory_space<vmem>>
        %dma_wait3A_696 = tpu.memref_squeeze %dma_wait3A_695 : memref<1x1x32xi32, #tpu.memory_space<vmem>> -> memref<32xi32, #tpu.memory_space<vmem>>
        %dma_wait3A_697 = arith.constant 0 : i32
        %dma_wait3A_698 = arith.constant 0 : i32
        %dma_wait3A_699 = tpu.memref_slice %arg9[%dma_wait3A_697, %dma_wait3A_698] : memref<10240x128xf32, #tpu.memory_space<vmem_shared>> -> memref<10240x128xf32, #tpu.memory_space<vmem_shared>>
        tpu.wait_indirect_dma semaphore(%run_scoped3A_679 : memref<!tpu.dma_semaphore, #tpu.memory_space<semaphore_mem>>) src(%dma_wait3A_693 : memref<32x128xf32, #tpu.memory_space<vmem>>) dst(%dma_wait3A_699 : memref<10240x128xf32, #tpu.memory_space<vmem_shared>>)
        tpu.yield
      }) : () -> ()
      %lt3A_647 = arith.constant 19 : i32
      %lt3A_648 = arith.cmpi slt, %add3A_238, %lt3A_647 : i32
      %convert_element_type3A_649 = arith.extui %lt3A_648 : i1 to i32
      %cond3A_650 = arith.constant 0 : i32
      %cond3A_651 = arith.cmpi ne, %convert_element_type3A_649, %cond3A_650 : i32
      scf.if %cond3A_651 {
        %dma_start3A_679 = arith.constant 6 : i32
        %dma_start3A_680 = arith.constant 6 : i32
        %dma_start3A_681 = arith.constant 6 : i32
        %dma_start3A_682 = arith.constant 0 : i32
        %dma_start3A_683 = arith.constant 0 : i32
        %dma_start3A_684 = tpu.memref_slice %arg8[%dma_start3A_680, %dma_start3A_682, %dma_start3A_683] : memref<8x32x128xf32, #tpu.memory_space<vmem>> -> memref<1x32x128xf32, #tpu.memory_space<vmem>>
        %dma_start3A_685 = tpu.memref_squeeze %dma_start3A_684 : memref<1x32x128xf32, #tpu.memory_space<vmem>> -> memref<32x128xf32, #tpu.memory_space<vmem>>
        %dma_start3A_686 = arith.constant 0 : i32
        %dma_start3A_687 = tpu.memref_slice %arg6[%sub3A_240, %dma_start3A_679, %dma_start3A_686] : memref<2x16x32xi32, #tpu.memory_space<vmem>> -> memref<1x1x32xi32, #tpu.memory_space<vmem>>
        %dma_start3A_688 = tpu.memref_squeeze %dma_start3A_687 : memref<1x1x32xi32, #tpu.memory_space<vmem>> -> memref<32xi32, #tpu.memory_space<vmem>>
        %dma_start3A_689 = arith.constant 0 : i32
        %dma_start3A_690 = arith.constant 0 : i32
        %dma_start3A_691 = tpu.memref_slice %arg2[%dma_start3A_689, %dma_start3A_690] : memref<10000x128xf32, #tpu.memory_space<hbm>> -> memref<10000x128xf32, #tpu.memory_space<hbm>>
        %dma_start3A_692 = tpu.memref_slice %arg10[%dma_start3A_681] : memref<8x!tpu.dma_semaphore, #tpu.memory_space<semaphore_mem>> -> memref<1x!tpu.dma_semaphore, #tpu.memory_space<semaphore_mem>>
        %dma_start3A_693 = tpu.memref_squeeze %dma_start3A_692 : memref<1x!tpu.dma_semaphore, #tpu.memory_space<semaphore_mem>> -> memref<!tpu.dma_semaphore, #tpu.memory_space<semaphore_mem>>
        tpu.enqueue_indirect_dma source(%dma_start3A_691 : memref<10000x128xf32, #tpu.memory_space<hbm>>) target(%dma_start3A_685 : memref<32x128xf32, #tpu.memory_space<vmem>>) offsets(%dma_start3A_688 : memref<32xi32, #tpu.memory_space<vmem>>) semaphore(%dma_start3A_693 : memref<!tpu.dma_semaphore, #tpu.memory_space<semaphore_mem>>)
      } else {
      }
      %dma_wait3A_652 = arith.constant 15 : i32
      %dma_wait3A_653 = arith.constant 7 : i32
      %dma_wait3A_654 = arith.constant 7 : i32
      %dma_wait3A_655 = arith.constant 0 : i32
      %dma_wait3A_656 = arith.constant 0 : i32
      %dma_wait3A_657 = tpu.memref_slice %arg8[%dma_wait3A_653, %dma_wait3A_655, %dma_wait3A_656] : memref<8x32x128xf32, #tpu.memory_space<vmem>> -> memref<1x32x128xf32, #tpu.memory_space<vmem>>
      %dma_wait3A_658 = tpu.memref_squeeze %dma_wait3A_657 : memref<1x32x128xf32, #tpu.memory_space<vmem>> -> memref<32x128xf32, #tpu.memory_space<vmem>>
      %dma_wait3A_659 = arith.constant 0 : i32
      %dma_wait3A_660 = tpu.memref_slice %arg6[%rem3A_239, %dma_wait3A_652, %dma_wait3A_659] : memref<2x16x32xi32, #tpu.memory_space<vmem>> -> memref<1x1x32xi32, #tpu.memory_space<vmem>>
      %dma_wait3A_661 = tpu.memref_squeeze %dma_wait3A_660 : memref<1x1x32xi32, #tpu.memory_space<vmem>> -> memref<32xi32, #tpu.memory_space<vmem>>
      %dma_wait3A_662 = arith.constant 0 : i32
      %dma_wait3A_663 = arith.constant 0 : i32
      %dma_wait3A_664 = tpu.memref_slice %arg2[%dma_wait3A_662, %dma_wait3A_663] : memref<10000x128xf32, #tpu.memory_space<hbm>> -> memref<10000x128xf32, #tpu.memory_space<hbm>>
      %dma_wait3A_665 = tpu.memref_slice %arg10[%dma_wait3A_654] : memref<8x!tpu.dma_semaphore, #tpu.memory_space<semaphore_mem>> -> memref<1x!tpu.dma_semaphore, #tpu.memory_space<semaphore_mem>>
      %dma_wait3A_666 = tpu.memref_squeeze %dma_wait3A_665 : memref<1x!tpu.dma_semaphore, #tpu.memory_space<semaphore_mem>> -> memref<!tpu.dma_semaphore, #tpu.memory_space<semaphore_mem>>
      tpu.wait_indirect_dma semaphore(%dma_wait3A_666 : memref<!tpu.dma_semaphore, #tpu.memory_space<semaphore_mem>>) src(%dma_wait3A_664 : memref<10000x128xf32, #tpu.memory_space<hbm>>) dst(%dma_wait3A_658 : memref<32x128xf32, #tpu.memory_space<vmem>>)
      %run_scoped3A_667 = arith.constant 7 : i32
      %run_scoped3A_668 = arith.constant 15 : i32
      "tpu.region"() ({
        %run_scoped3A_679 = tpu.sem_alloc : memref<!tpu.dma_semaphore, #tpu.memory_space<semaphore_mem>>
        %dma_start3A_680 = arith.constant 0 : i32
        %dma_start3A_681 = arith.constant 0 : i32
        %dma_start3A_682 = tpu.memref_slice %arg8[%run_scoped3A_667, %dma_start3A_680, %dma_start3A_681] : memref<8x32x128xf32, #tpu.memory_space<vmem>> -> memref<1x32x128xf32, #tpu.memory_space<vmem>>
        %dma_start3A_683 = tpu.memref_squeeze %dma_start3A_682 : memref<1x32x128xf32, #tpu.memory_space<vmem>> -> memref<32x128xf32, #tpu.memory_space<vmem>>
        %dma_start3A_684 = arith.constant 0 : i32
        %dma_start3A_685 = tpu.memref_slice %arg7[%rem3A_239, %run_scoped3A_668, %dma_start3A_684] : memref<2x16x32xi32, #tpu.memory_space<vmem>> -> memref<1x1x32xi32, #tpu.memory_space<vmem>>
        %dma_start3A_686 = tpu.memref_squeeze %dma_start3A_685 : memref<1x1x32xi32, #tpu.memory_space<vmem>> -> memref<32xi32, #tpu.memory_space<vmem>>
        %dma_start3A_687 = arith.constant 0 : i32
        %dma_start3A_688 = arith.constant 0 : i32
        %dma_start3A_689 = tpu.memref_slice %arg9[%dma_start3A_687, %dma_start3A_688] : memref<10240x128xf32, #tpu.memory_space<vmem_shared>> -> memref<10240x128xf32, #tpu.memory_space<vmem_shared>>
        tpu.enqueue_indirect_dma source(%dma_start3A_683 : memref<32x128xf32, #tpu.memory_space<vmem>>) target(%dma_start3A_689 : memref<10240x128xf32, #tpu.memory_space<vmem_shared>>) offsets(%dma_start3A_686 : memref<32xi32, #tpu.memory_space<vmem>>) semaphore(%run_scoped3A_679 : memref<!tpu.dma_semaphore, #tpu.memory_space<semaphore_mem>>) {add = true}
        %dma_wait3A_690 = arith.constant 0 : i32
        %dma_wait3A_691 = arith.constant 0 : i32
        %dma_wait3A_692 = tpu.memref_slice %arg8[%run_scoped3A_667, %dma_wait3A_690, %dma_wait3A_691] : memref<8x32x128xf32, #tpu.memory_space<vmem>> -> memref<1x32x128xf32, #tpu.memory_space<vmem>>
        %dma_wait3A_693 = tpu.memref_squeeze %dma_wait3A_692 : memref<1x32x128xf32, #tpu.memory_space<vmem>> -> memref<32x128xf32, #tpu.memory_space<vmem>>
        %dma_wait3A_694 = arith.constant 0 : i32
        %dma_wait3A_695 = tpu.memref_slice %arg7[%rem3A_239, %run_scoped3A_668, %dma_wait3A_694] : memref<2x16x32xi32, #tpu.memory_space<vmem>> -> memref<1x1x32xi32, #tpu.memory_space<vmem>>
        %dma_wait3A_696 = tpu.memref_squeeze %dma_wait3A_695 : memref<1x1x32xi32, #tpu.memory_space<vmem>> -> memref<32xi32, #tpu.memory_space<vmem>>
        %dma_wait3A_697 = arith.constant 0 : i32
        %dma_wait3A_698 = arith.constant 0 : i32
        %dma_wait3A_699 = tpu.memref_slice %arg9[%dma_wait3A_697, %dma_wait3A_698] : memref<10240x128xf32, #tpu.memory_space<vmem_shared>> -> memref<10240x128xf32, #tpu.memory_space<vmem_shared>>
        tpu.wait_indirect_dma semaphore(%run_scoped3A_679 : memref<!tpu.dma_semaphore, #tpu.memory_space<semaphore_mem>>) src(%dma_wait3A_693 : memref<32x128xf32, #tpu.memory_space<vmem>>) dst(%dma_wait3A_699 : memref<10240x128xf32, #tpu.memory_space<vmem_shared>>)
        tpu.yield
      }) : () -> ()
      %lt3A_669 = arith.constant 19 : i32
      %lt3A_670 = arith.cmpi slt, %add3A_238, %lt3A_669 : i32
      %convert_element_type3A_671 = arith.extui %lt3A_670 : i1 to i32
      %cond3A_672 = arith.constant 0 : i32
      %cond3A_673 = arith.cmpi ne, %convert_element_type3A_671, %cond3A_672 : i32
      scf.if %cond3A_673 {
        %dma_start3A_679 = arith.constant 7 : i32
        %dma_start3A_680 = arith.constant 7 : i32
        %dma_start3A_681 = arith.constant 7 : i32
        %dma_start3A_682 = arith.constant 0 : i32
        %dma_start3A_683 = arith.constant 0 : i32
        %dma_start3A_684 = tpu.memref_slice %arg8[%dma_start3A_680, %dma_start3A_682, %dma_start3A_683] : memref<8x32x128xf32, #tpu.memory_space<vmem>> -> memref<1x32x128xf32, #tpu.memory_space<vmem>>
        %dma_start3A_685 = tpu.memref_squeeze %dma_start3A_684 : memref<1x32x128xf32, #tpu.memory_space<vmem>> -> memref<32x128xf32, #tpu.memory_space<vmem>>
        %dma_start3A_686 = arith.constant 0 : i32
        %dma_start3A_687 = tpu.memref_slice %arg6[%sub3A_240, %dma_start3A_679, %dma_start3A_686] : memref<2x16x32xi32, #tpu.memory_space<vmem>> -> memref<1x1x32xi32, #tpu.memory_space<vmem>>
        %dma_start3A_688 = tpu.memref_squeeze %dma_start3A_687 : memref<1x1x32xi32, #tpu.memory_space<vmem>> -> memref<32xi32, #tpu.memory_space<vmem>>
        %dma_start3A_689 = arith.constant 0 : i32
        %dma_start3A_690 = arith.constant 0 : i32
        %dma_start3A_691 = tpu.memref_slice %arg2[%dma_start3A_689, %dma_start3A_690] : memref<10000x128xf32, #tpu.memory_space<hbm>> -> memref<10000x128xf32, #tpu.memory_space<hbm>>
        %dma_start3A_692 = tpu.memref_slice %arg10[%dma_start3A_681] : memref<8x!tpu.dma_semaphore, #tpu.memory_space<semaphore_mem>> -> memref<1x!tpu.dma_semaphore, #tpu.memory_space<semaphore_mem>>
        %dma_start3A_693 = tpu.memref_squeeze %dma_start3A_692 : memref<1x!tpu.dma_semaphore, #tpu.memory_space<semaphore_mem>> -> memref<!tpu.dma_semaphore, #tpu.memory_space<semaphore_mem>>
        tpu.enqueue_indirect_dma source(%dma_start3A_691 : memref<10000x128xf32, #tpu.memory_space<hbm>>) target(%dma_start3A_685 : memref<32x128xf32, #tpu.memory_space<vmem>>) offsets(%dma_start3A_688 : memref<32xi32, #tpu.memory_space<vmem>>) semaphore(%dma_start3A_693 : memref<!tpu.dma_semaphore, #tpu.memory_space<semaphore_mem>>)
      } else {
      }
      %lt3A_674 = arith.constant 18 : i32
      %lt3A_675 = arith.cmpi slt, %add3A_238, %lt3A_674 : i32
      %convert_element_type3A_676 = arith.extui %lt3A_675 : i1 to i32
      %cond3A_677 = arith.constant 0 : i32
      %cond3A_678 = arith.cmpi ne, %convert_element_type3A_676, %cond3A_677 : i32
      scf.if %cond3A_678 {
        %add3A_679 = arith.constant 2 : i32
        %add3A_680 = arith.addi %add3A_238, %add3A_679 : i32
        %mul3A_681 = arith.constant 16 : i32
        %mul3A_682 = arith.muli %add3A_680, %mul3A_681 : i32
        %add3A_683 = arith.addi %mul3A_2, %mul3A_682 : i32
        %dma_start3A_684 = arith.constant 0 : i32
        %dma_start3A_685 = arith.constant 0 : i32
        %dma_start3A_686 = tpu.memref_slice %arg6[%rem3A_239, %dma_start3A_684, %dma_start3A_685] : memref<2x16x32xi32, #tpu.memory_space<vmem>> -> memref<1x16x32xi32, #tpu.memory_space<vmem>>
        %dma_start3A_687 = tpu.memref_squeeze %dma_start3A_686 : memref<1x16x32xi32, #tpu.memory_space<vmem>> -> memref<16x32xi32, #tpu.memory_space<vmem>>
        %dma_start3A_688 = arith.constant 0 : i32
        %dma_start3A_689 = tpu.memref_slice %arg3[%add3A_683, %dma_start3A_688] : memref<10240x32xi32, #tpu.memory_space<hbm>> -> memref<16x32xi32, #tpu.memory_space<hbm>>
        %dma_start3A_690 = arith.constant 0 : i32
        %dma_start3A_691 = arith.constant 0 : i32
        %dma_start3A_692 = tpu.memref_slice %arg6[%rem3A_239, %dma_start3A_690, %dma_start3A_691] : memref<2x16x32xi32, #tpu.memory_space<vmem>> -> memref<1x16x32xi32, #tpu.memory_space<vmem>>
        %dma_start3A_693 = tpu.memref_squeeze %dma_start3A_692 : memref<1x16x32xi32, #tpu.memory_space<vmem>> -> memref<16x32xi32, #tpu.memory_space<vmem>>
        %dma_start3A_694 = arith.constant 0 : i32
        %dma_start3A_695 = tpu.memref_slice %arg3[%add3A_683, %dma_start3A_694] : memref<10240x32xi32, #tpu.memory_space<hbm>> -> memref<16x32xi32, #tpu.memory_space<hbm>>
        tpu.enqueue_dma source(%dma_start3A_695 : memref<16x32xi32, #tpu.memory_space<hbm>>) target(%dma_start3A_693 : memref<16x32xi32, #tpu.memory_space<vmem>>) target_semaphore(%arg11 : memref<!tpu.dma_semaphore, #tpu.memory_space<semaphore_mem>>)
        %add3A_696 = arith.constant 2 : i32
        %add3A_697 = arith.addi %add3A_238, %add3A_696 : i32
        %mul3A_698 = arith.constant 16 : i32
        %mul3A_699 = arith.muli %add3A_697, %mul3A_698 : i32
        %add3A_700 = arith.addi %mul3A_2, %mul3A_699 : i32
        %dma_start3A_701 = arith.constant 0 : i32
        %dma_start3A_702 = arith.constant 0 : i32
        %dma_start3A_703 = tpu.memref_slice %arg7[%rem3A_239, %dma_start3A_701, %dma_start3A_702] : memref<2x16x32xi32, #tpu.memory_space<vmem>> -> memref<1x16x32xi32, #tpu.memory_space<vmem>>
        %dma_start3A_704 = tpu.memref_squeeze %dma_start3A_703 : memref<1x16x32xi32, #tpu.memory_space<vmem>> -> memref<16x32xi32, #tpu.memory_space<vmem>>
        %dma_start3A_705 = arith.constant 0 : i32
        %dma_start3A_706 = tpu.memref_slice %arg4[%add3A_700, %dma_start3A_705] : memref<10240x32xi32, #tpu.memory_space<hbm>> -> memref<16x32xi32, #tpu.memory_space<hbm>>
        %dma_start3A_707 = arith.constant 0 : i32
        %dma_start3A_708 = arith.constant 0 : i32
        %dma_start3A_709 = tpu.memref_slice %arg7[%rem3A_239, %dma_start3A_707, %dma_start3A_708] : memref<2x16x32xi32, #tpu.memory_space<vmem>> -> memref<1x16x32xi32, #tpu.memory_space<vmem>>
        %dma_start3A_710 = tpu.memref_squeeze %dma_start3A_709 : memref<1x16x32xi32, #tpu.memory_space<vmem>> -> memref<16x32xi32, #tpu.memory_space<vmem>>
        %dma_start3A_711 = arith.constant 0 : i32
        %dma_start3A_712 = tpu.memref_slice %arg4[%add3A_700, %dma_start3A_711] : memref<10240x32xi32, #tpu.memory_space<hbm>> -> memref<16x32xi32, #tpu.memory_space<hbm>>
        tpu.enqueue_dma source(%dma_start3A_712 : memref<16x32xi32, #tpu.memory_space<hbm>>) target(%dma_start3A_710 : memref<16x32xi32, #tpu.memory_space<vmem>>) target_semaphore(%arg11 : memref<!tpu.dma_semaphore, #tpu.memory_space<semaphore_mem>>)
      } else {
      }
    }
    %scan3A_227 = arith.constant 20 : i32
    %barrier3A_228 = arith.constant 0 : index
    tpu.barrier barrier_id(%barrier3A_228)
    %scan3A_229 = arith.constant 0 : i32
    %scan3A_230 = arith.constant 20 : i32
    %scan3A_231 = arith.addi %scan3A_229, %scan3A_230 : i32
    %scan3A_232 = arith.constant 1 : i32
    scf.for %scan3A_234 = %scan3A_229 to %scan3A_231 step %scan3A_232  : i32 {
      %mul3A_235 = arith.constant 1 : i32
      %mul3A_236 = arith.muli %scan3A_234, %mul3A_235 : i32
      %add3A_237 = arith.constant 0 : i32
      %add3A_238 = arith.addi %add3A_237, %mul3A_236 : i32
      %mul3A_239 = arith.constant 640 : i32
      %mul3A_240 = arith.muli %arg1, %mul3A_239 : i32
      %mul3A_241 = arith.constant 32 : i32
      %mul3A_242 = arith.muli %add3A_238, %mul3A_241 : i32
      %add3A_243 = arith.addi %mul3A_240, %mul3A_242 : i32
      "tpu.region"() ({
        %run_scoped3A = tpu.sem_alloc : memref<!tpu.dma_semaphore, #tpu.memory_space<semaphore_mem>>
        %dma_start3A_244 = arith.constant 0 : i32
        %dma_start3A_245 = tpu.memref_slice %arg5[%arg0, %add3A_243, %dma_start3A_244] : memref<2x10240x128xf32, #tpu.memory_space<hbm>> -> memref<1x32x128xf32, #tpu.memory_space<hbm>>
        %dma_start3A_246 = tpu.memref_squeeze %dma_start3A_245 : memref<1x32x128xf32, #tpu.memory_space<hbm>> -> memref<32x128xf32, #tpu.memory_space<hbm>>
        %dma_start3A_247 = arith.constant 0 : i32
        %dma_start3A_248 = tpu.memref_slice %arg9[%add3A_243, %dma_start3A_247] : memref<10240x128xf32, #tpu.memory_space<vmem_shared>> -> memref<32x128xf32, #tpu.memory_space<vmem_shared>>
        tpu.enqueue_dma source(%dma_start3A_248 : memref<32x128xf32, #tpu.memory_space<vmem_shared>>) target(%dma_start3A_246 : memref<32x128xf32, #tpu.memory_space<hbm>>) target_semaphore(%run_scoped3A : memref<!tpu.dma_semaphore, #tpu.memory_space<semaphore_mem>>)
        %dma_wait3A_249 = arith.constant 0 : i32
        %dma_wait3A_250 = tpu.memref_slice %arg5[%arg0, %add3A_243, %dma_wait3A_249] : memref<2x10240x128xf32, #tpu.memory_space<hbm>> -> memref<1x32x128xf32, #tpu.memory_space<hbm>>
        %dma_wait3A_251 = tpu.memref_squeeze %dma_wait3A_250 : memref<1x32x128xf32, #tpu.memory_space<hbm>> -> memref<32x128xf32, #tpu.memory_space<hbm>>
        %dma_wait3A_252 = arith.constant 0 : i32
        %dma_wait3A_253 = tpu.memref_slice %arg9[%add3A_243, %dma_wait3A_252] : memref<10240x128xf32, #tpu.memory_space<vmem_shared>> -> memref<32x128xf32, #tpu.memory_space<vmem_shared>>
        tpu.wait_dma2 semaphore(%run_scoped3A : memref<!tpu.dma_semaphore, #tpu.memory_space<semaphore_mem>>) src(%dma_wait3A_253 : memref<32x128xf32, #tpu.memory_space<vmem_shared>>) dst(%dma_wait3A_251 : memref<32x128xf32, #tpu.memory_space<hbm>>)
        tpu.yield
      }) : () -> ()
    }
    %scan3A_233 = arith.constant 20 : i32
    return
  }
}

module attributes {stable_mosaic.version = 14 : i64} {
  func.func @_invcnt_body(%arg0: memref<32x10240xf32, #tpu.memory_space<vmem>>, %arg1: memref<10240x1xf32, #tpu.memory_space<vmem>>) attributes {dimension_semantics = [], scalar_prefetch = 0 : i64, scratch_operands = 0 : i64, tpu.core_type = #tpu.core_type<tc>} {
    %broadcast_in_dim3A = arith.constant 1.000000e+00 : f32
    %broadcast_in_dim3A_0 = vector.broadcast %broadcast_in_dim3A : f32 to vector<32x1xf32>
    %get3A = arith.constant 0 : index
    %get3A_1 = arith.constant 0 : index
    %get3A_2 = vector.load %arg0[%get3A, %get3A_1] : memref<32x10240xf32, #tpu.memory_space<vmem>>, vector<32x10240xf32>
    %dot_general3A = arith.constant dense<0.000000e+00> : vector<10240x1xf32>
    %dot_general3A_3 = tpu.matmul %get3A_2, %broadcast_in_dim3A_0, %dot_general3A {dimension_numbers = #tpu.dot_dimension_numbers<[0], [0], [1], [1], [0, 1, 1, 1], [], []>, transpose_lhs_hint = false} : vector<32x10240xf32>, vector<32x1xf32>, vector<10240x1xf32> -> vector<10240x1xf32>
    %max3A = arith.constant 1.000000e+00 : f32
    %max3A_4 = vector.broadcast %max3A : f32 to vector<10240x1xf32>
    %max3A_5 = arith.maximumf %dot_general3A_3, %max3A_4 : vector<10240x1xf32>
    %div3A = arith.constant 1.000000e+00 : f32
    %div3A_6 = vector.broadcast %div3A : f32 to vector<10240x1xf32>
    %div3A_7 = arith.divf %div3A_6, %max3A_5 : vector<10240x1xf32>
    %swap3A = arith.constant 0 : index
    %swap3A_8 = arith.constant 0 : index
    %swap3A_9 = vector.load %arg1[%swap3A, %swap3A_8] : memref<10240x1xf32, #tpu.memory_space<vmem>>, vector<10240x1xf32>
    tpu.vector_store %arg1[%swap3A, %swap3A_8], %div3A_7 {strides = array<i32>} : memref<10240x1xf32, #tpu.memory_space<vmem>>, vector<10240x1xf32>,
    return
  }
}

module attributes {stable_mosaic.version = 14 : i64} {
  func.func @_layer1_body(%arg0: i32, %arg1: memref<2x1000x128xf32, #tpu.memory_space<vmem>>, %arg2: memref<1000x1xf32, #tpu.memory_space<vmem>>, %arg3: memref<1000x128xf32, #tpu.memory_space<vmem>>, %arg4: memref<128x128xf32, #tpu.memory_space<vmem>>, %arg5: memref<1x128xf32, #tpu.memory_space<vmem>>, %arg6: memref<128x128xf32, #tpu.memory_space<vmem>>, %arg7: memref<1000x128xf32, #tpu.memory_space<vmem>>) attributes {dimension_semantics = [#tpu.dimension_semantics<parallel>], iteration_bounds = array<i64: 10>, scalar_prefetch = 0 : i64, scratch_operands = 0 : i64, tpu.core_type = #tpu.core_type<tc>, window_params = [{transform_indices = @transform_0, window_bounds = array<i64: 2, 1000, 128>}, {transform_indices = @transform_1, window_bounds = array<i64: 1000, 1>}, {transform_indices = @transform_2, window_bounds = array<i64: 1000, 128>}, {pipeline_mode = #tpu.pipeline_mode<synchronous>, transform_indices = @transform_3, window_bounds = array<i64: 128, 128>}, {pipeline_mode = #tpu.pipeline_mode<synchronous>, transform_indices = @transform_4, window_bounds = array<i64: 1, 128>}, {pipeline_mode = #tpu.pipeline_mode<synchronous>, transform_indices = @transform_5, window_bounds = array<i64: 128, 128>}, {transform_indices = @transform_6, window_bounds = array<i64: 1000, 128>}]} {
    %get3A = arith.constant 0 : index
    %get3A_0 = arith.constant 0 : index
    %get3A_1 = arith.constant 0 : index
    %get3A_2 = vector.load %arg1[%get3A, %get3A_0, %get3A_1] : memref<2x1000x128xf32, #tpu.memory_space<vmem>>, vector<1x1000x128xf32>
    %get3A_3 = vector.shape_cast %get3A_2 : vector<1x1000x128xf32> to vector<1000x128xf32>
    %get3A_4 = arith.constant 1 : index
    %get3A_5 = arith.constant 0 : index
    %get3A_6 = arith.constant 0 : index
    %get3A_7 = vector.load %arg1[%get3A_4, %get3A_5, %get3A_6] : memref<2x1000x128xf32, #tpu.memory_space<vmem>>, vector<1x1000x128xf32>
    %get3A_8 = vector.shape_cast %get3A_7 : vector<1x1000x128xf32> to vector<1000x128xf32>
    %add3A = arith.addf %get3A_3, %get3A_8 : vector<1000x128xf32>
    %get3A_9 = arith.constant 0 : index
    %get3A_10 = arith.constant 0 : index
    %get3A_11 = vector.load %arg2[%get3A_9, %get3A_10] : memref<1000x1xf32, #tpu.memory_space<vmem>>, vector<1000x1xf32>
    %mul3A = vector.broadcast %get3A_11 : vector<1000x1xf32> to vector<1000x128xf32>
    %mul3A_12 = arith.mulf %add3A, %mul3A : vector<1000x128xf32>
    %get3A_13 = arith.constant 0 : index
    %get3A_14 = arith.constant 0 : index
    %get3A_15 = vector.load %arg4[%get3A_13, %get3A_14] : memref<128x128xf32, #tpu.memory_space<vmem>>, vector<128x128xf32>
    %dot_general3A = arith.constant dense<0.000000e+00> : vector<1000x128xf32>
    %dot_general3A_16 = tpu.matmul %mul3A_12, %get3A_15, %dot_general3A {dimension_numbers = #tpu.dot_dimension_numbers<[1], [0], [0], [1], [0, 0, 1, 1], [], []>, transpose_lhs_hint = false} : vector<1000x128xf32>, vector<128x128xf32>, vector<1000x128xf32> -> vector<1000x128xf32>
    %get3A_17 = arith.constant 0 : index
    %get3A_18 = arith.constant 0 : index
    %get3A_19 = vector.load %arg5[%get3A_17, %get3A_18] : memref<1x128xf32, #tpu.memory_space<vmem>>, vector<1x128xf32>
    %add3A_20 = vector.broadcast %get3A_19 : vector<1x128xf32> to vector<1000x128xf32>
    %add3A_21 = arith.addf %dot_general3A_16, %add3A_20 : vector<1000x128xf32>
    %get3A_22 = arith.constant 0 : index
    %get3A_23 = arith.constant 0 : index
    %get3A_24 = vector.load %arg3[%get3A_22, %get3A_23] : memref<1000x128xf32, #tpu.memory_space<vmem>>, vector<1000x128xf32>
    %get3A_25 = arith.constant 0 : index
    %get3A_26 = arith.constant 0 : index
    %get3A_27 = vector.load %arg6[%get3A_25, %get3A_26] : memref<128x128xf32, #tpu.memory_space<vmem>>, vector<128x128xf32>
    %dot_general3A_28 = arith.constant dense<0.000000e+00> : vector<1000x128xf32>
    %dot_general3A_29 = tpu.matmul %get3A_24, %get3A_27, %dot_general3A_28 {dimension_numbers = #tpu.dot_dimension_numbers<[1], [0], [0], [1], [0, 0, 1, 1], [], []>, transpose_lhs_hint = false} : vector<1000x128xf32>, vector<128x128xf32>, vector<1000x128xf32> -> vector<1000x128xf32>
    %add3A_30 = arith.addf %add3A_21, %dot_general3A_29 : vector<1000x128xf32>
    %max3A = arith.constant 0.000000e+00 : f32
    %max3A_31 = vector.broadcast %max3A : f32 to vector<1000x128xf32>
    %max3A_32 = arith.maximumf %add3A_30, %max3A_31 : vector<1000x128xf32>
    %swap3A = arith.constant 0 : index
    %swap3A_33 = arith.constant 0 : index
    %swap3A_34 = vector.load %arg7[%swap3A, %swap3A_33] : memref<1000x128xf32, #tpu.memory_space<vmem>>, vector<1000x128xf32>
    tpu.vector_store %arg7[%swap3A, %swap3A_33], %max3A_32 {strides = array<i32>} : memref<1000x128xf32, #tpu.memory_space<vmem>>, vector<1000x128xf32>,
    return
  }
  func.func @transform_0(%arg0: i32) -> (i32, i32, i32) {
    %c0_i32 = arith.constant 0 : i32
    %c0_i32_0 = arith.constant 0 : i32
    %c0_i32_1 = arith.constant 0 : i32
    return %c0_i32, %arg0, %c0_i32_0 : i32, i32, i32
  }
  func.func @transform_1(%arg0: i32) -> (i32, i32) {
    %c0_i32 = arith.constant 0 : i32
    %c0_i32_0 = arith.constant 0 : i32
    return %arg0, %c0_i32 : i32, i32
  }
  func.func @transform_2(%arg0: i32) -> (i32, i32) {
    %c0_i32 = arith.constant 0 : i32
    %c0_i32_0 = arith.constant 0 : i32
    return %arg0, %c0_i32 : i32, i32
  }
  func.func @transform_3(%arg0: i32) -> (i32, i32) {
    %c0_i32 = arith.constant 0 : i32
    %c0_i32_0 = arith.constant 0 : i32
    %c0_i32_1 = arith.constant 0 : i32
    return %c0_i32, %c0_i32_0 : i32, i32
  }
  func.func @transform_4(%arg0: i32) -> (i32, i32) {
    %c0_i32 = arith.constant 0 : i32
    %c0_i32_0 = arith.constant 0 : i32
    %c0_i32_1 = arith.constant 0 : i32
    return %c0_i32, %c0_i32_0 : i32, i32
  }
  func.func @transform_5(%arg0: i32) -> (i32, i32) {
    %c0_i32 = arith.constant 0 : i32
    %c0_i32_0 = arith.constant 0 : i32
    %c0_i32_1 = arith.constant 0 : i32
    return %c0_i32, %c0_i32_0 : i32, i32
  }
  func.func @transform_6(%arg0: i32) -> (i32, i32) {
    %c0_i32 = arith.constant 0 : i32
    %c0_i32_0 = arith.constant 0 : i32
    return %arg0, %c0_i32 : i32, i32
  }
}

module attributes {stable_mosaic.version = 14 : i64} {
  func.func @_layer2_body(%arg0: i32, %arg1: memref<2x1000x128xf32, #tpu.memory_space<vmem>>, %arg2: memref<1000x1xf32, #tpu.memory_space<vmem>>, %arg3: memref<1000x128xf32, #tpu.memory_space<vmem>>, %arg4: memref<128x128xf32, #tpu.memory_space<vmem>>, %arg5: memref<1x128xf32, #tpu.memory_space<vmem>>, %arg6: memref<128x128xf32, #tpu.memory_space<vmem>>, %arg7: memref<1x1x1000xi32, #tpu.memory_space<vmem>>, %arg8: memref<128x40xf32, #tpu.memory_space<vmem>>, %arg9: memref<1x40xf32, #tpu.memory_space<vmem>>, %arg10: memref<64x40xf32, #tpu.memory_space<vmem>>, %arg11: memref<64x128xf32, #tpu.memory_space<vmem>>, %arg12: memref<64x128xf32, #tpu.memory_space<vmem>>) attributes {dimension_semantics = [#tpu.dimension_semantics<arbitrary>], iteration_bounds = array<i64: 10>, scalar_prefetch = 0 : i64, scratch_operands = 2 : i64, tpu.core_type = #tpu.core_type<tc>, window_params = [{transform_indices = @transform_0, window_bounds = array<i64: 2, 1000, 128>}, {transform_indices = @transform_1, window_bounds = array<i64: 1000, 1>}, {transform_indices = @transform_2, window_bounds = array<i64: 1000, 128>}, {pipeline_mode = #tpu.pipeline_mode<synchronous>, transform_indices = @transform_3, window_bounds = array<i64: 128, 128>}, {pipeline_mode = #tpu.pipeline_mode<synchronous>, transform_indices = @transform_4, window_bounds = array<i64: 1, 128>}, {pipeline_mode = #tpu.pipeline_mode<synchronous>, transform_indices = @transform_5, window_bounds = array<i64: 128, 128>}, {transform_indices = @transform_6, window_bounds = array<i64: 1, 1, 1000>}, {pipeline_mode = #tpu.pipeline_mode<synchronous>, transform_indices = @transform_7, window_bounds = array<i64: 128, 40>}, {pipeline_mode = #tpu.pipeline_mode<synchronous>, transform_indices = @transform_8, window_bounds = array<i64: 1, 40>}, {pipeline_mode = #tpu.pipeline_mode<synchronous>, transform_indices = @transform_9, window_bounds = array<i64: 64, 40>}]} {
    %eq3A = arith.constant 0 : i32
    %eq3A_0 = arith.cmpi eq, %arg0, %eq3A : i32
    %convert_element_type3A = arith.extui %eq3A_0 : i1 to i32
    %cond3A = arith.constant 0 : i32
    %cond3A_1 = arith.cmpi ne, %convert_element_type3A, %cond3A : i32
    scf.if %cond3A_1 {
      %broadcast_in_dim3A_67 = arith.constant 0.000000e+00 : f32
      %broadcast_in_dim3A_68 = vector.broadcast %broadcast_in_dim3A_67 : f32 to vector<64x128xf32>
      %swap3A_69 = arith.constant 0 : index
      %swap3A_70 = arith.constant 0 : index
      %swap3A_71 = vector.load %arg11[%swap3A_69, %swap3A_70] : memref<64x128xf32, #tpu.memory_space<vmem>>, vector<64x128xf32>
      tpu.vector_store %arg11[%swap3A_69, %swap3A_70], %broadcast_in_dim3A_68 {strides = array<i32>} : memref<64x128xf32, #tpu.memory_space<vmem>>, vector<64x128xf32>,
      %broadcast_in_dim3A_72 = arith.constant 0.000000e+00 : f32
      %broadcast_in_dim3A_73 = vector.broadcast %broadcast_in_dim3A_72 : f32 to vector<64x128xf32>
      %swap3A_74 = arith.constant 0 : index
      %swap3A_75 = arith.constant 0 : index
      %swap3A_76 = vector.load %arg12[%swap3A_74, %swap3A_75] : memref<64x128xf32, #tpu.memory_space<vmem>>, vector<64x128xf32>
      tpu.vector_store %arg12[%swap3A_74, %swap3A_75], %broadcast_in_dim3A_73 {strides = array<i32>} : memref<64x128xf32, #tpu.memory_space<vmem>>, vector<64x128xf32>,
    } else {
    }
    %get3A = arith.constant 0 : index
    %get3A_2 = arith.constant 0 : index
    %get3A_3 = arith.constant 0 : index
    %get3A_4 = vector.load %arg1[%get3A, %get3A_2, %get3A_3] : memref<2x1000x128xf32, #tpu.memory_space<vmem>>, vector<1x1000x128xf32>
    %get3A_5 = vector.shape_cast %get3A_4 : vector<1x1000x128xf32> to vector<1000x128xf32>
    %get3A_6 = arith.constant 1 : index
    %get3A_7 = arith.constant 0 : index
    %get3A_8 = arith.constant 0 : index
    %get3A_9 = vector.load %arg1[%get3A_6, %get3A_7, %get3A_8] : memref<2x1000x128xf32, #tpu.memory_space<vmem>>, vector<1x1000x128xf32>
    %get3A_10 = vector.shape_cast %get3A_9 : vector<1x1000x128xf32> to vector<1000x128xf32>
    %add3A = arith.addf %get3A_5, %get3A_10 : vector<1000x128xf32>
    %get3A_11 = arith.constant 0 : index
    %get3A_12 = arith.constant 0 : index
    %get3A_13 = vector.load %arg2[%get3A_11, %get3A_12] : memref<1000x1xf32, #tpu.memory_space<vmem>>, vector<1000x1xf32>
    %mul3A = vector.broadcast %get3A_13 : vector<1000x1xf32> to vector<1000x128xf32>
    %mul3A_14 = arith.mulf %add3A, %mul3A : vector<1000x128xf32>
    %get3A_15 = arith.constant 0 : index
    %get3A_16 = arith.constant 0 : index
    %get3A_17 = vector.load %arg4[%get3A_15, %get3A_16] : memref<128x128xf32, #tpu.memory_space<vmem>>, vector<128x128xf32>
    %dot_general3A = arith.constant dense<0.000000e+00> : vector<1000x128xf32>
    %dot_general3A_18 = tpu.matmul %mul3A_14, %get3A_17, %dot_general3A {dimension_numbers = #tpu.dot_dimension_numbers<[1], [0], [0], [1], [0, 0, 1, 1], [], []>, transpose_lhs_hint = false} : vector<1000x128xf32>, vector<128x128xf32>, vector<1000x128xf32> -> vector<1000x128xf32>
    %get3A_19 = arith.constant 0 : index
    %get3A_20 = arith.constant 0 : index
    %get3A_21 = vector.load %arg5[%get3A_19, %get3A_20] : memref<1x128xf32, #tpu.memory_space<vmem>>, vector<1x128xf32>
    %add3A_22 = vector.broadcast %get3A_21 : vector<1x128xf32> to vector<1000x128xf32>
    %add3A_23 = arith.addf %dot_general3A_18, %add3A_22 : vector<1000x128xf32>
    %get3A_24 = arith.constant 0 : index
    %get3A_25 = arith.constant 0 : index
    %get3A_26 = vector.load %arg3[%get3A_24, %get3A_25] : memref<1000x128xf32, #tpu.memory_space<vmem>>, vector<1000x128xf32>
    %get3A_27 = arith.constant 0 : index
    %get3A_28 = arith.constant 0 : index
    %get3A_29 = vector.load %arg6[%get3A_27, %get3A_28] : memref<128x128xf32, #tpu.memory_space<vmem>>, vector<128x128xf32>
    %dot_general3A_30 = arith.constant dense<0.000000e+00> : vector<1000x128xf32>
    %dot_general3A_31 = tpu.matmul %get3A_26, %get3A_29, %dot_general3A_30 {dimension_numbers = #tpu.dot_dimension_numbers<[1], [0], [0], [1], [0, 0, 1, 1], [], []>, transpose_lhs_hint = false} : vector<1000x128xf32>, vector<128x128xf32>, vector<1000x128xf32> -> vector<1000x128xf32>
    %add3A_32 = arith.addf %add3A_23, %dot_general3A_31 : vector<1000x128xf32>
    %max3A = arith.constant 0.000000e+00 : f32
    %max3A_33 = vector.broadcast %max3A : f32 to vector<1000x128xf32>
    %max3A_34 = arith.maximumf %add3A_32, %max3A_33 : vector<1000x128xf32>
    %get3A_35 = arith.constant 0 : index
    %get3A_36 = arith.constant 0 : index
    %get3A_37 = arith.constant 0 : index
    %get3A_38 = vector.load %arg7[%get3A_35, %get3A_36, %get3A_37] : memref<1x1x1000xi32, #tpu.memory_space<vmem>>, vector<1x1x1000xi32>
    %get3A_39 = vector.shape_cast %get3A_38 : vector<1x1x1000xi32> to vector<1000xi32>
    %iota3A = tpu.iota {dimensions = array<i32: 0>} : vector<64x1000xi32>
    %broadcast_in_dim3A = vector.shape_cast %get3A_39 : vector<1000xi32> to vector<1x1000xi32>
    %eq3A_40 = vector.broadcast %broadcast_in_dim3A : vector<1x1000xi32> to vector<64x1000xi32>
    %eq3A_41 = arith.cmpi eq, %iota3A, %eq3A_40 : vector<64x1000xi32>
    %convert_element_type3A_42 = arith.extui %eq3A_41 : vector<64x1000xi1> to vector<64x1000xi32>
    %convert_element_type3A_43 = arith.sitofp %convert_element_type3A_42 : vector<64x1000xi32> to vector<64x1000xf32>
    %get3A_44 = arith.constant 0 : index
    %get3A_45 = arith.constant 0 : index
    %get3A_46 = vector.load %arg11[%get3A_44, %get3A_45] : memref<64x128xf32, #tpu.memory_space<vmem>>, vector<64x128xf32>
    %dot_general3A_47 = arith.constant dense<0.000000e+00> : vector<64x128xf32>
    %dot_general3A_48 = tpu.matmul %convert_element_type3A_43, %max3A_34, %dot_general3A_47 {dimension_numbers = #tpu.dot_dimension_numbers<[1], [0], [0], [1], [0, 0, 1, 1], [], []>, transpose_lhs_hint = false} : vector<64x1000xf32>, vector<1000x128xf32>, vector<64x128xf32> -> vector<64x128xf32>
    %add3A_49 = arith.addf %get3A_46, %dot_general3A_48 : vector<64x128xf32>
    %swap3A = arith.constant 0 : index
    %swap3A_50 = arith.constant 0 : index
    %swap3A_51 = vector.load %arg11[%swap3A, %swap3A_50] : memref<64x128xf32, #tpu.memory_space<vmem>>, vector<64x128xf32>
    tpu.vector_store %arg11[%swap3A, %swap3A_50], %add3A_49 {strides = array<i32>} : memref<64x128xf32, #tpu.memory_space<vmem>>, vector<64x128xf32>,
    %get3A_52 = arith.constant 0 : index
    %get3A_53 = arith.constant 0 : index
    %get3A_54 = vector.load %arg12[%get3A_52, %get3A_53] : memref<64x128xf32, #tpu.memory_space<vmem>>, vector<64x128xf32>
    %reduce_sum3A = arith.constant dense<0.000000e+00> : vector<64xf32>
    %reduce_sum3A_55 = vector.multi_reduction <add>, %convert_element_type3A_43, %reduce_sum3A [1] : vector<64x1000xf32> to vector<64xf32>
    %broadcast_in_dim3A_56 = vector.shape_cast %reduce_sum3A_55 : vector<64xf32> to vector<64x1xf32>
    %add3A_57 = vector.broadcast %broadcast_in_dim3A_56 : vector<64x1xf32> to vector<64x128xf32>
    %add3A_58 = arith.addf %get3A_54, %add3A_57 : vector<64x128xf32>
    %swap3A_59 = arith.constant 0 : index
    %swap3A_60 = arith.constant 0 : index
    %swap3A_61 = vector.load %arg12[%swap3A_59, %swap3A_60] : memref<64x128xf32, #tpu.memory_space<vmem>>, vector<64x128xf32>
    tpu.vector_store %arg12[%swap3A_59, %swap3A_60], %add3A_58 {strides = array<i32>} : memref<64x128xf32, #tpu.memory_space<vmem>>, vector<64x128xf32>,
    %eq3A_62 = arith.constant 9 : i32
    %eq3A_63 = arith.cmpi eq, %arg0, %eq3A_62 : i32
    %convert_element_type3A_64 = arith.extui %eq3A_63 : i1 to i32
    %cond3A_65 = arith.constant 0 : i32
    %cond3A_66 = arith.cmpi ne, %convert_element_type3A_64, %cond3A_65 : i32
    scf.if %cond3A_66 {
      %get3A_67 = arith.constant 0 : index
      %get3A_68 = arith.constant 0 : index
      %get3A_69 = vector.load %arg11[%get3A_67, %get3A_68] : memref<64x128xf32, #tpu.memory_space<vmem>>, vector<64x128xf32>
      %get3A_70 = arith.constant 0 : index
      %get3A_71 = arith.constant 0 : index
      %get3A_72 = vector.load %arg12[%get3A_70, %get3A_71] : memref<64x128xf32, #tpu.memory_space<vmem>>, vector<64x128xf32>
      %max3A_73 = arith.constant 1.000000e+00 : f32
      %max3A_74 = vector.broadcast %max3A_73 : f32 to vector<64x128xf32>
      %max3A_75 = arith.maximumf %get3A_72, %max3A_74 : vector<64x128xf32>
      %div3A = arith.divf %get3A_69, %max3A_75 : vector<64x128xf32>
      %get3A_76 = arith.constant 0 : index
      %get3A_77 = arith.constant 0 : index
      %get3A_78 = vector.load %arg8[%get3A_76, %get3A_77] : memref<128x40xf32, #tpu.memory_space<vmem>>, vector<128x40xf32>
      %dot_general3A_79 = arith.constant dense<0.000000e+00> : vector<64x40xf32>
      %dot_general3A_80 = tpu.matmul %div3A, %get3A_78, %dot_general3A_79 {dimension_numbers = #tpu.dot_dimension_numbers<[1], [0], [0], [1], [0, 0, 1, 1], [], []>, transpose_lhs_hint = false} : vector<64x128xf32>, vector<128x40xf32>, vector<64x40xf32> -> vector<64x40xf32>
      %get3A_81 = arith.constant 0 : index
      %get3A_82 = arith.constant 0 : index
      %get3A_83 = vector.load %arg9[%get3A_81, %get3A_82] : memref<1x40xf32, #tpu.memory_space<vmem>>, vector<1x40xf32>
      %add3A_84 = vector.broadcast %get3A_83 : vector<1x40xf32> to vector<64x40xf32>
      %add3A_85 = arith.addf %dot_general3A_80, %add3A_84 : vector<64x40xf32>
      %reduce_max3A = arith.constant dense<0xFF800000> : vector<64xf32>
      %reduce_max3A_86 = vector.multi_reduction <maximumf>, %add3A_85, %reduce_max3A [1] : vector<64x40xf32> to vector<64xf32>
      %broadcast_in_dim3A_87 = vector.shape_cast %reduce_max3A_86 : vector<64xf32> to vector<64x1xf32>
      %sub3A = vector.broadcast %broadcast_in_dim3A_87 : vector<64x1xf32> to vector<64x40xf32>
      %sub3A_88 = arith.subf %add3A_85, %sub3A : vector<64x40xf32>
      %exp3A = math.exp %sub3A_88 : vector<64x40xf32>
      %reduce_sum3A_89 = arith.constant dense<0.000000e+00> : vector<64xf32>
      %reduce_sum3A_90 = vector.multi_reduction <add>, %exp3A, %reduce_sum3A_89 [1] : vector<64x40xf32> to vector<64xf32>
      %broadcast_in_dim3A_91 = vector.shape_cast %reduce_sum3A_90 : vector<64xf32> to vector<64x1xf32>
      %log3A = math.log %broadcast_in_dim3A_91 : vector<64x1xf32>
      %add3A_92 = arith.addf %log3A, %broadcast_in_dim3A_87 : vector<64x1xf32>
      %sub3A_93 = vector.broadcast %add3A_92 : vector<64x1xf32> to vector<64x40xf32>
      %sub3A_94 = arith.subf %add3A_85, %sub3A_93 : vector<64x40xf32>
      %swap3A_95 = arith.constant 0 : index
      %swap3A_96 = arith.constant 0 : index
      %swap3A_97 = vector.load %arg10[%swap3A_95, %swap3A_96] : memref<64x40xf32, #tpu.memory_space<vmem>>, vector<64x40xf32>
      tpu.vector_store %arg10[%swap3A_95, %swap3A_96], %sub3A_94 {strides = array<i32>} : memref<64x40xf32, #tpu.memory_space<vmem>>, vector<64x40xf32>,
    } else {
    }
    return
  }
  func.func @transform_0(%arg0: i32) -> (i32, i32, i32) {
    %c0_i32 = arith.constant 0 : i32
    %c0_i32_0 = arith.constant 0 : i32
    %c0_i32_1 = arith.constant 0 : i32
    return %c0_i32, %arg0, %c0_i32_0 : i32, i32, i32
  }
  func.func @transform_1(%arg0: i32) -> (i32, i32) {
    %c0_i32 = arith.constant 0 : i32
    %c0_i32_0 = arith.constant 0 : i32
    return %arg0, %c0_i32 : i32, i32
  }
  func.func @transform_2(%arg0: i32) -> (i32, i32) {
    %c0_i32 = arith.constant 0 : i32
    %c0_i32_0 = arith.constant 0 : i32
    return %arg0, %c0_i32 : i32, i32
  }
  func.func @transform_3(%arg0: i32) -> (i32, i32) {
    %c0_i32 = arith.constant 0 : i32
    %c0_i32_0 = arith.constant 0 : i32
    %c0_i32_1 = arith.constant 0 : i32
    return %c0_i32, %c0_i32_0 : i32, i32
  }
  func.func @transform_4(%arg0: i32) -> (i32, i32) {
    %c0_i32 = arith.constant 0 : i32
    %c0_i32_0 = arith.constant 0 : i32
    %c0_i32_1 = arith.constant 0 : i32
    return %c0_i32, %c0_i32_0 : i32, i32
  }
  func.func @transform_5(%arg0: i32) -> (i32, i32) {
    %c0_i32 = arith.constant 0 : i32
    %c0_i32_0 = arith.constant 0 : i32
    %c0_i32_1 = arith.constant 0 : i32
    return %c0_i32, %c0_i32_0 : i32, i32
  }
  func.func @transform_6(%arg0: i32) -> (i32, i32, i32) {
    %c0_i32 = arith.constant 0 : i32
    %c0_i32_0 = arith.constant 0 : i32
    %c0_i32_1 = arith.constant 0 : i32
    return %arg0, %c0_i32, %c0_i32_0 : i32, i32, i32
  }
  func.func @transform_7(%arg0: i32) -> (i32, i32) {
    %c0_i32 = arith.constant 0 : i32
    %c0_i32_0 = arith.constant 0 : i32
    %c0_i32_1 = arith.constant 0 : i32
    return %c0_i32, %c0_i32_0 : i32, i32
  }
  func.func @transform_8(%arg0: i32) -> (i32, i32) {
    %c0_i32 = arith.constant 0 : i32
    %c0_i32_0 = arith.constant 0 : i32
    %c0_i32_1 = arith.constant 0 : i32
    return %c0_i32, %c0_i32_0 : i32, i32
  }
  func.func @transform_9(%arg0: i32) -> (i32, i32) {
    %c0_i32 = arith.constant 0 : i32
    %c0_i32_0 = arith.constant 0 : i32
    %c0_i32_1 = arith.constant 0 : i32
    return %c0_i32, %c0_i32_0 : i32, i32
  }
}

</mosaic_0001>

<sc_bundles>
// kernel: kernel.11.cloned.1.call-start
scs
__scs_entry_jumppad:
0x0: {  	(pc) =	sbr.rel $0x88, $3  }
0x1: {  	(tag) =	ssettag $0x0;
	lr =	simm.s32 $0x1  }
0x2: {  	[smem:$0x3F96] =	sst lr;
	_ =	strace $0xD0000000  }
0x3: {  	_ = 	snop  }
0x4: {  	_ = 	snop  }
0x5: {  	_ = 	snop  }
0x6: {  	_ = 	snop  }
0x7: {  	_ = 	snop  }
__scs_overlays_trampoline_lowered:
0x8: {  	[smem:$0x3FA5] =	sst s0  }
0x9: {  	[smem:$0x3FA6] =	sst s1  }
0xa: {  	[smem:$0x3FA7] =	sst s2  }
0xb: {  	[smem:$0x3FA8] =	sst s3  }
0xc: {  	[smem:$0x3FA9] =	sst s4  }
0xd: {  	[smem:$0x3FAA] =	sst s5  }
0xe: {  	[smem:$0x3FAB] =	sst s6  }
0xf: {  	[smem:$0x3FAC] =	sst s7  }
0x10: {  	[smem:$0x3FAD] =	sst s8  }
0x11: {  	[smem:$0x3FAE] =	sst s9;
	s0 =	simm.s32 @!p0 $0x0  }
0x12: {  	s1 =	sld [smem:$0x3F94];
	s0 =	simm.s32 @p0 $0x1  }
0x13: {  	[smem:$0x3FAF] =	sst s0;
	s0 =	simm.s32 @!p1 $0x0  }
0x14: {  	s2 =	sld [smem:$0x3F93];
	s0 =	simm.s32 @p1 $0x1  }
0x15: {  	[smem:$0x3FB0] =	sst s0;
	s0 =	simm.s32 @!p2 $0x0  }
0x16: {  	s3 =	sld [smem:$0x3FDB];
	s0 =	simm.s32 @p2 $0x1  }
0x17: {  	s4 =	simm.s32 $0x1BF5;
	[smem:$0x3FB2] =	sst s0  }
0x18: {  	s0 =	sld [smem:$0x3F95];
	_ =	swait.ge [sflag:s4], $0x0  }
0x19: {  	s7 =	sld [smem:$0x3F96]  }
0x1a: {  	s8 =	sadd.s32 $0xFFFFE003, lr  }
0x1b: {  	s9 =	sadd.s32 $0xFFFFFEF7, lr;
	s5 =	simm.s32 $0xFFFFFFFF;
	p2 =	slt.u32 s8, $0xFFFFF086  }
0x1c: {  	p1 =	slt.u32 s9, $0xF7A;
	s5 =	simm.s32 @!p2 $0x0  }
0x1d: {  	s5 =	simm.s32 @p1 $0x1;
	p0 =	seq.s32 s7, s2  }
0x1e: {  	s7 =	smul.u32 @!p0 $0xF7A, s2;
	p2 =	seq.s32 @!p0 s5, $0x0  }
0x1f: {  	s9 =	smul.u32 $0xF7A, s1;
	s8 =	simm.s32 @!p0 $0x1BF5;
	p2 =	por !p2, p0  }
0x20: {  	[sflag:s8] =	ssyncset.s32 @!p0 $0xFFFFF086;
	s6 =	sadd.s32 @!p0 s3, s7;
	s7 =	simm.s32 @!p0 $0x108  }
0x21: {  	s3 =	sadd.s32 s3, s9;
	s6 =	sadd.s32 @!p0 $0x88, s6;
	s7 =	simm.s32 @p2 $0x1082  }
0x22: {  	[simem:s7], [sflag:s8] =	dma.local @!p0 [hbm:s6], $0xF7A  }
0x23: {  	s9 =	sor.u32 $0xD0000000, s2;
	s6 =	simm.s32 $0x108;
	_ =	swait.ge @!p0 [sflag:s8], $0x0  }
0x24: {  	s3 =	sadd.s32 $0x88, s3;
	s6 =	simm.s32 @!p1 $0x1082;
	[sflag:s4] =	ssyncset.s32 $0xFFFFF086  }
0x25: {  	[simem:s6], [sflag:s4] =	dma.local [hbm:s3], $0xF7A  }
0x26: {  	[smem:$0x3F96] =	sst s1;
	(tag) =	ssettag s2;
	_ =	strace s9  }
0x27: {  	s1 =	sld [smem:$0x3FA6]  }
0x28: {  	s2 =	sld [smem:$0x3FA7]  }
0x29: {  	s4 =	sld [smem:$0x3FA9]  }
0x2a: {  	p0 =	seq.s32 s5, $0x0;
	s5 =	sld [smem:$0x3FAA]  }
0x2b: {  	s6 =	sld [smem:$0x3FAB]  }
0x2c: {  	s7 =	sld [smem:$0x3FAC]  }
0x2d: {  	s3 =	simm.s32 $0x108;
	s8 =	sld [smem:$0x3FAD]  }
0x2e: {  	s3 =	simm.s32 @!p0 $0x1082;
	s9 =	sld [smem:$0x3FAE]  }
0x2f: {  	lr =	sadd.s32 s0, s3;
	s0 =	sld [smem:$0x3FA5]  }
0x30: {  	s3 =	sld [smem:$0x3FA8]  }
0x31: {  	[smem:$0x3FB1] =	sst s10  }
0x32: {  	s10 =	sld [smem:$0x3FAF];
	_ =	sdelay $0x3  }
0x33: {  	p0 =	seq.s32 s10, $0x1;
	s10 =	sld [smem:$0x3FB1];
	_ =	sdelay $0x3  }
0x34: {  	[smem:$0x3FB1] =	sst s10  }
0x35: {  	s10 =	sld [smem:$0x3FB0];
	_ =	sdelay $0x3  }
0x36: {  	p1 =	seq.s32 s10, $0x1;
	s10 =	sld [smem:$0x3FB1];
	_ =	sdelay $0x3  }
0x37: {  	[smem:$0x3FB1] =	sst s10  }
0x38: {  	s10 =	sld [smem:$0x3FB2]  }
0x39: {  	_ = 	snop;
	(pc) =	sbr.ind lr, $3  }
0x3a: {  	_ = 	snop  }
0x3b: {  	_ = 	snop  }
0x3c: {  	p2 =	seq.s32 s10, $0x1;
	s10 =	sld [smem:$0x3FB1]  }
0x3d: {  	_ =	shalt  }
0x3e: {  	_ =	shalt  }
0x3f: {  	_ =	shalt  }
0x40: {  	_ =	shalt  }
0x41: {  	_ =	shalt  }
0x42: {  	_ =	shalt  }
0x43: {  	_ =	shalt  }
0x44: {  	_ =	shalt  }
0x45: {  	_ =	shalt  }
0x46: {  	_ =	shalt  }
0x47: {  	_ =	shalt  }
0x48: {  	_ =	shalt  }
0x49: {  	_ =	shalt  }
0x4a: {  	_ =	shalt  }
0x4b: {  	_ =	shalt  }
0x4c: {  	_ =	shalt  }
0x4d: {  	_ =	shalt  }
0x4e: {  	_ =	shalt  }
0x4f: {  	_ =	shalt  }
0x50: {  	_ =	shalt  }
0x51: {  	_ =	shalt  }
0x52: {  	_ =	shalt  }
0x53: {  	_ =	shalt  }
0x54: {  	_ =	shalt  }
0x55: {  	_ =	shalt  }
0x56: {  	_ =	shalt  }
0x57: {  	_ =	shalt  }
0x58: {  	_ =	shalt  }
0x59: {  	_ =	shalt  }
0x5a: {  	_ =	shalt  }
0x5b: {  	_ =	shalt  }
0x5c: {  	_ =	shalt  }
0x5d: {  	_ =	shalt  }
0x5e: {  	_ =	shalt  }
0x5f: {  	_ =	shalt  }
0x60: {  	_ =	shalt  }
0x61: {  	_ =	shalt  }
0x62: {  	_ =	shalt  }
0x63: {  	_ =	shalt  }
0x64: {  	_ =	shalt  }
0x65: {  	_ =	shalt  }
0x66: {  	_ =	shalt  }
0x67: {  	_ =	shalt  }
0x68: {  	_ =	shalt  }
0x69: {  	_ =	shalt  }
0x6a: {  	_ =	shalt  }
0x6b: {  	_ =	shalt  }
0x6c: {  	_ =	shalt  }
0x6d: {  	_ =	shalt  }
0x6e: {  	_ =	shalt  }
0x6f: {  	_ =	shalt  }
0x70: {  	_ =	shalt  }
0x71: {  	_ =	shalt  }
0x72: {  	_ =	shalt  }
0x73: {  	_ =	shalt  }
0x74: {  	_ =	shalt  }
0x75: {  	_ =	shalt  }
0x76: {  	_ =	shalt  }
0x77: {  	_ =	shalt  }
0x78: {  	_ =	shalt  }
0x79: {  	_ =	shalt  }
0x7a: {  	_ =	shalt  }
0x7b: {  	_ =	shalt  }
0x7c: {  	_ =	shalt  }
0x7d: {  	_ =	shalt  }
0x7e: {  	_ =	shalt  }
0x7f: {  	_ =	shalt  }
0x80: {  	_ =	shalt  }
0x81: {  	_ =	shalt  }
0x82: {  	_ =	shalt  }
0x83: {  	_ =	shalt  }
0x84: {  	_ =	shalt  }
0x85: {  	_ =	shalt  }
0x86: {  	_ =	shalt  }
0x87: {  	_ =	shalt  }
.Lfunc_end0:
.L_simem_size_0:
called_computation.1_lowered:
.L_overlay_start_0:
0x88: {  	s2 =	sld [smem:$0x3FD9]  }
0x89: {  	s3 =	sld [smem:$0x3FFE];
	_ =	sdelay $0x1  }
0x8a: {  	s1 =	srdreg.scid  }
0x8b: {  	s0 =	sand.u32 $0x1, s1  }
0x8c: {  	s17 =	sshll.u32 s0, $0xA;
	s2 =	sadd.s32 s3, s2  }
0x8d: {  	s2 =	sadd.s32 s2, s17  }
0x8e: {  	[smem:$0x3FBD] =	sst s2  }
0x8f: {  	_ = 	snop  }
0x90: {  	s18 =	sld [smem:$0x3FC9];
	(tm) =	ssettm $0x1  }
0x91: {  	s19 =	sld [smem:$0x3FFB];
	_ =	sdelay $0x3  }
0x92: {  	_ =	strace s19  }
0x93: {  	s2 =	sld [smem:$0x3FFC];
	_ =	sdelay $0x3  }
0x94: {  	_ =	strace s2  }
0x95: {  	s2 =	sld [smem:$0x3FFD];
	_ =	sdelay $0x3  }
0x96: {  	_ =	strace s2  }
0x97: {  	_ =	strace $0x8FFFFFFF  }
0x98: {  	s20 =	sld [smem:$0x3FDB];
	_ =	sdelay $0x1  }
0x99: {  	s4 =	simm.s32 $_scs_section_size  }
0x9a: {  	s5 =	simm.s32 $_size__tile_overlayer_lowered;
	s6 =	simm.s32 $_tile_overlayer_lowered  }
0x9b: {  	s7 =	simm.s32 $0x1BFF;
	s21 =	sshll.u32 s6, $0x1;
	s4 =	sadd.s32 s4, s20  }
0x9c: {  	s22 =	simm.s32 $0x0;
	s5 =	sshll.u32 s5, $0x1;
	s6 =	sadd.s32 s21, s4  }
0x9d: {  	[timem:s22], [sflag:s7] =	dma.local [hbm:s6], s5  }
0x9e: {  	_ =	swait.ge [sflag:s7], s5  }
0x9f: {  	s5 =	ssub.s32 $0x0, s5;
	[sflag:s7] =	ssyncset.done $0x0  }
0xa0: {  	[sflag:s7] =	ssyncadd.s32 s5;
	_ =	sdelay $0x1  }
0xa1: {  	s23 =	simm.s32 $0x1B8B  }
0xa2: {  	_ =	swait.ge [sflag:s23], $0x1  }
0xa3: {  	[sflag:s23] =	ssyncset.done $0x0  }
0xa4: {  	[sflag:s23] =	ssyncadd.s32 $0xFFFFFFFF  }
0xa5: {  	s5 =	sld [smem:$0x0]  }
0xa6: {  	s6 =	sand.u32 $0xFFFFFFFE, s1  }
0xa7: {  	p0 =	sne.s32 s1, s6  }
0xa8: {  	s6 =	sshll.u32 @p0 s6, $0xE  }
0xa9: {  	s6 =	sadd.s32 @p0 $0x11B8D, s6;
	s7 =	sshll.u32 @p0 s5, $0x11  }
0xaa: {  	s6 =	sor.u32 @p0 s7, s6  }
0xab: {  	[sflag:s6] =	ssyncadd.remote.s32 @p0 $0x1;
	_ =	sdelay $0x1  }
0xac: {  	s6 =	simm.s32 @p0 $0x1B8D  }
0xad: {  	_ =	swait.eq @p0 [sflag:s6], $0x1  }
0xae: {  	[sflag:s6] =	ssyncadd.s32 @p0 $0xFFFFFFFF  }
0xaf: {  	s7 =	sshll.u32 @!p0 s1, $0xE  }
0xb0: {  	s7 =	sor.u32 @!p0 $0x4000, s7;
	s6 =	simm.s32 @!p0 $0x1B8D  }
0xb1: {  	s5 =	sshll.u32 @!p0 s5, $0x11;
	s7 =	sadd.s32 @!p0 $0x11B8D, s7;
	_ =	swait.eq @!p0 [sflag:s6], $0x1  }
0xb2: {  	s5 =	sor.u32 @!p0 s5, s7;
	[sflag:s6] =	ssyncadd.s32 @!p0 $0xFFFFFFFF  }
0xb3: {  	s25 =	simm.s32 $0x1B8E;
	s24 =	sld [smem:$0x3FFE];
	[sflag:s5] =	ssyncadd.remote.s32 @!p0 $0x1  }
0xb4: {  	s26 =	simm.s32 $execute0_lowered;
	[smem:$0x3FD2] =	sst s25  }
0xb5: {  	s6 =	sshll.u32 s26, $0x1;
	_ =	strace $0x80000049;
	[dreg:$0x1] =	wrdreg $0xFFFFFFFF  }
0xb6: {  	s28 =	simm.s32 $_size_execute0_lowered;
	s4 =	sadd.s32 s4, s6;
	[dreg:$0x0] =	wrdreg $0x0  }
0xb7: {  	s6 =	sshll.u32 s28, $0x1;
	[dreg:$0x2] =	wrdreg s4  }
0xb8: {  	[dreg:$0x3] =	wrdreg s6  }
0xb9: {  	[dreg:$0x4] =	wrdreg $0xC0  }
0xba: {  	_ =	task [dreg:s22], $0x5FFFF  }
0xbb: {  	[dreg:$0x1] =	wrdreg $0xFFFFFFFF  }
0xbc: {  	[dreg:$0x0] =	wrdreg $0x60  }
0xbd: {  	[dreg:$0x2] =	wrdreg s18  }
0xbe: {  	[dreg:$0x3] =	wrdreg s24  }
0xbf: {  	[dreg:$0x4] =	wrdreg $0xA0000  }
0xc0: {  	[dreg:$0x5] =	wrdreg $0xA  }
0xc1: {  	_ =	task.clear_ibuf [dreg:s22], $0x6FFFF;
	_ =	strace $0x90000049  }
0xc2: {  	s29 =	simm.s32 $0xA;
	_ =	strace $0x8000004B  }
0xc3: {  	_ =	swait.ge [sflag:s29], $0x1  }
0xc4: {  	[sflag:s29] =	ssyncadd.s32 $0xFFFFFFFF  }
0xc5: {  	_ =	strace $0x9000004B  }
0xc6: {  	_ =	sfence  }
0xc7: {  	s30 =	sld [smem:$0x0];
	_ =	sdelay $0x2  }
0xc8: {  	s31 =	sshll.u32 s1, $0xD;
	s1 =	sshrl.u32 s1, $0x2  }
0xc9: {  	s4 =	sand.u32 $0x4000, s31;
	s1 =	sadd.s32 s1, s30  }
0xca: {  	s0 =	sor.u32 s4, s0;
	s1 =	sshll.u32 s1, $0x11  }
0xcb: {  	s0 =	sor.u32 s1, s0  }
0xcc: {  	s0 =	sadd.s32 $0x8F2B, s0  }
0xcd: {  	[sflag:s0] =	ssyncadd.remote.s32 $0x1  }
0xce: {  	_ =	sfence.sel $0xFFFF  }
0xcf: {  	[dreg:$0x0] =	wrdreg $0xFFFFFFFF;
	(pc) =	sbr.abs _section_cstart, $3  }
0xd0: {  	[dreg:$0x1] =	wrdreg $0xFFFFFFFF  }
0xd1: {  	_ =	task.clear_ibuf [dreg:s22], $0x2FFFF;
	_ =	strace $0x9FFFFFFF  }
0xd2: {  	(tm) =	ssettm $0x7FFFFFFF  }
0xd3: {  	_ =	shalt  }
tec
execute0_lowered:
.L_overlay_start_1:
0x0: {  	(tag) =	ssettag $0x1  }
0x1: {  	s26 =	rddreg [dreg:$0x0]  }
0x2: {  	s0 =	rddreg [dreg:$0x1]  }
0x3: {  	s2 =	rddreg [dreg:$0x2];
	s3 =	srdreg.scid  }
0x4: {  	s5 =	simm.s32 $0x0;
	s11 =	stileid.u32;
	s29 =	simm.s32 $0x3  }
0x5: {  	s28 =	simm.s32 $0x4;
	s3 =	sand.u32 $0x1, s3;
	s17 =	smul.u32 $0x14000, s11  }
0x6: {  	[smem:$0x7FF] =	sst s5;
	s7 =	sadd.s32 $0x34800, s0;
	s9 =	smul.u32 $0x50000, s11  }
0x7: {  	s10 =	sadd.s32 $0x2800, s0;
	s4 =	smul.u32 $0x140000, s3;
	s6 =	sshll.u32 s3, $0x4  }
0x8: {  	_ =	strace $0x8000004A;
	s18 =	ssub.s32 $0x2, s3;
	s3 =	smul.u32 $0x14000, s3  }
0x9: {  	s6 =	sor.u32 s11, s6;
	s8 =	sshrl.u32 s18, $0x1;
	s21 =	sshrl.u32 s9, $0x2  }
0xa: {  	s11 =	smul.u32 $0x1400, s11;
	s4 =	sadd.s32 s17, s4;
	s9 =	sadd.s32 s21, s2  }
0xb: {  	s6 =	smul.u32 $0x1400, s6;
	s25 =	sadd.s32 $0x2000, s9;
	[dreg:$0x6] =	wrdreg s9  }
0xc: {  	s19 =	ssub.s32 s18, s8;
	s30 =	sadd.s32 $0x3000, s9;
	[dreg:$0xb] =	wrdreg s25  }
0xd: {  	s15 =	sadd.s32 s3, s10;
	s31 =	sadd.s32 $0x4000, s9;
	[dreg:$0xc] =	wrdreg s30  }
0xe: {  	s3 =	sadd.s32 s3, s7;
	s1 =	sadd.s32 $0x5000, s9;
	[dreg:$0xd] =	wrdreg s31  }
0xf: {  	s4 =	sshrl.u32 s4, $0x3;
	s5 =	sadd.s32 $0x6000, s9;
	[dreg:$0xe] =	wrdreg s1  }
0x10: {  	s12 =	sadd.s32 $0x1000, s9;
	s8 =	sadd.s32 $0x8000, s9;
	[dreg:$0xf] =	wrdreg s5  }
0x11: {  	s13 =	sadd.s32 $0x9000, s9;
	s14 =	sadd.s32 $0xA000, s9;
	[dreg:$0x11] =	wrdreg s8  }
0x12: {  	s16 =	sadd.s32 $0xB000, s9;
	s3 =	sadd.s32 s11, s3;
	[dreg:$0x12] =	wrdreg s13  }
0x13: {  	s17 =	sadd.s32 $0xC000, s9;
	s21 =	sadd.s32 $0xE000, s9;
	[dreg:$0x13] =	wrdreg s14  }
0x14: {  	s0 =	sadd.s32 s4, s0;
	s20 =	sadd.s32 s7, s6;
	[dreg:$0x14] =	wrdreg s16  }
0x15: {  	s22 =	sor.u32 $0x100, s6;
	s6 =	sadd.s32 s10, s6;
	[dreg:$0x15] =	wrdreg s17  }
0x16: {  	s4 =	smax.u32 s19, $0x1;
	s5 =	sadd.s32 s11, s15;
	[dreg:$0x17] =	wrdreg s21  }
0x17: {  	s11 =	sadd.s32 $0x200, s3;
	s30 =	sadd.s32 $0x12000, s9;
	[dreg:$0xa] =	wrdreg s12  }
0x18: {  	s31 =	sadd.s32 $0x13000, s9;
	s13 =	simm.s32 $0x2000;
	[dreg:$0x4] =	wrdreg s20  }
0x19: {  	s8 =	simm.s32 $0x20;
	s14 =	simm.s32 $0x4000;
	[dreg:$0x5] =	wrdreg s6  }
0x1a: {  	s15 =	simm.s32 $0x6000;
	s16 =	simm.s32 $0x7000;
	[dreg:$0x9] =	wrdreg s4  }
0x1b: {  	s19 =	simm.s32 $0x9000;
	s3 =	simm.s32 $0x0;
	[dreg:$0x1b] =	wrdreg s30  }
0x1c: {  	s17 =	simm.s32 $0x3000;
	s23 =	sadd.s32 s7, s22;
	[dreg:$0x1c] =	wrdreg s31  }
0x1d: {  	s21 =	simm.s32 $0x5000;
	s24 =	sadd.s32 s10, s22;
	[dreg:$0x7] =	wrdreg s23  }
0x1e: {  	s6 =	sadd.s32 $0x7000, s9;
	s18 =	sadd.s32 $0x200, s5;
	[dreg:$0x8] =	wrdreg s24  }
0x1f: {  	s25 =	sadd.s32 $0x5C800, s0;
	s20 =	sadd.s32 $0xD000, s9;
	[dreg:$0x10] =	wrdreg s6  }
0x20: {  	s22 =	sadd.s32 $0xF000, s9;
	s5 =	simm.s32 $0xA;
	[dreg:$0x16] =	wrdreg s20  }
0x21: {  	s7 =	simm.s32 $0x5000;
	[dreg:$0x18] =	wrdreg s22;
	s23 =	sadd.s32 $0x10000, s9  }
0x22: {  	s24 =	sadd.s32 $0x11000, s9;
	s6 =	simm.s32 $0x3000;
	[dreg:$0x1e] =	wrdreg s18  }
0x23: {  	s20 =	simm.s32 $0x1;
	s22 =	simm.s32 $0x2;
	[dreg:$0x19] =	wrdreg s23  }
0x24: {  	v0 =	vimm.f32 $0.0e+00;
	s18 =	simm.s32 $0x7000;
	[dreg:$0x1a] =	wrdreg s24;
	s23 =	simm.s32 $0x8000  }
.LBB2_1:
0x25: {  	s0 =	simm.s32 $0x0;
	s30 =	rddreg [dreg:$0x4]  }
0x26: {  	[tilespmem:s0], [sflag:$0x9] =	stream.linear.gather [hbm4b:s30+s0], $0x800, $0x38;
	[tilespmem:$0x1E000] =	vst v63  }
0x27: {  	s31 =	rddreg [dreg:$0x5];
	s4 =	simm.s32 $0x1000  }
0x28: {  	[tilespmem:s4], [sflag:$0x9] =	stream.linear.gather [hbm4b:s31+s0], $0x800, $0x38;
	[tilespmem:$0x1E000] =	vst v63  }
0x29: {  	[dreg:$0x1d] =	wrdreg s3;
	s3 =	simm.s32 $0x200;
	s0 =	simm.s32 $0x0  }
.LBB2_2:
0x2a: {  	p0 =	sne.s32 s3, $0x3E00;
	[tilespmem:s0+$0x2070] =	vst v0  }
0x2b: {  	[tilespmem:s0+$0x2000] =	vst v0  }
0x2c: {  	[tilespmem:s0+$0x2010] =	vst v0  }
.Ltmp0:
0x2d: {  	[tilespmem:s0+$0x2020] =	vst v0;
	(pc) =	sbr.rel @p0 .LBB2_2-.Ltmp0, $4  }
0x2e: {  	[tilespmem:s0+$0x2030] =	vst v0  }
0x2f: {  	[tilespmem:s0+$0x2040] =	vst v0  }
0x30: {  	[tilespmem:s0+$0x2050] =	vst v0  }
0x31: {  	[tilespmem:s0+$0x2060] =	vst v0;
	s0 =	sshra.s32 s3, $0x2;
	s3 =	sadd.s32 $0x200, s3  }
0x32: {  	[tilespmem:s0+$0x2070] =	vst v0  }
0x33: {  	[tilespmem:s0+$0x2000] =	vst v0  }
0x34: {  	[tilespmem:s0+$0x2010] =	vst v0  }
0x35: {  	[tilespmem:s0+$0x2020] =	vst v0  }
0x36: {  	[tilespmem:s0+$0x2030] =	vst v0  }
0x37: {  	[tilespmem:s0+$0x2040] =	vst v0  }
0x38: {  	[tilespmem:s0+$0x2050] =	vst v0  }
0x39: {  	[tilespmem:s0+$0x2060] =	vst v0  }
0x3a: {  	[spmem:s9] =	stream.linear.scatter [tilespmem:s13], [sflag:$0xA], $0x1000, $0x38;
	[tilespmem:$0x1E000] =	vst v63  }
0x3b: {  	_ =	swait.ge [sflag:s5], $0x1000  }
0x3c: {  	[sflag:s5] =	ssyncset.done $0x0  }
0x3d: {  	[sflag:s5] =	ssyncadd.s32 $0xFFFFF000  }
0x3e: {  	[spmem:s12] =	stream.linear.scatter [tilespmem:s13], [sflag:$0xA], $0x1000, $0x38;
	[tilespmem:$0x1E000] =	vst v63  }
0x3f: {  	_ =	swait.ge [sflag:s5], $0x1000  }
0x40: {  	[sflag:s5] =	ssyncset.done $0x0  }
0x41: {  	s1 =	rddreg [dreg:$0xb];
	[sflag:s5] =	ssyncadd.s32 $0xFFFFF000  }
0x42: {  	[spmem:s1] =	stream.linear.scatter [tilespmem:s13], [sflag:$0xA], $0x1000, $0x38;
	[tilespmem:$0x1E000] =	vst v63  }
0x43: {  	_ =	swait.ge [sflag:s5], $0x1000  }
0x44: {  	[sflag:s5] =	ssyncset.done $0x0  }
0x45: {  	s3 =	rddreg [dreg:$0xc];
	[sflag:s5] =	ssyncadd.s32 $0xFFFFF000  }
0x46: {  	[spmem:s3] =	stream.linear.scatter [tilespmem:s13], [sflag:$0xA], $0x1000, $0x38;
	[tilespmem:$0x1E000] =	vst v63  }
0x47: {  	_ =	swait.ge [sflag:s5], $0x1000  }
0x48: {  	[sflag:s5] =	ssyncset.done $0x0  }
0x49: {  	s4 =	rddreg [dreg:$0xd];
	[sflag:s5] =	ssyncadd.s32 $0xFFFFF000  }
0x4a: {  	[spmem:s4] =	stream.linear.scatter [tilespmem:s13], [sflag:$0xA], $0x1000, $0x38;
	[tilespmem:$0x1E000] =	vst v63  }
0x4b: {  	_ =	swait.ge [sflag:s5], $0x1000  }
0x4c: {  	[sflag:s5] =	ssyncset.done $0x0  }
0x4d: {  	s9 =	rddreg [dreg:$0xe];
	[sflag:s5] =	ssyncadd.s32 $0xFFFFF000  }
0x4e: {  	[spmem:s9] =	stream.linear.scatter [tilespmem:s13], [sflag:$0xA], $0x1000, $0x38;
	[tilespmem:$0x1E000] =	vst v63  }
0x4f: {  	_ =	swait.ge [sflag:s5], $0x1000  }
0x50: {  	[sflag:s5] =	ssyncset.done $0x0  }
0x51: {  	s10 =	rddreg [dreg:$0xf];
	[sflag:s5] =	ssyncadd.s32 $0xFFFFF000  }
0x52: {  	[spmem:s10] =	stream.linear.scatter [tilespmem:s13], [sflag:$0xA], $0x1000, $0x38;
	[tilespmem:$0x1E000] =	vst v63  }
0x53: {  	_ =	swait.ge [sflag:s5], $0x1000  }
0x54: {  	[sflag:s5] =	ssyncset.done $0x0  }
0x55: {  	s12 =	rddreg [dreg:$0x10];
	[sflag:s5] =	ssyncadd.s32 $0xFFFFF000  }
0x56: {  	[spmem:s12] =	stream.linear.scatter [tilespmem:s13], [sflag:$0xA], $0x1000, $0x38;
	[tilespmem:$0x1E000] =	vst v63  }
0x57: {  	_ =	swait.ge [sflag:s5], $0x1000  }
0x58: {  	[sflag:s5] =	ssyncset.done $0x0  }
0x59: {  	s24 =	rddreg [dreg:$0x11];
	[sflag:s5] =	ssyncadd.s32 $0xFFFFF000  }
0x5a: {  	[spmem:s24] =	stream.linear.scatter [tilespmem:s13], [sflag:$0xA], $0x1000, $0x38;
	[tilespmem:$0x1E000] =	vst v63  }
0x5b: {  	_ =	swait.ge [sflag:s5], $0x1000  }
0x5c: {  	[sflag:s5] =	ssyncset.done $0x0  }
0x5d: {  	s1 =	rddreg [dreg:$0x12];
	[sflag:s5] =	ssyncadd.s32 $0xFFFFF000  }
0x5e: {  	[spmem:s1] =	stream.linear.scatter [tilespmem:s13], [sflag:$0xA], $0x1000, $0x38;
	[tilespmem:$0x1E000] =	vst v63  }
0x5f: {  	_ =	swait.ge [sflag:s5], $0x1000  }
0x60: {  	[sflag:s5] =	ssyncset.done $0x0  }
0x61: {  	s3 =	rddreg [dreg:$0x13];
	[sflag:s5] =	ssyncadd.s32 $0xFFFFF000  }
0x62: {  	[spmem:s3] =	stream.linear.scatter [tilespmem:s13], [sflag:$0xA], $0x1000, $0x38;
	[tilespmem:$0x1E000] =	vst v63  }
0x63: {  	_ =	swait.ge [sflag:s5], $0x1000  }
0x64: {  	[sflag:s5] =	ssyncset.done $0x0  }
0x65: {  	s4 =	rddreg [dreg:$0x14];
	[sflag:s5] =	ssyncadd.s32 $0xFFFFF000  }
0x66: {  	[spmem:s4] =	stream.linear.scatter [tilespmem:s13], [sflag:$0xA], $0x1000, $0x38;
	[tilespmem:$0x1E000] =	vst v63  }
0x67: {  	_ =	swait.ge [sflag:s5], $0x1000  }
0x68: {  	[sflag:s5] =	ssyncset.done $0x0  }
0x69: {  	s9 =	rddreg [dreg:$0x15];
	[sflag:s5] =	ssyncadd.s32 $0xFFFFF000  }
0x6a: {  	[spmem:s9] =	stream.linear.scatter [tilespmem:s13], [sflag:$0xA], $0x1000, $0x38;
	[tilespmem:$0x1E000] =	vst v63  }
0x6b: {  	_ =	swait.ge [sflag:s5], $0x1000  }
0x6c: {  	[sflag:s5] =	ssyncset.done $0x0  }
0x6d: {  	s10 =	rddreg [dreg:$0x16];
	[sflag:s5] =	ssyncadd.s32 $0xFFFFF000  }
0x6e: {  	[spmem:s10] =	stream.linear.scatter [tilespmem:s13], [sflag:$0xA], $0x1000, $0x38;
	[tilespmem:$0x1E000] =	vst v63  }
0x6f: {  	_ =	swait.ge [sflag:s5], $0x1000  }
0x70: {  	[sflag:s5] =	ssyncset.done $0x0  }
0x71: {  	s12 =	rddreg [dreg:$0x17];
	[sflag:s5] =	ssyncadd.s32 $0xFFFFF000  }
0x72: {  	[spmem:s12] =	stream.linear.scatter [tilespmem:s13], [sflag:$0xA], $0x1000, $0x38;
	[tilespmem:$0x1E000] =	vst v63  }
0x73: {  	_ =	swait.ge [sflag:s5], $0x1000  }
0x74: {  	[sflag:s5] =	ssyncset.done $0x0  }
0x75: {  	s24 =	rddreg [dreg:$0x18];
	[sflag:s5] =	ssyncadd.s32 $0xFFFFF000  }
0x76: {  	[spmem:s24] =	stream.linear.scatter [tilespmem:s13], [sflag:$0xA], $0x1000, $0x38;
	[tilespmem:$0x1E000] =	vst v63  }
0x77: {  	_ =	swait.ge [sflag:s5], $0x1000  }
0x78: {  	[sflag:s5] =	ssyncset.done $0x0  }
0x79: {  	s1 =	rddreg [dreg:$0x19];
	[sflag:s5] =	ssyncadd.s32 $0xFFFFF000  }
0x7a: {  	[spmem:s1] =	stream.linear.scatter [tilespmem:s13], [sflag:$0xA], $0x1000, $0x38;
	[tilespmem:$0x1E000] =	vst v63  }
0x7b: {  	_ =	swait.ge [sflag:s5], $0x1000  }
0x7c: {  	[sflag:s5] =	ssyncset.done $0x0  }
0x7d: {  	s3 =	rddreg [dreg:$0x1a];
	[sflag:s5] =	ssyncadd.s32 $0xFFFFF000  }
0x7e: {  	[spmem:s3] =	stream.linear.scatter [tilespmem:s13], [sflag:$0xA], $0x1000, $0x38;
	[tilespmem:$0x1E000] =	vst v63  }
0x7f: {  	_ =	swait.ge [sflag:s5], $0x1000  }
0x80: {  	[sflag:s5] =	ssyncset.done $0x0  }
0x81: {  	s4 =	rddreg [dreg:$0x1b];
	[sflag:s5] =	ssyncadd.s32 $0xFFFFF000  }
0x82: {  	[spmem:s4] =	stream.linear.scatter [tilespmem:s13], [sflag:$0xA], $0x1000, $0x38;
	[tilespmem:$0x1E000] =	vst v63  }
0x83: {  	_ =	swait.ge [sflag:s5], $0x1000  }
0x84: {  	[sflag:s5] =	ssyncset.done $0x0  }
0x85: {  	s9 =	rddreg [dreg:$0x1c];
	[sflag:s5] =	ssyncadd.s32 $0xFFFFF000  }
0x86: {  	[spmem:s9] =	stream.linear.scatter [tilespmem:s13], [sflag:$0xA], $0x1000, $0x38;
	[tilespmem:$0x1E000] =	vst v63  }
0x87: {  	_ =	swait.ge [sflag:s5], $0x1000  }
0x88: {  	[sflag:s5] =	ssyncset.done $0x0  }
0x89: {  	s10 =	simm.s32 $0x9;
	[sflag:s5] =	ssyncadd.s32 $0xFFFFF000  }
0x8a: {  	_ =	swait.ge [sflag:s10], $0x800  }
0x8b: {  	[sflag:s10] =	ssyncset.done $0x0  }
0x8c: {  	[sflag:s10] =	ssyncadd.s32 $0xFFFFF800  }
0x8d: {  	_ =	swait.ge [sflag:s10], $0x800  }
0x8e: {  	s30 =	simm.s32 $0x0;
	[sflag:s10] =	ssyncset.done $0x0  }
0x8f: {  	s3 =	simm.s32 $0x800;
	s12 =	rddreg [dreg:$0x7];
	[sflag:s10] =	ssyncadd.s32 $0xFFFFF800  }
0x90: {  	[tilespmem:s3], [sflag:$0x9] =	stream.linear.gather [hbm4b:s12+s30], $0x800, $0x38;
	[tilespmem:$0x1E000] =	vst v63  }
0x91: {  	s1 =	simm.s32 $0x1800;
	s24 =	rddreg [dreg:$0x8]  }
0x92: {  	[tilespmem:s1], [sflag:$0x9] =	stream.linear.gather [hbm4b:s24+s30], $0x800, $0x38;
	[tilespmem:$0x1E000] =	vst v63  }
0x93: {  	_ = 	snop  }
0x94: {  	[tilespmem:s13], [sflag:$0x1] =	stream.indirect.gather [hbm4b:s26+s8], $0x80, s30, s8, $0xb8;
	[tilespmem:$0x1E000] =	vst v63  }
0x95: {  	s4 =	simm.s32 $0x80  }
0x96: {  	[tilespmem:s6], [sflag:$0x2] =	stream.indirect.gather [hbm4b:s26+s8], $0x80, s4, s8, $0xb8;
	[tilespmem:$0x1E000] =	vst v63  }
0x97: {  	s6 =	simm.s32 $0x100  }
0x98: {  	[tilespmem:s14], [sflag:$0x3] =	stream.indirect.gather [hbm4b:s26+s8], $0x80, s6, s8, $0xb8;
	[tilespmem:$0x1E000] =	vst v63  }
0x99: {  	s9 =	simm.s32 $0x180  }
0x9a: {  	[tilespmem:s7], [sflag:$0x4] =	stream.indirect.gather [hbm4b:s26+s8], $0x80, s9, s8, $0xb8;
	[tilespmem:$0x1E000] =	vst v63  }
0x9b: {  	s10 =	simm.s32 $0x200  }
0x9c: {  	[tilespmem:s15], [sflag:$0x5] =	stream.indirect.gather [hbm4b:s26+s8], $0x80, s10, s8, $0xb8;
	[tilespmem:$0x1E000] =	vst v63  }
0x9d: {  	s12 =	simm.s32 $0x280  }
0x9e: {  	[tilespmem:s16], [sflag:$0x6] =	stream.indirect.gather [hbm4b:s26+s8], $0x80, s12, s8, $0xb8;
	[tilespmem:$0x1E000] =	vst v63  }
0x9f: {  	s16 =	simm.s32 $0x300  }
0xa0: {  	[tilespmem:s23], [sflag:$0x7] =	stream.indirect.gather [hbm4b:s26+s8], $0x80, s16, s8, $0xb8;
	[tilespmem:$0x1E000] =	vst v63  }
0xa1: {  	s24 =	simm.s32 $0x380  }
0xa2: {  	[tilespmem:s19], [sflag:$0x8] =	stream.indirect.gather [hbm4b:s26+s8], $0x80, s24, s8, $0xb8;
	[tilespmem:$0x1E000] =	vst v63  }
0xa3: {  	s31 =	simm.s32 $0x0;
	[bflag:$0x0] =	sbarrier.arrive $0xFFFF  }
.LBB2_4:
0xa4: {  	s24 =	sand.u32 $0x1, s31  }
0xa5: {  	_ =	swait.ge [sflag:s20], $0x1000;
	s0 =	sshll.u32 s24, $0xB  }
0xa6: {  	[sflag:s20] =	ssyncset.done $0x0;
	s1 =	sor.u32 $0x1000, s0  }
0xa7: {  	[sflag:s20] =	ssyncadd.s32 $0xFFFFF000;
	[dreg:$0x1f] =	wrdreg s1  }
0xa8: {  	[spmem:s2] =	stream.indirect.scatter.add.f32 [tilespmem:s13], [sflag:$0xA], $0x80, s1, s8, $0xb8;
	[tilespmem:$0x1E000] =	vst v63  }
0xa9: {  	_ =	swait.ge [sflag:s5], $0x1000  }
0xaa: {  	[sflag:s5] =	ssyncset.done $0x0  }
0xab: {  	s9 =	sor.u32 $0x400, s0;
	[sflag:s5] =	ssyncadd.s32 $0xFFFFF000  }
0xac: {  	[tilespmem:s13], [sflag:$0x1] =	stream.indirect.gather [hbm4b:s26+s8], $0x80, s9, s8, $0xb8;
	[tilespmem:$0x1E000] =	vst v63  }
0xad: {  	_ =	swait.ge [sflag:s22], $0x1000  }
0xae: {  	[sflag:s22] =	ssyncset.done $0x0  }
0xaf: {  	s4 =	sor.u32 $0x1080, s0;
	[sflag:s22] =	ssyncadd.s32 $0xFFFFF000  }
0xb0: {  	[spmem:s2] =	stream.indirect.scatter.add.f32 [tilespmem:s17], [sflag:$0xA], $0x80, s4, s8, $0xb8;
	[tilespmem:$0x1E000] =	vst v63  }
0xb1: {  	_ =	swait.ge [sflag:s5], $0x1000  }
0xb2: {  	[sflag:s5] =	ssyncset.done $0x0  }
0xb3: {  	s12 =	sor.u32 $0x480, s0;
	[sflag:s5] =	ssyncadd.s32 $0xFFFFF000  }
0xb4: {  	[tilespmem:s17], [sflag:$0x2] =	stream.indirect.gather [hbm4b:s26+s8], $0x80, s12, s8, $0xb8;
	[tilespmem:$0x1E000] =	vst v63  }
0xb5: {  	_ =	swait.ge [sflag:s29], $0x1000  }
0xb6: {  	[sflag:s29] =	ssyncset.done $0x0  }
0xb7: {  	s19 =	sor.u32 $0x1100, s0;
	[sflag:s29] =	ssyncadd.s32 $0xFFFFF000  }
0xb8: {  	[spmem:s2] =	stream.indirect.scatter.add.f32 [tilespmem:s14], [sflag:$0xA], $0x80, s19, s8, $0xb8;
	[tilespmem:$0x1E000] =	vst v63  }
0xb9: {  	_ =	swait.ge [sflag:s5], $0x1000  }
0xba: {  	[sflag:s5] =	ssyncset.done $0x0  }
0xbb: {  	s13 =	sor.u32 $0x500, s0;
	[sflag:s5] =	ssyncadd.s32 $0xFFFFF000  }
0xbc: {  	[tilespmem:s14], [sflag:$0x3] =	stream.indirect.gather [hbm4b:s26+s8], $0x80, s13, s8, $0xb8;
	[tilespmem:$0x1E000] =	vst v63  }
0xbd: {  	_ =	swait.ge [sflag:s28], $0x1000  }
0xbe: {  	[sflag:s28] =	ssyncset.done $0x0  }
0xbf: {  	s1 =	sor.u32 $0x1180, s0;
	[sflag:s28] =	ssyncadd.s32 $0xFFFFF000  }
0xc0: {  	[spmem:s2] =	stream.indirect.scatter.add.f32 [tilespmem:s21], [sflag:$0xA], $0x80, s1, s8, $0xb8;
	[tilespmem:$0x1E000] =	vst v63  }
0xc1: {  	_ =	swait.ge [sflag:s5], $0x1000  }
0xc2: {  	[sflag:s5] =	ssyncset.done $0x0  }
0xc3: {  	s3 =	simm.s32 $0x5;
	s10 =	sor.u32 $0x580, s0;
	[sflag:s5] =	ssyncadd.s32 $0xFFFFF000  }
0xc4: {  	[tilespmem:s21], [sflag:$0x4] =	stream.indirect.gather [hbm4b:s26+s8], $0x80, s10, s8, $0xb8;
	[tilespmem:$0x1E000] =	vst v63  }
0xc5: {  	_ =	swait.ge [sflag:s3], $0x1000  }
0xc6: {  	[sflag:s3] =	ssyncset.done $0x0  }
0xc7: {  	s6 =	sor.u32 $0x1200, s0;
	[sflag:s3] =	ssyncadd.s32 $0xFFFFF000  }
0xc8: {  	[spmem:s2] =	stream.indirect.scatter.add.f32 [tilespmem:s15], [sflag:$0xA], $0x80, s6, s8, $0xb8;
	[tilespmem:$0x1E000] =	vst v63  }
0xc9: {  	_ =	swait.ge [sflag:s5], $0x1000  }
0xca: {  	[sflag:s5] =	ssyncset.done $0x0  }
0xcb: {  	s29 =	sor.u32 $0x600, s0;
	s19 =	simm.s32 $0x6;
	[sflag:s5] =	ssyncadd.s32 $0xFFFFF000  }
0xcc: {  	[tilespmem:s15], [sflag:$0x5] =	stream.indirect.gather [hbm4b:s26+s8], $0x80, s29, s8, $0xb8;
	[tilespmem:$0x1E000] =	vst v63  }
0xcd: {  	_ =	swait.ge [sflag:s19], $0x1000  }
0xce: {  	[sflag:s19] =	ssyncset.done $0x0  }
0xcf: {  	s7 =	sor.u32 $0x1280, s0;
	[sflag:s19] =	ssyncadd.s32 $0xFFFFF000  }
0xd0: {  	[spmem:s2] =	stream.indirect.scatter.add.f32 [tilespmem:s18], [sflag:$0xA], $0x80, s7, s8, $0xb8;
	[tilespmem:$0x1E000] =	vst v63  }
0xd1: {  	_ =	swait.ge [sflag:s5], $0x1000  }
0xd2: {  	[sflag:s5] =	ssyncset.done $0x0  }
0xd3: {  	s14 =	simm.s32 $0x7;
	s6 =	sor.u32 $0x680, s0;
	[sflag:s5] =	ssyncadd.s32 $0xFFFFF000  }
0xd4: {  	[tilespmem:s18], [sflag:$0x6] =	stream.indirect.gather [hbm4b:s26+s8], $0x80, s6, s8, $0xb8;
	[tilespmem:$0x1E000] =	vst v63  }
0xd5: {  	_ =	swait.ge [sflag:s14], $0x1000  }
0xd6: {  	[sflag:s14] =	ssyncset.done $0x0  }
0xd7: {  	s15 =	sor.u32 $0x1300, s0;
	[sflag:s14] =	ssyncadd.s32 $0xFFFFF000  }
0xd8: {  	[spmem:s2] =	stream.indirect.scatter.add.f32 [tilespmem:s23], [sflag:$0xA], $0x80, s15, s8, $0xb8;
	[tilespmem:$0x1E000] =	vst v63  }
0xd9: {  	_ =	swait.ge [sflag:s5], $0x1000  }
0xda: {  	[sflag:s5] =	ssyncset.done $0x0  }
0xdb: {  	s1 =	simm.s32 $0x8;
	s7 =	sor.u32 $0x700, s0;
	[sflag:s5] =	ssyncadd.s32 $0xFFFFF000  }
0xdc: {  	[tilespmem:s23], [sflag:$0x7] =	stream.indirect.gather [hbm4b:s26+s8], $0x80, s7, s8, $0xb8;
	[tilespmem:$0x1E000] =	vst v63  }
0xdd: {  	_ =	swait.ge [sflag:s1], $0x1000  }
0xde: {  	[sflag:s1] =	ssyncset.done $0x0  }
0xdf: {  	s16 =	sor.u32 $0x1380, s0;
	s3 =	simm.s32 $0x9000;
	[sflag:s1] =	ssyncadd.s32 $0xFFFFF000  }
0xe0: {  	[spmem:s2] =	stream.indirect.scatter.add.f32 [tilespmem:s3], [sflag:$0xA], $0x80, s16, s8, $0xb8;
	[tilespmem:$0x1E000] =	vst v63  }
0xe1: {  	_ =	swait.ge [sflag:s5], $0x1000  }
0xe2: {  	[sflag:s5] =	ssyncset.done $0x0  }
0xe3: {  	s16 =	smov.u32 s11;
	s11 =	sor.u32 $0x780, s0;
	[sflag:s5] =	ssyncadd.s32 $0xFFFFF000  }
0xe4: {  	[tilespmem:s3], [sflag:$0x8] =	stream.indirect.gather [hbm4b:s26+s8], $0x80, s11, s8, $0xb8;
	[tilespmem:$0x1E000] =	vst v63  }
0xe5: {  	p0 =	seq.s32 s30, $0x1300;
	_ =	swait.ge [sflag:s20], $0x1000  }
0xe6: {  	s4 =	sor.u32 @p0 $0x1000, s9;
	[sflag:s20] =	ssyncset.done $0x0  }
0xe7: {  	s15 =	simm.s32 @p0 $0x20;
	s23 =	simm.s32 @p0 $0x2000;
	[sflag:s20] =	ssyncadd.s32 $0xFFFFF000  }
0xe8: {  	[spmem:s2] =	stream.indirect.scatter.add.f32 @p0 [tilespmem:s23], [sflag:$0xA], $0x80, s4, s15, $0xb8;
	[tilespmem:$0x1E000] =	vst v63  }
0xe9: {  	s4 =	simm.s32 @p0 $0xA  }
0xea: {  	_ =	swait.ge @p0 [sflag:s4], $0x1000  }
0xeb: {  	[sflag:s4] =	ssyncset.done @p0 $0x0  }
0xec: {  	s23 =	simm.s32 @!p0 $0x9;
	[sflag:s4] =	ssyncadd.s32 @p0 $0xFFFFF000  }
0xed: {  	_ =	swait.ge @!p0 [sflag:s23], $0x800  }
0xee: {  	[sflag:s23] =	ssyncset.done @!p0 $0x0  }
0xef: {  	[sflag:s23] =	ssyncadd.s32 @!p0 $0xFFFFF800  }
0xf0: {  	_ =	swait.ge @!p0 [sflag:s23], $0x800  }
0xf1: {  	s9 =	sor.u32 @!p0 $0x1000, s9;
	[sflag:s23] =	ssyncset.done @!p0 $0x0  }
0xf2: {  	s14 =	simm.s32 @!p0 $0x2000;
	[sflag:s23] =	ssyncadd.s32 @!p0 $0xFFFFF800;
	s23 =	simm.s32 @!p0 $0x20  }
0xf3: {  	[spmem:s2] =	stream.indirect.scatter.add.f32 @!p0 [tilespmem:s14], [sflag:$0xA], $0x80, s9, s23, $0xb8;
	[tilespmem:$0x1E000] =	vst v63  }
0xf4: {  	s9 =	simm.s32 @!p0 $0xA  }
0xf5: {  	_ =	swait.ge @!p0 [sflag:s9], $0x1000  }
0xf6: {  	s24 =	sxor.u32 $0x1, s24;
	[sflag:s9] =	ssyncset.done @!p0 $0x0  }
0xf7: {  	s24 =	sshll.u32 @!p0 s24, $0xB;
	[sflag:s9] =	ssyncadd.s32 @!p0 $0xFFFFF000  }
0xf8: {  	[tilespmem:s14], [sflag:$0x1] =	stream.indirect.gather @!p0 [hbm4b:s26+s23], $0x80, s24, s23, $0xb8;
	[tilespmem:$0x1E000] =	vst v63  }
0xf9: {  	_ =	swait.ge [sflag:s22], $0x1000  }
0xfa: {  	[sflag:s22] =	ssyncset.done $0x0  }
0xfb: {  	s12 =	sor.u32 $0x1000, s12;
	[sflag:s22] =	ssyncadd.s32 $0xFFFFF000  }
0xfc: {  	[spmem:s2] =	stream.indirect.scatter.add.f32 [tilespmem:s17], [sflag:$0xA], $0x80, s12, s8, $0xb8;
	[tilespmem:$0x1E000] =	vst v63  }
0xfd: {  	_ =	swait.ge [sflag:s5], $0x1000  }
0xfe: {  	[sflag:s5] =	ssyncset.done $0x0  }
0xff: {  	s12 =	simm.s32 @p0 $0x3;
	[sflag:s5] =	ssyncadd.s32 $0xFFFFF000  }
0x100: {  	_ =	swait.ge @p0 [sflag:s12], $0x1000  }
0x101: {  	[sflag:s12] =	ssyncset.done @p0 $0x0  }
0x102: {  	s14 =	simm.s32 @p0 $0x4000;
	[sflag:s12] =	ssyncadd.s32 @p0 $0xFFFFF000;
	s12 =	sor.u32 @p0 $0x1000, s13  }
0x103: {  	[spmem:s2] =	stream.indirect.scatter.add.f32 @p0 [tilespmem:s14], [sflag:$0xA], $0x80, s12, s15, $0xb8;
	[tilespmem:$0x1E000] =	vst v63  }
0x104: {  	_ =	swait.ge @p0 [sflag:s4], $0x1000  }
0x105: {  	[sflag:s4] =	ssyncset.done @p0 $0x0  }
0x106: {  	s12 =	sor.u32 @!p0 $0x80, s24;
	s14 =	simm.s32 @!p0 $0x3000;
	[sflag:s4] =	ssyncadd.s32 @p0 $0xFFFFF000  }
0x107: {  	[tilespmem:s14], [sflag:$0x2] =	stream.indirect.gather @!p0 [hbm4b:s26+s23], $0x80, s12, s23, $0xb8;
	[tilespmem:$0x1E000] =	vst v63  }
0x108: {  	s12 =	simm.s32 @!p0 $0x3  }
0x109: {  	_ =	swait.ge @!p0 [sflag:s12], $0x1000  }
0x10a: {  	[sflag:s12] =	ssyncset.done @!p0 $0x0  }
0x10b: {  	[sflag:s12] =	ssyncadd.s32 @!p0 $0xFFFFF000;
	s12 =	sor.u32 @!p0 $0x1000, s13;
	s13 =	simm.s32 @!p0 $0x4000  }
0x10c: {  	[spmem:s2] =	stream.indirect.scatter.add.f32 @!p0 [tilespmem:s13], [sflag:$0xA], $0x80, s12, s23, $0xb8;
	[tilespmem:$0x1E000] =	vst v63  }
0x10d: {  	_ =	swait.ge @!p0 [sflag:s9], $0x1000  }
0x10e: {  	[sflag:s9] =	ssyncset.done @!p0 $0x0  }
0x10f: {  	s12 =	sor.u32 @!p0 $0x100, s24;
	[sflag:s9] =	ssyncadd.s32 @!p0 $0xFFFFF000  }
0x110: {  	[tilespmem:s13], [sflag:$0x3] =	stream.indirect.gather @!p0 [hbm4b:s26+s23], $0x80, s12, s23, $0xb8;
	[tilespmem:$0x1E000] =	vst v63  }
0x111: {  	_ =	swait.ge [sflag:s28], $0x1000  }
0x112: {  	[sflag:s28] =	ssyncset.done $0x0  }
0x113: {  	s10 =	sor.u32 $0x1000, s10;
	[sflag:s28] =	ssyncadd.s32 $0xFFFFF000  }
0x114: {  	[spmem:s2] =	stream.indirect.scatter.add.f32 [tilespmem:s21], [sflag:$0xA], $0x80, s10, s8, $0xb8;
	[tilespmem:$0x1E000] =	vst v63  }
0x115: {  	_ =	swait.ge [sflag:s5], $0x1000  }
0x116: {  	[sflag:s5] =	ssyncset.done $0x0  }
0x117: {  	s10 =	simm.s32 @p0 $0x5;
	[sflag:s5] =	ssyncadd.s32 $0xFFFFF000  }
0x118: {  	_ =	swait.ge @p0 [sflag:s10], $0x1000  }
0x119: {  	[sflag:s10] =	ssyncset.done @p0 $0x0  }
0x11a: {  	s12 =	simm.s32 @p0 $0x6000;
	[sflag:s10] =	ssyncadd.s32 @p0 $0xFFFFF000;
	s10 =	sor.u32 @p0 $0x1000, s29  }
0x11b: {  	[spmem:s2] =	stream.indirect.scatter.add.f32 @p0 [tilespmem:s12], [sflag:$0xA], $0x80, s10, s15, $0xb8;
	[tilespmem:$0x1E000] =	vst v63  }
0x11c: {  	_ =	swait.ge @p0 [sflag:s4], $0x1000  }
0x11d: {  	[sflag:s4] =	ssyncset.done @p0 $0x0  }
0x11e: {  	s10 =	sor.u32 @!p0 $0x180, s24;
	s12 =	simm.s32 @!p0 $0x5000;
	[sflag:s4] =	ssyncadd.s32 @p0 $0xFFFFF000  }
0x11f: {  	[tilespmem:s12], [sflag:$0x4] =	stream.indirect.gather @!p0 [hbm4b:s26+s23], $0x80, s10, s23, $0xb8;
	[tilespmem:$0x1E000] =	vst v63  }
0x120: {  	s10 =	simm.s32 @!p0 $0x5  }
0x121: {  	_ =	swait.ge @!p0 [sflag:s10], $0x1000  }
0x122: {  	[sflag:s10] =	ssyncset.done @!p0 $0x0  }
0x123: {  	s12 =	simm.s32 @!p0 $0x6000;
	[sflag:s10] =	ssyncadd.s32 @!p0 $0xFFFFF000;
	s10 =	sor.u32 @!p0 $0x1000, s29  }
0x124: {  	[spmem:s2] =	stream.indirect.scatter.add.f32 @!p0 [tilespmem:s12], [sflag:$0xA], $0x80, s10, s23, $0xb8;
	[tilespmem:$0x1E000] =	vst v63  }
0x125: {  	_ =	swait.ge @!p0 [sflag:s9], $0x1000  }
0x126: {  	[sflag:s9] =	ssyncset.done @!p0 $0x0  }
0x127: {  	s10 =	sor.u32 @!p0 $0x200, s24;
	[sflag:s9] =	ssyncadd.s32 @!p0 $0xFFFFF000  }
0x128: {  	[tilespmem:s12], [sflag:$0x5] =	stream.indirect.gather @!p0 [hbm4b:s26+s23], $0x80, s10, s23, $0xb8;
	[tilespmem:$0x1E000] =	vst v63  }
0x129: {  	_ =	swait.ge [sflag:s19], $0x1000  }
0x12a: {  	[sflag:s19] =	ssyncset.done $0x0  }
0x12b: {  	s6 =	sor.u32 $0x1000, s6;
	[sflag:s19] =	ssyncadd.s32 $0xFFFFF000  }
0x12c: {  	[spmem:s2] =	stream.indirect.scatter.add.f32 [tilespmem:s18], [sflag:$0xA], $0x80, s6, s8, $0xb8;
	[tilespmem:$0x1E000] =	vst v63  }
0x12d: {  	_ =	swait.ge [sflag:s5], $0x1000  }
0x12e: {  	[sflag:s5] =	ssyncset.done $0x0  }
0x12f: {  	s6 =	simm.s32 @p0 $0x7;
	[sflag:s5] =	ssyncadd.s32 $0xFFFFF000  }
0x130: {  	_ =	swait.ge @p0 [sflag:s6], $0x1000  }
0x131: {  	[sflag:s6] =	ssyncset.done @p0 $0x0  }
0x132: {  	s10 =	simm.s32 @p0 $0x8000;
	[sflag:s6] =	ssyncadd.s32 @p0 $0xFFFFF000;
	s6 =	sor.u32 @p0 $0x1000, s7  }
0x133: {  	[spmem:s2] =	stream.indirect.scatter.add.f32 @p0 [tilespmem:s10], [sflag:$0xA], $0x80, s6, s15, $0xb8;
	[tilespmem:$0x1E000] =	vst v63  }
0x134: {  	s10 =	rddreg [dreg:$0x1e];
	_ =	swait.ge @p0 [sflag:s4], $0x1000  }
0x135: {  	[sflag:s4] =	ssyncset.done @p0 $0x0  }
0x136: {  	s6 =	simm.s32 @!p0 $0x7000;
	[sflag:s4] =	ssyncadd.s32 @p0 $0xFFFFF000;
	s4 =	sor.u32 @!p0 $0x280, s24  }
0x137: {  	[tilespmem:s6], [sflag:$0x6] =	stream.indirect.gather @!p0 [hbm4b:s26+s23], $0x80, s4, s23, $0xb8;
	[tilespmem:$0x1E000] =	vst v63  }
0x138: {  	s4 =	simm.s32 @!p0 $0x7  }
0x139: {  	_ =	swait.ge @!p0 [sflag:s4], $0x1000  }
0x13a: {  	[sflag:s4] =	ssyncset.done @!p0 $0x0  }
0x13b: {  	s6 =	simm.s32 @!p0 $0x8000;
	[sflag:s4] =	ssyncadd.s32 @!p0 $0xFFFFF000;
	s4 =	sor.u32 @!p0 $0x1000, s7  }
0x13c: {  	[spmem:s2] =	stream.indirect.scatter.add.f32 @!p0 [tilespmem:s6], [sflag:$0xA], $0x80, s4, s23, $0xb8;
	[tilespmem:$0x1E000] =	vst v63  }
0x13d: {  	_ =	swait.ge @!p0 [sflag:s9], $0x1000  }
0x13e: {  	[sflag:s9] =	ssyncset.done @!p0 $0x0  }
0x13f: {  	s4 =	sor.u32 @!p0 $0x300, s24;
	[sflag:s9] =	ssyncadd.s32 @!p0 $0xFFFFF000  }
0x140: {  	[tilespmem:s6], [sflag:$0x7] =	stream.indirect.gather @!p0 [hbm4b:s26+s23], $0x80, s4, s23, $0xb8;
	[tilespmem:$0x1E000] =	vst v63  }
0x141: {  	_ =	swait.ge [sflag:s1], $0x1000  }
0x142: {  	[sflag:s1] =	ssyncset.done $0x0  }
0x143: {  	s19 =	sor.u32 $0x1000, s11;
	[sflag:s1] =	ssyncadd.s32 $0xFFFFF000  }
0x144: {  	[spmem:s2] =	stream.indirect.scatter.add.f32 [tilespmem:s3], [sflag:$0xA], $0x80, s19, s8, $0xb8;
	[tilespmem:$0x1E000] =	vst v63  }
0x145: {  	p1 =	sgt.u32 @!p0 s31, $0x11;
	_ =	swait.ge [sflag:s5], $0x1000  }
0x146: {  	p1 =	por p1, p0;
	[sflag:s5] =	ssyncset.done $0x0  }
0x147: {  	s4 =	sor.u32 @!p0 $0x380, s24;
	s6 =	simm.s32 @!p0 $0x9000;
	[sflag:s5] =	ssyncadd.s32 $0xFFFFF000  }
0x148: {  	[tilespmem:s6], [sflag:$0x8] =	stream.indirect.gather @!p0 [hbm4b:s26+s23], $0x80, s4, s23, $0xb8;
	[tilespmem:$0x1E000] =	vst v63  }
0x149: {  	s4 =	sadd.s32 @!p1 s30, s16;
	s6 =	simm.s32 @!p1 $0x0  }
0x14a: {  	[tilespmem:s0], [sflag:$0x9] =	stream.linear.gather @!p1 [hbm4b:s4+s6], $0x800, $0x38;
	[tilespmem:$0x1E000] =	vst v63  }
0x14b: {  	s1 =	rddreg [dreg:$0x1f];
	s0 =	sadd.s32 @!p1 s30, s10;
	s30 =	sadd.s32 @!p0 $0x100, s30  }
0x14c: {  	[tilespmem:s1], [sflag:$0x9] =	stream.linear.gather @!p1 [hbm4b:s0+s6], $0x800, $0x38;
	[tilespmem:$0x1E000] =	vst v63  }
0x14d: {  	p1 =	sne.s32 @!p0 s30, $0x1400  }
0x14e: {  	p1 =	por p0, !p1  }
.Ltmp1:
0x14f: {  	_ = 	snop;
	(pc) =	sbr.rel @!p1 .LBB2_4-.Ltmp1, $4  }
0x150: {  	_ = 	snop  }
0x151: {  	s31 =	sadd.s32 @!p0 $0x1, s31  }
0x152: {  	s14 =	simm.s32 $0x4000;
	s13 =	simm.s32 $0x2000;
	s29 =	simm.s32 $0x3  }
0x153: {  	s11 =	smov.u32 s16;
	s15 =	simm.s32 $0x6000;
	s23 =	simm.s32 $0x8000  }
0x154: {  	[bflag:$0x0] =	sbarrier.arrive $0xFFFF;
	s0 =	stileid.u32  }
0x155: {  	s0 =	sshll.u32 s0, $0x6;
	s9 =	rddreg [dreg:$0x6]  }
0x156: {  	s3 =	sadd.s32 $0x0, s25;
	s0 =	sor.u32 $0x1C0A, s0;
	s4 =	sshrl.u32 s9, $0x3  }
0x157: {  	[hbm:s3], [sflag:s0] =	dma.local [spmem:s4], $0x200  }
0x158: {  	_ =	swait.ge [sflag:s5], $0x200  }
0x159: {  	s12 =	rddreg [dreg:$0xa]  }
0x15a: {  	s3 =	simm.s32 $0x200;
	s4 =	smov.u32 s12  }
.LBB2_6:
0x15b: {  	s6 =	sadd.s32 s3, s25;
	[sflag:s5] =	ssyncset.done $0x0;
	p0 =	sne.s32 s3, $0x2600  }
.Ltmp2:
0x15c: {  	s7 =	sshrl.u32 s4, $0x3;
	[sflag:s5] =	ssyncadd.s32 $0xFFFFFE00;
	(pc) =	sbr.rel @p0 .LBB2_6-.Ltmp2, $3  }
0x15d: {  	[hbm:s6], [sflag:s0] =	dma.local [spmem:s7], $0x200  }
0x15e: {  	s3 =	sadd.s32 $0x200, s3;
	_ =	sdelay $0x1  }
0x15f: {  	s4 =	sadd.s32 $0x1000, s4;
	_ =	swait.ge [sflag:s5], $0x200  }
0x160: {  	s3 =	rddreg [dreg:$0x1d]  }
0x161: {  	s0 =	rddreg [dreg:$0x9];
	s3 =	sadd.s32 $0x1, s3  }
0x162: {  	p0 =	sne.s32 s3, s0  }
.Ltmp3:
0x163: {  	_ = 	snop;
	(pc) =	sbr.rel @p0 .LBB2_1-.Ltmp3, $3  }
0x164: {  	_ =	sdelay $0x1  }
0x165: {  	[sflag:s5] =	ssyncset.done $0x0;
	s6 =	simm.s32 $0x3000;
	s7 =	simm.s32 $0x5000  }
0x166: {  	s16 =	simm.s32 $0x7000;
	s19 =	simm.s32 $0x9000;
	[sflag:s5] =	ssyncadd.s32 $0xFFFFFE00  }
0x167: {  	_ =	sfence.sel $0x180000  }
0x168: {  	[bflag:$0x0] =	sbarrier.arrive $0xFFFF  }
0x169: {  	_ =	strace $0x9000004A  }
0x16a: {  	s0 =	stileid.u32;
	[bflag:$0x2] =	sbarrier.arrive $0xFFFF  }
0x16b: {  	p0 =	sne.s32 s0, $0x0;
	s0 =	rddreg [dreg:$0x3]  }
0x16c: {  	s0 =	sadd.s32 @!p0 $0x100000, s0  }
0x16d: {  	[sflag:s0] =	ssyncadd.tile.s32 @!p0 $0x1;
	_ =	shalt  }
.Lfunc_end2:
_tile_overlayer_lowered:
.L_overlay_start_2:
0x16e: {  	(tag) =	ssettag $0x2  }
0x16f: {  	s0 =	rddreg [dreg:$0x0];
	s2 =	stileid.u32  }
0x170: {  	s1 =	rddreg [dreg:$0x1];
	p0 =	sne.s32 s2, $0x0  }
0x171: {  	s3 =	rddreg [dreg:$0x2];
	[bflag:$0x3] =	sbarrier.arrive $0xFFFF;
	s2 =	simm.s32 @!p0 $0x1C0A  }
0x172: {  	[timem:s3], [sflag:s2] =	dma.local @!p0 [hbm:s0], s1  }
0x173: {  	s0 =	simm.s32 @!p0 $0xA  }
0x174: {  	_ =	swait.ge @!p0 [sflag:s0], s1  }
0x175: {  	s1 =	ssub.s32 @!p0 $0x0, s1;
	[sflag:s0] =	ssyncset.done @!p0 $0x0  }
0x176: {  	[sflag:s0] =	ssyncadd.s32 @!p0 s1  }
0x177: {  	[bflag:$0x3] =	sbarrier.arrive $0xFFFF  }
0x178: {  	_ =	shalt  }

// kernel: kernel.14.cloned.1.call-start
scs
__scs_entry_jumppad:
0x0: {  	(pc) =	sbr.rel $0x88, $3  }
0x1: {  	(tag) =	ssettag $0x0;
	lr =	simm.s32 $0x1  }
0x2: {  	[smem:$0x3F96] =	sst lr;
	_ =	strace $0xD0000000  }
0x3: {  	_ = 	snop  }
0x4: {  	_ = 	snop  }
0x5: {  	_ = 	snop  }
0x6: {  	_ = 	snop  }
0x7: {  	_ = 	snop  }
__scs_overlays_trampoline_lowered:
0x8: {  	[smem:$0x3FA5] =	sst s0  }
0x9: {  	[smem:$0x3FA6] =	sst s1  }
0xa: {  	[smem:$0x3FA7] =	sst s2  }
0xb: {  	[smem:$0x3FA8] =	sst s3  }
0xc: {  	[smem:$0x3FA9] =	sst s4  }
0xd: {  	[smem:$0x3FAA] =	sst s5  }
0xe: {  	[smem:$0x3FAB] =	sst s6  }
0xf: {  	[smem:$0x3FAC] =	sst s7  }
0x10: {  	[smem:$0x3FAD] =	sst s8  }
0x11: {  	[smem:$0x3FAE] =	sst s9;
	s0 =	simm.s32 @!p0 $0x0  }
0x12: {  	s1 =	sld [smem:$0x3F94];
	s0 =	simm.s32 @p0 $0x1  }
0x13: {  	[smem:$0x3FAF] =	sst s0;
	s0 =	simm.s32 @!p1 $0x0  }
0x14: {  	s2 =	sld [smem:$0x3F93];
	s0 =	simm.s32 @p1 $0x1  }
0x15: {  	[smem:$0x3FB0] =	sst s0;
	s0 =	simm.s32 @!p2 $0x0  }
0x16: {  	s3 =	sld [smem:$0x3FDB];
	s0 =	simm.s32 @p2 $0x1  }
0x17: {  	s4 =	simm.s32 $0x1BF5;
	[smem:$0x3FB2] =	sst s0  }
0x18: {  	s0 =	sld [smem:$0x3F95];
	_ =	swait.ge [sflag:s4], $0x0  }
0x19: {  	s7 =	sld [smem:$0x3F96]  }
0x1a: {  	s8 =	sadd.s32 $0xFFFFE003, lr  }
0x1b: {  	s9 =	sadd.s32 $0xFFFFFEF7, lr;
	s5 =	simm.s32 $0xFFFFFFFF;
	p2 =	slt.u32 s8, $0xFFFFF086  }
0x1c: {  	p1 =	slt.u32 s9, $0xF7A;
	s5 =	simm.s32 @!p2 $0x0  }
0x1d: {  	s5 =	simm.s32 @p1 $0x1;
	p0 =	seq.s32 s7, s2  }
0x1e: {  	s7 =	smul.u32 @!p0 $0xF7A, s2;
	p2 =	seq.s32 @!p0 s5, $0x0  }
0x1f: {  	s9 =	smul.u32 $0xF7A, s1;
	s8 =	simm.s32 @!p0 $0x1BF5;
	p2 =	por !p2, p0  }
0x20: {  	[sflag:s8] =	ssyncset.s32 @!p0 $0xFFFFF086;
	s6 =	sadd.s32 @!p0 s3, s7;
	s7 =	simm.s32 @!p0 $0x108  }
0x21: {  	s3 =	sadd.s32 s3, s9;
	s6 =	sadd.s32 @!p0 $0x88, s6;
	s7 =	simm.s32 @p2 $0x1082  }
0x22: {  	[simem:s7], [sflag:s8] =	dma.local @!p0 [hbm:s6], $0xF7A  }
0x23: {  	s9 =	sor.u32 $0xD0000000, s2;
	s6 =	simm.s32 $0x108;
	_ =	swait.ge @!p0 [sflag:s8], $0x0  }
0x24: {  	s3 =	sadd.s32 $0x88, s3;
	s6 =	simm.s32 @!p1 $0x1082;
	[sflag:s4] =	ssyncset.s32 $0xFFFFF086  }
0x25: {  	[simem:s6], [sflag:s4] =	dma.local [hbm:s3], $0xF7A  }
0x26: {  	[smem:$0x3F96] =	sst s1;
	(tag) =	ssettag s2;
	_ =	strace s9  }
0x27: {  	s1 =	sld [smem:$0x3FA6]  }
0x28: {  	s2 =	sld [smem:$0x3FA7]  }
0x29: {  	s4 =	sld [smem:$0x3FA9]  }
0x2a: {  	p0 =	seq.s32 s5, $0x0;
	s5 =	sld [smem:$0x3FAA]  }
0x2b: {  	s6 =	sld [smem:$0x3FAB]  }
0x2c: {  	s7 =	sld [smem:$0x3FAC]  }
0x2d: {  	s3 =	simm.s32 $0x108;
	s8 =	sld [smem:$0x3FAD]  }
0x2e: {  	s3 =	simm.s32 @!p0 $0x1082;
	s9 =	sld [smem:$0x3FAE]  }
0x2f: {  	lr =	sadd.s32 s0, s3;
	s0 =	sld [smem:$0x3FA5]  }
0x30: {  	s3 =	sld [smem:$0x3FA8]  }
0x31: {  	[smem:$0x3FB1] =	sst s10  }
0x32: {  	s10 =	sld [smem:$0x3FAF];
	_ =	sdelay $0x3  }
0x33: {  	p0 =	seq.s32 s10, $0x1;
	s10 =	sld [smem:$0x3FB1];
	_ =	sdelay $0x3  }
0x34: {  	[smem:$0x3FB1] =	sst s10  }
0x35: {  	s10 =	sld [smem:$0x3FB0];
	_ =	sdelay $0x3  }
0x36: {  	p1 =	seq.s32 s10, $0x1;
	s10 =	sld [smem:$0x3FB1];
	_ =	sdelay $0x3  }
0x37: {  	[smem:$0x3FB1] =	sst s10  }
0x38: {  	s10 =	sld [smem:$0x3FB2]  }
0x39: {  	_ = 	snop;
	(pc) =	sbr.ind lr, $3  }
0x3a: {  	_ = 	snop  }
0x3b: {  	_ = 	snop  }
0x3c: {  	p2 =	seq.s32 s10, $0x1;
	s10 =	sld [smem:$0x3FB1]  }
0x3d: {  	_ =	shalt  }
0x3e: {  	_ =	shalt  }
0x3f: {  	_ =	shalt  }
0x40: {  	_ =	shalt  }
0x41: {  	_ =	shalt  }
0x42: {  	_ =	shalt  }
0x43: {  	_ =	shalt  }
0x44: {  	_ =	shalt  }
0x45: {  	_ =	shalt  }
0x46: {  	_ =	shalt  }
0x47: {  	_ =	shalt  }
0x48: {  	_ =	shalt  }
0x49: {  	_ =	shalt  }
0x4a: {  	_ =	shalt  }
0x4b: {  	_ =	shalt  }
0x4c: {  	_ =	shalt  }
0x4d: {  	_ =	shalt  }
0x4e: {  	_ =	shalt  }
0x4f: {  	_ =	shalt  }
0x50: {  	_ =	shalt  }
0x51: {  	_ =	shalt  }
0x52: {  	_ =	shalt  }
0x53: {  	_ =	shalt  }
0x54: {  	_ =	shalt  }
0x55: {  	_ =	shalt  }
0x56: {  	_ =	shalt  }
0x57: {  	_ =	shalt  }
0x58: {  	_ =	shalt  }
0x59: {  	_ =	shalt  }
0x5a: {  	_ =	shalt  }
0x5b: {  	_ =	shalt  }
0x5c: {  	_ =	shalt  }
0x5d: {  	_ =	shalt  }
0x5e: {  	_ =	shalt  }
0x5f: {  	_ =	shalt  }
0x60: {  	_ =	shalt  }
0x61: {  	_ =	shalt  }
0x62: {  	_ =	shalt  }
0x63: {  	_ =	shalt  }
0x64: {  	_ =	shalt  }
0x65: {  	_ =	shalt  }
0x66: {  	_ =	shalt  }
0x67: {  	_ =	shalt  }
0x68: {  	_ =	shalt  }
0x69: {  	_ =	shalt  }
0x6a: {  	_ =	shalt  }
0x6b: {  	_ =	shalt  }
0x6c: {  	_ =	shalt  }
0x6d: {  	_ =	shalt  }
0x6e: {  	_ =	shalt  }
0x6f: {  	_ =	shalt  }
0x70: {  	_ =	shalt  }
0x71: {  	_ =	shalt  }
0x72: {  	_ =	shalt  }
0x73: {  	_ =	shalt  }
0x74: {  	_ =	shalt  }
0x75: {  	_ =	shalt  }
0x76: {  	_ =	shalt  }
0x77: {  	_ =	shalt  }
0x78: {  	_ =	shalt  }
0x79: {  	_ =	shalt  }
0x7a: {  	_ =	shalt  }
0x7b: {  	_ =	shalt  }
0x7c: {  	_ =	shalt  }
0x7d: {  	_ =	shalt  }
0x7e: {  	_ =	shalt  }
0x7f: {  	_ =	shalt  }
0x80: {  	_ =	shalt  }
0x81: {  	_ =	shalt  }
0x82: {  	_ =	shalt  }
0x83: {  	_ =	shalt  }
0x84: {  	_ =	shalt  }
0x85: {  	_ =	shalt  }
0x86: {  	_ =	shalt  }
0x87: {  	_ =	shalt  }
.Lfunc_end0:
.L_simem_size_0:
called_computation.2_lowered:
.L_overlay_start_0:
0x88: {  	s2 =	sld [smem:$0x3FD9]  }
0x89: {  	s3 =	sld [smem:$0x3FFE];
	_ =	sdelay $0x1  }
0x8a: {  	s1 =	srdreg.scid  }
0x8b: {  	s0 =	sand.u32 $0x1, s1  }
0x8c: {  	s16 =	sshll.u32 s0, $0xA;
	s2 =	sadd.s32 s3, s2  }
0x8d: {  	s2 =	sadd.s32 s2, s16  }
0x8e: {  	[smem:$0x3FBD] =	sst s2  }
0x8f: {  	_ = 	snop  }
0x90: {  	(tm) =	ssettm $0x1  }
0x91: {  	s17 =	sld [smem:$0x3FFB];
	_ =	sdelay $0x3  }
0x92: {  	_ =	strace s17  }
0x93: {  	s2 =	sld [smem:$0x3FFC];
	_ =	sdelay $0x3  }
0x94: {  	_ =	strace s2  }
0x95: {  	s2 =	sld [smem:$0x3FFD];
	_ =	sdelay $0x3  }
0x96: {  	_ =	strace s2  }
0x97: {  	_ =	strace $0x8FFFFFFF  }
0x98: {  	s18 =	sld [smem:$0x3FDB];
	_ =	sdelay $0x1  }
0x99: {  	s19 =	simm.s32 $_scs_section_size  }
0x9a: {  	s4 =	simm.s32 $_size__tile_overlayer_lowered;
	s5 =	simm.s32 $_tile_overlayer_lowered  }
0x9b: {  	s22 =	simm.s32 $0x1BFF;
	s21 =	sshll.u32 s5, $0x1;
	s2 =	sadd.s32 s19, s18  }
0x9c: {  	s6 =	simm.s32 $0x0;
	s20 =	sshll.u32 s4, $0x1;
	s4 =	sadd.s32 s21, s2  }
0x9d: {  	[timem:s6], [sflag:s22] =	dma.local [hbm:s4], s20  }
0x9e: {  	_ =	swait.ge [sflag:s22], s20  }
0x9f: {  	s3 =	ssub.s32 $0x0, s20;
	[sflag:s22] =	ssyncset.done $0x0  }
0xa0: {  	[sflag:s22] =	ssyncadd.s32 s3;
	_ =	sdelay $0x1  }
0xa1: {  	s23 =	simm.s32 $0x1B8B  }
0xa2: {  	_ =	swait.ge [sflag:s23], $0x1  }
0xa3: {  	[sflag:s23] =	ssyncset.done $0x0  }
0xa4: {  	s25 =	simm.s32 $0x1B8E;
	s24 =	sld [smem:$0x3FFE];
	[sflag:s23] =	ssyncadd.s32 $0xFFFFFFFF  }
0xa5: {  	s26 =	simm.s32 $execute0_lowered;
	[smem:$0x3FD2] =	sst s25  }
0xa6: {  	s4 =	sshll.u32 s26, $0x1;
	_ =	strace $0x8000004C;
	[dreg:$0x1] =	wrdreg $0xFFFFFFFF  }
0xa7: {  	s28 =	simm.s32 $_size_execute0_lowered;
	s2 =	sadd.s32 s2, s4;
	[dreg:$0x0] =	wrdreg $0x0  }
0xa8: {  	s4 =	sshll.u32 s28, $0x1;
	[dreg:$0x2] =	wrdreg s2  }
0xa9: {  	[dreg:$0x3] =	wrdreg s4  }
0xaa: {  	[dreg:$0x4] =	wrdreg $0xC0  }
0xab: {  	_ =	task [dreg:s6], $0x5FFFF  }
0xac: {  	[dreg:$0x1] =	wrdreg $0xFFFFFFFF  }
0xad: {  	[dreg:$0x0] =	wrdreg $0x60  }
0xae: {  	[dreg:$0x2] =	wrdreg s24  }
0xaf: {  	[dreg:$0x3] =	wrdreg $0xA0000  }
0xb0: {  	[dreg:$0x4] =	wrdreg $0x9  }
0xb1: {  	_ =	task.clear_ibuf [dreg:s6], $0x5FFFF;
	_ =	strace $0x9000004C  }
0xb2: {  	s29 =	simm.s32 $0x9;
	_ =	strace $0x8000004E  }
0xb3: {  	_ =	swait.ge [sflag:s29], $0x1  }
0xb4: {  	[sflag:s29] =	ssyncadd.s32 $0xFFFFFFFF  }
0xb5: {  	_ =	strace $0x9000004E  }
0xb6: {  	_ =	sfence  }
0xb7: {  	s30 =	sld [smem:$0x0];
	_ =	sdelay $0x2  }
0xb8: {  	s31 =	sshll.u32 s1, $0xD;
	s1 =	sshrl.u32 s1, $0x2  }
0xb9: {  	s3 =	sand.u32 $0x4000, s31;
	s1 =	sadd.s32 s1, s30  }
0xba: {  	s0 =	sor.u32 s3, s0;
	s1 =	sshll.u32 s1, $0x11  }
0xbb: {  	s0 =	sor.u32 s1, s0  }
0xbc: {  	s0 =	sadd.s32 $0x8F2B, s0  }
0xbd: {  	[sflag:s0] =	ssyncadd.remote.s32 $0x1  }
0xbe: {  	_ =	sfence.sel $0xFFFF  }
0xbf: {  	[dreg:$0x0] =	wrdreg $0xFFFFFFFF;
	(pc) =	sbr.abs _section_cstart, $3  }
0xc0: {  	[dreg:$0x1] =	wrdreg $0xFFFFFFFF  }
0xc1: {  	_ =	task.clear_ibuf [dreg:s6], $0x2FFFF;
	_ =	strace $0x9FFFFFFF  }
0xc2: {  	(tm) =	ssettm $0x7FFFFFFF  }
0xc3: {  	_ =	shalt  }
tec
execute0_lowered:
.L_overlay_start_1:
0x0: {  	(tag) =	ssettag $0x1  }
0x1: {  	s0 =	rddreg [dreg:$0x0]  }
0x2: {  	s26 =	rddreg [dreg:$0x1];
	s3 =	simm.s32 $0x0;
	s2 =	srdreg.scid  }
0x3: {  	s11 =	stileid.u32;
	s29 =	simm.s32 $0x3;
	s28 =	simm.s32 $0x4  }
0x4: {  	[smem:$0x7FF] =	sst s3;
	s2 =	sand.u32 $0x1, s2;
	s5 =	smul.u32 $0x14000, s11  }
0x5: {  	s4 =	sadd.s32 $0x5C800, s0;
	s7 =	sadd.s32 $0x34800, s0;
	s9 =	smul.u32 $0x50000, s11  }
0x6: {  	s10 =	sadd.s32 $0x2800, s0;
	s17 =	smul.u32 $0x140000, s2;
	_ =	strace $0x8000004D  }
0x7: {  	s6 =	sshll.u32 s2, $0x4;
	s18 =	ssub.s32 $0x2, s2;
	s2 =	smul.u32 $0x14000, s2  }
0x8: {  	s6 =	sor.u32 s11, s6;
	s8 =	sshrl.u32 s18, $0x1;
	s21 =	sshrl.u32 s9, $0x2  }
0x9: {  	s11 =	smul.u32 $0x1400, s11;
	s3 =	sadd.s32 s5, s17;
	s9 =	sadd.s32 s21, s26  }
0xa: {  	s6 =	smul.u32 $0x1400, s6;
	s25 =	sadd.s32 $0x2000, s9;
	[dreg:$0x5] =	wrdreg s9  }
0xb: {  	s19 =	ssub.s32 s18, s8;
	s30 =	sadd.s32 $0x3000, s9;
	[dreg:$0xa] =	wrdreg s25  }
0xc: {  	s15 =	sadd.s32 s2, s10;
	s31 =	sadd.s32 $0x4000, s9;
	[dreg:$0xb] =	wrdreg s30  }
0xd: {  	s2 =	sadd.s32 s2, s7;
	s1 =	sadd.s32 $0x5000, s9;
	[dreg:$0xc] =	wrdreg s31  }
0xe: {  	s3 =	sshrl.u32 s3, $0x3;
	s5 =	sadd.s32 $0x6000, s9;
	[dreg:$0xd] =	wrdreg s1  }
0xf: {  	s12 =	sadd.s32 $0x1000, s9;
	s8 =	sadd.s32 $0x8000, s9;
	[dreg:$0xe] =	wrdreg s5  }
0x10: {  	s13 =	sadd.s32 $0x9000, s9;
	s14 =	sadd.s32 $0xA000, s9;
	[dreg:$0x10] =	wrdreg s8  }
0x11: {  	s16 =	sadd.s32 $0xB000, s9;
	s2 =	sadd.s32 s11, s2;
	[dreg:$0x11] =	wrdreg s13  }
0x12: {  	s17 =	sadd.s32 $0xC000, s9;
	s21 =	sadd.s32 $0xE000, s9;
	[dreg:$0x12] =	wrdreg s14  }
0x13: {  	s0 =	sadd.s32 s3, s0;
	s20 =	sadd.s32 s7, s6;
	[dreg:$0x13] =	wrdreg s16  }
0x14: {  	s22 =	sor.u32 $0x100, s6;
	s6 =	sadd.s32 s10, s6;
	[dreg:$0x14] =	wrdreg s17  }
0x15: {  	s3 =	smax.u32 s19, $0x1;
	s5 =	sadd.s32 s11, s15;
	[dreg:$0x16] =	wrdreg s21  }
0x16: {  	s11 =	sadd.s32 $0x200, s2;
	s30 =	sadd.s32 $0x12000, s9;
	[dreg:$0x9] =	wrdreg s12  }
0x17: {  	s31 =	sadd.s32 $0x13000, s9;
	s13 =	simm.s32 $0x2000;
	[dreg:$0x3] =	wrdreg s20  }
0x18: {  	s8 =	simm.s32 $0x20;
	s14 =	simm.s32 $0x4000;
	[dreg:$0x4] =	wrdreg s6  }
0x19: {  	s15 =	simm.s32 $0x6000;
	s16 =	simm.s32 $0x7000;
	[dreg:$0x8] =	wrdreg s3  }
0x1a: {  	s19 =	simm.s32 $0x9000;
	s2 =	simm.s32 $0x0;
	[dreg:$0x1a] =	wrdreg s30  }
0x1b: {  	s17 =	simm.s32 $0x3000;
	s23 =	sadd.s32 s7, s22;
	[dreg:$0x1b] =	wrdreg s31  }
0x1c: {  	s21 =	simm.s32 $0x5000;
	s24 =	sadd.s32 s10, s22;
	[dreg:$0x6] =	wrdreg s23  }
0x1d: {  	s6 =	sadd.s32 $0x7000, s9;
	s18 =	sadd.s32 $0x200, s5;
	[dreg:$0x7] =	wrdreg s24  }
0x1e: {  	s25 =	sadd.s32 $0x83A00, s0;
	s20 =	sadd.s32 $0xD000, s9;
	[dreg:$0xf] =	wrdreg s6  }
0x1f: {  	s22 =	sadd.s32 $0xF000, s9;
	s5 =	simm.s32 $0xA;
	[dreg:$0x15] =	wrdreg s20  }
0x20: {  	s7 =	simm.s32 $0x5000;
	[dreg:$0x17] =	wrdreg s22;
	s23 =	sadd.s32 $0x10000, s9  }
0x21: {  	s24 =	sadd.s32 $0x11000, s9;
	s6 =	simm.s32 $0x3000;
	[dreg:$0x1d] =	wrdreg s18  }
0x22: {  	s20 =	simm.s32 $0x1;
	s22 =	simm.s32 $0x2;
	[dreg:$0x18] =	wrdreg s23  }
0x23: {  	v0 =	vimm.f32 $0.0e+00;
	s18 =	simm.s32 $0x7000;
	[dreg:$0x19] =	wrdreg s24;
	s23 =	simm.s32 $0x8000  }
.LBB2_1:
0x24: {  	s0 =	simm.s32 $0x0;
	s30 =	rddreg [dreg:$0x3]  }
0x25: {  	[tilespmem:s0], [sflag:$0x9] =	stream.linear.gather [hbm4b:s30+s0], $0x800, $0x38;
	[tilespmem:$0x1E000] =	vst v63  }
0x26: {  	s31 =	rddreg [dreg:$0x4];
	s3 =	simm.s32 $0x1000  }
0x27: {  	[tilespmem:s3], [sflag:$0x9] =	stream.linear.gather [hbm4b:s31+s0], $0x800, $0x38;
	[tilespmem:$0x1E000] =	vst v63  }
0x28: {  	[dreg:$0x1c] =	wrdreg s2;
	s2 =	simm.s32 $0x200;
	s0 =	simm.s32 $0x0  }
.LBB2_2:
0x29: {  	p0 =	sne.s32 s2, $0x3E00;
	[tilespmem:s0+$0x2070] =	vst v0  }
0x2a: {  	[tilespmem:s0+$0x2000] =	vst v0  }
0x2b: {  	[tilespmem:s0+$0x2010] =	vst v0  }
.Ltmp0:
0x2c: {  	[tilespmem:s0+$0x2020] =	vst v0;
	(pc) =	sbr.rel @p0 .LBB2_2-.Ltmp0, $4  }
0x2d: {  	[tilespmem:s0+$0x2030] =	vst v0  }
0x2e: {  	[tilespmem:s0+$0x2040] =	vst v0  }
0x2f: {  	[tilespmem:s0+$0x2050] =	vst v0  }
0x30: {  	[tilespmem:s0+$0x2060] =	vst v0;
	s0 =	sshra.s32 s2, $0x2;
	s2 =	sadd.s32 $0x200, s2  }
0x31: {  	[tilespmem:s0+$0x2070] =	vst v0  }
0x32: {  	[tilespmem:s0+$0x2000] =	vst v0  }
0x33: {  	[tilespmem:s0+$0x2010] =	vst v0  }
0x34: {  	[tilespmem:s0+$0x2020] =	vst v0  }
0x35: {  	[tilespmem:s0+$0x2030] =	vst v0  }
0x36: {  	[tilespmem:s0+$0x2040] =	vst v0  }
0x37: {  	[tilespmem:s0+$0x2050] =	vst v0  }
0x38: {  	[tilespmem:s0+$0x2060] =	vst v0  }
0x39: {  	[spmem:s9] =	stream.linear.scatter [tilespmem:s13], [sflag:$0xA], $0x1000, $0x38;
	[tilespmem:$0x1E000] =	vst v63  }
0x3a: {  	_ =	swait.ge [sflag:s5], $0x1000  }
0x3b: {  	[sflag:s5] =	ssyncset.done $0x0  }
0x3c: {  	[sflag:s5] =	ssyncadd.s32 $0xFFFFF000  }
0x3d: {  	[spmem:s12] =	stream.linear.scatter [tilespmem:s13], [sflag:$0xA], $0x1000, $0x38;
	[tilespmem:$0x1E000] =	vst v63  }
0x3e: {  	_ =	swait.ge [sflag:s5], $0x1000  }
0x3f: {  	[sflag:s5] =	ssyncset.done $0x0  }
0x40: {  	s1 =	rddreg [dreg:$0xa];
	[sflag:s5] =	ssyncadd.s32 $0xFFFFF000  }
0x41: {  	[spmem:s1] =	stream.linear.scatter [tilespmem:s13], [sflag:$0xA], $0x1000, $0x38;
	[tilespmem:$0x1E000] =	vst v63  }
0x42: {  	_ =	swait.ge [sflag:s5], $0x1000  }
0x43: {  	[sflag:s5] =	ssyncset.done $0x0  }
0x44: {  	s2 =	rddreg [dreg:$0xb];
	[sflag:s5] =	ssyncadd.s32 $0xFFFFF000  }
0x45: {  	[spmem:s2] =	stream.linear.scatter [tilespmem:s13], [sflag:$0xA], $0x1000, $0x38;
	[tilespmem:$0x1E000] =	vst v63  }
0x46: {  	_ =	swait.ge [sflag:s5], $0x1000  }
0x47: {  	[sflag:s5] =	ssyncset.done $0x0  }
0x48: {  	s3 =	rddreg [dreg:$0xc];
	[sflag:s5] =	ssyncadd.s32 $0xFFFFF000  }
0x49: {  	[spmem:s3] =	stream.linear.scatter [tilespmem:s13], [sflag:$0xA], $0x1000, $0x38;
	[tilespmem:$0x1E000] =	vst v63  }
0x4a: {  	_ =	swait.ge [sflag:s5], $0x1000  }
0x4b: {  	[sflag:s5] =	ssyncset.done $0x0  }
0x4c: {  	s9 =	rddreg [dreg:$0xd];
	[sflag:s5] =	ssyncadd.s32 $0xFFFFF000  }
0x4d: {  	[spmem:s9] =	stream.linear.scatter [tilespmem:s13], [sflag:$0xA], $0x1000, $0x38;
	[tilespmem:$0x1E000] =	vst v63  }
0x4e: {  	_ =	swait.ge [sflag:s5], $0x1000  }
0x4f: {  	[sflag:s5] =	ssyncset.done $0x0  }
0x50: {  	s10 =	rddreg [dreg:$0xe];
	[sflag:s5] =	ssyncadd.s32 $0xFFFFF000  }
0x51: {  	[spmem:s10] =	stream.linear.scatter [tilespmem:s13], [sflag:$0xA], $0x1000, $0x38;
	[tilespmem:$0x1E000] =	vst v63  }
0x52: {  	_ =	swait.ge [sflag:s5], $0x1000  }
0x53: {  	[sflag:s5] =	ssyncset.done $0x0  }
0x54: {  	s12 =	rddreg [dreg:$0xf];
	[sflag:s5] =	ssyncadd.s32 $0xFFFFF000  }
0x55: {  	[spmem:s12] =	stream.linear.scatter [tilespmem:s13], [sflag:$0xA], $0x1000, $0x38;
	[tilespmem:$0x1E000] =	vst v63  }
0x56: {  	_ =	swait.ge [sflag:s5], $0x1000  }
0x57: {  	[sflag:s5] =	ssyncset.done $0x0  }
0x58: {  	s24 =	rddreg [dreg:$0x10];
	[sflag:s5] =	ssyncadd.s32 $0xFFFFF000  }
0x59: {  	[spmem:s24] =	stream.linear.scatter [tilespmem:s13], [sflag:$0xA], $0x1000, $0x38;
	[tilespmem:$0x1E000] =	vst v63  }
0x5a: {  	_ =	swait.ge [sflag:s5], $0x1000  }
0x5b: {  	[sflag:s5] =	ssyncset.done $0x0  }
0x5c: {  	s1 =	rddreg [dreg:$0x11];
	[sflag:s5] =	ssyncadd.s32 $0xFFFFF000  }
0x5d: {  	[spmem:s1] =	stream.linear.scatter [tilespmem:s13], [sflag:$0xA], $0x1000, $0x38;
	[tilespmem:$0x1E000] =	vst v63  }
0x5e: {  	_ =	swait.ge [sflag:s5], $0x1000  }
0x5f: {  	[sflag:s5] =	ssyncset.done $0x0  }
0x60: {  	s2 =	rddreg [dreg:$0x12];
	[sflag:s5] =	ssyncadd.s32 $0xFFFFF000  }
0x61: {  	[spmem:s2] =	stream.linear.scatter [tilespmem:s13], [sflag:$0xA], $0x1000, $0x38;
	[tilespmem:$0x1E000] =	vst v63  }
0x62: {  	_ =	swait.ge [sflag:s5], $0x1000  }
0x63: {  	[sflag:s5] =	ssyncset.done $0x0  }
0x64: {  	s3 =	rddreg [dreg:$0x13];
	[sflag:s5] =	ssyncadd.s32 $0xFFFFF000  }
0x65: {  	[spmem:s3] =	stream.linear.scatter [tilespmem:s13], [sflag:$0xA], $0x1000, $0x38;
	[tilespmem:$0x1E000] =	vst v63  }
0x66: {  	_ =	swait.ge [sflag:s5], $0x1000  }
0x67: {  	[sflag:s5] =	ssyncset.done $0x0  }
0x68: {  	s9 =	rddreg [dreg:$0x14];
	[sflag:s5] =	ssyncadd.s32 $0xFFFFF000  }
0x69: {  	[spmem:s9] =	stream.linear.scatter [tilespmem:s13], [sflag:$0xA], $0x1000, $0x38;
	[tilespmem:$0x1E000] =	vst v63  }
0x6a: {  	_ =	swait.ge [sflag:s5], $0x1000  }
0x6b: {  	[sflag:s5] =	ssyncset.done $0x0  }
0x6c: {  	s10 =	rddreg [dreg:$0x15];
	[sflag:s5] =	ssyncadd.s32 $0xFFFFF000  }
0x6d: {  	[spmem:s10] =	stream.linear.scatter [tilespmem:s13], [sflag:$0xA], $0x1000, $0x38;
	[tilespmem:$0x1E000] =	vst v63  }
0x6e: {  	_ =	swait.ge [sflag:s5], $0x1000  }
0x6f: {  	[sflag:s5] =	ssyncset.done $0x0  }
0x70: {  	s12 =	rddreg [dreg:$0x16];
	[sflag:s5] =	ssyncadd.s32 $0xFFFFF000  }
0x71: {  	[spmem:s12] =	stream.linear.scatter [tilespmem:s13], [sflag:$0xA], $0x1000, $0x38;
	[tilespmem:$0x1E000] =	vst v63  }
0x72: {  	_ =	swait.ge [sflag:s5], $0x1000  }
0x73: {  	[sflag:s5] =	ssyncset.done $0x0  }
0x74: {  	s24 =	rddreg [dreg:$0x17];
	[sflag:s5] =	ssyncadd.s32 $0xFFFFF000  }
0x75: {  	[spmem:s24] =	stream.linear.scatter [tilespmem:s13], [sflag:$0xA], $0x1000, $0x38;
	[tilespmem:$0x1E000] =	vst v63  }
0x76: {  	_ =	swait.ge [sflag:s5], $0x1000  }
0x77: {  	[sflag:s5] =	ssyncset.done $0x0  }
0x78: {  	s1 =	rddreg [dreg:$0x18];
	[sflag:s5] =	ssyncadd.s32 $0xFFFFF000  }
0x79: {  	[spmem:s1] =	stream.linear.scatter [tilespmem:s13], [sflag:$0xA], $0x1000, $0x38;
	[tilespmem:$0x1E000] =	vst v63  }
0x7a: {  	_ =	swait.ge [sflag:s5], $0x1000  }
0x7b: {  	[sflag:s5] =	ssyncset.done $0x0  }
0x7c: {  	s2 =	rddreg [dreg:$0x19];
	[sflag:s5] =	ssyncadd.s32 $0xFFFFF000  }
0x7d: {  	[spmem:s2] =	stream.linear.scatter [tilespmem:s13], [sflag:$0xA], $0x1000, $0x38;
	[tilespmem:$0x1E000] =	vst v63  }
0x7e: {  	_ =	swait.ge [sflag:s5], $0x1000  }
0x7f: {  	[sflag:s5] =	ssyncset.done $0x0  }
0x80: {  	s3 =	rddreg [dreg:$0x1a];
	[sflag:s5] =	ssyncadd.s32 $0xFFFFF000  }
0x81: {  	[spmem:s3] =	stream.linear.scatter [tilespmem:s13], [sflag:$0xA], $0x1000, $0x38;
	[tilespmem:$0x1E000] =	vst v63  }
0x82: {  	_ =	swait.ge [sflag:s5], $0x1000  }
0x83: {  	[sflag:s5] =	ssyncset.done $0x0  }
0x84: {  	s9 =	rddreg [dreg:$0x1b];
	[sflag:s5] =	ssyncadd.s32 $0xFFFFF000  }
0x85: {  	[spmem:s9] =	stream.linear.scatter [tilespmem:s13], [sflag:$0xA], $0x1000, $0x38;
	[tilespmem:$0x1E000] =	vst v63  }
0x86: {  	_ =	swait.ge [sflag:s5], $0x1000  }
0x87: {  	[sflag:s5] =	ssyncset.done $0x0  }
0x88: {  	s10 =	simm.s32 $0x9;
	[sflag:s5] =	ssyncadd.s32 $0xFFFFF000  }
0x89: {  	_ =	swait.ge [sflag:s10], $0x800  }
0x8a: {  	[sflag:s10] =	ssyncset.done $0x0  }
0x8b: {  	[sflag:s10] =	ssyncadd.s32 $0xFFFFF800  }
0x8c: {  	_ =	swait.ge [sflag:s10], $0x800  }
0x8d: {  	s30 =	simm.s32 $0x0;
	[sflag:s10] =	ssyncset.done $0x0  }
0x8e: {  	s2 =	simm.s32 $0x800;
	s12 =	rddreg [dreg:$0x6];
	[sflag:s10] =	ssyncadd.s32 $0xFFFFF800  }
0x8f: {  	[tilespmem:s2], [sflag:$0x9] =	stream.linear.gather [hbm4b:s12+s30], $0x800, $0x38;
	[tilespmem:$0x1E000] =	vst v63  }
0x90: {  	s1 =	simm.s32 $0x1800;
	s24 =	rddreg [dreg:$0x7]  }
0x91: {  	[tilespmem:s1], [sflag:$0x9] =	stream.linear.gather [hbm4b:s24+s30], $0x800, $0x38;
	[tilespmem:$0x1E000] =	vst v63  }
0x92: {  	_ = 	snop  }
0x93: {  	[tilespmem:s13], [sflag:$0x1] =	stream.indirect.gather [hbm4b:s4+s8], $0x80, s30, s8, $0xb8;
	[tilespmem:$0x1E000] =	vst v63  }
0x94: {  	s3 =	simm.s32 $0x80  }
0x95: {  	[tilespmem:s6], [sflag:$0x2] =	stream.indirect.gather [hbm4b:s4+s8], $0x80, s3, s8, $0xb8;
	[tilespmem:$0x1E000] =	vst v63  }
0x96: {  	s6 =	simm.s32 $0x100  }
0x97: {  	[tilespmem:s14], [sflag:$0x3] =	stream.indirect.gather [hbm4b:s4+s8], $0x80, s6, s8, $0xb8;
	[tilespmem:$0x1E000] =	vst v63  }
0x98: {  	s9 =	simm.s32 $0x180  }
0x99: {  	[tilespmem:s7], [sflag:$0x4] =	stream.indirect.gather [hbm4b:s4+s8], $0x80, s9, s8, $0xb8;
	[tilespmem:$0x1E000] =	vst v63  }
0x9a: {  	s10 =	simm.s32 $0x200  }
0x9b: {  	[tilespmem:s15], [sflag:$0x5] =	stream.indirect.gather [hbm4b:s4+s8], $0x80, s10, s8, $0xb8;
	[tilespmem:$0x1E000] =	vst v63  }
0x9c: {  	s12 =	simm.s32 $0x280  }
0x9d: {  	[tilespmem:s16], [sflag:$0x6] =	stream.indirect.gather [hbm4b:s4+s8], $0x80, s12, s8, $0xb8;
	[tilespmem:$0x1E000] =	vst v63  }
0x9e: {  	s16 =	simm.s32 $0x300  }
0x9f: {  	[tilespmem:s23], [sflag:$0x7] =	stream.indirect.gather [hbm4b:s4+s8], $0x80, s16, s8, $0xb8;
	[tilespmem:$0x1E000] =	vst v63  }
0xa0: {  	s24 =	simm.s32 $0x380  }
0xa1: {  	[tilespmem:s19], [sflag:$0x8] =	stream.indirect.gather [hbm4b:s4+s8], $0x80, s24, s8, $0xb8;
	[tilespmem:$0x1E000] =	vst v63  }
0xa2: {  	s31 =	simm.s32 $0x0;
	[bflag:$0x0] =	sbarrier.arrive $0xFFFF  }
.LBB2_4:
0xa3: {  	s24 =	sand.u32 $0x1, s31  }
0xa4: {  	_ =	swait.ge [sflag:s20], $0x1000;
	s0 =	sshll.u32 s24, $0xB  }
0xa5: {  	[sflag:s20] =	ssyncset.done $0x0;
	s1 =	sor.u32 $0x1000, s0  }
0xa6: {  	[sflag:s20] =	ssyncadd.s32 $0xFFFFF000;
	[dreg:$0x1e] =	wrdreg s1  }
0xa7: {  	[spmem:s26] =	stream.indirect.scatter.add.f32 [tilespmem:s13], [sflag:$0xA], $0x80, s1, s8, $0xb8;
	[tilespmem:$0x1E000] =	vst v63  }
0xa8: {  	_ =	swait.ge [sflag:s5], $0x1000  }
0xa9: {  	[sflag:s5] =	ssyncset.done $0x0  }
0xaa: {  	s9 =	sor.u32 $0x400, s0;
	[sflag:s5] =	ssyncadd.s32 $0xFFFFF000  }
0xab: {  	[tilespmem:s13], [sflag:$0x1] =	stream.indirect.gather [hbm4b:s4+s8], $0x80, s9, s8, $0xb8;
	[tilespmem:$0x1E000] =	vst v63  }
0xac: {  	_ =	swait.ge [sflag:s22], $0x1000  }
0xad: {  	[sflag:s22] =	ssyncset.done $0x0  }
0xae: {  	s3 =	sor.u32 $0x1080, s0;
	[sflag:s22] =	ssyncadd.s32 $0xFFFFF000  }
0xaf: {  	[spmem:s26] =	stream.indirect.scatter.add.f32 [tilespmem:s17], [sflag:$0xA], $0x80, s3, s8, $0xb8;
	[tilespmem:$0x1E000] =	vst v63  }
0xb0: {  	_ =	swait.ge [sflag:s5], $0x1000  }
0xb1: {  	[sflag:s5] =	ssyncset.done $0x0  }
0xb2: {  	s12 =	sor.u32 $0x480, s0;
	[sflag:s5] =	ssyncadd.s32 $0xFFFFF000  }
0xb3: {  	[tilespmem:s17], [sflag:$0x2] =	stream.indirect.gather [hbm4b:s4+s8], $0x80, s12, s8, $0xb8;
	[tilespmem:$0x1E000] =	vst v63  }
0xb4: {  	_ =	swait.ge [sflag:s29], $0x1000  }
0xb5: {  	[sflag:s29] =	ssyncset.done $0x0  }
0xb6: {  	s19 =	sor.u32 $0x1100, s0;
	[sflag:s29] =	ssyncadd.s32 $0xFFFFF000  }
0xb7: {  	[spmem:s26] =	stream.indirect.scatter.add.f32 [tilespmem:s14], [sflag:$0xA], $0x80, s19, s8, $0xb8;
	[tilespmem:$0x1E000] =	vst v63  }
0xb8: {  	_ =	swait.ge [sflag:s5], $0x1000  }
0xb9: {  	[sflag:s5] =	ssyncset.done $0x0  }
0xba: {  	s13 =	sor.u32 $0x500, s0;
	[sflag:s5] =	ssyncadd.s32 $0xFFFFF000  }
0xbb: {  	[tilespmem:s14], [sflag:$0x3] =	stream.indirect.gather [hbm4b:s4+s8], $0x80, s13, s8, $0xb8;
	[tilespmem:$0x1E000] =	vst v63  }
0xbc: {  	_ =	swait.ge [sflag:s28], $0x1000  }
0xbd: {  	[sflag:s28] =	ssyncset.done $0x0  }
0xbe: {  	s1 =	sor.u32 $0x1180, s0;
	[sflag:s28] =	ssyncadd.s32 $0xFFFFF000  }
0xbf: {  	[spmem:s26] =	stream.indirect.scatter.add.f32 [tilespmem:s21], [sflag:$0xA], $0x80, s1, s8, $0xb8;
	[tilespmem:$0x1E000] =	vst v63  }
0xc0: {  	_ =	swait.ge [sflag:s5], $0x1000  }
0xc1: {  	[sflag:s5] =	ssyncset.done $0x0  }
0xc2: {  	s2 =	simm.s32 $0x5;
	s10 =	sor.u32 $0x580, s0;
	[sflag:s5] =	ssyncadd.s32 $0xFFFFF000  }
0xc3: {  	[tilespmem:s21], [sflag:$0x4] =	stream.indirect.gather [hbm4b:s4+s8], $0x80, s10, s8, $0xb8;
	[tilespmem:$0x1E000] =	vst v63  }
0xc4: {  	_ =	swait.ge [sflag:s2], $0x1000  }
0xc5: {  	[sflag:s2] =	ssyncset.done $0x0  }
0xc6: {  	s6 =	sor.u32 $0x1200, s0;
	[sflag:s2] =	ssyncadd.s32 $0xFFFFF000  }
0xc7: {  	[spmem:s26] =	stream.indirect.scatter.add.f32 [tilespmem:s15], [sflag:$0xA], $0x80, s6, s8, $0xb8;
	[tilespmem:$0x1E000] =	vst v63  }
0xc8: {  	_ =	swait.ge [sflag:s5], $0x1000  }
0xc9: {  	[sflag:s5] =	ssyncset.done $0x0  }
0xca: {  	s29 =	sor.u32 $0x600, s0;
	s19 =	simm.s32 $0x6;
	[sflag:s5] =	ssyncadd.s32 $0xFFFFF000  }
0xcb: {  	[tilespmem:s15], [sflag:$0x5] =	stream.indirect.gather [hbm4b:s4+s8], $0x80, s29, s8, $0xb8;
	[tilespmem:$0x1E000] =	vst v63  }
0xcc: {  	_ =	swait.ge [sflag:s19], $0x1000  }
0xcd: {  	[sflag:s19] =	ssyncset.done $0x0  }
0xce: {  	s7 =	sor.u32 $0x1280, s0;
	[sflag:s19] =	ssyncadd.s32 $0xFFFFF000  }
0xcf: {  	[spmem:s26] =	stream.indirect.scatter.add.f32 [tilespmem:s18], [sflag:$0xA], $0x80, s7, s8, $0xb8;
	[tilespmem:$0x1E000] =	vst v63  }
0xd0: {  	_ =	swait.ge [sflag:s5], $0x1000  }
0xd1: {  	[sflag:s5] =	ssyncset.done $0x0  }
0xd2: {  	s14 =	simm.s32 $0x7;
	s6 =	sor.u32 $0x680, s0;
	[sflag:s5] =	ssyncadd.s32 $0xFFFFF000  }
0xd3: {  	[tilespmem:s18], [sflag:$0x6] =	stream.indirect.gather [hbm4b:s4+s8], $0x80, s6, s8, $0xb8;
	[tilespmem:$0x1E000] =	vst v63  }
0xd4: {  	_ =	swait.ge [sflag:s14], $0x1000  }
0xd5: {  	[sflag:s14] =	ssyncset.done $0x0  }
0xd6: {  	s15 =	sor.u32 $0x1300, s0;
	[sflag:s14] =	ssyncadd.s32 $0xFFFFF000  }
0xd7: {  	[spmem:s26] =	stream.indirect.scatter.add.f32 [tilespmem:s23], [sflag:$0xA], $0x80, s15, s8, $0xb8;
	[tilespmem:$0x1E000] =	vst v63  }
0xd8: {  	_ =	swait.ge [sflag:s5], $0x1000  }
0xd9: {  	[sflag:s5] =	ssyncset.done $0x0  }
0xda: {  	s1 =	simm.s32 $0x8;
	s7 =	sor.u32 $0x700, s0;
	[sflag:s5] =	ssyncadd.s32 $0xFFFFF000  }
0xdb: {  	[tilespmem:s23], [sflag:$0x7] =	stream.indirect.gather [hbm4b:s4+s8], $0x80, s7, s8, $0xb8;
	[tilespmem:$0x1E000] =	vst v63  }
0xdc: {  	_ =	swait.ge [sflag:s1], $0x1000  }
0xdd: {  	[sflag:s1] =	ssyncset.done $0x0  }
0xde: {  	s16 =	sor.u32 $0x1380, s0;
	s2 =	simm.s32 $0x9000;
	[sflag:s1] =	ssyncadd.s32 $0xFFFFF000  }
0xdf: {  	[spmem:s26] =	stream.indirect.scatter.add.f32 [tilespmem:s2], [sflag:$0xA], $0x80, s16, s8, $0xb8;
	[tilespmem:$0x1E000] =	vst v63  }
0xe0: {  	_ =	swait.ge [sflag:s5], $0x1000  }
0xe1: {  	[sflag:s5] =	ssyncset.done $0x0  }
0xe2: {  	s16 =	smov.u32 s11;
	s11 =	sor.u32 $0x780, s0;
	[sflag:s5] =	ssyncadd.s32 $0xFFFFF000  }
0xe3: {  	[tilespmem:s2], [sflag:$0x8] =	stream.indirect.gather [hbm4b:s4+s8], $0x80, s11, s8, $0xb8;
	[tilespmem:$0x1E000] =	vst v63  }
0xe4: {  	p0 =	seq.s32 s30, $0x1300;
	_ =	swait.ge [sflag:s20], $0x1000  }
0xe5: {  	s3 =	sor.u32 @p0 $0x1000, s9;
	[sflag:s20] =	ssyncset.done $0x0  }
0xe6: {  	s15 =	simm.s32 @p0 $0x20;
	s23 =	simm.s32 @p0 $0x2000;
	[sflag:s20] =	ssyncadd.s32 $0xFFFFF000  }
0xe7: {  	[spmem:s26] =	stream.indirect.scatter.add.f32 @p0 [tilespmem:s23], [sflag:$0xA], $0x80, s3, s15, $0xb8;
	[tilespmem:$0x1E000] =	vst v63  }
0xe8: {  	s3 =	simm.s32 @p0 $0xA  }
0xe9: {  	_ =	swait.ge @p0 [sflag:s3], $0x1000  }
0xea: {  	[sflag:s3] =	ssyncset.done @p0 $0x0  }
0xeb: {  	s23 =	simm.s32 @!p0 $0x9;
	[sflag:s3] =	ssyncadd.s32 @p0 $0xFFFFF000  }
0xec: {  	_ =	swait.ge @!p0 [sflag:s23], $0x800  }
0xed: {  	[sflag:s23] =	ssyncset.done @!p0 $0x0  }
0xee: {  	[sflag:s23] =	ssyncadd.s32 @!p0 $0xFFFFF800  }
0xef: {  	_ =	swait.ge @!p0 [sflag:s23], $0x800  }
0xf0: {  	s9 =	sor.u32 @!p0 $0x1000, s9;
	[sflag:s23] =	ssyncset.done @!p0 $0x0  }
0xf1: {  	s14 =	simm.s32 @!p0 $0x2000;
	[sflag:s23] =	ssyncadd.s32 @!p0 $0xFFFFF800;
	s23 =	simm.s32 @!p0 $0x20  }
0xf2: {  	[spmem:s26] =	stream.indirect.scatter.add.f32 @!p0 [tilespmem:s14], [sflag:$0xA], $0x80, s9, s23, $0xb8;
	[tilespmem:$0x1E000] =	vst v63  }
0xf3: {  	s9 =	simm.s32 @!p0 $0xA  }
0xf4: {  	_ =	swait.ge @!p0 [sflag:s9], $0x1000  }
0xf5: {  	s24 =	sxor.u32 $0x1, s24;
	[sflag:s9] =	ssyncset.done @!p0 $0x0  }
0xf6: {  	s24 =	sshll.u32 @!p0 s24, $0xB;
	[sflag:s9] =	ssyncadd.s32 @!p0 $0xFFFFF000  }
0xf7: {  	[tilespmem:s14], [sflag:$0x1] =	stream.indirect.gather @!p0 [hbm4b:s4+s23], $0x80, s24, s23, $0xb8;
	[tilespmem:$0x1E000] =	vst v63  }
0xf8: {  	_ =	swait.ge [sflag:s22], $0x1000  }
0xf9: {  	[sflag:s22] =	ssyncset.done $0x0  }
0xfa: {  	s12 =	sor.u32 $0x1000, s12;
	[sflag:s22] =	ssyncadd.s32 $0xFFFFF000  }
0xfb: {  	[spmem:s26] =	stream.indirect.scatter.add.f32 [tilespmem:s17], [sflag:$0xA], $0x80, s12, s8, $0xb8;
	[tilespmem:$0x1E000] =	vst v63  }
0xfc: {  	_ =	swait.ge [sflag:s5], $0x1000  }
0xfd: {  	[sflag:s5] =	ssyncset.done $0x0  }
0xfe: {  	s12 =	simm.s32 @p0 $0x3;
	[sflag:s5] =	ssyncadd.s32 $0xFFFFF000  }
0xff: {  	_ =	swait.ge @p0 [sflag:s12], $0x1000  }
0x100: {  	[sflag:s12] =	ssyncset.done @p0 $0x0  }
0x101: {  	s14 =	simm.s32 @p0 $0x4000;
	[sflag:s12] =	ssyncadd.s32 @p0 $0xFFFFF000;
	s12 =	sor.u32 @p0 $0x1000, s13  }
0x102: {  	[spmem:s26] =	stream.indirect.scatter.add.f32 @p0 [tilespmem:s14], [sflag:$0xA], $0x80, s12, s15, $0xb8;
	[tilespmem:$0x1E000] =	vst v63  }
0x103: {  	_ =	swait.ge @p0 [sflag:s3], $0x1000  }
0x104: {  	[sflag:s3] =	ssyncset.done @p0 $0x0  }
0x105: {  	s12 =	sor.u32 @!p0 $0x80, s24;
	s14 =	simm.s32 @!p0 $0x3000;
	[sflag:s3] =	ssyncadd.s32 @p0 $0xFFFFF000  }
0x106: {  	[tilespmem:s14], [sflag:$0x2] =	stream.indirect.gather @!p0 [hbm4b:s4+s23], $0x80, s12, s23, $0xb8;
	[tilespmem:$0x1E000] =	vst v63  }
0x107: {  	s12 =	simm.s32 @!p0 $0x3  }
0x108: {  	_ =	swait.ge @!p0 [sflag:s12], $0x1000  }
0x109: {  	[sflag:s12] =	ssyncset.done @!p0 $0x0  }
0x10a: {  	[sflag:s12] =	ssyncadd.s32 @!p0 $0xFFFFF000;
	s12 =	sor.u32 @!p0 $0x1000, s13;
	s13 =	simm.s32 @!p0 $0x4000  }
0x10b: {  	[spmem:s26] =	stream.indirect.scatter.add.f32 @!p0 [tilespmem:s13], [sflag:$0xA], $0x80, s12, s23, $0xb8;
	[tilespmem:$0x1E000] =	vst v63  }
0x10c: {  	_ =	swait.ge @!p0 [sflag:s9], $0x1000  }
0x10d: {  	[sflag:s9] =	ssyncset.done @!p0 $0x0  }
0x10e: {  	s12 =	sor.u32 @!p0 $0x100, s24;
	[sflag:s9] =	ssyncadd.s32 @!p0 $0xFFFFF000  }
0x10f: {  	[tilespmem:s13], [sflag:$0x3] =	stream.indirect.gather @!p0 [hbm4b:s4+s23], $0x80, s12, s23, $0xb8;
	[tilespmem:$0x1E000] =	vst v63  }
0x110: {  	_ =	swait.ge [sflag:s28], $0x1000  }
0x111: {  	[sflag:s28] =	ssyncset.done $0x0  }
0x112: {  	s10 =	sor.u32 $0x1000, s10;
	[sflag:s28] =	ssyncadd.s32 $0xFFFFF000  }
0x113: {  	[spmem:s26] =	stream.indirect.scatter.add.f32 [tilespmem:s21], [sflag:$0xA], $0x80, s10, s8, $0xb8;
	[tilespmem:$0x1E000] =	vst v63  }
0x114: {  	_ =	swait.ge [sflag:s5], $0x1000  }
0x115: {  	[sflag:s5] =	ssyncset.done $0x0  }
0x116: {  	s10 =	simm.s32 @p0 $0x5;
	[sflag:s5] =	ssyncadd.s32 $0xFFFFF000  }
0x117: {  	_ =	swait.ge @p0 [sflag:s10], $0x1000  }
0x118: {  	[sflag:s10] =	ssyncset.done @p0 $0x0  }
0x119: {  	s12 =	simm.s32 @p0 $0x6000;
	[sflag:s10] =	ssyncadd.s32 @p0 $0xFFFFF000;
	s10 =	sor.u32 @p0 $0x1000, s29  }
0x11a: {  	[spmem:s26] =	stream.indirect.scatter.add.f32 @p0 [tilespmem:s12], [sflag:$0xA], $0x80, s10, s15, $0xb8;
	[tilespmem:$0x1E000] =	vst v63  }
0x11b: {  	_ =	swait.ge @p0 [sflag:s3], $0x1000  }
0x11c: {  	[sflag:s3] =	ssyncset.done @p0 $0x0  }
0x11d: {  	s10 =	sor.u32 @!p0 $0x180, s24;
	s12 =	simm.s32 @!p0 $0x5000;
	[sflag:s3] =	ssyncadd.s32 @p0 $0xFFFFF000  }
0x11e: {  	[tilespmem:s12], [sflag:$0x4] =	stream.indirect.gather @!p0 [hbm4b:s4+s23], $0x80, s10, s23, $0xb8;
	[tilespmem:$0x1E000] =	vst v63  }
0x11f: {  	s10 =	simm.s32 @!p0 $0x5  }
0x120: {  	_ =	swait.ge @!p0 [sflag:s10], $0x1000  }
0x121: {  	[sflag:s10] =	ssyncset.done @!p0 $0x0  }
0x122: {  	s12 =	simm.s32 @!p0 $0x6000;
	[sflag:s10] =	ssyncadd.s32 @!p0 $0xFFFFF000;
	s10 =	sor.u32 @!p0 $0x1000, s29  }
0x123: {  	[spmem:s26] =	stream.indirect.scatter.add.f32 @!p0 [tilespmem:s12], [sflag:$0xA], $0x80, s10, s23, $0xb8;
	[tilespmem:$0x1E000] =	vst v63  }
0x124: {  	_ =	swait.ge @!p0 [sflag:s9], $0x1000  }
0x125: {  	[sflag:s9] =	ssyncset.done @!p0 $0x0  }
0x126: {  	s10 =	sor.u32 @!p0 $0x200, s24;
	[sflag:s9] =	ssyncadd.s32 @!p0 $0xFFFFF000  }
0x127: {  	[tilespmem:s12], [sflag:$0x5] =	stream.indirect.gather @!p0 [hbm4b:s4+s23], $0x80, s10, s23, $0xb8;
	[tilespmem:$0x1E000] =	vst v63  }
0x128: {  	_ =	swait.ge [sflag:s19], $0x1000  }
0x129: {  	[sflag:s19] =	ssyncset.done $0x0  }
0x12a: {  	s6 =	sor.u32 $0x1000, s6;
	[sflag:s19] =	ssyncadd.s32 $0xFFFFF000  }
0x12b: {  	[spmem:s26] =	stream.indirect.scatter.add.f32 [tilespmem:s18], [sflag:$0xA], $0x80, s6, s8, $0xb8;
	[tilespmem:$0x1E000] =	vst v63  }
0x12c: {  	_ =	swait.ge [sflag:s5], $0x1000  }
0x12d: {  	[sflag:s5] =	ssyncset.done $0x0  }
0x12e: {  	s6 =	simm.s32 @p0 $0x7;
	[sflag:s5] =	ssyncadd.s32 $0xFFFFF000  }
0x12f: {  	_ =	swait.ge @p0 [sflag:s6], $0x1000  }
0x130: {  	[sflag:s6] =	ssyncset.done @p0 $0x0  }
0x131: {  	s10 =	simm.s32 @p0 $0x8000;
	[sflag:s6] =	ssyncadd.s32 @p0 $0xFFFFF000;
	s6 =	sor.u32 @p0 $0x1000, s7  }
0x132: {  	[spmem:s26] =	stream.indirect.scatter.add.f32 @p0 [tilespmem:s10], [sflag:$0xA], $0x80, s6, s15, $0xb8;
	[tilespmem:$0x1E000] =	vst v63  }
0x133: {  	s10 =	rddreg [dreg:$0x1d];
	_ =	swait.ge @p0 [sflag:s3], $0x1000  }
0x134: {  	[sflag:s3] =	ssyncset.done @p0 $0x0  }
0x135: {  	s6 =	simm.s32 @!p0 $0x7000;
	[sflag:s3] =	ssyncadd.s32 @p0 $0xFFFFF000;
	s3 =	sor.u32 @!p0 $0x280, s24  }
0x136: {  	[tilespmem:s6], [sflag:$0x6] =	stream.indirect.gather @!p0 [hbm4b:s4+s23], $0x80, s3, s23, $0xb8;
	[tilespmem:$0x1E000] =	vst v63  }
0x137: {  	s3 =	simm.s32 @!p0 $0x7  }
0x138: {  	_ =	swait.ge @!p0 [sflag:s3], $0x1000  }
0x139: {  	[sflag:s3] =	ssyncset.done @!p0 $0x0  }
0x13a: {  	s6 =	simm.s32 @!p0 $0x8000;
	[sflag:s3] =	ssyncadd.s32 @!p0 $0xFFFFF000;
	s3 =	sor.u32 @!p0 $0x1000, s7  }
0x13b: {  	[spmem:s26] =	stream.indirect.scatter.add.f32 @!p0 [tilespmem:s6], [sflag:$0xA], $0x80, s3, s23, $0xb8;
	[tilespmem:$0x1E000] =	vst v63  }
0x13c: {  	_ =	swait.ge @!p0 [sflag:s9], $0x1000  }
0x13d: {  	[sflag:s9] =	ssyncset.done @!p0 $0x0  }
0x13e: {  	s3 =	sor.u32 @!p0 $0x300, s24;
	[sflag:s9] =	ssyncadd.s32 @!p0 $0xFFFFF000  }
0x13f: {  	[tilespmem:s6], [sflag:$0x7] =	stream.indirect.gather @!p0 [hbm4b:s4+s23], $0x80, s3, s23, $0xb8;
	[tilespmem:$0x1E000] =	vst v63  }
0x140: {  	_ =	swait.ge [sflag:s1], $0x1000  }
0x141: {  	[sflag:s1] =	ssyncset.done $0x0  }
0x142: {  	s19 =	sor.u32 $0x1000, s11;
	[sflag:s1] =	ssyncadd.s32 $0xFFFFF000  }
0x143: {  	[spmem:s26] =	stream.indirect.scatter.add.f32 [tilespmem:s2], [sflag:$0xA], $0x80, s19, s8, $0xb8;
	[tilespmem:$0x1E000] =	vst v63  }
0x144: {  	p1 =	sgt.u32 @!p0 s31, $0x11;
	_ =	swait.ge [sflag:s5], $0x1000  }
0x145: {  	p1 =	por p1, p0;
	[sflag:s5] =	ssyncset.done $0x0  }
0x146: {  	s3 =	sor.u32 @!p0 $0x380, s24;
	s6 =	simm.s32 @!p0 $0x9000;
	[sflag:s5] =	ssyncadd.s32 $0xFFFFF000  }
0x147: {  	[tilespmem:s6], [sflag:$0x8] =	stream.indirect.gather @!p0 [hbm4b:s4+s23], $0x80, s3, s23, $0xb8;
	[tilespmem:$0x1E000] =	vst v63  }
0x148: {  	s3 =	sadd.s32 @!p1 s30, s16;
	s6 =	simm.s32 @!p1 $0x0  }
0x149: {  	[tilespmem:s0], [sflag:$0x9] =	stream.linear.gather @!p1 [hbm4b:s3+s6], $0x800, $0x38;
	[tilespmem:$0x1E000] =	vst v63  }
0x14a: {  	s1 =	rddreg [dreg:$0x1e];
	s0 =	sadd.s32 @!p1 s30, s10;
	s30 =	sadd.s32 @!p0 $0x100, s30  }
0x14b: {  	[tilespmem:s1], [sflag:$0x9] =	stream.linear.gather @!p1 [hbm4b:s0+s6], $0x800, $0x38;
	[tilespmem:$0x1E000] =	vst v63  }
0x14c: {  	p1 =	sne.s32 @!p0 s30, $0x1400  }
0x14d: {  	p1 =	por p0, !p1  }
.Ltmp1:
0x14e: {  	_ = 	snop;
	(pc) =	sbr.rel @!p1 .LBB2_4-.Ltmp1, $4  }
0x14f: {  	_ = 	snop  }
0x150: {  	s31 =	sadd.s32 @!p0 $0x1, s31  }
0x151: {  	s14 =	simm.s32 $0x4000;
	s13 =	simm.s32 $0x2000;
	s29 =	simm.s32 $0x3  }
0x152: {  	s11 =	smov.u32 s16;
	s15 =	simm.s32 $0x6000;
	s23 =	simm.s32 $0x8000  }
0x153: {  	[bflag:$0x0] =	sbarrier.arrive $0xFFFF;
	s0 =	stileid.u32  }
0x154: {  	s0 =	sshll.u32 s0, $0x6;
	s9 =	rddreg [dreg:$0x5]  }
0x155: {  	s2 =	sadd.s32 $0x0, s25;
	s0 =	sor.u32 $0x1C0A, s0;
	s3 =	sshrl.u32 s9, $0x3  }
0x156: {  	[hbm:s2], [sflag:s0] =	dma.local [spmem:s3], $0x200  }
0x157: {  	_ =	swait.ge [sflag:s5], $0x200  }
0x158: {  	s12 =	rddreg [dreg:$0x9]  }
0x159: {  	s2 =	simm.s32 $0x200;
	s3 =	smov.u32 s12  }
.LBB2_6:
0x15a: {  	s6 =	sadd.s32 s2, s25;
	[sflag:s5] =	ssyncset.done $0x0;
	p0 =	sne.s32 s2, $0x2600  }
.Ltmp2:
0x15b: {  	s7 =	sshrl.u32 s3, $0x3;
	[sflag:s5] =	ssyncadd.s32 $0xFFFFFE00;
	(pc) =	sbr.rel @p0 .LBB2_6-.Ltmp2, $3  }
0x15c: {  	[hbm:s6], [sflag:s0] =	dma.local [spmem:s7], $0x200  }
0x15d: {  	s2 =	sadd.s32 $0x200, s2;
	_ =	sdelay $0x1  }
0x15e: {  	s3 =	sadd.s32 $0x1000, s3;
	_ =	swait.ge [sflag:s5], $0x200  }
0x15f: {  	s2 =	rddreg [dreg:$0x1c]  }
0x160: {  	s0 =	rddreg [dreg:$0x8];
	s2 =	sadd.s32 $0x1, s2  }
0x161: {  	p0 =	sne.s32 s2, s0  }
.Ltmp3:
0x162: {  	_ = 	snop;
	(pc) =	sbr.rel @p0 .LBB2_1-.Ltmp3, $3  }
0x163: {  	_ =	sdelay $0x1  }
0x164: {  	[sflag:s5] =	ssyncset.done $0x0;
	s6 =	simm.s32 $0x3000;
	s7 =	simm.s32 $0x5000  }
0x165: {  	s16 =	simm.s32 $0x7000;
	s19 =	simm.s32 $0x9000;
	[sflag:s5] =	ssyncadd.s32 $0xFFFFFE00  }
0x166: {  	_ =	sfence.sel $0x180000  }
0x167: {  	[bflag:$0x0] =	sbarrier.arrive $0xFFFF  }
0x168: {  	_ =	strace $0x9000004D  }
0x169: {  	s0 =	stileid.u32;
	[bflag:$0x2] =	sbarrier.arrive $0xFFFF  }
0x16a: {  	p0 =	sne.s32 s0, $0x0;
	s0 =	rddreg [dreg:$0x2]  }
0x16b: {  	s0 =	sadd.s32 @!p0 $0x100000, s0  }
0x16c: {  	[sflag:s0] =	ssyncadd.tile.s32 @!p0 $0x1;
	_ =	shalt  }
.Lfunc_end2:
_tile_overlayer_lowered:
.L_overlay_start_2:
0x16d: {  	(tag) =	ssettag $0x2  }
0x16e: {  	s0 =	rddreg [dreg:$0x0];
	s2 =	stileid.u32  }
0x16f: {  	s1 =	rddreg [dreg:$0x1];
	p0 =	sne.s32 s2, $0x0  }
0x170: {  	s3 =	rddreg [dreg:$0x2];
	[bflag:$0x3] =	sbarrier.arrive $0xFFFF;
	s2 =	simm.s32 @!p0 $0x1C0A  }
0x171: {  	[timem:s3], [sflag:s2] =	dma.local @!p0 [hbm:s0], s1  }
0x172: {  	s0 =	simm.s32 @!p0 $0xA  }
0x173: {  	_ =	swait.ge @!p0 [sflag:s0], s1  }
0x174: {  	s1 =	ssub.s32 @!p0 $0x0, s1;
	[sflag:s0] =	ssyncset.done @!p0 $0x0  }
0x175: {  	[sflag:s0] =	ssyncadd.s32 @!p0 s1  }
0x176: {  	[bflag:$0x3] =	sbarrier.arrive $0xFFFF  }
0x177: {  	_ =	shalt  }

// kernel: kernel.8.cloned.1.call-start
scs
__scs_entry_jumppad:
0x0: {  	(pc) =	sbr.rel $0x88, $3  }
0x1: {  	(tag) =	ssettag $0x0;
	lr =	simm.s32 $0x1  }
0x2: {  	[smem:$0x3F96] =	sst lr;
	_ =	strace $0xD0000000  }
0x3: {  	_ = 	snop  }
0x4: {  	_ = 	snop  }
0x5: {  	_ = 	snop  }
0x6: {  	_ = 	snop  }
0x7: {  	_ = 	snop  }
__scs_overlays_trampoline_lowered:
0x8: {  	[smem:$0x3FA5] =	sst s0  }
0x9: {  	[smem:$0x3FA6] =	sst s1  }
0xa: {  	[smem:$0x3FA7] =	sst s2  }
0xb: {  	[smem:$0x3FA8] =	sst s3  }
0xc: {  	[smem:$0x3FA9] =	sst s4  }
0xd: {  	[smem:$0x3FAA] =	sst s5  }
0xe: {  	[smem:$0x3FAB] =	sst s6  }
0xf: {  	[smem:$0x3FAC] =	sst s7  }
0x10: {  	[smem:$0x3FAD] =	sst s8  }
0x11: {  	[smem:$0x3FAE] =	sst s9;
	s0 =	simm.s32 @!p0 $0x0  }
0x12: {  	s1 =	sld [smem:$0x3F94];
	s0 =	simm.s32 @p0 $0x1  }
0x13: {  	[smem:$0x3FAF] =	sst s0;
	s0 =	simm.s32 @!p1 $0x0  }
0x14: {  	s2 =	sld [smem:$0x3F93];
	s0 =	simm.s32 @p1 $0x1  }
0x15: {  	[smem:$0x3FB0] =	sst s0;
	s0 =	simm.s32 @!p2 $0x0  }
0x16: {  	s3 =	sld [smem:$0x3FDB];
	s0 =	simm.s32 @p2 $0x1  }
0x17: {  	s4 =	simm.s32 $0x1BF5;
	[smem:$0x3FB2] =	sst s0  }
0x18: {  	s0 =	sld [smem:$0x3F95];
	_ =	swait.ge [sflag:s4], $0x0  }
0x19: {  	s7 =	sld [smem:$0x3F96]  }
0x1a: {  	s8 =	sadd.s32 $0xFFFFE003, lr  }
0x1b: {  	s9 =	sadd.s32 $0xFFFFFEF7, lr;
	s5 =	simm.s32 $0xFFFFFFFF;
	p2 =	slt.u32 s8, $0xFFFFF086  }
0x1c: {  	p1 =	slt.u32 s9, $0xF7A;
	s5 =	simm.s32 @!p2 $0x0  }
0x1d: {  	s5 =	simm.s32 @p1 $0x1;
	p0 =	seq.s32 s7, s2  }
0x1e: {  	s7 =	smul.u32 @!p0 $0xF7A, s2;
	p2 =	seq.s32 @!p0 s5, $0x0  }
0x1f: {  	s9 =	smul.u32 $0xF7A, s1;
	s8 =	simm.s32 @!p0 $0x1BF5;
	p2 =	por !p2, p0  }
0x20: {  	[sflag:s8] =	ssyncset.s32 @!p0 $0xFFFFF086;
	s6 =	sadd.s32 @!p0 s3, s7;
	s7 =	simm.s32 @!p0 $0x108  }
0x21: {  	s3 =	sadd.s32 s3, s9;
	s6 =	sadd.s32 @!p0 $0x88, s6;
	s7 =	simm.s32 @p2 $0x1082  }
0x22: {  	[simem:s7], [sflag:s8] =	dma.local @!p0 [hbm:s6], $0xF7A  }
0x23: {  	s9 =	sor.u32 $0xD0000000, s2;
	s6 =	simm.s32 $0x108;
	_ =	swait.ge @!p0 [sflag:s8], $0x0  }
0x24: {  	s3 =	sadd.s32 $0x88, s3;
	s6 =	simm.s32 @!p1 $0x1082;
	[sflag:s4] =	ssyncset.s32 $0xFFFFF086  }
0x25: {  	[simem:s6], [sflag:s4] =	dma.local [hbm:s3], $0xF7A  }
0x26: {  	[smem:$0x3F96] =	sst s1;
	(tag) =	ssettag s2;
	_ =	strace s9  }
0x27: {  	s1 =	sld [smem:$0x3FA6]  }
0x28: {  	s2 =	sld [smem:$0x3FA7]  }
0x29: {  	s4 =	sld [smem:$0x3FA9]  }
0x2a: {  	p0 =	seq.s32 s5, $0x0;
	s5 =	sld [smem:$0x3FAA]  }
0x2b: {  	s6 =	sld [smem:$0x3FAB]  }
0x2c: {  	s7 =	sld [smem:$0x3FAC]  }
0x2d: {  	s3 =	simm.s32 $0x108;
	s8 =	sld [smem:$0x3FAD]  }
0x2e: {  	s3 =	simm.s32 @!p0 $0x1082;
	s9 =	sld [smem:$0x3FAE]  }
0x2f: {  	lr =	sadd.s32 s0, s3;
	s0 =	sld [smem:$0x3FA5]  }
0x30: {  	s3 =	sld [smem:$0x3FA8]  }
0x31: {  	[smem:$0x3FB1] =	sst s10  }
0x32: {  	s10 =	sld [smem:$0x3FAF];
	_ =	sdelay $0x3  }
0x33: {  	p0 =	seq.s32 s10, $0x1;
	s10 =	sld [smem:$0x3FB1];
	_ =	sdelay $0x3  }
0x34: {  	[smem:$0x3FB1] =	sst s10  }
0x35: {  	s10 =	sld [smem:$0x3FB0];
	_ =	sdelay $0x3  }
0x36: {  	p1 =	seq.s32 s10, $0x1;
	s10 =	sld [smem:$0x3FB1];
	_ =	sdelay $0x3  }
0x37: {  	[smem:$0x3FB1] =	sst s10  }
0x38: {  	s10 =	sld [smem:$0x3FB2]  }
0x39: {  	_ = 	snop;
	(pc) =	sbr.ind lr, $3  }
0x3a: {  	_ = 	snop  }
0x3b: {  	_ = 	snop  }
0x3c: {  	p2 =	seq.s32 s10, $0x1;
	s10 =	sld [smem:$0x3FB1]  }
0x3d: {  	_ =	shalt  }
0x3e: {  	_ =	shalt  }
0x3f: {  	_ =	shalt  }
0x40: {  	_ =	shalt  }
0x41: {  	_ =	shalt  }
0x42: {  	_ =	shalt  }
0x43: {  	_ =	shalt  }
0x44: {  	_ =	shalt  }
0x45: {  	_ =	shalt  }
0x46: {  	_ =	shalt  }
0x47: {  	_ =	shalt  }
0x48: {  	_ =	shalt  }
0x49: {  	_ =	shalt  }
0x4a: {  	_ =	shalt  }
0x4b: {  	_ =	shalt  }
0x4c: {  	_ =	shalt  }
0x4d: {  	_ =	shalt  }
0x4e: {  	_ =	shalt  }
0x4f: {  	_ =	shalt  }
0x50: {  	_ =	shalt  }
0x51: {  	_ =	shalt  }
0x52: {  	_ =	shalt  }
0x53: {  	_ =	shalt  }
0x54: {  	_ =	shalt  }
0x55: {  	_ =	shalt  }
0x56: {  	_ =	shalt  }
0x57: {  	_ =	shalt  }
0x58: {  	_ =	shalt  }
0x59: {  	_ =	shalt  }
0x5a: {  	_ =	shalt  }
0x5b: {  	_ =	shalt  }
0x5c: {  	_ =	shalt  }
0x5d: {  	_ =	shalt  }
0x5e: {  	_ =	shalt  }
0x5f: {  	_ =	shalt  }
0x60: {  	_ =	shalt  }
0x61: {  	_ =	shalt  }
0x62: {  	_ =	shalt  }
0x63: {  	_ =	shalt  }
0x64: {  	_ =	shalt  }
0x65: {  	_ =	shalt  }
0x66: {  	_ =	shalt  }
0x67: {  	_ =	shalt  }
0x68: {  	_ =	shalt  }
0x69: {  	_ =	shalt  }
0x6a: {  	_ =	shalt  }
0x6b: {  	_ =	shalt  }
0x6c: {  	_ =	shalt  }
0x6d: {  	_ =	shalt  }
0x6e: {  	_ =	shalt  }
0x6f: {  	_ =	shalt  }
0x70: {  	_ =	shalt  }
0x71: {  	_ =	shalt  }
0x72: {  	_ =	shalt  }
0x73: {  	_ =	shalt  }
0x74: {  	_ =	shalt  }
0x75: {  	_ =	shalt  }
0x76: {  	_ =	shalt  }
0x77: {  	_ =	shalt  }
0x78: {  	_ =	shalt  }
0x79: {  	_ =	shalt  }
0x7a: {  	_ =	shalt  }
0x7b: {  	_ =	shalt  }
0x7c: {  	_ =	shalt  }
0x7d: {  	_ =	shalt  }
0x7e: {  	_ =	shalt  }
0x7f: {  	_ =	shalt  }
0x80: {  	_ =	shalt  }
0x81: {  	_ =	shalt  }
0x82: {  	_ =	shalt  }
0x83: {  	_ =	shalt  }
0x84: {  	_ =	shalt  }
0x85: {  	_ =	shalt  }
0x86: {  	_ =	shalt  }
0x87: {  	_ =	shalt  }
.Lfunc_end0:
.L_simem_size_0:
called_computation_lowered:
.L_overlay_start_0:
0x88: {  	s2 =	sld [smem:$0x3FD9]  }
0x89: {  	s3 =	sld [smem:$0x3FFE];
	_ =	sdelay $0x1  }
0x8a: {  	s1 =	srdreg.scid  }
0x8b: {  	s0 =	sand.u32 $0x1, s1  }
0x8c: {  	s16 =	sshll.u32 s0, $0xA;
	s2 =	sadd.s32 s3, s2  }
0x8d: {  	s2 =	sadd.s32 s2, s16  }
0x8e: {  	[smem:$0x3FBD] =	sst s2  }
0x8f: {  	_ = 	snop  }
0x90: {  	(tm) =	ssettm $0x1  }
0x91: {  	s17 =	sld [smem:$0x3FFB];
	_ =	sdelay $0x3  }
0x92: {  	_ =	strace s17  }
0x93: {  	s2 =	sld [smem:$0x3FFC];
	_ =	sdelay $0x3  }
0x94: {  	_ =	strace s2  }
0x95: {  	s2 =	sld [smem:$0x3FFD];
	_ =	sdelay $0x3  }
0x96: {  	_ =	strace s2  }
0x97: {  	_ =	strace $0x8FFFFFFF  }
0x98: {  	s18 =	sld [smem:$0x3FDB];
	_ =	sdelay $0x1  }
0x99: {  	s19 =	simm.s32 $_scs_section_size  }
0x9a: {  	s4 =	simm.s32 $_size__tile_overlayer_lowered;
	s5 =	simm.s32 $_tile_overlayer_lowered  }
0x9b: {  	s22 =	simm.s32 $0x1BFF;
	s21 =	sshll.u32 s5, $0x1;
	s2 =	sadd.s32 s19, s18  }
0x9c: {  	s6 =	simm.s32 $0x0;
	s20 =	sshll.u32 s4, $0x1;
	s4 =	sadd.s32 s21, s2  }
0x9d: {  	[timem:s6], [sflag:s22] =	dma.local [hbm:s4], s20  }
0x9e: {  	_ =	swait.ge [sflag:s22], s20  }
0x9f: {  	s3 =	ssub.s32 $0x0, s20;
	[sflag:s22] =	ssyncset.done $0x0  }
0xa0: {  	[sflag:s22] =	ssyncadd.s32 s3;
	_ =	sdelay $0x1  }
0xa1: {  	s23 =	simm.s32 $0x1B8B  }
0xa2: {  	_ =	swait.ge [sflag:s23], $0x1  }
0xa3: {  	[sflag:s23] =	ssyncset.done $0x0  }
0xa4: {  	s25 =	simm.s32 $0x1B8E;
	s24 =	sld [smem:$0x3FFE];
	[sflag:s23] =	ssyncadd.s32 $0xFFFFFFFF  }
0xa5: {  	s26 =	simm.s32 $execute0_lowered;
	[smem:$0x3FD2] =	sst s25  }
0xa6: {  	s4 =	sshll.u32 s26, $0x1;
	_ =	strace $0x80000046;
	[dreg:$0x1] =	wrdreg $0xFFFFFFFF  }
0xa7: {  	s28 =	simm.s32 $_size_execute0_lowered;
	s2 =	sadd.s32 s2, s4;
	[dreg:$0x0] =	wrdreg $0x0  }
0xa8: {  	s4 =	sshll.u32 s28, $0x1;
	[dreg:$0x2] =	wrdreg s2  }
0xa9: {  	[dreg:$0x3] =	wrdreg s4  }
0xaa: {  	[dreg:$0x4] =	wrdreg $0xC0  }
0xab: {  	_ =	task [dreg:s6], $0x5FFFF  }
0xac: {  	[dreg:$0x1] =	wrdreg $0xFFFFFFFF  }
0xad: {  	[dreg:$0x0] =	wrdreg $0x60  }
0xae: {  	[dreg:$0x2] =	wrdreg s24  }
0xaf: {  	[dreg:$0x3] =	wrdreg $0x9  }
0xb0: {  	_ =	task.clear_ibuf [dreg:s6], $0x4FFFF;
	_ =	strace $0x90000046  }
0xb1: {  	s29 =	simm.s32 $0x9;
	_ =	strace $0x80000048  }
0xb2: {  	_ =	swait.ge [sflag:s29], $0x1  }
0xb3: {  	[sflag:s29] =	ssyncadd.s32 $0xFFFFFFFF  }
0xb4: {  	_ =	strace $0x90000048  }
0xb5: {  	_ =	sfence  }
0xb6: {  	s30 =	sld [smem:$0x0];
	_ =	sdelay $0x2  }
0xb7: {  	s31 =	sshll.u32 s1, $0xD;
	s1 =	sshrl.u32 s1, $0x2  }
0xb8: {  	s3 =	sand.u32 $0x4000, s31;
	s1 =	sadd.s32 s1, s30  }
0xb9: {  	s0 =	sor.u32 s3, s0;
	s1 =	sshll.u32 s1, $0x11  }
0xba: {  	s0 =	sor.u32 s1, s0  }
0xbb: {  	s0 =	sadd.s32 $0x8F2B, s0  }
0xbc: {  	[sflag:s0] =	ssyncadd.remote.s32 $0x1  }
0xbd: {  	_ =	sfence.sel $0xFFFF  }
0xbe: {  	[dreg:$0x0] =	wrdreg $0xFFFFFFFF;
	(pc) =	sbr.abs _section_cstart, $3  }
0xbf: {  	[dreg:$0x1] =	wrdreg $0xFFFFFFFF  }
0xc0: {  	_ =	task.clear_ibuf [dreg:s6], $0x2FFFF;
	_ =	strace $0x9FFFFFFF  }
0xc1: {  	(tm) =	ssettm $0x7FFFFFFF  }
tec
execute0_lowered:
.L_overlay_start_1:
0x0: {  	(tag) =	ssettag $0x1  }
0x1: {  	s0 =	srdreg.scid  }
0x2: {  	s4 =	rddreg [dreg:$0x0];
	s2 =	simm.s32 $0x0;
	s10 =	simm.s32 $0x400  }
0x3: {  	s11 =	simm.s32 $0x2;
	s12 =	simm.s32 $0x0;
	s3 =	sand.u32 $0x1, s0  }
0x4: {  	s0 =	stileid.u32;
	[smem:$0x7FF] =	sst s2;
	s1 =	sshll.u32 s3, $0x4  }
0x5: {  	s8 =	sadd.s32 $0x2800, s4;
	s30 =	smul.u32 $0x14000, s3;
	s5 =	sor.u32 s0, s1  }
0x6: {  	s7 =	sshll.u32 s0, $0x7;
	s9 =	smul.u32 $0x1400, s0;
	s6 =	sshrl.u32 s5, $0x3  }
0x7: {  	s3 =	ssub.s32 $0x2, s3;
	s1 =	rddreg [dreg:$0x1];
	s6 =	smul.u32 $0x14000, s6  }
0x8: {  	_ =	strace $0x80000047;
	s7 =	sand.u32 $0x380, s7;
	s31 =	sshrl.u32 s3, $0x1  }
.Ltmp0:
0x9: {  	s6 =	sor.u32 s7, s6;
	s7 =	sadd.s32 s30, s8;
	(pc) =	sbr.rel .LBB2_1-.Ltmp0, $4  }
0xa: {  	s5 =	smul.u32 $0x1400, s5;
	s6 =	sshrl.u32 s6, $0x3;
	s7 =	sadd.s32 s9, s7  }
0xb: {  	s9 =	simm.s32 $0x80;
	s4 =	sadd.s32 s6, s4;
	s6 =	ssub.s32 s3, s31  }
0xc: {  	s3 =	sadd.s32 s8, s5;
	s8 =	simm.s32 $0x1000;
	s4 =	sadd.s32 $0x2A800, s4  }
0xd: {  	v0 =	vimm.f32 $0.0e+00;
	v1 =	vimm.f32 $1.000000000e+00;
	s5 =	smax.u32 s6, $0x1;
	s6 =	sadd.s32 $0x100, s7;
	s7 =	simm.s32 $0x1  }
.LBB2_6:
0xe: {  	s12 =	sadd.s32 $0x1, s12  }
0xf: {  	p0 =	sne.s32 s12, s5  }
.Ltmp1:
0x10: {  	_ = 	snop;
	(pc) =	sbr.rel @!p0 .LBB2_7-.Ltmp1, $4  }
0x11: {  	[hbm4b:s4+s9] =	stream.strided.scatter [tilespmem:s8], [sflag:$0x2], $0x2800, s10, s9, $0x38;
	[tilespmem:$0x3800] =	vst v63  }
0x12: {  	_ =	swait.ge [sflag:s11], $0x2800  }
0x13: {  	[sflag:s11] =	ssyncset.done $0x0  }
0x14: {  	[sflag:s11] =	ssyncadd.s32 $0xFFFFD800  }
.LBB2_1:
0x15: {  	[tilespmem:s2], [sflag:$0x1] =	stream.linear.gather [hbm4b:s3+s2], $0x800, $0x38;
	[tilespmem:$0x3800] =	vst v63  }
0x16: {  	s13 =	simm.s32 $0x40;
	s14 =	simm.s32 $0x0  }
.LBB2_2:
0x17: {  	p0 =	sne.s32 s13, $0x9FC0;
	[tilespmem:s14+$0x1000] =	vst v0;
	s14 =	smov.u32 s13;
	s13 =	sadd.s32 $0x40, s13  }
.Ltmp2:
0x18: {  	(pc) =	sbr.rel @p0 .LBB2_2-.Ltmp2, $2  }
0x19: {  	_ =	sdelay $0x2  }
0x1a: {  	s14 =	sshra.s32 s14, $0x2  }
0x1b: {  	[tilespmem:s14+$0x1000] =	vst v0  }
0x1c: {  	_ =	swait.ge [sflag:s7], $0x800  }
0x1d: {  	[sflag:s7] =	ssyncset.done $0x0  }
0x1e: {  	s13 =	simm.s32 $0x0;
	s14 =	smov.u32 s6;
	[sflag:s7] =	ssyncadd.s32 $0xFFFFF800  }
.LBB2_4:
0x1f: {  	s15 =	sand.u32 $0x1, s13;
	p0 =	seq.s32 s13, $0x13  }
0x20: {  	s16 =	sshll.u32 @!p0 s15, $0xB  }
0x21: {  	s17 =	simm.s32 @!p0 $0x0;
	s15 =	sshll.u32 s15, $0xB;
	s16 =	sxor.u32 @!p0 $0x800, s16  }
0x22: {  	[tilespmem:s16], [sflag:$0x1] =	stream.linear.gather @!p0 [hbm4b:s14+s17], $0x800, $0x38;
	[tilespmem:$0x3800] =	vst v63  }
0x23: {  	v2 =	vld [tilespmem:s15+$0x0];
	_ =	sdelay $0x7  }
0x24: {  	[tilespmem:v2+s8+$0x0] =	vst.idx.add.f32.msk $0xffff, v1  }
0x25: {  	v2 =	vld [tilespmem:s15+$0x10];
	_ =	sdelay $0x7  }
0x26: {  	[tilespmem:v2+s8+$0x0] =	vst.idx.add.f32.msk $0xffff, v1  }
0x27: {  	v2 =	vld [tilespmem:s15+$0x80];
	_ =	sdelay $0x7  }
0x28: {  	[tilespmem:v2+s8+$0x0] =	vst.idx.add.f32.msk $0xffff, v1  }
0x29: {  	v2 =	vld [tilespmem:s15+$0x90];
	_ =	sdelay $0x7  }
0x2a: {  	[tilespmem:v2+s8+$0x0] =	vst.idx.add.f32.msk $0xffff, v1  }
0x2b: {  	v2 =	vld [tilespmem:s15+$0x100];
	_ =	sdelay $0x7  }
0x2c: {  	[tilespmem:v2+s8+$0x0] =	vst.idx.add.f32.msk $0xffff, v1  }
0x2d: {  	v2 =	vld [tilespmem:s15+$0x110];
	_ =	sdelay $0x7  }
0x2e: {  	[tilespmem:v2+s8+$0x0] =	vst.idx.add.f32.msk $0xffff, v1  }
0x2f: {  	v2 =	vld [tilespmem:s15+$0x180];
	_ =	sdelay $0x7  }
0x30: {  	[tilespmem:v2+s8+$0x0] =	vst.idx.add.f32.msk $0xffff, v1  }
0x31: {  	v2 =	vld [tilespmem:s15+$0x190];
	_ =	sdelay $0x7  }
0x32: {  	[tilespmem:v2+s8+$0x0] =	vst.idx.add.f32.msk $0xffff, v1  }
0x33: {  	v2 =	vld [tilespmem:s15+$0x200];
	_ =	sdelay $0x7  }
0x34: {  	[tilespmem:v2+s8+$0x0] =	vst.idx.add.f32.msk $0xffff, v1  }
0x35: {  	v2 =	vld [tilespmem:s15+$0x210];
	_ =	sdelay $0x7  }
0x36: {  	[tilespmem:v2+s8+$0x0] =	vst.idx.add.f32.msk $0xffff, v1  }
0x37: {  	v2 =	vld [tilespmem:s15+$0x280];
	_ =	sdelay $0x7  }
0x38: {  	[tilespmem:v2+s8+$0x0] =	vst.idx.add.f32.msk $0xffff, v1  }
0x39: {  	v2 =	vld [tilespmem:s15+$0x290];
	_ =	sdelay $0x7  }
0x3a: {  	[tilespmem:v2+s8+$0x0] =	vst.idx.add.f32.msk $0xffff, v1  }
0x3b: {  	v2 =	vld [tilespmem:s15+$0x300];
	_ =	sdelay $0x7  }
0x3c: {  	[tilespmem:v2+s8+$0x0] =	vst.idx.add.f32.msk $0xffff, v1  }
0x3d: {  	v2 =	vld [tilespmem:s15+$0x310];
	_ =	sdelay $0x7  }
0x3e: {  	[tilespmem:v2+s8+$0x0] =	vst.idx.add.f32.msk $0xffff, v1  }
0x3f: {  	v2 =	vld [tilespmem:s15+$0x380];
	_ =	sdelay $0x7  }
0x40: {  	[tilespmem:v2+s8+$0x0] =	vst.idx.add.f32.msk $0xffff, v1  }
0x41: {  	v2 =	vld [tilespmem:s15+$0x390];
	_ =	sdelay $0x7  }
0x42: {  	[tilespmem:v2+s8+$0x0] =	vst.idx.add.f32.msk $0xffff, v1  }
0x43: {  	v2 =	vld [tilespmem:s15+$0x400];
	_ =	sdelay $0x7  }
0x44: {  	[tilespmem:v2+s8+$0x0] =	vst.idx.add.f32.msk $0xffff, v1  }
0x45: {  	v2 =	vld [tilespmem:s15+$0x410];
	_ =	sdelay $0x7  }
0x46: {  	[tilespmem:v2+s8+$0x0] =	vst.idx.add.f32.msk $0xffff, v1  }
0x47: {  	v2 =	vld [tilespmem:s15+$0x480];
	_ =	sdelay $0x7  }
0x48: {  	[tilespmem:v2+s8+$0x0] =	vst.idx.add.f32.msk $0xffff, v1  }
0x49: {  	v2 =	vld [tilespmem:s15+$0x490];
	_ =	sdelay $0x7  }
0x4a: {  	[tilespmem:v2+s8+$0x0] =	vst.idx.add.f32.msk $0xffff, v1  }
0x4b: {  	v2 =	vld [tilespmem:s15+$0x500];
	_ =	sdelay $0x7  }
0x4c: {  	[tilespmem:v2+s8+$0x0] =	vst.idx.add.f32.msk $0xffff, v1  }
0x4d: {  	v2 =	vld [tilespmem:s15+$0x510];
	_ =	sdelay $0x7  }
0x4e: {  	[tilespmem:v2+s8+$0x0] =	vst.idx.add.f32.msk $0xffff, v1  }
0x4f: {  	v2 =	vld [tilespmem:s15+$0x580];
	_ =	sdelay $0x7  }
0x50: {  	[tilespmem:v2+s8+$0x0] =	vst.idx.add.f32.msk $0xffff, v1  }
0x51: {  	v2 =	vld [tilespmem:s15+$0x590];
	_ =	sdelay $0x7  }
0x52: {  	[tilespmem:v2+s8+$0x0] =	vst.idx.add.f32.msk $0xffff, v1  }
0x53: {  	v2 =	vld [tilespmem:s15+$0x600];
	_ =	sdelay $0x7  }
0x54: {  	[tilespmem:v2+s8+$0x0] =	vst.idx.add.f32.msk $0xffff, v1  }
0x55: {  	v2 =	vld [tilespmem:s15+$0x610];
	_ =	sdelay $0x7  }
0x56: {  	[tilespmem:v2+s8+$0x0] =	vst.idx.add.f32.msk $0xffff, v1  }
0x57: {  	v2 =	vld [tilespmem:s15+$0x680];
	_ =	sdelay $0x7  }
0x58: {  	[tilespmem:v2+s8+$0x0] =	vst.idx.add.f32.msk $0xffff, v1  }
0x59: {  	v2 =	vld [tilespmem:s15+$0x690];
	_ =	sdelay $0x7  }
0x5a: {  	[tilespmem:v2+s8+$0x0] =	vst.idx.add.f32.msk $0xffff, v1  }
0x5b: {  	v2 =	vld [tilespmem:s15+$0x700];
	_ =	sdelay $0x7  }
0x5c: {  	[tilespmem:v2+s8+$0x0] =	vst.idx.add.f32.msk $0xffff, v1  }
0x5d: {  	v2 =	vld [tilespmem:s15+$0x710];
	_ =	sdelay $0x7  }
0x5e: {  	[tilespmem:v2+s8+$0x0] =	vst.idx.add.f32.msk $0xffff, v1  }
0x5f: {  	v2 =	vld [tilespmem:s15+$0x780];
	_ =	sdelay $0x7  }
0x60: {  	[tilespmem:v2+s8+$0x0] =	vst.idx.add.f32.msk $0xffff, v1  }
0x61: {  	v2 =	vld [tilespmem:s15+$0x790];
	_ =	sdelay $0x3  }
.Ltmp3:
0x62: {  	_ = 	snop;
	(pc) =	sbr.rel @p0 .LBB2_6-.Ltmp3, $2  }
0x63: {  	_ =	sdelay $0x2  }
0x64: {  	[tilespmem:v2+s8+$0x0] =	vst.idx.add.f32.msk $0xffff, v1  }
.Ltmp4:
0x65: {  	(pc) =	sbr.rel .LBB2_4-.Ltmp4, $4  }
0x66: {  	_ = 	snop  }
0x67: {  	_ =	swait.ge [sflag:s7], $0x800  }
0x68: {  	[sflag:s7] =	ssyncset.done $0x0  }
0x69: {  	s13 =	sadd.s32 $0x1, s13;
	s14 =	sadd.s32 $0x100, s14;
	[sflag:s7] =	ssyncadd.s32 $0xFFFFF800  }
.LBB2_7:
0x6a: {  	_ =	sfence.sel $0x180000  }
0x6b: {  	[bflag:$0x0] =	sbarrier.arrive $0xFFFF  }
0x6c: {  	p0 =	sne.s32 s0, $0x0;
	_ =	strace $0x90000047  }
0x6d: {  	s0 =	sadd.s32 @!p0 $0x100000, s1;
	[bflag:$0x2] =	sbarrier.arrive $0xFFFF  }
0x6e: {  	[sflag:s0] =	ssyncadd.tile.s32 @!p0 $0x1;
	_ =	shalt  }
.Lfunc_end2:
_tile_overlayer_lowered:
.L_overlay_start_2:
0x6f: {  	(tag) =	ssettag $0x2  }
0x70: {  	s0 =	rddreg [dreg:$0x0];
	s2 =	stileid.u32  }
0x71: {  	s1 =	rddreg [dreg:$0x1];
	p0 =	sne.s32 s2, $0x0  }
0x72: {  	s3 =	rddreg [dreg:$0x2];
	[bflag:$0x3] =	sbarrier.arrive $0xFFFF;
	s2 =	simm.s32 @!p0 $0x1C02  }
0x73: {  	[timem:s3], [sflag:s2] =	dma.local @!p0 [hbm:s0], s1  }
0x74: {  	s0 =	simm.s32 @!p0 $0x2  }
0x75: {  	_ =	swait.ge @!p0 [sflag:s0], s1  }
0x76: {  	s1 =	ssub.s32 @!p0 $0x0, s1;
	[sflag:s0] =	ssyncset.done @!p0 $0x0  }
0x77: {  	[sflag:s0] =	ssyncadd.s32 @!p0 s1  }
0x78: {  	[bflag:$0x3] =	sbarrier.arrive $0xFFFF  }
0x79: {  	_ =	shalt  }

</sc_bundles>
